<compile_context>
chip_gen: v7x
topology: tpu7x:2x2x1
jax: 0.10.2.dev20260603
libtpu: 0.0.44.dev20260713+nightly
codegen_flags: <defaults>
</compile_context>

<pallas_src>
import functools

import jax
import jax.numpy as jnp
from jax import lax
from jax.experimental import pallas as pl
from jax.experimental.pallas import tpu as pltpu
from jax.experimental.pallas import tpu_sc as plsc

N = 16384
D = 512
H = 80
F = 256
K = 200

BLK = 1024
NBLK = N // BLK
INF = float("inf")

SC_NC = 2
SC_NS = 16
SC_NW = SC_NC * SC_NS
KPAD = 256
ROWS_W = KPAD // SC_NW



def _h_body(x_ref, w_ref, b_ref, o_ref):
    p0 = jnp.dot(x_ref[:, 0:256], w_ref[0:256, :],
                 preferred_element_type=jnp.float32)
    p1 = jnp.dot(x_ref[:, 256:512], w_ref[256:512, :],
                 preferred_element_type=jnp.float32)
    o_ref[...] = (b_ref[...] + p0) + p1


def _fu_body(h_ref, w_ref, b_ref, o_ref):
    o_ref[...] = jnp.dot(h_ref[...], w_ref[...],
                         preferred_element_type=jnp.float32) + b_ref[...]


def _tree8(acc):
    t = acc[4:8, :] + acc[0:4, :]
    u = t[2:4, :] + t[0:2, :]
    return u[1:2, :] + u[0:1, :]


def _norm2_feats(sq_slab):
    t3 = sq_slab.T.reshape(32, 8, 128)
    acc = t3[0]
    for v in range(1, 32):
        acc = acc + t3[v]
    return _tree8(acc)


def _norm2_scan(sq_slab):
    part = []
    for b in range(2):
        t3 = sq_slab[:, b * 128:(b + 1) * 128].T.reshape(16, 8, 128)
        acc = t3[0]
        for v in range(1, 16):
            acc = acc + t3[v]
        part.append(_tree8(acc))
    return part[0] + part[1]


def _feats_body(fu_ref, o_ref):
    fub = fu_ref[...]
    for sl in range(BLK // 128):
        fus = fub[sl * 128:(sl + 1) * 128, :]
        nr = jnp.sqrt(_norm2_feats(fus * fus))
        o_ref[sl * 128:(sl + 1) * 128, :] = fus / nr.T


def _mu_body(c_ref, o_ref):
    c2 = c_ref[...].reshape(2, 128)
    sq = c2 * c2
    part = sq[1:2, :] + sq[0:1, :]
    o_ref[...] = c_ref[...] / jnp.sqrt(jnp.sum(part))



def _herd_body(f3_ref, mu_ref, idx_ref, mask3):
    mu = mu_ref[...]
    mask3[...] = jnp.zeros((N // 128, 1, 128), jnp.float32)
    lane = lax.broadcasted_iota(jnp.int32, (1, 128), 1)
    row = lax.broadcasted_iota(jnp.int32, (128, 1), 0)
    lin8 = (lax.broadcasted_iota(jnp.int32, (8, 128), 0) * 128
            + lax.broadcasted_iota(jnp.int32, (8, 128), 1))

    def step(k, carry):
        s, rec = carry
        c = 1.0 / (k.astype(jnp.float32) + 1.0)

        def slab(sl, best_carry):
            best, bidx = best_carry
            f = f3_ref[sl]
            d = mu - c * (f + s)
            dist = jnp.sqrt(_norm2_scan(d * d))
            dist = jnp.where(mask3[sl] > 0.0, INF, dist)
            m = jnp.min(dist)
            li = jnp.min(jnp.where(dist == m, lane, N))
            upd = m < best
            best = jnp.where(upd, m, best)
            bidx = jnp.where(upd, sl * 128 + li, bidx)
            return best, bidx

        _, sel = lax.fori_loop(0, N // 128, slab, (jnp.float32(INF),
                                                   jnp.int32(0)), unroll=16)
        rb = sel // 128
        ro = sel - rb * 128
        mrow = mask3[rb]
        mask3[rb] = jnp.where(lane == ro, 1.0, mrow)
        fb = f3_ref[rb]
        fsel = jnp.sum(jnp.where(row == ro, fb, 0.0), axis=0, keepdims=True)
        s = s + fsel
        rec = jnp.where(lin8 == k, sel, rec)
        return s, rec

    _, rec = lax.fori_loop(0, K, step, (jnp.zeros((1, F), jnp.float32),
                                        jnp.zeros((8, 128), jnp.int32)))
    idx_ref[...] = rec



@functools.cache
def _sc_gather_kernel():
    @functools.partial(
        pl.kernel,
        out_type=jax.ShapeDtypeStruct((KPAD, D), jnp.float32),
        mesh=plsc.VectorSubcoreMesh(core_axis_name="c", subcore_axis_name="s"),
        scratch_types=[
            pltpu.VMEM((ROWS_W,), jnp.int32),
            pltpu.VMEM((ROWS_W, D), jnp.float32),
            pltpu.SemaphoreType.DMA,
        ],
    )
    def _sc_gather(x_hbm, idx_hbm, out_hbm, idx_v, rows_v, sem):
        wid = lax.axis_index("s") * SC_NC + lax.axis_index("c")
        base = wid * ROWS_W
        pltpu.sync_copy(idx_hbm.at[pl.ds(base, ROWS_W)], idx_v)
        pltpu.async_copy(x_hbm.at[idx_v], rows_v, sem).wait()
        pltpu.sync_copy(rows_v, out_hbm.at[pl.ds(base, ROWS_W)])

    return _sc_gather



def kernel(X, y, W1, b1, W2, b2):
    h = pl.pallas_call(
        _h_body, grid=(NBLK,),
        in_specs=[pl.BlockSpec((BLK, D), lambda i: (i, 0)),
                  pl.BlockSpec((D, H), lambda i: (0, 0)),
                  pl.BlockSpec((1, H), lambda i: (0, 0))],
        out_specs=pl.BlockSpec((BLK, H), lambda i: (i, 0)),
        out_shape=jax.ShapeDtypeStruct((N, H), jnp.float32),
        compiler_params=pltpu.CompilerParams(
            dimension_semantics=("arbitrary",)),
    )(X, W1, b1.reshape(1, H))

    fu = pl.pallas_call(
        _fu_body, grid=(NBLK,),
        in_specs=[pl.BlockSpec((BLK, H), lambda i: (i, 0)),
                  pl.BlockSpec((H, F), lambda i: (0, 0)),
                  pl.BlockSpec((1, F), lambda i: (0, 0))],
        out_specs=pl.BlockSpec((BLK, F), lambda i: (i, 0)),
        out_shape=jax.ShapeDtypeStruct((N, F), jnp.float32),
        compiler_params=pltpu.CompilerParams(
            dimension_semantics=("arbitrary",)),
    )(h, W2, b2.reshape(1, F))

    feats = pl.pallas_call(
        _feats_body, grid=(NBLK,),
        in_specs=[pl.BlockSpec((BLK, F), lambda i: (i, 0))],
        out_specs=pl.BlockSpec((BLK, F), lambda i: (i, 0)),
        out_shape=jax.ShapeDtypeStruct((N, F), jnp.float32),
        compiler_params=pltpu.CompilerParams(
            dimension_semantics=("arbitrary",)),
    )(fu)

    cm = jnp.mean(feats, axis=0, keepdims=True)

    mu = pl.pallas_call(
        _mu_body,
        in_specs=[pl.BlockSpec((1, F), lambda: (0, 0))],
        out_specs=pl.BlockSpec((1, F), lambda: (0, 0)),
        out_shape=jax.ShapeDtypeStruct((1, F), jnp.float32),
    )(cm)

    f3 = feats.reshape(N // 128, 128, F)
    idx8 = pl.pallas_call(
        _herd_body,
        in_specs=[pl.BlockSpec((N // 128, 128, F), lambda: (0, 0, 0)),
                  pl.BlockSpec((1, F), lambda: (0, 0))],
        out_specs=pl.BlockSpec((8, 128), lambda: (0, 0)),
        out_shape=jax.ShapeDtypeStruct((8, 128), jnp.int32),
        scratch_shapes=[pltpu.VMEM((N // 128, 1, 128), jnp.float32)],
    )(f3, mu)

    indices = idx8.reshape(-1)[:K]
    idx_pad = jnp.concatenate([indices, jnp.zeros((KPAD - K,), jnp.int32)])
    exemplar_x = _sc_gather_kernel()(X, idx_pad)
    return indices, exemplar_x[:K]

# --- scband reference (transcript-rebuilt; emitter-appended) ---
"""Pipeline reference for scband-i-ca-rl-59502476918824 (READ-ONLY COPY).

The authoritative reference and input builder live on the scoring server;
editing this copy changes nothing except your own understanding.
"""

import jax, jax.numpy as jnp
import numpy as np

N = 16384
INPUT_DIM = 512
HIDDEN = 80
FEAT = 256
K = 200


def _linear_init(key, fan_in, fan_out):
    k1, k2 = jax.random.split(key)
    bound = 1.0 / np.sqrt(fan_in)
    W = jax.random.uniform(k1, (fan_in, fan_out), minval=-bound, maxval=bound, dtype=jnp.float32)
    b = jax.random.uniform(k2, (fan_out,), minval=-bound, maxval=bound, dtype=jnp.float32)
    return W, b


def setup_inputs(seed: int = 0) -> dict:
    key = jax.random.key(seed)
    ks = jax.random.split(key, 4)
    X = jax.random.normal(ks[0], (N, INPUT_DIM), dtype=jnp.float32)
    y = jnp.zeros((N,), dtype=jnp.int32)  # single class, as required by construct_exemplar_set
    W1, b1 = _linear_init(ks[1], INPUT_DIM, HIDDEN)
    W2, b2 = _linear_init(ks[2], HIDDEN, FEAT)
    return {"X": X, "y": y, "W1": W1, "b1": b1, "W2": W2, "b2": b2}


def reference(X, y, W1, b1, W2, b2):
    # FCFeatureExtractor.extract_features: two linear layers, no activation
    feats = (X @ W1 + b1) @ W2 + b2
    # normalize features
    norms = jnp.linalg.norm(feats, axis=1, keepdims=True)
    feats = feats / norms
    # normalized class mean
    class_mean = jnp.mean(feats, axis=0, keepdims=True)
    class_mean = class_mean / jnp.linalg.norm(class_mean)

    def step(carry, k):
        mask, sum_sel = carry
        const = 1.0 / (k.astype(jnp.float32) + 1.0)
        # for k==0 sum_sel is zeros, matching class_mean - const * features
        diffs = class_mean - const * (feats + sum_sel)
        dists = jnp.linalg.norm(diffs, axis=1)
        # index_fill_ with +inf on already-selected exemplars (scatter-overwrite)
        dists = jnp.where(mask, jnp.inf, dists)
        idx = jnp.argmin(dists)
        mask = mask.at[idx].set(True)
        sum_sel = sum_sel + feats[idx][None, :]
        return (mask, sum_sel), idx

    mask0 = jnp.zeros((N,), dtype=bool)
    sum0 = jnp.zeros((1, FEAT), dtype=feats.dtype)
    (_, _), indices = jax.lax.scan(step, (mask0, sum0), jnp.arange(K))
    # exemplar set: gather selected raw samples (torch stacks X[argmin_idx])
    exemplar_x = X[indices]
    return indices, exemplar_x

if __name__ == "__main__":
    import jax
    _d = setup_inputs()
    print(jax.jit(kernel)(*tuple(_d.values())))

</pallas_src>

<mosaic_0001>
#map = affine_map<(d0, d1) -> (0, 0)>
#map1 = affine_map<(d0, d1) -> (0)>
module attributes {stable_mosaic.version = 14 : i64} {
  func.func @_sc_gather(%arg0: i32, %arg1: i32, %arg2: memref<16384x512xf32, #tpu.memory_space<hbm>>, %arg3: memref<256xi32, #tpu.memory_space<hbm>>, %arg4: memref<256x512xf32, #tpu.memory_space<hbm>>, %arg5: memref<8xi32, #tpu.memory_space<vmem>>, %arg6: memref<8x512xf32, #tpu.memory_space<vmem>>, %arg7: memref<!tpu.dma_semaphore, #tpu.memory_space<semaphore_mem>>) attributes {dimension_semantics = [#tpu.dimension_semantics<core_parallel>, #tpu.dimension_semantics<subcore_parallel>], iteration_bounds = array<i64: 2, 16>, scalar_prefetch = 0 : i64, scratch_operands = 3 : i64, tpu.core_type = #tpu.core_type<sc_vector_subcore>, window_params = [{transform_indices = #map}, {transform_indices = #map1}, {transform_indices = #map}]} {
    %mul3A = arith.constant 2 : i32
    %mul3A_0 = arith.muli %arg1, %mul3A : i32
    %add3A = arith.addi %mul3A_0, %arg0 : i32
    %mul3A_1 = arith.constant 8 : i32
    %mul3A_2 = arith.muli %add3A, %mul3A_1 : i32
    "tpu.region"() ({
      %run_scoped3A = tpu.sem_alloc : memref<!tpu.dma_semaphore, #tpu.memory_space<semaphore_mem>>
      %dma_start3A_7 = tpu.memref_slice %arg3[%mul3A_2] : memref<256xi32, #tpu.memory_space<hbm>> -> memref<8xi32, #tpu.memory_space<hbm>>
      %dma_start3A_8 = tpu.memref_slice %arg3[%mul3A_2] : memref<256xi32, #tpu.memory_space<hbm>> -> memref<8xi32, #tpu.memory_space<hbm>>
      tpu.enqueue_dma source(%dma_start3A_8 : memref<8xi32, #tpu.memory_space<hbm>>) target(%arg5 : memref<8xi32, #tpu.memory_space<vmem>>) target_semaphore(%run_scoped3A : memref<!tpu.dma_semaphore, #tpu.memory_space<semaphore_mem>>)
      %dma_wait3A_9 = tpu.memref_slice %arg3[%mul3A_2] : memref<256xi32, #tpu.memory_space<hbm>> -> memref<8xi32, #tpu.memory_space<hbm>>
      %dma_wait3A_10 = tpu.memref_slice %arg3[%mul3A_2] : memref<256xi32, #tpu.memory_space<hbm>> -> memref<8xi32, #tpu.memory_space<hbm>>
      tpu.wait_dma2 semaphore(%run_scoped3A : memref<!tpu.dma_semaphore, #tpu.memory_space<semaphore_mem>>) src(%dma_wait3A_10 : memref<8xi32, #tpu.memory_space<hbm>>) dst(%arg5 : memref<8xi32, #tpu.memory_space<vmem>>)
      tpu.yield
    }) : () -> ()
    %dma_start3A = arith.constant 0 : i32
    %dma_start3A_3 = arith.constant 0 : i32
    %dma_start3A_4 = tpu.memref_slice %arg2[%dma_start3A, %dma_start3A_3] : memref<16384x512xf32, #tpu.memory_space<hbm>> -> memref<16384x512xf32, #tpu.memory_space<hbm>>
    tpu.enqueue_indirect_dma source(%dma_start3A_4 : memref<16384x512xf32, #tpu.memory_space<hbm>>) target(%arg6 : memref<8x512xf32, #tpu.memory_space<vmem>>) offsets(%arg5 : memref<8xi32, #tpu.memory_space<vmem>>) semaphore(%arg7 : memref<!tpu.dma_semaphore, #tpu.memory_space<semaphore_mem>>)
    %dma_wait3A = arith.constant 0 : i32
    %dma_wait3A_5 = arith.constant 0 : i32
    %dma_wait3A_6 = tpu.memref_slice %arg2[%dma_wait3A, %dma_wait3A_5] : memref<16384x512xf32, #tpu.memory_space<hbm>> -> memref<16384x512xf32, #tpu.memory_space<hbm>>
    tpu.wait_indirect_dma semaphore(%arg7 : memref<!tpu.dma_semaphore, #tpu.memory_space<semaphore_mem>>) src(%dma_wait3A_6 : memref<16384x512xf32, #tpu.memory_space<hbm>>) dst(%arg6 : memref<8x512xf32, #tpu.memory_space<vmem>>)
    "tpu.region"() ({
      %run_scoped3A = tpu.sem_alloc : memref<!tpu.dma_semaphore, #tpu.memory_space<semaphore_mem>>
      %dma_start3A_7 = arith.constant 0 : i32
      %dma_start3A_8 = tpu.memref_slice %arg4[%mul3A_2, %dma_start3A_7] : memref<256x512xf32, #tpu.memory_space<hbm>> -> memref<8x512xf32, #tpu.memory_space<hbm>>
      %dma_start3A_9 = arith.constant 0 : i32
      %dma_start3A_10 = tpu.memref_slice %arg4[%mul3A_2, %dma_start3A_9] : memref<256x512xf32, #tpu.memory_space<hbm>> -> memref<8x512xf32, #tpu.memory_space<hbm>>
      tpu.enqueue_dma source(%arg6 : memref<8x512xf32, #tpu.memory_space<vmem>>) target(%dma_start3A_10 : memref<8x512xf32, #tpu.memory_space<hbm>>) target_semaphore(%run_scoped3A : memref<!tpu.dma_semaphore, #tpu.memory_space<semaphore_mem>>)
      %dma_wait3A_11 = arith.constant 0 : i32
      %dma_wait3A_12 = tpu.memref_slice %arg4[%mul3A_2, %dma_wait3A_11] : memref<256x512xf32, #tpu.memory_space<hbm>> -> memref<8x512xf32, #tpu.memory_space<hbm>>
      %dma_wait3A_13 = arith.constant 0 : i32
      %dma_wait3A_14 = tpu.memref_slice %arg4[%mul3A_2, %dma_wait3A_13] : memref<256x512xf32, #tpu.memory_space<hbm>> -> memref<8x512xf32, #tpu.memory_space<hbm>>
      tpu.wait_dma2 semaphore(%run_scoped3A : memref<!tpu.dma_semaphore, #tpu.memory_space<semaphore_mem>>) src(%arg6 : memref<8x512xf32, #tpu.memory_space<vmem>>) dst(%dma_wait3A_14 : memref<8x512xf32, #tpu.memory_space<hbm>>)
      tpu.yield
    }) : () -> ()
    return
  }
}

module attributes {stable_mosaic.version = 14 : i64} {
  func.func @_feats_body(%arg0: i32, %arg1: memref<1024x256xf32, #tpu.memory_space<vmem>>, %arg2: memref<1024x256xf32, #tpu.memory_space<vmem>>) attributes {dimension_semantics = [#tpu.dimension_semantics<arbitrary>], iteration_bounds = array<i64: 16>, scalar_prefetch = 0 : i64, scratch_operands = 0 : i64, tpu.core_type = #tpu.core_type<tc>, window_params = [{transform_indices = @transform_0, window_bounds = array<i64: 1024, 256>}, {transform_indices = @transform_1, window_bounds = array<i64: 1024, 256>}]} {
    %get3A = arith.constant 0 : index
    %get3A_0 = arith.constant 0 : index
    %get3A_1 = vector.load %arg1[%get3A, %get3A_0] : memref<1024x256xf32, #tpu.memory_space<vmem>>, vector<1024x256xf32>
    %slice3A = vector.extract_strided_slice %get3A_1 {offsets = [0, 0], sizes = [128, 256], strides = [1, 1]} : vector<1024x256xf32> to vector<128x256xf32>
    %mul3A = arith.mulf %slice3A, %slice3A : vector<128x256xf32>
    %transpose3A = tpu.transpose %mul3A, [1, 0] : vector<128x256xf32> -> vector<256x128xf32>
    %reshape3A = vector.shape_cast %transpose3A : vector<256x128xf32> to vector<32x8x128xf32>
    %slice3A_2 = vector.extract_strided_slice %reshape3A {offsets = [0, 0, 0], sizes = [1, 8, 128], strides = [1, 1, 1]} : vector<32x8x128xf32> to vector<1x8x128xf32>
    %squeeze3A = vector.shape_cast %slice3A_2 : vector<1x8x128xf32> to vector<8x128xf32>
    %slice3A_3 = vector.extract_strided_slice %reshape3A {offsets = [1, 0, 0], sizes = [1, 8, 128], strides = [1, 1, 1]} : vector<32x8x128xf32> to vector<1x8x128xf32>
    %squeeze3A_4 = vector.shape_cast %slice3A_3 : vector<1x8x128xf32> to vector<8x128xf32>
    %add3A = arith.addf %squeeze3A, %squeeze3A_4 : vector<8x128xf32>
    %slice3A_5 = vector.extract_strided_slice %reshape3A {offsets = [2, 0, 0], sizes = [1, 8, 128], strides = [1, 1, 1]} : vector<32x8x128xf32> to vector<1x8x128xf32>
    %squeeze3A_6 = vector.shape_cast %slice3A_5 : vector<1x8x128xf32> to vector<8x128xf32>
    %add3A_7 = arith.addf %add3A, %squeeze3A_6 : vector<8x128xf32>
    %slice3A_8 = vector.extract_strided_slice %reshape3A {offsets = [3, 0, 0], sizes = [1, 8, 128], strides = [1, 1, 1]} : vector<32x8x128xf32> to vector<1x8x128xf32>
    %squeeze3A_9 = vector.shape_cast %slice3A_8 : vector<1x8x128xf32> to vector<8x128xf32>
    %add3A_10 = arith.addf %add3A_7, %squeeze3A_9 : vector<8x128xf32>
    %slice3A_11 = vector.extract_strided_slice %reshape3A {offsets = [4, 0, 0], sizes = [1, 8, 128], strides = [1, 1, 1]} : vector<32x8x128xf32> to vector<1x8x128xf32>
    %squeeze3A_12 = vector.shape_cast %slice3A_11 : vector<1x8x128xf32> to vector<8x128xf32>
    %add3A_13 = arith.addf %add3A_10, %squeeze3A_12 : vector<8x128xf32>
    %slice3A_14 = vector.extract_strided_slice %reshape3A {offsets = [5, 0, 0], sizes = [1, 8, 128], strides = [1, 1, 1]} : vector<32x8x128xf32> to vector<1x8x128xf32>
    %squeeze3A_15 = vector.shape_cast %slice3A_14 : vector<1x8x128xf32> to vector<8x128xf32>
    %add3A_16 = arith.addf %add3A_13, %squeeze3A_15 : vector<8x128xf32>
    %slice3A_17 = vector.extract_strided_slice %reshape3A {offsets = [6, 0, 0], sizes = [1, 8, 128], strides = [1, 1, 1]} : vector<32x8x128xf32> to vector<1x8x128xf32>
    %squeeze3A_18 = vector.shape_cast %slice3A_17 : vector<1x8x128xf32> to vector<8x128xf32>
    %add3A_19 = arith.addf %add3A_16, %squeeze3A_18 : vector<8x128xf32>
    %slice3A_20 = vector.extract_strided_slice %reshape3A {offsets = [7, 0, 0], sizes = [1, 8, 128], strides = [1, 1, 1]} : vector<32x8x128xf32> to vector<1x8x128xf32>
    %squeeze3A_21 = vector.shape_cast %slice3A_20 : vector<1x8x128xf32> to vector<8x128xf32>
    %add3A_22 = arith.addf %add3A_19, %squeeze3A_21 : vector<8x128xf32>
    %slice3A_23 = vector.extract_strided_slice %reshape3A {offsets = [8, 0, 0], sizes = [1, 8, 128], strides = [1, 1, 1]} : vector<32x8x128xf32> to vector<1x8x128xf32>
    %squeeze3A_24 = vector.shape_cast %slice3A_23 : vector<1x8x128xf32> to vector<8x128xf32>
    %add3A_25 = arith.addf %add3A_22, %squeeze3A_24 : vector<8x128xf32>
    %slice3A_26 = vector.extract_strided_slice %reshape3A {offsets = [9, 0, 0], sizes = [1, 8, 128], strides = [1, 1, 1]} : vector<32x8x128xf32> to vector<1x8x128xf32>
    %squeeze3A_27 = vector.shape_cast %slice3A_26 : vector<1x8x128xf32> to vector<8x128xf32>
    %add3A_28 = arith.addf %add3A_25, %squeeze3A_27 : vector<8x128xf32>
    %slice3A_29 = vector.extract_strided_slice %reshape3A {offsets = [10, 0, 0], sizes = [1, 8, 128], strides = [1, 1, 1]} : vector<32x8x128xf32> to vector<1x8x128xf32>
    %squeeze3A_30 = vector.shape_cast %slice3A_29 : vector<1x8x128xf32> to vector<8x128xf32>
    %add3A_31 = arith.addf %add3A_28, %squeeze3A_30 : vector<8x128xf32>
    %slice3A_32 = vector.extract_strided_slice %reshape3A {offsets = [11, 0, 0], sizes = [1, 8, 128], strides = [1, 1, 1]} : vector<32x8x128xf32> to vector<1x8x128xf32>
    %squeeze3A_33 = vector.shape_cast %slice3A_32 : vector<1x8x128xf32> to vector<8x128xf32>
    %add3A_34 = arith.addf %add3A_31, %squeeze3A_33 : vector<8x128xf32>
    %slice3A_35 = vector.extract_strided_slice %reshape3A {offsets = [12, 0, 0], sizes = [1, 8, 128], strides = [1, 1, 1]} : vector<32x8x128xf32> to vector<1x8x128xf32>
    %squeeze3A_36 = vector.shape_cast %slice3A_35 : vector<1x8x128xf32> to vector<8x128xf32>
    %add3A_37 = arith.addf %add3A_34, %squeeze3A_36 : vector<8x128xf32>
    %slice3A_38 = vector.extract_strided_slice %reshape3A {offsets = [13, 0, 0], sizes = [1, 8, 128], strides = [1, 1, 1]} : vector<32x8x128xf32> to vector<1x8x128xf32>
    %squeeze3A_39 = vector.shape_cast %slice3A_38 : vector<1x8x128xf32> to vector<8x128xf32>
    %add3A_40 = arith.addf %add3A_37, %squeeze3A_39 : vector<8x128xf32>
    %slice3A_41 = vector.extract_strided_slice %reshape3A {offsets = [14, 0, 0], sizes = [1, 8, 128], strides = [1, 1, 1]} : vector<32x8x128xf32> to vector<1x8x128xf32>
    %squeeze3A_42 = vector.shape_cast %slice3A_41 : vector<1x8x128xf32> to vector<8x128xf32>
    %add3A_43 = arith.addf %add3A_40, %squeeze3A_42 : vector<8x128xf32>
    %slice3A_44 = vector.extract_strided_slice %reshape3A {offsets = [15, 0, 0], sizes = [1, 8, 128], strides = [1, 1, 1]} : vector<32x8x128xf32> to vector<1x8x128xf32>
    %squeeze3A_45 = vector.shape_cast %slice3A_44 : vector<1x8x128xf32> to vector<8x128xf32>
    %add3A_46 = arith.addf %add3A_43, %squeeze3A_45 : vector<8x128xf32>
    %slice3A_47 = vector.extract_strided_slice %reshape3A {offsets = [16, 0, 0], sizes = [1, 8, 128], strides = [1, 1, 1]} : vector<32x8x128xf32> to vector<1x8x128xf32>
    %squeeze3A_48 = vector.shape_cast %slice3A_47 : vector<1x8x128xf32> to vector<8x128xf32>
    %add3A_49 = arith.addf %add3A_46, %squeeze3A_48 : vector<8x128xf32>
    %slice3A_50 = vector.extract_strided_slice %reshape3A {offsets = [17, 0, 0], sizes = [1, 8, 128], strides = [1, 1, 1]} : vector<32x8x128xf32> to vector<1x8x128xf32>
    %squeeze3A_51 = vector.shape_cast %slice3A_50 : vector<1x8x128xf32> to vector<8x128xf32>
    %add3A_52 = arith.addf %add3A_49, %squeeze3A_51 : vector<8x128xf32>
    %slice3A_53 = vector.extract_strided_slice %reshape3A {offsets = [18, 0, 0], sizes = [1, 8, 128], strides = [1, 1, 1]} : vector<32x8x128xf32> to vector<1x8x128xf32>
    %squeeze3A_54 = vector.shape_cast %slice3A_53 : vector<1x8x128xf32> to vector<8x128xf32>
    %add3A_55 = arith.addf %add3A_52, %squeeze3A_54 : vector<8x128xf32>
    %slice3A_56 = vector.extract_strided_slice %reshape3A {offsets = [19, 0, 0], sizes = [1, 8, 128], strides = [1, 1, 1]} : vector<32x8x128xf32> to vector<1x8x128xf32>
    %squeeze3A_57 = vector.shape_cast %slice3A_56 : vector<1x8x128xf32> to vector<8x128xf32>
    %add3A_58 = arith.addf %add3A_55, %squeeze3A_57 : vector<8x128xf32>
    %slice3A_59 = vector.extract_strided_slice %reshape3A {offsets = [20, 0, 0], sizes = [1, 8, 128], strides = [1, 1, 1]} : vector<32x8x128xf32> to vector<1x8x128xf32>
    %squeeze3A_60 = vector.shape_cast %slice3A_59 : vector<1x8x128xf32> to vector<8x128xf32>
    %add3A_61 = arith.addf %add3A_58, %squeeze3A_60 : vector<8x128xf32>
    %slice3A_62 = vector.extract_strided_slice %reshape3A {offsets = [21, 0, 0], sizes = [1, 8, 128], strides = [1, 1, 1]} : vector<32x8x128xf32> to vector<1x8x128xf32>
    %squeeze3A_63 = vector.shape_cast %slice3A_62 : vector<1x8x128xf32> to vector<8x128xf32>
    %add3A_64 = arith.addf %add3A_61, %squeeze3A_63 : vector<8x128xf32>
    %slice3A_65 = vector.extract_strided_slice %reshape3A {offsets = [22, 0, 0], sizes = [1, 8, 128], strides = [1, 1, 1]} : vector<32x8x128xf32> to vector<1x8x128xf32>
    %squeeze3A_66 = vector.shape_cast %slice3A_65 : vector<1x8x128xf32> to vector<8x128xf32>
    %add3A_67 = arith.addf %add3A_64, %squeeze3A_66 : vector<8x128xf32>
    %slice3A_68 = vector.extract_strided_slice %reshape3A {offsets = [23, 0, 0], sizes = [1, 8, 128], strides = [1, 1, 1]} : vector<32x8x128xf32> to vector<1x8x128xf32>
    %squeeze3A_69 = vector.shape_cast %slice3A_68 : vector<1x8x128xf32> to vector<8x128xf32>
    %add3A_70 = arith.addf %add3A_67, %squeeze3A_69 : vector<8x128xf32>
    %slice3A_71 = vector.extract_strided_slice %reshape3A {offsets = [24, 0, 0], sizes = [1, 8, 128], strides = [1, 1, 1]} : vector<32x8x128xf32> to vector<1x8x128xf32>
    %squeeze3A_72 = vector.shape_cast %slice3A_71 : vector<1x8x128xf32> to vector<8x128xf32>
    %add3A_73 = arith.addf %add3A_70, %squeeze3A_72 : vector<8x128xf32>
    %slice3A_74 = vector.extract_strided_slice %reshape3A {offsets = [25, 0, 0], sizes = [1, 8, 128], strides = [1, 1, 1]} : vector<32x8x128xf32> to vector<1x8x128xf32>
    %squeeze3A_75 = vector.shape_cast %slice3A_74 : vector<1x8x128xf32> to vector<8x128xf32>
    %add3A_76 = arith.addf %add3A_73, %squeeze3A_75 : vector<8x128xf32>
    %slice3A_77 = vector.extract_strided_slice %reshape3A {offsets = [26, 0, 0], sizes = [1, 8, 128], strides = [1, 1, 1]} : vector<32x8x128xf32> to vector<1x8x128xf32>
    %squeeze3A_78 = vector.shape_cast %slice3A_77 : vector<1x8x128xf32> to vector<8x128xf32>
    %add3A_79 = arith.addf %add3A_76, %squeeze3A_78 : vector<8x128xf32>
    %slice3A_80 = vector.extract_strided_slice %reshape3A {offsets = [27, 0, 0], sizes = [1, 8, 128], strides = [1, 1, 1]} : vector<32x8x128xf32> to vector<1x8x128xf32>
    %squeeze3A_81 = vector.shape_cast %slice3A_80 : vector<1x8x128xf32> to vector<8x128xf32>
    %add3A_82 = arith.addf %add3A_79, %squeeze3A_81 : vector<8x128xf32>
    %slice3A_83 = vector.extract_strided_slice %reshape3A {offsets = [28, 0, 0], sizes = [1, 8, 128], strides = [1, 1, 1]} : vector<32x8x128xf32> to vector<1x8x128xf32>
    %squeeze3A_84 = vector.shape_cast %slice3A_83 : vector<1x8x128xf32> to vector<8x128xf32>
    %add3A_85 = arith.addf %add3A_82, %squeeze3A_84 : vector<8x128xf32>
    %slice3A_86 = vector.extract_strided_slice %reshape3A {offsets = [29, 0, 0], sizes = [1, 8, 128], strides = [1, 1, 1]} : vector<32x8x128xf32> to vector<1x8x128xf32>
    %squeeze3A_87 = vector.shape_cast %slice3A_86 : vector<1x8x128xf32> to vector<8x128xf32>
    %add3A_88 = arith.addf %add3A_85, %squeeze3A_87 : vector<8x128xf32>
    %slice3A_89 = vector.extract_strided_slice %reshape3A {offsets = [30, 0, 0], sizes = [1, 8, 128], strides = [1, 1, 1]} : vector<32x8x128xf32> to vector<1x8x128xf32>
    %squeeze3A_90 = vector.shape_cast %slice3A_89 : vector<1x8x128xf32> to vector<8x128xf32>
    %add3A_91 = arith.addf %add3A_88, %squeeze3A_90 : vector<8x128xf32>
    %slice3A_92 = vector.extract_strided_slice %reshape3A {offsets = [31, 0, 0], sizes = [1, 8, 128], strides = [1, 1, 1]} : vector<32x8x128xf32> to vector<1x8x128xf32>
    %squeeze3A_93 = vector.shape_cast %slice3A_92 : vector<1x8x128xf32> to vector<8x128xf32>
    %add3A_94 = arith.addf %add3A_91, %squeeze3A_93 : vector<8x128xf32>
    %slice3A_95 = vector.extract_strided_slice %add3A_94 {offsets = [4, 0], sizes = [4, 128], strides = [1, 1]} : vector<8x128xf32> to vector<4x128xf32>
    %slice3A_96 = vector.extract_strided_slice %add3A_94 {offsets = [0, 0], sizes = [4, 128], strides = [1, 1]} : vector<8x128xf32> to vector<4x128xf32>
    %add3A_97 = arith.addf %slice3A_95, %slice3A_96 : vector<4x128xf32>
    %slice3A_98 = vector.extract_strided_slice %add3A_97 {offsets = [2, 0], sizes = [2, 128], strides = [1, 1]} : vector<4x128xf32> to vector<2x128xf32>
    %slice3A_99 = vector.extract_strided_slice %add3A_97 {offsets = [0, 0], sizes = [2, 128], strides = [1, 1]} : vector<4x128xf32> to vector<2x128xf32>
    %add3A_100 = arith.addf %slice3A_98, %slice3A_99 : vector<2x128xf32>
    %slice3A_101 = vector.extract_strided_slice %add3A_100 {offsets = [1, 0], sizes = [1, 128], strides = [1, 1]} : vector<2x128xf32> to vector<1x128xf32>
    %slice3A_102 = vector.extract_strided_slice %add3A_100 {offsets = [0, 0], sizes = [1, 128], strides = [1, 1]} : vector<2x128xf32> to vector<1x128xf32>
    %add3A_103 = arith.addf %slice3A_101, %slice3A_102 : vector<1x128xf32>
    %sqrt3A = math.sqrt %add3A_103 : vector<1x128xf32>
    %transpose3A_104 = tpu.transpose %sqrt3A, [1, 0] : vector<1x128xf32> -> vector<128x1xf32>
    %div3A = vector.broadcast %transpose3A_104 : vector<128x1xf32> to vector<128x256xf32>
    %div3A_105 = arith.divf %slice3A, %div3A : vector<128x256xf32>
    %swap3A = arith.constant 0 : index
    %swap3A_106 = arith.constant 0 : index
    %swap3A_107 = vector.load %arg2[%swap3A, %swap3A_106] : memref<1024x256xf32, #tpu.memory_space<vmem>>, vector<128x256xf32>
    tpu.vector_store %arg2[%swap3A, %swap3A_106], %div3A_105 {strides = array<i32>} : memref<1024x256xf32, #tpu.memory_space<vmem>>, vector<128x256xf32>,
    %slice3A_108 = vector.extract_strided_slice %get3A_1 {offsets = [128, 0], sizes = [128, 256], strides = [1, 1]} : vector<1024x256xf32> to vector<128x256xf32>
    %mul3A_109 = arith.mulf %slice3A_108, %slice3A_108 : vector<128x256xf32>
    %transpose3A_110 = tpu.transpose %mul3A_109, [1, 0] : vector<128x256xf32> -> vector<256x128xf32>
    %reshape3A_111 = vector.shape_cast %transpose3A_110 : vector<256x128xf32> to vector<32x8x128xf32>
    %slice3A_112 = vector.extract_strided_slice %reshape3A_111 {offsets = [0, 0, 0], sizes = [1, 8, 128], strides = [1, 1, 1]} : vector<32x8x128xf32> to vector<1x8x128xf32>
    %squeeze3A_113 = vector.shape_cast %slice3A_112 : vector<1x8x128xf32> to vector<8x128xf32>
    %slice3A_114 = vector.extract_strided_slice %reshape3A_111 {offsets = [1, 0, 0], sizes = [1, 8, 128], strides = [1, 1, 1]} : vector<32x8x128xf32> to vector<1x8x128xf32>
    %squeeze3A_115 = vector.shape_cast %slice3A_114 : vector<1x8x128xf32> to vector<8x128xf32>
    %add3A_116 = arith.addf %squeeze3A_113, %squeeze3A_115 : vector<8x128xf32>
    %slice3A_117 = vector.extract_strided_slice %reshape3A_111 {offsets = [2, 0, 0], sizes = [1, 8, 128], strides = [1, 1, 1]} : vector<32x8x128xf32> to vector<1x8x128xf32>
    %squeeze3A_118 = vector.shape_cast %slice3A_117 : vector<1x8x128xf32> to vector<8x128xf32>
    %add3A_119 = arith.addf %add3A_116, %squeeze3A_118 : vector<8x128xf32>
    %slice3A_120 = vector.extract_strided_slice %reshape3A_111 {offsets = [3, 0, 0], sizes = [1, 8, 128], strides = [1, 1, 1]} : vector<32x8x128xf32> to vector<1x8x128xf32>
    %squeeze3A_121 = vector.shape_cast %slice3A_120 : vector<1x8x128xf32> to vector<8x128xf32>
    %add3A_122 = arith.addf %add3A_119, %squeeze3A_121 : vector<8x128xf32>
    %slice3A_123 = vector.extract_strided_slice %reshape3A_111 {offsets = [4, 0, 0], sizes = [1, 8, 128], strides = [1, 1, 1]} : vector<32x8x128xf32> to vector<1x8x128xf32>
    %squeeze3A_124 = vector.shape_cast %slice3A_123 : vector<1x8x128xf32> to vector<8x128xf32>
    %add3A_125 = arith.addf %add3A_122, %squeeze3A_124 : vector<8x128xf32>
    %slice3A_126 = vector.extract_strided_slice %reshape3A_111 {offsets = [5, 0, 0], sizes = [1, 8, 128], strides = [1, 1, 1]} : vector<32x8x128xf32> to vector<1x8x128xf32>
    %squeeze3A_127 = vector.shape_cast %slice3A_126 : vector<1x8x128xf32> to vector<8x128xf32>
    %add3A_128 = arith.addf %add3A_125, %squeeze3A_127 : vector<8x128xf32>
    %slice3A_129 = vector.extract_strided_slice %reshape3A_111 {offsets = [6, 0, 0], sizes = [1, 8, 128], strides = [1, 1, 1]} : vector<32x8x128xf32> to vector<1x8x128xf32>
    %squeeze3A_130 = vector.shape_cast %slice3A_129 : vector<1x8x128xf32> to vector<8x128xf32>
    %add3A_131 = arith.addf %add3A_128, %squeeze3A_130 : vector<8x128xf32>
    %slice3A_132 = vector.extract_strided_slice %reshape3A_111 {offsets = [7, 0, 0], sizes = [1, 8, 128], strides = [1, 1, 1]} : vector<32x8x128xf32> to vector<1x8x128xf32>
    %squeeze3A_133 = vector.shape_cast %slice3A_132 : vector<1x8x128xf32> to vector<8x128xf32>
    %add3A_134 = arith.addf %add3A_131, %squeeze3A_133 : vector<8x128xf32>
    %slice3A_135 = vector.extract_strided_slice %reshape3A_111 {offsets = [8, 0, 0], sizes = [1, 8, 128], strides = [1, 1, 1]} : vector<32x8x128xf32> to vector<1x8x128xf32>
    %squeeze3A_136 = vector.shape_cast %slice3A_135 : vector<1x8x128xf32> to vector<8x128xf32>
    %add3A_137 = arith.addf %add3A_134, %squeeze3A_136 : vector<8x128xf32>
    %slice3A_138 = vector.extract_strided_slice %reshape3A_111 {offsets = [9, 0, 0], sizes = [1, 8, 128], strides = [1, 1, 1]} : vector<32x8x128xf32> to vector<1x8x128xf32>
    %squeeze3A_139 = vector.shape_cast %slice3A_138 : vector<1x8x128xf32> to vector<8x128xf32>
    %add3A_140 = arith.addf %add3A_137, %squeeze3A_139 : vector<8x128xf32>
    %slice3A_141 = vector.extract_strided_slice %reshape3A_111 {offsets = [10, 0, 0], sizes = [1, 8, 128], strides = [1, 1, 1]} : vector<32x8x128xf32> to vector<1x8x128xf32>
    %squeeze3A_142 = vector.shape_cast %slice3A_141 : vector<1x8x128xf32> to vector<8x128xf32>
    %add3A_143 = arith.addf %add3A_140, %squeeze3A_142 : vector<8x128xf32>
    %slice3A_144 = vector.extract_strided_slice %reshape3A_111 {offsets = [11, 0, 0], sizes = [1, 8, 128], strides = [1, 1, 1]} : vector<32x8x128xf32> to vector<1x8x128xf32>
    %squeeze3A_145 = vector.shape_cast %slice3A_144 : vector<1x8x128xf32> to vector<8x128xf32>
    %add3A_146 = arith.addf %add3A_143, %squeeze3A_145 : vector<8x128xf32>
    %slice3A_147 = vector.extract_strided_slice %reshape3A_111 {offsets = [12, 0, 0], sizes = [1, 8, 128], strides = [1, 1, 1]} : vector<32x8x128xf32> to vector<1x8x128xf32>
    %squeeze3A_148 = vector.shape_cast %slice3A_147 : vector<1x8x128xf32> to vector<8x128xf32>
    %add3A_149 = arith.addf %add3A_146, %squeeze3A_148 : vector<8x128xf32>
    %slice3A_150 = vector.extract_strided_slice %reshape3A_111 {offsets = [13, 0, 0], sizes = [1, 8, 128], strides = [1, 1, 1]} : vector<32x8x128xf32> to vector<1x8x128xf32>
    %squeeze3A_151 = vector.shape_cast %slice3A_150 : vector<1x8x128xf32> to vector<8x128xf32>
    %add3A_152 = arith.addf %add3A_149, %squeeze3A_151 : vector<8x128xf32>
    %slice3A_153 = vector.extract_strided_slice %reshape3A_111 {offsets = [14, 0, 0], sizes = [1, 8, 128], strides = [1, 1, 1]} : vector<32x8x128xf32> to vector<1x8x128xf32>
    %squeeze3A_154 = vector.shape_cast %slice3A_153 : vector<1x8x128xf32> to vector<8x128xf32>
    %add3A_155 = arith.addf %add3A_152, %squeeze3A_154 : vector<8x128xf32>
    %slice3A_156 = vector.extract_strided_slice %reshape3A_111 {offsets = [15, 0, 0], sizes = [1, 8, 128], strides = [1, 1, 1]} : vector<32x8x128xf32> to vector<1x8x128xf32>
    %squeeze3A_157 = vector.shape_cast %slice3A_156 : vector<1x8x128xf32> to vector<8x128xf32>
    %add3A_158 = arith.addf %add3A_155, %squeeze3A_157 : vector<8x128xf32>
    %slice3A_159 = vector.extract_strided_slice %reshape3A_111 {offsets = [16, 0, 0], sizes = [1, 8, 128], strides = [1, 1, 1]} : vector<32x8x128xf32> to vector<1x8x128xf32>
    %squeeze3A_160 = vector.shape_cast %slice3A_159 : vector<1x8x128xf32> to vector<8x128xf32>
    %add3A_161 = arith.addf %add3A_158, %squeeze3A_160 : vector<8x128xf32>
    %slice3A_162 = vector.extract_strided_slice %reshape3A_111 {offsets = [17, 0, 0], sizes = [1, 8, 128], strides = [1, 1, 1]} : vector<32x8x128xf32> to vector<1x8x128xf32>
    %squeeze3A_163 = vector.shape_cast %slice3A_162 : vector<1x8x128xf32> to vector<8x128xf32>
    %add3A_164 = arith.addf %add3A_161, %squeeze3A_163 : vector<8x128xf32>
    %slice3A_165 = vector.extract_strided_slice %reshape3A_111 {offsets = [18, 0, 0], sizes = [1, 8, 128], strides = [1, 1, 1]} : vector<32x8x128xf32> to vector<1x8x128xf32>
    %squeeze3A_166 = vector.shape_cast %slice3A_165 : vector<1x8x128xf32> to vector<8x128xf32>
    %add3A_167 = arith.addf %add3A_164, %squeeze3A_166 : vector<8x128xf32>
    %slice3A_168 = vector.extract_strided_slice %reshape3A_111 {offsets = [19, 0, 0], sizes = [1, 8, 128], strides = [1, 1, 1]} : vector<32x8x128xf32> to vector<1x8x128xf32>
    %squeeze3A_169 = vector.shape_cast %slice3A_168 : vector<1x8x128xf32> to vector<8x128xf32>
    %add3A_170 = arith.addf %add3A_167, %squeeze3A_169 : vector<8x128xf32>
    %slice3A_171 = vector.extract_strided_slice %reshape3A_111 {offsets = [20, 0, 0], sizes = [1, 8, 128], strides = [1, 1, 1]} : vector<32x8x128xf32> to vector<1x8x128xf32>
    %squeeze3A_172 = vector.shape_cast %slice3A_171 : vector<1x8x128xf32> to vector<8x128xf32>
    %add3A_173 = arith.addf %add3A_170, %squeeze3A_172 : vector<8x128xf32>
    %slice3A_174 = vector.extract_strided_slice %reshape3A_111 {offsets = [21, 0, 0], sizes = [1, 8, 128], strides = [1, 1, 1]} : vector<32x8x128xf32> to vector<1x8x128xf32>
    %squeeze3A_175 = vector.shape_cast %slice3A_174 : vector<1x8x128xf32> to vector<8x128xf32>
    %add3A_176 = arith.addf %add3A_173, %squeeze3A_175 : vector<8x128xf32>
    %slice3A_177 = vector.extract_strided_slice %reshape3A_111 {offsets = [22, 0, 0], sizes = [1, 8, 128], strides = [1, 1, 1]} : vector<32x8x128xf32> to vector<1x8x128xf32>
    %squeeze3A_178 = vector.shape_cast %slice3A_177 : vector<1x8x128xf32> to vector<8x128xf32>
    %add3A_179 = arith.addf %add3A_176, %squeeze3A_178 : vector<8x128xf32>
    %slice3A_180 = vector.extract_strided_slice %reshape3A_111 {offsets = [23, 0, 0], sizes = [1, 8, 128], strides = [1, 1, 1]} : vector<32x8x128xf32> to vector<1x8x128xf32>
    %squeeze3A_181 = vector.shape_cast %slice3A_180 : vector<1x8x128xf32> to vector<8x128xf32>
    %add3A_182 = arith.addf %add3A_179, %squeeze3A_181 : vector<8x128xf32>
    %slice3A_183 = vector.extract_strided_slice %reshape3A_111 {offsets = [24, 0, 0], sizes = [1, 8, 128], strides = [1, 1, 1]} : vector<32x8x128xf32> to vector<1x8x128xf32>
    %squeeze3A_184 = vector.shape_cast %slice3A_183 : vector<1x8x128xf32> to vector<8x128xf32>
    %add3A_185 = arith.addf %add3A_182, %squeeze3A_184 : vector<8x128xf32>
    %slice3A_186 = vector.extract_strided_slice %reshape3A_111 {offsets = [25, 0, 0], sizes = [1, 8, 128], strides = [1, 1, 1]} : vector<32x8x128xf32> to vector<1x8x128xf32>
    %squeeze3A_187 = vector.shape_cast %slice3A_186 : vector<1x8x128xf32> to vector<8x128xf32>
    %add3A_188 = arith.addf %add3A_185, %squeeze3A_187 : vector<8x128xf32>
    %slice3A_189 = vector.extract_strided_slice %reshape3A_111 {offsets = [26, 0, 0], sizes = [1, 8, 128], strides = [1, 1, 1]} : vector<32x8x128xf32> to vector<1x8x128xf32>
    %squeeze3A_190 = vector.shape_cast %slice3A_189 : vector<1x8x128xf32> to vector<8x128xf32>
    %add3A_191 = arith.addf %add3A_188, %squeeze3A_190 : vector<8x128xf32>
    %slice3A_192 = vector.extract_strided_slice %reshape3A_111 {offsets = [27, 0, 0], sizes = [1, 8, 128], strides = [1, 1, 1]} : vector<32x8x128xf32> to vector<1x8x128xf32>
    %squeeze3A_193 = vector.shape_cast %slice3A_192 : vector<1x8x128xf32> to vector<8x128xf32>
    %add3A_194 = arith.addf %add3A_191, %squeeze3A_193 : vector<8x128xf32>
    %slice3A_195 = vector.extract_strided_slice %reshape3A_111 {offsets = [28, 0, 0], sizes = [1, 8, 128], strides = [1, 1, 1]} : vector<32x8x128xf32> to vector<1x8x128xf32>
    %squeeze3A_196 = vector.shape_cast %slice3A_195 : vector<1x8x128xf32> to vector<8x128xf32>
    %add3A_197 = arith.addf %add3A_194, %squeeze3A_196 : vector<8x128xf32>
    %slice3A_198 = vector.extract_strided_slice %reshape3A_111 {offsets = [29, 0, 0], sizes = [1, 8, 128], strides = [1, 1, 1]} : vector<32x8x128xf32> to vector<1x8x128xf32>
    %squeeze3A_199 = vector.shape_cast %slice3A_198 : vector<1x8x128xf32> to vector<8x128xf32>
    %add3A_200 = arith.addf %add3A_197, %squeeze3A_199 : vector<8x128xf32>
    %slice3A_201 = vector.extract_strided_slice %reshape3A_111 {offsets = [30, 0, 0], sizes = [1, 8, 128], strides = [1, 1, 1]} : vector<32x8x128xf32> to vector<1x8x128xf32>
    %squeeze3A_202 = vector.shape_cast %slice3A_201 : vector<1x8x128xf32> to vector<8x128xf32>
    %add3A_203 = arith.addf %add3A_200, %squeeze3A_202 : vector<8x128xf32>
    %slice3A_204 = vector.extract_strided_slice %reshape3A_111 {offsets = [31, 0, 0], sizes = [1, 8, 128], strides = [1, 1, 1]} : vector<32x8x128xf32> to vector<1x8x128xf32>
    %squeeze3A_205 = vector.shape_cast %slice3A_204 : vector<1x8x128xf32> to vector<8x128xf32>
    %add3A_206 = arith.addf %add3A_203, %squeeze3A_205 : vector<8x128xf32>
    %slice3A_207 = vector.extract_strided_slice %add3A_206 {offsets = [4, 0], sizes = [4, 128], strides = [1, 1]} : vector<8x128xf32> to vector<4x128xf32>
    %slice3A_208 = vector.extract_strided_slice %add3A_206 {offsets = [0, 0], sizes = [4, 128], strides = [1, 1]} : vector<8x128xf32> to vector<4x128xf32>
    %add3A_209 = arith.addf %slice3A_207, %slice3A_208 : vector<4x128xf32>
    %slice3A_210 = vector.extract_strided_slice %add3A_209 {offsets = [2, 0], sizes = [2, 128], strides = [1, 1]} : vector<4x128xf32> to vector<2x128xf32>
    %slice3A_211 = vector.extract_strided_slice %add3A_209 {offsets = [0, 0], sizes = [2, 128], strides = [1, 1]} : vector<4x128xf32> to vector<2x128xf32>
    %add3A_212 = arith.addf %slice3A_210, %slice3A_211 : vector<2x128xf32>
    %slice3A_213 = vector.extract_strided_slice %add3A_212 {offsets = [1, 0], sizes = [1, 128], strides = [1, 1]} : vector<2x128xf32> to vector<1x128xf32>
    %slice3A_214 = vector.extract_strided_slice %add3A_212 {offsets = [0, 0], sizes = [1, 128], strides = [1, 1]} : vector<2x128xf32> to vector<1x128xf32>
    %add3A_215 = arith.addf %slice3A_213, %slice3A_214 : vector<1x128xf32>
    %sqrt3A_216 = math.sqrt %add3A_215 : vector<1x128xf32>
    %transpose3A_217 = tpu.transpose %sqrt3A_216, [1, 0] : vector<1x128xf32> -> vector<128x1xf32>
    %div3A_218 = vector.broadcast %transpose3A_217 : vector<128x1xf32> to vector<128x256xf32>
    %div3A_219 = arith.divf %slice3A_108, %div3A_218 : vector<128x256xf32>
    %swap3A_220 = arith.constant 128 : index
    %swap3A_221 = arith.constant 0 : index
    %swap3A_222 = vector.load %arg2[%swap3A_220, %swap3A_221] : memref<1024x256xf32, #tpu.memory_space<vmem>>, vector<128x256xf32>
    tpu.vector_store %arg2[%swap3A_220, %swap3A_221], %div3A_219 {strides = array<i32>} : memref<1024x256xf32, #tpu.memory_space<vmem>>, vector<128x256xf32>,
    %slice3A_223 = vector.extract_strided_slice %get3A_1 {offsets = [256, 0], sizes = [128, 256], strides = [1, 1]} : vector<1024x256xf32> to vector<128x256xf32>
    %mul3A_224 = arith.mulf %slice3A_223, %slice3A_223 : vector<128x256xf32>
    %transpose3A_225 = tpu.transpose %mul3A_224, [1, 0] : vector<128x256xf32> -> vector<256x128xf32>
    %reshape3A_226 = vector.shape_cast %transpose3A_225 : vector<256x128xf32> to vector<32x8x128xf32>
    %slice3A_227 = vector.extract_strided_slice %reshape3A_226 {offsets = [0, 0, 0], sizes = [1, 8, 128], strides = [1, 1, 1]} : vector<32x8x128xf32> to vector<1x8x128xf32>
    %squeeze3A_228 = vector.shape_cast %slice3A_227 : vector<1x8x128xf32> to vector<8x128xf32>
    %slice3A_229 = vector.extract_strided_slice %reshape3A_226 {offsets = [1, 0, 0], sizes = [1, 8, 128], strides = [1, 1, 1]} : vector<32x8x128xf32> to vector<1x8x128xf32>
    %squeeze3A_230 = vector.shape_cast %slice3A_229 : vector<1x8x128xf32> to vector<8x128xf32>
    %add3A_231 = arith.addf %squeeze3A_228, %squeeze3A_230 : vector<8x128xf32>
    %slice3A_232 = vector.extract_strided_slice %reshape3A_226 {offsets = [2, 0, 0], sizes = [1, 8, 128], strides = [1, 1, 1]} : vector<32x8x128xf32> to vector<1x8x128xf32>
    %squeeze3A_233 = vector.shape_cast %slice3A_232 : vector<1x8x128xf32> to vector<8x128xf32>
    %add3A_234 = arith.addf %add3A_231, %squeeze3A_233 : vector<8x128xf32>
    %slice3A_235 = vector.extract_strided_slice %reshape3A_226 {offsets = [3, 0, 0], sizes = [1, 8, 128], strides = [1, 1, 1]} : vector<32x8x128xf32> to vector<1x8x128xf32>
    %squeeze3A_236 = vector.shape_cast %slice3A_235 : vector<1x8x128xf32> to vector<8x128xf32>
    %add3A_237 = arith.addf %add3A_234, %squeeze3A_236 : vector<8x128xf32>
    %slice3A_238 = vector.extract_strided_slice %reshape3A_226 {offsets = [4, 0, 0], sizes = [1, 8, 128], strides = [1, 1, 1]} : vector<32x8x128xf32> to vector<1x8x128xf32>
    %squeeze3A_239 = vector.shape_cast %slice3A_238 : vector<1x8x128xf32> to vector<8x128xf32>
    %add3A_240 = arith.addf %add3A_237, %squeeze3A_239 : vector<8x128xf32>
    %slice3A_241 = vector.extract_strided_slice %reshape3A_226 {offsets = [5, 0, 0], sizes = [1, 8, 128], strides = [1, 1, 1]} : vector<32x8x128xf32> to vector<1x8x128xf32>
    %squeeze3A_242 = vector.shape_cast %slice3A_241 : vector<1x8x128xf32> to vector<8x128xf32>
    %add3A_243 = arith.addf %add3A_240, %squeeze3A_242 : vector<8x128xf32>
    %slice3A_244 = vector.extract_strided_slice %reshape3A_226 {offsets = [6, 0, 0], sizes = [1, 8, 128], strides = [1, 1, 1]} : vector<32x8x128xf32> to vector<1x8x128xf32>
    %squeeze3A_245 = vector.shape_cast %slice3A_244 : vector<1x8x128xf32> to vector<8x128xf32>
    %add3A_246 = arith.addf %add3A_243, %squeeze3A_245 : vector<8x128xf32>
    %slice3A_247 = vector.extract_strided_slice %reshape3A_226 {offsets = [7, 0, 0], sizes = [1, 8, 128], strides = [1, 1, 1]} : vector<32x8x128xf32> to vector<1x8x128xf32>
    %squeeze3A_248 = vector.shape_cast %slice3A_247 : vector<1x8x128xf32> to vector<8x128xf32>
    %add3A_249 = arith.addf %add3A_246, %squeeze3A_248 : vector<8x128xf32>
    %slice3A_250 = vector.extract_strided_slice %reshape3A_226 {offsets = [8, 0, 0], sizes = [1, 8, 128], strides = [1, 1, 1]} : vector<32x8x128xf32> to vector<1x8x128xf32>
    %squeeze3A_251 = vector.shape_cast %slice3A_250 : vector<1x8x128xf32> to vector<8x128xf32>
    %add3A_252 = arith.addf %add3A_249, %squeeze3A_251 : vector<8x128xf32>
    %slice3A_253 = vector.extract_strided_slice %reshape3A_226 {offsets = [9, 0, 0], sizes = [1, 8, 128], strides = [1, 1, 1]} : vector<32x8x128xf32> to vector<1x8x128xf32>
    %squeeze3A_254 = vector.shape_cast %slice3A_253 : vector<1x8x128xf32> to vector<8x128xf32>
    %add3A_255 = arith.addf %add3A_252, %squeeze3A_254 : vector<8x128xf32>
    %slice3A_256 = vector.extract_strided_slice %reshape3A_226 {offsets = [10, 0, 0], sizes = [1, 8, 128], strides = [1, 1, 1]} : vector<32x8x128xf32> to vector<1x8x128xf32>
    %squeeze3A_257 = vector.shape_cast %slice3A_256 : vector<1x8x128xf32> to vector<8x128xf32>
    %add3A_258 = arith.addf %add3A_255, %squeeze3A_257 : vector<8x128xf32>
    %slice3A_259 = vector.extract_strided_slice %reshape3A_226 {offsets = [11, 0, 0], sizes = [1, 8, 128], strides = [1, 1, 1]} : vector<32x8x128xf32> to vector<1x8x128xf32>
    %squeeze3A_260 = vector.shape_cast %slice3A_259 : vector<1x8x128xf32> to vector<8x128xf32>
    %add3A_261 = arith.addf %add3A_258, %squeeze3A_260 : vector<8x128xf32>
    %slice3A_262 = vector.extract_strided_slice %reshape3A_226 {offsets = [12, 0, 0], sizes = [1, 8, 128], strides = [1, 1, 1]} : vector<32x8x128xf32> to vector<1x8x128xf32>
    %squeeze3A_263 = vector.shape_cast %slice3A_262 : vector<1x8x128xf32> to vector<8x128xf32>
    %add3A_264 = arith.addf %add3A_261, %squeeze3A_263 : vector<8x128xf32>
    %slice3A_265 = vector.extract_strided_slice %reshape3A_226 {offsets = [13, 0, 0], sizes = [1, 8, 128], strides = [1, 1, 1]} : vector<32x8x128xf32> to vector<1x8x128xf32>
    %squeeze3A_266 = vector.shape_cast %slice3A_265 : vector<1x8x128xf32> to vector<8x128xf32>
    %add3A_267 = arith.addf %add3A_264, %squeeze3A_266 : vector<8x128xf32>
    %slice3A_268 = vector.extract_strided_slice %reshape3A_226 {offsets = [14, 0, 0], sizes = [1, 8, 128], strides = [1, 1, 1]} : vector<32x8x128xf32> to vector<1x8x128xf32>
    %squeeze3A_269 = vector.shape_cast %slice3A_268 : vector<1x8x128xf32> to vector<8x128xf32>
    %add3A_270 = arith.addf %add3A_267, %squeeze3A_269 : vector<8x128xf32>
    %slice3A_271 = vector.extract_strided_slice %reshape3A_226 {offsets = [15, 0, 0], sizes = [1, 8, 128], strides = [1, 1, 1]} : vector<32x8x128xf32> to vector<1x8x128xf32>
    %squeeze3A_272 = vector.shape_cast %slice3A_271 : vector<1x8x128xf32> to vector<8x128xf32>
    %add3A_273 = arith.addf %add3A_270, %squeeze3A_272 : vector<8x128xf32>
    %slice3A_274 = vector.extract_strided_slice %reshape3A_226 {offsets = [16, 0, 0], sizes = [1, 8, 128], strides = [1, 1, 1]} : vector<32x8x128xf32> to vector<1x8x128xf32>
    %squeeze3A_275 = vector.shape_cast %slice3A_274 : vector<1x8x128xf32> to vector<8x128xf32>
    %add3A_276 = arith.addf %add3A_273, %squeeze3A_275 : vector<8x128xf32>
    %slice3A_277 = vector.extract_strided_slice %reshape3A_226 {offsets = [17, 0, 0], sizes = [1, 8, 128], strides = [1, 1, 1]} : vector<32x8x128xf32> to vector<1x8x128xf32>
    %squeeze3A_278 = vector.shape_cast %slice3A_277 : vector<1x8x128xf32> to vector<8x128xf32>
    %add3A_279 = arith.addf %add3A_276, %squeeze3A_278 : vector<8x128xf32>
    %slice3A_280 = vector.extract_strided_slice %reshape3A_226 {offsets = [18, 0, 0], sizes = [1, 8, 128], strides = [1, 1, 1]} : vector<32x8x128xf32> to vector<1x8x128xf32>
    %squeeze3A_281 = vector.shape_cast %slice3A_280 : vector<1x8x128xf32> to vector<8x128xf32>
    %add3A_282 = arith.addf %add3A_279, %squeeze3A_281 : vector<8x128xf32>
    %slice3A_283 = vector.extract_strided_slice %reshape3A_226 {offsets = [19, 0, 0], sizes = [1, 8, 128], strides = [1, 1, 1]} : vector<32x8x128xf32> to vector<1x8x128xf32>
    %squeeze3A_284 = vector.shape_cast %slice3A_283 : vector<1x8x128xf32> to vector<8x128xf32>
    %add3A_285 = arith.addf %add3A_282, %squeeze3A_284 : vector<8x128xf32>
    %slice3A_286 = vector.extract_strided_slice %reshape3A_226 {offsets = [20, 0, 0], sizes = [1, 8, 128], strides = [1, 1, 1]} : vector<32x8x128xf32> to vector<1x8x128xf32>
    %squeeze3A_287 = vector.shape_cast %slice3A_286 : vector<1x8x128xf32> to vector<8x128xf32>
    %add3A_288 = arith.addf %add3A_285, %squeeze3A_287 : vector<8x128xf32>
    %slice3A_289 = vector.extract_strided_slice %reshape3A_226 {offsets = [21, 0, 0], sizes = [1, 8, 128], strides = [1, 1, 1]} : vector<32x8x128xf32> to vector<1x8x128xf32>
    %squeeze3A_290 = vector.shape_cast %slice3A_289 : vector<1x8x128xf32> to vector<8x128xf32>
    %add3A_291 = arith.addf %add3A_288, %squeeze3A_290 : vector<8x128xf32>
    %slice3A_292 = vector.extract_strided_slice %reshape3A_226 {offsets = [22, 0, 0], sizes = [1, 8, 128], strides = [1, 1, 1]} : vector<32x8x128xf32> to vector<1x8x128xf32>
    %squeeze3A_293 = vector.shape_cast %slice3A_292 : vector<1x8x128xf32> to vector<8x128xf32>
    %add3A_294 = arith.addf %add3A_291, %squeeze3A_293 : vector<8x128xf32>
    %slice3A_295 = vector.extract_strided_slice %reshape3A_226 {offsets = [23, 0, 0], sizes = [1, 8, 128], strides = [1, 1, 1]} : vector<32x8x128xf32> to vector<1x8x128xf32>
    %squeeze3A_296 = vector.shape_cast %slice3A_295 : vector<1x8x128xf32> to vector<8x128xf32>
    %add3A_297 = arith.addf %add3A_294, %squeeze3A_296 : vector<8x128xf32>
    %slice3A_298 = vector.extract_strided_slice %reshape3A_226 {offsets = [24, 0, 0], sizes = [1, 8, 128], strides = [1, 1, 1]} : vector<32x8x128xf32> to vector<1x8x128xf32>
    %squeeze3A_299 = vector.shape_cast %slice3A_298 : vector<1x8x128xf32> to vector<8x128xf32>
    %add3A_300 = arith.addf %add3A_297, %squeeze3A_299 : vector<8x128xf32>
    %slice3A_301 = vector.extract_strided_slice %reshape3A_226 {offsets = [25, 0, 0], sizes = [1, 8, 128], strides = [1, 1, 1]} : vector<32x8x128xf32> to vector<1x8x128xf32>
    %squeeze3A_302 = vector.shape_cast %slice3A_301 : vector<1x8x128xf32> to vector<8x128xf32>
    %add3A_303 = arith.addf %add3A_300, %squeeze3A_302 : vector<8x128xf32>
    %slice3A_304 = vector.extract_strided_slice %reshape3A_226 {offsets = [26, 0, 0], sizes = [1, 8, 128], strides = [1, 1, 1]} : vector<32x8x128xf32> to vector<1x8x128xf32>
    %squeeze3A_305 = vector.shape_cast %slice3A_304 : vector<1x8x128xf32> to vector<8x128xf32>
    %add3A_306 = arith.addf %add3A_303, %squeeze3A_305 : vector<8x128xf32>
    %slice3A_307 = vector.extract_strided_slice %reshape3A_226 {offsets = [27, 0, 0], sizes = [1, 8, 128], strides = [1, 1, 1]} : vector<32x8x128xf32> to vector<1x8x128xf32>
    %squeeze3A_308 = vector.shape_cast %slice3A_307 : vector<1x8x128xf32> to vector<8x128xf32>
    %add3A_309 = arith.addf %add3A_306, %squeeze3A_308 : vector<8x128xf32>
    %slice3A_310 = vector.extract_strided_slice %reshape3A_226 {offsets = [28, 0, 0], sizes = [1, 8, 128], strides = [1, 1, 1]} : vector<32x8x128xf32> to vector<1x8x128xf32>
    %squeeze3A_311 = vector.shape_cast %slice3A_310 : vector<1x8x128xf32> to vector<8x128xf32>
    %add3A_312 = arith.addf %add3A_309, %squeeze3A_311 : vector<8x128xf32>
    %slice3A_313 = vector.extract_strided_slice %reshape3A_226 {offsets = [29, 0, 0], sizes = [1, 8, 128], strides = [1, 1, 1]} : vector<32x8x128xf32> to vector<1x8x128xf32>
    %squeeze3A_314 = vector.shape_cast %slice3A_313 : vector<1x8x128xf32> to vector<8x128xf32>
    %add3A_315 = arith.addf %add3A_312, %squeeze3A_314 : vector<8x128xf32>
    %slice3A_316 = vector.extract_strided_slice %reshape3A_226 {offsets = [30, 0, 0], sizes = [1, 8, 128], strides = [1, 1, 1]} : vector<32x8x128xf32> to vector<1x8x128xf32>
    %squeeze3A_317 = vector.shape_cast %slice3A_316 : vector<1x8x128xf32> to vector<8x128xf32>
    %add3A_318 = arith.addf %add3A_315, %squeeze3A_317 : vector<8x128xf32>
    %slice3A_319 = vector.extract_strided_slice %reshape3A_226 {offsets = [31, 0, 0], sizes = [1, 8, 128], strides = [1, 1, 1]} : vector<32x8x128xf32> to vector<1x8x128xf32>
    %squeeze3A_320 = vector.shape_cast %slice3A_319 : vector<1x8x128xf32> to vector<8x128xf32>
    %add3A_321 = arith.addf %add3A_318, %squeeze3A_320 : vector<8x128xf32>
    %slice3A_322 = vector.extract_strided_slice %add3A_321 {offsets = [4, 0], sizes = [4, 128], strides = [1, 1]} : vector<8x128xf32> to vector<4x128xf32>
    %slice3A_323 = vector.extract_strided_slice %add3A_321 {offsets = [0, 0], sizes = [4, 128], strides = [1, 1]} : vector<8x128xf32> to vector<4x128xf32>
    %add3A_324 = arith.addf %slice3A_322, %slice3A_323 : vector<4x128xf32>
    %slice3A_325 = vector.extract_strided_slice %add3A_324 {offsets = [2, 0], sizes = [2, 128], strides = [1, 1]} : vector<4x128xf32> to vector<2x128xf32>
    %slice3A_326 = vector.extract_strided_slice %add3A_324 {offsets = [0, 0], sizes = [2, 128], strides = [1, 1]} : vector<4x128xf32> to vector<2x128xf32>
    %add3A_327 = arith.addf %slice3A_325, %slice3A_326 : vector<2x128xf32>
    %slice3A_328 = vector.extract_strided_slice %add3A_327 {offsets = [1, 0], sizes = [1, 128], strides = [1, 1]} : vector<2x128xf32> to vector<1x128xf32>
    %slice3A_329 = vector.extract_strided_slice %add3A_327 {offsets = [0, 0], sizes = [1, 128], strides = [1, 1]} : vector<2x128xf32> to vector<1x128xf32>
    %add3A_330 = arith.addf %slice3A_328, %slice3A_329 : vector<1x128xf32>
    %sqrt3A_331 = math.sqrt %add3A_330 : vector<1x128xf32>
    %transpose3A_332 = tpu.transpose %sqrt3A_331, [1, 0] : vector<1x128xf32> -> vector<128x1xf32>
    %div3A_333 = vector.broadcast %transpose3A_332 : vector<128x1xf32> to vector<128x256xf32>
    %div3A_334 = arith.divf %slice3A_223, %div3A_333 : vector<128x256xf32>
    %swap3A_335 = arith.constant 256 : index
    %swap3A_336 = arith.constant 0 : index
    %swap3A_337 = vector.load %arg2[%swap3A_335, %swap3A_336] : memref<1024x256xf32, #tpu.memory_space<vmem>>, vector<128x256xf32>
    tpu.vector_store %arg2[%swap3A_335, %swap3A_336], %div3A_334 {strides = array<i32>} : memref<1024x256xf32, #tpu.memory_space<vmem>>, vector<128x256xf32>,
    %slice3A_338 = vector.extract_strided_slice %get3A_1 {offsets = [384, 0], sizes = [128, 256], strides = [1, 1]} : vector<1024x256xf32> to vector<128x256xf32>
    %mul3A_339 = arith.mulf %slice3A_338, %slice3A_338 : vector<128x256xf32>
    %transpose3A_340 = tpu.transpose %mul3A_339, [1, 0] : vector<128x256xf32> -> vector<256x128xf32>
    %reshape3A_341 = vector.shape_cast %transpose3A_340 : vector<256x128xf32> to vector<32x8x128xf32>
    %slice3A_342 = vector.extract_strided_slice %reshape3A_341 {offsets = [0, 0, 0], sizes = [1, 8, 128], strides = [1, 1, 1]} : vector<32x8x128xf32> to vector<1x8x128xf32>
    %squeeze3A_343 = vector.shape_cast %slice3A_342 : vector<1x8x128xf32> to vector<8x128xf32>
    %slice3A_344 = vector.extract_strided_slice %reshape3A_341 {offsets = [1, 0, 0], sizes = [1, 8, 128], strides = [1, 1, 1]} : vector<32x8x128xf32> to vector<1x8x128xf32>
    %squeeze3A_345 = vector.shape_cast %slice3A_344 : vector<1x8x128xf32> to vector<8x128xf32>
    %add3A_346 = arith.addf %squeeze3A_343, %squeeze3A_345 : vector<8x128xf32>
    %slice3A_347 = vector.extract_strided_slice %reshape3A_341 {offsets = [2, 0, 0], sizes = [1, 8, 128], strides = [1, 1, 1]} : vector<32x8x128xf32> to vector<1x8x128xf32>
    %squeeze3A_348 = vector.shape_cast %slice3A_347 : vector<1x8x128xf32> to vector<8x128xf32>
    %add3A_349 = arith.addf %add3A_346, %squeeze3A_348 : vector<8x128xf32>
    %slice3A_350 = vector.extract_strided_slice %reshape3A_341 {offsets = [3, 0, 0], sizes = [1, 8, 128], strides = [1, 1, 1]} : vector<32x8x128xf32> to vector<1x8x128xf32>
    %squeeze3A_351 = vector.shape_cast %slice3A_350 : vector<1x8x128xf32> to vector<8x128xf32>
    %add3A_352 = arith.addf %add3A_349, %squeeze3A_351 : vector<8x128xf32>
    %slice3A_353 = vector.extract_strided_slice %reshape3A_341 {offsets = [4, 0, 0], sizes = [1, 8, 128], strides = [1, 1, 1]} : vector<32x8x128xf32> to vector<1x8x128xf32>
    %squeeze3A_354 = vector.shape_cast %slice3A_353 : vector<1x8x128xf32> to vector<8x128xf32>
    %add3A_355 = arith.addf %add3A_352, %squeeze3A_354 : vector<8x128xf32>
    %slice3A_356 = vector.extract_strided_slice %reshape3A_341 {offsets = [5, 0, 0], sizes = [1, 8, 128], strides = [1, 1, 1]} : vector<32x8x128xf32> to vector<1x8x128xf32>
    %squeeze3A_357 = vector.shape_cast %slice3A_356 : vector<1x8x128xf32> to vector<8x128xf32>
    %add3A_358 = arith.addf %add3A_355, %squeeze3A_357 : vector<8x128xf32>
    %slice3A_359 = vector.extract_strided_slice %reshape3A_341 {offsets = [6, 0, 0], sizes = [1, 8, 128], strides = [1, 1, 1]} : vector<32x8x128xf32> to vector<1x8x128xf32>
    %squeeze3A_360 = vector.shape_cast %slice3A_359 : vector<1x8x128xf32> to vector<8x128xf32>
    %add3A_361 = arith.addf %add3A_358, %squeeze3A_360 : vector<8x128xf32>
    %slice3A_362 = vector.extract_strided_slice %reshape3A_341 {offsets = [7, 0, 0], sizes = [1, 8, 128], strides = [1, 1, 1]} : vector<32x8x128xf32> to vector<1x8x128xf32>
    %squeeze3A_363 = vector.shape_cast %slice3A_362 : vector<1x8x128xf32> to vector<8x128xf32>
    %add3A_364 = arith.addf %add3A_361, %squeeze3A_363 : vector<8x128xf32>
    %slice3A_365 = vector.extract_strided_slice %reshape3A_341 {offsets = [8, 0, 0], sizes = [1, 8, 128], strides = [1, 1, 1]} : vector<32x8x128xf32> to vector<1x8x128xf32>
    %squeeze3A_366 = vector.shape_cast %slice3A_365 : vector<1x8x128xf32> to vector<8x128xf32>
    %add3A_367 = arith.addf %add3A_364, %squeeze3A_366 : vector<8x128xf32>
    %slice3A_368 = vector.extract_strided_slice %reshape3A_341 {offsets = [9, 0, 0], sizes = [1, 8, 128], strides = [1, 1, 1]} : vector<32x8x128xf32> to vector<1x8x128xf32>
    %squeeze3A_369 = vector.shape_cast %slice3A_368 : vector<1x8x128xf32> to vector<8x128xf32>
    %add3A_370 = arith.addf %add3A_367, %squeeze3A_369 : vector<8x128xf32>
    %slice3A_371 = vector.extract_strided_slice %reshape3A_341 {offsets = [10, 0, 0], sizes = [1, 8, 128], strides = [1, 1, 1]} : vector<32x8x128xf32> to vector<1x8x128xf32>
    %squeeze3A_372 = vector.shape_cast %slice3A_371 : vector<1x8x128xf32> to vector<8x128xf32>
    %add3A_373 = arith.addf %add3A_370, %squeeze3A_372 : vector<8x128xf32>
    %slice3A_374 = vector.extract_strided_slice %reshape3A_341 {offsets = [11, 0, 0], sizes = [1, 8, 128], strides = [1, 1, 1]} : vector<32x8x128xf32> to vector<1x8x128xf32>
    %squeeze3A_375 = vector.shape_cast %slice3A_374 : vector<1x8x128xf32> to vector<8x128xf32>
    %add3A_376 = arith.addf %add3A_373, %squeeze3A_375 : vector<8x128xf32>
    %slice3A_377 = vector.extract_strided_slice %reshape3A_341 {offsets = [12, 0, 0], sizes = [1, 8, 128], strides = [1, 1, 1]} : vector<32x8x128xf32> to vector<1x8x128xf32>
    %squeeze3A_378 = vector.shape_cast %slice3A_377 : vector<1x8x128xf32> to vector<8x128xf32>
    %add3A_379 = arith.addf %add3A_376, %squeeze3A_378 : vector<8x128xf32>
    %slice3A_380 = vector.extract_strided_slice %reshape3A_341 {offsets = [13, 0, 0], sizes = [1, 8, 128], strides = [1, 1, 1]} : vector<32x8x128xf32> to vector<1x8x128xf32>
    %squeeze3A_381 = vector.shape_cast %slice3A_380 : vector<1x8x128xf32> to vector<8x128xf32>
    %add3A_382 = arith.addf %add3A_379, %squeeze3A_381 : vector<8x128xf32>
    %slice3A_383 = vector.extract_strided_slice %reshape3A_341 {offsets = [14, 0, 0], sizes = [1, 8, 128], strides = [1, 1, 1]} : vector<32x8x128xf32> to vector<1x8x128xf32>
    %squeeze3A_384 = vector.shape_cast %slice3A_383 : vector<1x8x128xf32> to vector<8x128xf32>
    %add3A_385 = arith.addf %add3A_382, %squeeze3A_384 : vector<8x128xf32>
    %slice3A_386 = vector.extract_strided_slice %reshape3A_341 {offsets = [15, 0, 0], sizes = [1, 8, 128], strides = [1, 1, 1]} : vector<32x8x128xf32> to vector<1x8x128xf32>
    %squeeze3A_387 = vector.shape_cast %slice3A_386 : vector<1x8x128xf32> to vector<8x128xf32>
    %add3A_388 = arith.addf %add3A_385, %squeeze3A_387 : vector<8x128xf32>
    %slice3A_389 = vector.extract_strided_slice %reshape3A_341 {offsets = [16, 0, 0], sizes = [1, 8, 128], strides = [1, 1, 1]} : vector<32x8x128xf32> to vector<1x8x128xf32>
    %squeeze3A_390 = vector.shape_cast %slice3A_389 : vector<1x8x128xf32> to vector<8x128xf32>
    %add3A_391 = arith.addf %add3A_388, %squeeze3A_390 : vector<8x128xf32>
    %slice3A_392 = vector.extract_strided_slice %reshape3A_341 {offsets = [17, 0, 0], sizes = [1, 8, 128], strides = [1, 1, 1]} : vector<32x8x128xf32> to vector<1x8x128xf32>
    %squeeze3A_393 = vector.shape_cast %slice3A_392 : vector<1x8x128xf32> to vector<8x128xf32>
    %add3A_394 = arith.addf %add3A_391, %squeeze3A_393 : vector<8x128xf32>
    %slice3A_395 = vector.extract_strided_slice %reshape3A_341 {offsets = [18, 0, 0], sizes = [1, 8, 128], strides = [1, 1, 1]} : vector<32x8x128xf32> to vector<1x8x128xf32>
    %squeeze3A_396 = vector.shape_cast %slice3A_395 : vector<1x8x128xf32> to vector<8x128xf32>
    %add3A_397 = arith.addf %add3A_394, %squeeze3A_396 : vector<8x128xf32>
    %slice3A_398 = vector.extract_strided_slice %reshape3A_341 {offsets = [19, 0, 0], sizes = [1, 8, 128], strides = [1, 1, 1]} : vector<32x8x128xf32> to vector<1x8x128xf32>
    %squeeze3A_399 = vector.shape_cast %slice3A_398 : vector<1x8x128xf32> to vector<8x128xf32>
    %add3A_400 = arith.addf %add3A_397, %squeeze3A_399 : vector<8x128xf32>
    %slice3A_401 = vector.extract_strided_slice %reshape3A_341 {offsets = [20, 0, 0], sizes = [1, 8, 128], strides = [1, 1, 1]} : vector<32x8x128xf32> to vector<1x8x128xf32>
    %squeeze3A_402 = vector.shape_cast %slice3A_401 : vector<1x8x128xf32> to vector<8x128xf32>
    %add3A_403 = arith.addf %add3A_400, %squeeze3A_402 : vector<8x128xf32>
    %slice3A_404 = vector.extract_strided_slice %reshape3A_341 {offsets = [21, 0, 0], sizes = [1, 8, 128], strides = [1, 1, 1]} : vector<32x8x128xf32> to vector<1x8x128xf32>
    %squeeze3A_405 = vector.shape_cast %slice3A_404 : vector<1x8x128xf32> to vector<8x128xf32>
    %add3A_406 = arith.addf %add3A_403, %squeeze3A_405 : vector<8x128xf32>
    %slice3A_407 = vector.extract_strided_slice %reshape3A_341 {offsets = [22, 0, 0], sizes = [1, 8, 128], strides = [1, 1, 1]} : vector<32x8x128xf32> to vector<1x8x128xf32>
    %squeeze3A_408 = vector.shape_cast %slice3A_407 : vector<1x8x128xf32> to vector<8x128xf32>
    %add3A_409 = arith.addf %add3A_406, %squeeze3A_408 : vector<8x128xf32>
    %slice3A_410 = vector.extract_strided_slice %reshape3A_341 {offsets = [23, 0, 0], sizes = [1, 8, 128], strides = [1, 1, 1]} : vector<32x8x128xf32> to vector<1x8x128xf32>
    %squeeze3A_411 = vector.shape_cast %slice3A_410 : vector<1x8x128xf32> to vector<8x128xf32>
    %add3A_412 = arith.addf %add3A_409, %squeeze3A_411 : vector<8x128xf32>
    %slice3A_413 = vector.extract_strided_slice %reshape3A_341 {offsets = [24, 0, 0], sizes = [1, 8, 128], strides = [1, 1, 1]} : vector<32x8x128xf32> to vector<1x8x128xf32>
    %squeeze3A_414 = vector.shape_cast %slice3A_413 : vector<1x8x128xf32> to vector<8x128xf32>
    %add3A_415 = arith.addf %add3A_412, %squeeze3A_414 : vector<8x128xf32>
    %slice3A_416 = vector.extract_strided_slice %reshape3A_341 {offsets = [25, 0, 0], sizes = [1, 8, 128], strides = [1, 1, 1]} : vector<32x8x128xf32> to vector<1x8x128xf32>
    %squeeze3A_417 = vector.shape_cast %slice3A_416 : vector<1x8x128xf32> to vector<8x128xf32>
    %add3A_418 = arith.addf %add3A_415, %squeeze3A_417 : vector<8x128xf32>
    %slice3A_419 = vector.extract_strided_slice %reshape3A_341 {offsets = [26, 0, 0], sizes = [1, 8, 128], strides = [1, 1, 1]} : vector<32x8x128xf32> to vector<1x8x128xf32>
    %squeeze3A_420 = vector.shape_cast %slice3A_419 : vector<1x8x128xf32> to vector<8x128xf32>
    %add3A_421 = arith.addf %add3A_418, %squeeze3A_420 : vector<8x128xf32>
    %slice3A_422 = vector.extract_strided_slice %reshape3A_341 {offsets = [27, 0, 0], sizes = [1, 8, 128], strides = [1, 1, 1]} : vector<32x8x128xf32> to vector<1x8x128xf32>
    %squeeze3A_423 = vector.shape_cast %slice3A_422 : vector<1x8x128xf32> to vector<8x128xf32>
    %add3A_424 = arith.addf %add3A_421, %squeeze3A_423 : vector<8x128xf32>
    %slice3A_425 = vector.extract_strided_slice %reshape3A_341 {offsets = [28, 0, 0], sizes = [1, 8, 128], strides = [1, 1, 1]} : vector<32x8x128xf32> to vector<1x8x128xf32>
    %squeeze3A_426 = vector.shape_cast %slice3A_425 : vector<1x8x128xf32> to vector<8x128xf32>
    %add3A_427 = arith.addf %add3A_424, %squeeze3A_426 : vector<8x128xf32>
    %slice3A_428 = vector.extract_strided_slice %reshape3A_341 {offsets = [29, 0, 0], sizes = [1, 8, 128], strides = [1, 1, 1]} : vector<32x8x128xf32> to vector<1x8x128xf32>
    %squeeze3A_429 = vector.shape_cast %slice3A_428 : vector<1x8x128xf32> to vector<8x128xf32>
    %add3A_430 = arith.addf %add3A_427, %squeeze3A_429 : vector<8x128xf32>
    %slice3A_431 = vector.extract_strided_slice %reshape3A_341 {offsets = [30, 0, 0], sizes = [1, 8, 128], strides = [1, 1, 1]} : vector<32x8x128xf32> to vector<1x8x128xf32>
    %squeeze3A_432 = vector.shape_cast %slice3A_431 : vector<1x8x128xf32> to vector<8x128xf32>
    %add3A_433 = arith.addf %add3A_430, %squeeze3A_432 : vector<8x128xf32>
    %slice3A_434 = vector.extract_strided_slice %reshape3A_341 {offsets = [31, 0, 0], sizes = [1, 8, 128], strides = [1, 1, 1]} : vector<32x8x128xf32> to vector<1x8x128xf32>
    %squeeze3A_435 = vector.shape_cast %slice3A_434 : vector<1x8x128xf32> to vector<8x128xf32>
    %add3A_436 = arith.addf %add3A_433, %squeeze3A_435 : vector<8x128xf32>
    %slice3A_437 = vector.extract_strided_slice %add3A_436 {offsets = [4, 0], sizes = [4, 128], strides = [1, 1]} : vector<8x128xf32> to vector<4x128xf32>
    %slice3A_438 = vector.extract_strided_slice %add3A_436 {offsets = [0, 0], sizes = [4, 128], strides = [1, 1]} : vector<8x128xf32> to vector<4x128xf32>
    %add3A_439 = arith.addf %slice3A_437, %slice3A_438 : vector<4x128xf32>
    %slice3A_440 = vector.extract_strided_slice %add3A_439 {offsets = [2, 0], sizes = [2, 128], strides = [1, 1]} : vector<4x128xf32> to vector<2x128xf32>
    %slice3A_441 = vector.extract_strided_slice %add3A_439 {offsets = [0, 0], sizes = [2, 128], strides = [1, 1]} : vector<4x128xf32> to vector<2x128xf32>
    %add3A_442 = arith.addf %slice3A_440, %slice3A_441 : vector<2x128xf32>
    %slice3A_443 = vector.extract_strided_slice %add3A_442 {offsets = [1, 0], sizes = [1, 128], strides = [1, 1]} : vector<2x128xf32> to vector<1x128xf32>
    %slice3A_444 = vector.extract_strided_slice %add3A_442 {offsets = [0, 0], sizes = [1, 128], strides = [1, 1]} : vector<2x128xf32> to vector<1x128xf32>
    %add3A_445 = arith.addf %slice3A_443, %slice3A_444 : vector<1x128xf32>
    %sqrt3A_446 = math.sqrt %add3A_445 : vector<1x128xf32>
    %transpose3A_447 = tpu.transpose %sqrt3A_446, [1, 0] : vector<1x128xf32> -> vector<128x1xf32>
    %div3A_448 = vector.broadcast %transpose3A_447 : vector<128x1xf32> to vector<128x256xf32>
    %div3A_449 = arith.divf %slice3A_338, %div3A_448 : vector<128x256xf32>
    %swap3A_450 = arith.constant 384 : index
    %swap3A_451 = arith.constant 0 : index
    %swap3A_452 = vector.load %arg2[%swap3A_450, %swap3A_451] : memref<1024x256xf32, #tpu.memory_space<vmem>>, vector<128x256xf32>
    tpu.vector_store %arg2[%swap3A_450, %swap3A_451], %div3A_449 {strides = array<i32>} : memref<1024x256xf32, #tpu.memory_space<vmem>>, vector<128x256xf32>,
    %slice3A_453 = vector.extract_strided_slice %get3A_1 {offsets = [512, 0], sizes = [128, 256], strides = [1, 1]} : vector<1024x256xf32> to vector<128x256xf32>
    %mul3A_454 = arith.mulf %slice3A_453, %slice3A_453 : vector<128x256xf32>
    %transpose3A_455 = tpu.transpose %mul3A_454, [1, 0] : vector<128x256xf32> -> vector<256x128xf32>
    %reshape3A_456 = vector.shape_cast %transpose3A_455 : vector<256x128xf32> to vector<32x8x128xf32>
    %slice3A_457 = vector.extract_strided_slice %reshape3A_456 {offsets = [0, 0, 0], sizes = [1, 8, 128], strides = [1, 1, 1]} : vector<32x8x128xf32> to vector<1x8x128xf32>
    %squeeze3A_458 = vector.shape_cast %slice3A_457 : vector<1x8x128xf32> to vector<8x128xf32>
    %slice3A_459 = vector.extract_strided_slice %reshape3A_456 {offsets = [1, 0, 0], sizes = [1, 8, 128], strides = [1, 1, 1]} : vector<32x8x128xf32> to vector<1x8x128xf32>
    %squeeze3A_460 = vector.shape_cast %slice3A_459 : vector<1x8x128xf32> to vector<8x128xf32>
    %add3A_461 = arith.addf %squeeze3A_458, %squeeze3A_460 : vector<8x128xf32>
    %slice3A_462 = vector.extract_strided_slice %reshape3A_456 {offsets = [2, 0, 0], sizes = [1, 8, 128], strides = [1, 1, 1]} : vector<32x8x128xf32> to vector<1x8x128xf32>
    %squeeze3A_463 = vector.shape_cast %slice3A_462 : vector<1x8x128xf32> to vector<8x128xf32>
    %add3A_464 = arith.addf %add3A_461, %squeeze3A_463 : vector<8x128xf32>
    %slice3A_465 = vector.extract_strided_slice %reshape3A_456 {offsets = [3, 0, 0], sizes = [1, 8, 128], strides = [1, 1, 1]} : vector<32x8x128xf32> to vector<1x8x128xf32>
    %squeeze3A_466 = vector.shape_cast %slice3A_465 : vector<1x8x128xf32> to vector<8x128xf32>
    %add3A_467 = arith.addf %add3A_464, %squeeze3A_466 : vector<8x128xf32>
    %slice3A_468 = vector.extract_strided_slice %reshape3A_456 {offsets = [4, 0, 0], sizes = [1, 8, 128], strides = [1, 1, 1]} : vector<32x8x128xf32> to vector<1x8x128xf32>
    %squeeze3A_469 = vector.shape_cast %slice3A_468 : vector<1x8x128xf32> to vector<8x128xf32>
    %add3A_470 = arith.addf %add3A_467, %squeeze3A_469 : vector<8x128xf32>
    %slice3A_471 = vector.extract_strided_slice %reshape3A_456 {offsets = [5, 0, 0], sizes = [1, 8, 128], strides = [1, 1, 1]} : vector<32x8x128xf32> to vector<1x8x128xf32>
    %squeeze3A_472 = vector.shape_cast %slice3A_471 : vector<1x8x128xf32> to vector<8x128xf32>
    %add3A_473 = arith.addf %add3A_470, %squeeze3A_472 : vector<8x128xf32>
    %slice3A_474 = vector.extract_strided_slice %reshape3A_456 {offsets = [6, 0, 0], sizes = [1, 8, 128], strides = [1, 1, 1]} : vector<32x8x128xf32> to vector<1x8x128xf32>
    %squeeze3A_475 = vector.shape_cast %slice3A_474 : vector<1x8x128xf32> to vector<8x128xf32>
    %add3A_476 = arith.addf %add3A_473, %squeeze3A_475 : vector<8x128xf32>
    %slice3A_477 = vector.extract_strided_slice %reshape3A_456 {offsets = [7, 0, 0], sizes = [1, 8, 128], strides = [1, 1, 1]} : vector<32x8x128xf32> to vector<1x8x128xf32>
    %squeeze3A_478 = vector.shape_cast %slice3A_477 : vector<1x8x128xf32> to vector<8x128xf32>
    %add3A_479 = arith.addf %add3A_476, %squeeze3A_478 : vector<8x128xf32>
    %slice3A_480 = vector.extract_strided_slice %reshape3A_456 {offsets = [8, 0, 0], sizes = [1, 8, 128], strides = [1, 1, 1]} : vector<32x8x128xf32> to vector<1x8x128xf32>
    %squeeze3A_481 = vector.shape_cast %slice3A_480 : vector<1x8x128xf32> to vector<8x128xf32>
    %add3A_482 = arith.addf %add3A_479, %squeeze3A_481 : vector<8x128xf32>
    %slice3A_483 = vector.extract_strided_slice %reshape3A_456 {offsets = [9, 0, 0], sizes = [1, 8, 128], strides = [1, 1, 1]} : vector<32x8x128xf32> to vector<1x8x128xf32>
    %squeeze3A_484 = vector.shape_cast %slice3A_483 : vector<1x8x128xf32> to vector<8x128xf32>
    %add3A_485 = arith.addf %add3A_482, %squeeze3A_484 : vector<8x128xf32>
    %slice3A_486 = vector.extract_strided_slice %reshape3A_456 {offsets = [10, 0, 0], sizes = [1, 8, 128], strides = [1, 1, 1]} : vector<32x8x128xf32> to vector<1x8x128xf32>
    %squeeze3A_487 = vector.shape_cast %slice3A_486 : vector<1x8x128xf32> to vector<8x128xf32>
    %add3A_488 = arith.addf %add3A_485, %squeeze3A_487 : vector<8x128xf32>
    %slice3A_489 = vector.extract_strided_slice %reshape3A_456 {offsets = [11, 0, 0], sizes = [1, 8, 128], strides = [1, 1, 1]} : vector<32x8x128xf32> to vector<1x8x128xf32>
    %squeeze3A_490 = vector.shape_cast %slice3A_489 : vector<1x8x128xf32> to vector<8x128xf32>
    %add3A_491 = arith.addf %add3A_488, %squeeze3A_490 : vector<8x128xf32>
    %slice3A_492 = vector.extract_strided_slice %reshape3A_456 {offsets = [12, 0, 0], sizes = [1, 8, 128], strides = [1, 1, 1]} : vector<32x8x128xf32> to vector<1x8x128xf32>
    %squeeze3A_493 = vector.shape_cast %slice3A_492 : vector<1x8x128xf32> to vector<8x128xf32>
    %add3A_494 = arith.addf %add3A_491, %squeeze3A_493 : vector<8x128xf32>
    %slice3A_495 = vector.extract_strided_slice %reshape3A_456 {offsets = [13, 0, 0], sizes = [1, 8, 128], strides = [1, 1, 1]} : vector<32x8x128xf32> to vector<1x8x128xf32>
    %squeeze3A_496 = vector.shape_cast %slice3A_495 : vector<1x8x128xf32> to vector<8x128xf32>
    %add3A_497 = arith.addf %add3A_494, %squeeze3A_496 : vector<8x128xf32>
    %slice3A_498 = vector.extract_strided_slice %reshape3A_456 {offsets = [14, 0, 0], sizes = [1, 8, 128], strides = [1, 1, 1]} : vector<32x8x128xf32> to vector<1x8x128xf32>
    %squeeze3A_499 = vector.shape_cast %slice3A_498 : vector<1x8x128xf32> to vector<8x128xf32>
    %add3A_500 = arith.addf %add3A_497, %squeeze3A_499 : vector<8x128xf32>
    %slice3A_501 = vector.extract_strided_slice %reshape3A_456 {offsets = [15, 0, 0], sizes = [1, 8, 128], strides = [1, 1, 1]} : vector<32x8x128xf32> to vector<1x8x128xf32>
    %squeeze3A_502 = vector.shape_cast %slice3A_501 : vector<1x8x128xf32> to vector<8x128xf32>
    %add3A_503 = arith.addf %add3A_500, %squeeze3A_502 : vector<8x128xf32>
    %slice3A_504 = vector.extract_strided_slice %reshape3A_456 {offsets = [16, 0, 0], sizes = [1, 8, 128], strides = [1, 1, 1]} : vector<32x8x128xf32> to vector<1x8x128xf32>
    %squeeze3A_505 = vector.shape_cast %slice3A_504 : vector<1x8x128xf32> to vector<8x128xf32>
    %add3A_506 = arith.addf %add3A_503, %squeeze3A_505 : vector<8x128xf32>
    %slice3A_507 = vector.extract_strided_slice %reshape3A_456 {offsets = [17, 0, 0], sizes = [1, 8, 128], strides = [1, 1, 1]} : vector<32x8x128xf32> to vector<1x8x128xf32>
    %squeeze3A_508 = vector.shape_cast %slice3A_507 : vector<1x8x128xf32> to vector<8x128xf32>
    %add3A_509 = arith.addf %add3A_506, %squeeze3A_508 : vector<8x128xf32>
    %slice3A_510 = vector.extract_strided_slice %reshape3A_456 {offsets = [18, 0, 0], sizes = [1, 8, 128], strides = [1, 1, 1]} : vector<32x8x128xf32> to vector<1x8x128xf32>
    %squeeze3A_511 = vector.shape_cast %slice3A_510 : vector<1x8x128xf32> to vector<8x128xf32>
    %add3A_512 = arith.addf %add3A_509, %squeeze3A_511 : vector<8x128xf32>
    %slice3A_513 = vector.extract_strided_slice %reshape3A_456 {offsets = [19, 0, 0], sizes = [1, 8, 128], strides = [1, 1, 1]} : vector<32x8x128xf32> to vector<1x8x128xf32>
    %squeeze3A_514 = vector.shape_cast %slice3A_513 : vector<1x8x128xf32> to vector<8x128xf32>
    %add3A_515 = arith.addf %add3A_512, %squeeze3A_514 : vector<8x128xf32>
    %slice3A_516 = vector.extract_strided_slice %reshape3A_456 {offsets = [20, 0, 0], sizes = [1, 8, 128], strides = [1, 1, 1]} : vector<32x8x128xf32> to vector<1x8x128xf32>
    %squeeze3A_517 = vector.shape_cast %slice3A_516 : vector<1x8x128xf32> to vector<8x128xf32>
    %add3A_518 = arith.addf %add3A_515, %squeeze3A_517 : vector<8x128xf32>
    %slice3A_519 = vector.extract_strided_slice %reshape3A_456 {offsets = [21, 0, 0], sizes = [1, 8, 128], strides = [1, 1, 1]} : vector<32x8x128xf32> to vector<1x8x128xf32>
    %squeeze3A_520 = vector.shape_cast %slice3A_519 : vector<1x8x128xf32> to vector<8x128xf32>
    %add3A_521 = arith.addf %add3A_518, %squeeze3A_520 : vector<8x128xf32>
    %slice3A_522 = vector.extract_strided_slice %reshape3A_456 {offsets = [22, 0, 0], sizes = [1, 8, 128], strides = [1, 1, 1]} : vector<32x8x128xf32> to vector<1x8x128xf32>
    %squeeze3A_523 = vector.shape_cast %slice3A_522 : vector<1x8x128xf32> to vector<8x128xf32>
    %add3A_524 = arith.addf %add3A_521, %squeeze3A_523 : vector<8x128xf32>
    %slice3A_525 = vector.extract_strided_slice %reshape3A_456 {offsets = [23, 0, 0], sizes = [1, 8, 128], strides = [1, 1, 1]} : vector<32x8x128xf32> to vector<1x8x128xf32>
    %squeeze3A_526 = vector.shape_cast %slice3A_525 : vector<1x8x128xf32> to vector<8x128xf32>
    %add3A_527 = arith.addf %add3A_524, %squeeze3A_526 : vector<8x128xf32>
    %slice3A_528 = vector.extract_strided_slice %reshape3A_456 {offsets = [24, 0, 0], sizes = [1, 8, 128], strides = [1, 1, 1]} : vector<32x8x128xf32> to vector<1x8x128xf32>
    %squeeze3A_529 = vector.shape_cast %slice3A_528 : vector<1x8x128xf32> to vector<8x128xf32>
    %add3A_530 = arith.addf %add3A_527, %squeeze3A_529 : vector<8x128xf32>
    %slice3A_531 = vector.extract_strided_slice %reshape3A_456 {offsets = [25, 0, 0], sizes = [1, 8, 128], strides = [1, 1, 1]} : vector<32x8x128xf32> to vector<1x8x128xf32>
    %squeeze3A_532 = vector.shape_cast %slice3A_531 : vector<1x8x128xf32> to vector<8x128xf32>
    %add3A_533 = arith.addf %add3A_530, %squeeze3A_532 : vector<8x128xf32>
    %slice3A_534 = vector.extract_strided_slice %reshape3A_456 {offsets = [26, 0, 0], sizes = [1, 8, 128], strides = [1, 1, 1]} : vector<32x8x128xf32> to vector<1x8x128xf32>
    %squeeze3A_535 = vector.shape_cast %slice3A_534 : vector<1x8x128xf32> to vector<8x128xf32>
    %add3A_536 = arith.addf %add3A_533, %squeeze3A_535 : vector<8x128xf32>
    %slice3A_537 = vector.extract_strided_slice %reshape3A_456 {offsets = [27, 0, 0], sizes = [1, 8, 128], strides = [1, 1, 1]} : vector<32x8x128xf32> to vector<1x8x128xf32>
    %squeeze3A_538 = vector.shape_cast %slice3A_537 : vector<1x8x128xf32> to vector<8x128xf32>
    %add3A_539 = arith.addf %add3A_536, %squeeze3A_538 : vector<8x128xf32>
    %slice3A_540 = vector.extract_strided_slice %reshape3A_456 {offsets = [28, 0, 0], sizes = [1, 8, 128], strides = [1, 1, 1]} : vector<32x8x128xf32> to vector<1x8x128xf32>
    %squeeze3A_541 = vector.shape_cast %slice3A_540 : vector<1x8x128xf32> to vector<8x128xf32>
    %add3A_542 = arith.addf %add3A_539, %squeeze3A_541 : vector<8x128xf32>
    %slice3A_543 = vector.extract_strided_slice %reshape3A_456 {offsets = [29, 0, 0], sizes = [1, 8, 128], strides = [1, 1, 1]} : vector<32x8x128xf32> to vector<1x8x128xf32>
    %squeeze3A_544 = vector.shape_cast %slice3A_543 : vector<1x8x128xf32> to vector<8x128xf32>
    %add3A_545 = arith.addf %add3A_542, %squeeze3A_544 : vector<8x128xf32>
    %slice3A_546 = vector.extract_strided_slice %reshape3A_456 {offsets = [30, 0, 0], sizes = [1, 8, 128], strides = [1, 1, 1]} : vector<32x8x128xf32> to vector<1x8x128xf32>
    %squeeze3A_547 = vector.shape_cast %slice3A_546 : vector<1x8x128xf32> to vector<8x128xf32>
    %add3A_548 = arith.addf %add3A_545, %squeeze3A_547 : vector<8x128xf32>
    %slice3A_549 = vector.extract_strided_slice %reshape3A_456 {offsets = [31, 0, 0], sizes = [1, 8, 128], strides = [1, 1, 1]} : vector<32x8x128xf32> to vector<1x8x128xf32>
    %squeeze3A_550 = vector.shape_cast %slice3A_549 : vector<1x8x128xf32> to vector<8x128xf32>
    %add3A_551 = arith.addf %add3A_548, %squeeze3A_550 : vector<8x128xf32>
    %slice3A_552 = vector.extract_strided_slice %add3A_551 {offsets = [4, 0], sizes = [4, 128], strides = [1, 1]} : vector<8x128xf32> to vector<4x128xf32>
    %slice3A_553 = vector.extract_strided_slice %add3A_551 {offsets = [0, 0], sizes = [4, 128], strides = [1, 1]} : vector<8x128xf32> to vector<4x128xf32>
    %add3A_554 = arith.addf %slice3A_552, %slice3A_553 : vector<4x128xf32>
    %slice3A_555 = vector.extract_strided_slice %add3A_554 {offsets = [2, 0], sizes = [2, 128], strides = [1, 1]} : vector<4x128xf32> to vector<2x128xf32>
    %slice3A_556 = vector.extract_strided_slice %add3A_554 {offsets = [0, 0], sizes = [2, 128], strides = [1, 1]} : vector<4x128xf32> to vector<2x128xf32>
    %add3A_557 = arith.addf %slice3A_555, %slice3A_556 : vector<2x128xf32>
    %slice3A_558 = vector.extract_strided_slice %add3A_557 {offsets = [1, 0], sizes = [1, 128], strides = [1, 1]} : vector<2x128xf32> to vector<1x128xf32>
    %slice3A_559 = vector.extract_strided_slice %add3A_557 {offsets = [0, 0], sizes = [1, 128], strides = [1, 1]} : vector<2x128xf32> to vector<1x128xf32>
    %add3A_560 = arith.addf %slice3A_558, %slice3A_559 : vector<1x128xf32>
    %sqrt3A_561 = math.sqrt %add3A_560 : vector<1x128xf32>
    %transpose3A_562 = tpu.transpose %sqrt3A_561, [1, 0] : vector<1x128xf32> -> vector<128x1xf32>
    %div3A_563 = vector.broadcast %transpose3A_562 : vector<128x1xf32> to vector<128x256xf32>
    %div3A_564 = arith.divf %slice3A_453, %div3A_563 : vector<128x256xf32>
    %swap3A_565 = arith.constant 512 : index
    %swap3A_566 = arith.constant 0 : index
    %swap3A_567 = vector.load %arg2[%swap3A_565, %swap3A_566] : memref<1024x256xf32, #tpu.memory_space<vmem>>, vector<128x256xf32>
    tpu.vector_store %arg2[%swap3A_565, %swap3A_566], %div3A_564 {strides = array<i32>} : memref<1024x256xf32, #tpu.memory_space<vmem>>, vector<128x256xf32>,
    %slice3A_568 = vector.extract_strided_slice %get3A_1 {offsets = [640, 0], sizes = [128, 256], strides = [1, 1]} : vector<1024x256xf32> to vector<128x256xf32>
    %mul3A_569 = arith.mulf %slice3A_568, %slice3A_568 : vector<128x256xf32>
    %transpose3A_570 = tpu.transpose %mul3A_569, [1, 0] : vector<128x256xf32> -> vector<256x128xf32>
    %reshape3A_571 = vector.shape_cast %transpose3A_570 : vector<256x128xf32> to vector<32x8x128xf32>
    %slice3A_572 = vector.extract_strided_slice %reshape3A_571 {offsets = [0, 0, 0], sizes = [1, 8, 128], strides = [1, 1, 1]} : vector<32x8x128xf32> to vector<1x8x128xf32>
    %squeeze3A_573 = vector.shape_cast %slice3A_572 : vector<1x8x128xf32> to vector<8x128xf32>
    %slice3A_574 = vector.extract_strided_slice %reshape3A_571 {offsets = [1, 0, 0], sizes = [1, 8, 128], strides = [1, 1, 1]} : vector<32x8x128xf32> to vector<1x8x128xf32>
    %squeeze3A_575 = vector.shape_cast %slice3A_574 : vector<1x8x128xf32> to vector<8x128xf32>
    %add3A_576 = arith.addf %squeeze3A_573, %squeeze3A_575 : vector<8x128xf32>
    %slice3A_577 = vector.extract_strided_slice %reshape3A_571 {offsets = [2, 0, 0], sizes = [1, 8, 128], strides = [1, 1, 1]} : vector<32x8x128xf32> to vector<1x8x128xf32>
    %squeeze3A_578 = vector.shape_cast %slice3A_577 : vector<1x8x128xf32> to vector<8x128xf32>
    %add3A_579 = arith.addf %add3A_576, %squeeze3A_578 : vector<8x128xf32>
    %slice3A_580 = vector.extract_strided_slice %reshape3A_571 {offsets = [3, 0, 0], sizes = [1, 8, 128], strides = [1, 1, 1]} : vector<32x8x128xf32> to vector<1x8x128xf32>
    %squeeze3A_581 = vector.shape_cast %slice3A_580 : vector<1x8x128xf32> to vector<8x128xf32>
    %add3A_582 = arith.addf %add3A_579, %squeeze3A_581 : vector<8x128xf32>
    %slice3A_583 = vector.extract_strided_slice %reshape3A_571 {offsets = [4, 0, 0], sizes = [1, 8, 128], strides = [1, 1, 1]} : vector<32x8x128xf32> to vector<1x8x128xf32>
    %squeeze3A_584 = vector.shape_cast %slice3A_583 : vector<1x8x128xf32> to vector<8x128xf32>
    %add3A_585 = arith.addf %add3A_582, %squeeze3A_584 : vector<8x128xf32>
    %slice3A_586 = vector.extract_strided_slice %reshape3A_571 {offsets = [5, 0, 0], sizes = [1, 8, 128], strides = [1, 1, 1]} : vector<32x8x128xf32> to vector<1x8x128xf32>
    %squeeze3A_587 = vector.shape_cast %slice3A_586 : vector<1x8x128xf32> to vector<8x128xf32>
    %add3A_588 = arith.addf %add3A_585, %squeeze3A_587 : vector<8x128xf32>
    %slice3A_589 = vector.extract_strided_slice %reshape3A_571 {offsets = [6, 0, 0], sizes = [1, 8, 128], strides = [1, 1, 1]} : vector<32x8x128xf32> to vector<1x8x128xf32>
    %squeeze3A_590 = vector.shape_cast %slice3A_589 : vector<1x8x128xf32> to vector<8x128xf32>
    %add3A_591 = arith.addf %add3A_588, %squeeze3A_590 : vector<8x128xf32>
    %slice3A_592 = vector.extract_strided_slice %reshape3A_571 {offsets = [7, 0, 0], sizes = [1, 8, 128], strides = [1, 1, 1]} : vector<32x8x128xf32> to vector<1x8x128xf32>
    %squeeze3A_593 = vector.shape_cast %slice3A_592 : vector<1x8x128xf32> to vector<8x128xf32>
    %add3A_594 = arith.addf %add3A_591, %squeeze3A_593 : vector<8x128xf32>
    %slice3A_595 = vector.extract_strided_slice %reshape3A_571 {offsets = [8, 0, 0], sizes = [1, 8, 128], strides = [1, 1, 1]} : vector<32x8x128xf32> to vector<1x8x128xf32>
    %squeeze3A_596 = vector.shape_cast %slice3A_595 : vector<1x8x128xf32> to vector<8x128xf32>
    %add3A_597 = arith.addf %add3A_594, %squeeze3A_596 : vector<8x128xf32>
    %slice3A_598 = vector.extract_strided_slice %reshape3A_571 {offsets = [9, 0, 0], sizes = [1, 8, 128], strides = [1, 1, 1]} : vector<32x8x128xf32> to vector<1x8x128xf32>
    %squeeze3A_599 = vector.shape_cast %slice3A_598 : vector<1x8x128xf32> to vector<8x128xf32>
    %add3A_600 = arith.addf %add3A_597, %squeeze3A_599 : vector<8x128xf32>
    %slice3A_601 = vector.extract_strided_slice %reshape3A_571 {offsets = [10, 0, 0], sizes = [1, 8, 128], strides = [1, 1, 1]} : vector<32x8x128xf32> to vector<1x8x128xf32>
    %squeeze3A_602 = vector.shape_cast %slice3A_601 : vector<1x8x128xf32> to vector<8x128xf32>
    %add3A_603 = arith.addf %add3A_600, %squeeze3A_602 : vector<8x128xf32>
    %slice3A_604 = vector.extract_strided_slice %reshape3A_571 {offsets = [11, 0, 0], sizes = [1, 8, 128], strides = [1, 1, 1]} : vector<32x8x128xf32> to vector<1x8x128xf32>
    %squeeze3A_605 = vector.shape_cast %slice3A_604 : vector<1x8x128xf32> to vector<8x128xf32>
    %add3A_606 = arith.addf %add3A_603, %squeeze3A_605 : vector<8x128xf32>
    %slice3A_607 = vector.extract_strided_slice %reshape3A_571 {offsets = [12, 0, 0], sizes = [1, 8, 128], strides = [1, 1, 1]} : vector<32x8x128xf32> to vector<1x8x128xf32>
    %squeeze3A_608 = vector.shape_cast %slice3A_607 : vector<1x8x128xf32> to vector<8x128xf32>
    %add3A_609 = arith.addf %add3A_606, %squeeze3A_608 : vector<8x128xf32>
    %slice3A_610 = vector.extract_strided_slice %reshape3A_571 {offsets = [13, 0, 0], sizes = [1, 8, 128], strides = [1, 1, 1]} : vector<32x8x128xf32> to vector<1x8x128xf32>
    %squeeze3A_611 = vector.shape_cast %slice3A_610 : vector<1x8x128xf32> to vector<8x128xf32>
    %add3A_612 = arith.addf %add3A_609, %squeeze3A_611 : vector<8x128xf32>
    %slice3A_613 = vector.extract_strided_slice %reshape3A_571 {offsets = [14, 0, 0], sizes = [1, 8, 128], strides = [1, 1, 1]} : vector<32x8x128xf32> to vector<1x8x128xf32>
    %squeeze3A_614 = vector.shape_cast %slice3A_613 : vector<1x8x128xf32> to vector<8x128xf32>
    %add3A_615 = arith.addf %add3A_612, %squeeze3A_614 : vector<8x128xf32>
    %slice3A_616 = vector.extract_strided_slice %reshape3A_571 {offsets = [15, 0, 0], sizes = [1, 8, 128], strides = [1, 1, 1]} : vector<32x8x128xf32> to vector<1x8x128xf32>
    %squeeze3A_617 = vector.shape_cast %slice3A_616 : vector<1x8x128xf32> to vector<8x128xf32>
    %add3A_618 = arith.addf %add3A_615, %squeeze3A_617 : vector<8x128xf32>
    %slice3A_619 = vector.extract_strided_slice %reshape3A_571 {offsets = [16, 0, 0], sizes = [1, 8, 128], strides = [1, 1, 1]} : vector<32x8x128xf32> to vector<1x8x128xf32>
    %squeeze3A_620 = vector.shape_cast %slice3A_619 : vector<1x8x128xf32> to vector<8x128xf32>
    %add3A_621 = arith.addf %add3A_618, %squeeze3A_620 : vector<8x128xf32>
    %slice3A_622 = vector.extract_strided_slice %reshape3A_571 {offsets = [17, 0, 0], sizes = [1, 8, 128], strides = [1, 1, 1]} : vector<32x8x128xf32> to vector<1x8x128xf32>
    %squeeze3A_623 = vector.shape_cast %slice3A_622 : vector<1x8x128xf32> to vector<8x128xf32>
    %add3A_624 = arith.addf %add3A_621, %squeeze3A_623 : vector<8x128xf32>
    %slice3A_625 = vector.extract_strided_slice %reshape3A_571 {offsets = [18, 0, 0], sizes = [1, 8, 128], strides = [1, 1, 1]} : vector<32x8x128xf32> to vector<1x8x128xf32>
    %squeeze3A_626 = vector.shape_cast %slice3A_625 : vector<1x8x128xf32> to vector<8x128xf32>
    %add3A_627 = arith.addf %add3A_624, %squeeze3A_626 : vector<8x128xf32>
    %slice3A_628 = vector.extract_strided_slice %reshape3A_571 {offsets = [19, 0, 0], sizes = [1, 8, 128], strides = [1, 1, 1]} : vector<32x8x128xf32> to vector<1x8x128xf32>
    %squeeze3A_629 = vector.shape_cast %slice3A_628 : vector<1x8x128xf32> to vector<8x128xf32>
    %add3A_630 = arith.addf %add3A_627, %squeeze3A_629 : vector<8x128xf32>
    %slice3A_631 = vector.extract_strided_slice %reshape3A_571 {offsets = [20, 0, 0], sizes = [1, 8, 128], strides = [1, 1, 1]} : vector<32x8x128xf32> to vector<1x8x128xf32>
    %squeeze3A_632 = vector.shape_cast %slice3A_631 : vector<1x8x128xf32> to vector<8x128xf32>
    %add3A_633 = arith.addf %add3A_630, %squeeze3A_632 : vector<8x128xf32>
    %slice3A_634 = vector.extract_strided_slice %reshape3A_571 {offsets = [21, 0, 0], sizes = [1, 8, 128], strides = [1, 1, 1]} : vector<32x8x128xf32> to vector<1x8x128xf32>
    %squeeze3A_635 = vector.shape_cast %slice3A_634 : vector<1x8x128xf32> to vector<8x128xf32>
    %add3A_636 = arith.addf %add3A_633, %squeeze3A_635 : vector<8x128xf32>
    %slice3A_637 = vector.extract_strided_slice %reshape3A_571 {offsets = [22, 0, 0], sizes = [1, 8, 128], strides = [1, 1, 1]} : vector<32x8x128xf32> to vector<1x8x128xf32>
    %squeeze3A_638 = vector.shape_cast %slice3A_637 : vector<1x8x128xf32> to vector<8x128xf32>
    %add3A_639 = arith.addf %add3A_636, %squeeze3A_638 : vector<8x128xf32>
    %slice3A_640 = vector.extract_strided_slice %reshape3A_571 {offsets = [23, 0, 0], sizes = [1, 8, 128], strides = [1, 1, 1]} : vector<32x8x128xf32> to vector<1x8x128xf32>
    %squeeze3A_641 = vector.shape_cast %slice3A_640 : vector<1x8x128xf32> to vector<8x128xf32>
    %add3A_642 = arith.addf %add3A_639, %squeeze3A_641 : vector<8x128xf32>
    %slice3A_643 = vector.extract_strided_slice %reshape3A_571 {offsets = [24, 0, 0], sizes = [1, 8, 128], strides = [1, 1, 1]} : vector<32x8x128xf32> to vector<1x8x128xf32>
    %squeeze3A_644 = vector.shape_cast %slice3A_643 : vector<1x8x128xf32> to vector<8x128xf32>
    %add3A_645 = arith.addf %add3A_642, %squeeze3A_644 : vector<8x128xf32>
    %slice3A_646 = vector.extract_strided_slice %reshape3A_571 {offsets = [25, 0, 0], sizes = [1, 8, 128], strides = [1, 1, 1]} : vector<32x8x128xf32> to vector<1x8x128xf32>
    %squeeze3A_647 = vector.shape_cast %slice3A_646 : vector<1x8x128xf32> to vector<8x128xf32>
    %add3A_648 = arith.addf %add3A_645, %squeeze3A_647 : vector<8x128xf32>
    %slice3A_649 = vector.extract_strided_slice %reshape3A_571 {offsets = [26, 0, 0], sizes = [1, 8, 128], strides = [1, 1, 1]} : vector<32x8x128xf32> to vector<1x8x128xf32>
    %squeeze3A_650 = vector.shape_cast %slice3A_649 : vector<1x8x128xf32> to vector<8x128xf32>
    %add3A_651 = arith.addf %add3A_648, %squeeze3A_650 : vector<8x128xf32>
    %slice3A_652 = vector.extract_strided_slice %reshape3A_571 {offsets = [27, 0, 0], sizes = [1, 8, 128], strides = [1, 1, 1]} : vector<32x8x128xf32> to vector<1x8x128xf32>
    %squeeze3A_653 = vector.shape_cast %slice3A_652 : vector<1x8x128xf32> to vector<8x128xf32>
    %add3A_654 = arith.addf %add3A_651, %squeeze3A_653 : vector<8x128xf32>
    %slice3A_655 = vector.extract_strided_slice %reshape3A_571 {offsets = [28, 0, 0], sizes = [1, 8, 128], strides = [1, 1, 1]} : vector<32x8x128xf32> to vector<1x8x128xf32>
    %squeeze3A_656 = vector.shape_cast %slice3A_655 : vector<1x8x128xf32> to vector<8x128xf32>
    %add3A_657 = arith.addf %add3A_654, %squeeze3A_656 : vector<8x128xf32>
    %slice3A_658 = vector.extract_strided_slice %reshape3A_571 {offsets = [29, 0, 0], sizes = [1, 8, 128], strides = [1, 1, 1]} : vector<32x8x128xf32> to vector<1x8x128xf32>
    %squeeze3A_659 = vector.shape_cast %slice3A_658 : vector<1x8x128xf32> to vector<8x128xf32>
    %add3A_660 = arith.addf %add3A_657, %squeeze3A_659 : vector<8x128xf32>
    %slice3A_661 = vector.extract_strided_slice %reshape3A_571 {offsets = [30, 0, 0], sizes = [1, 8, 128], strides = [1, 1, 1]} : vector<32x8x128xf32> to vector<1x8x128xf32>
    %squeeze3A_662 = vector.shape_cast %slice3A_661 : vector<1x8x128xf32> to vector<8x128xf32>
    %add3A_663 = arith.addf %add3A_660, %squeeze3A_662 : vector<8x128xf32>
    %slice3A_664 = vector.extract_strided_slice %reshape3A_571 {offsets = [31, 0, 0], sizes = [1, 8, 128], strides = [1, 1, 1]} : vector<32x8x128xf32> to vector<1x8x128xf32>
    %squeeze3A_665 = vector.shape_cast %slice3A_664 : vector<1x8x128xf32> to vector<8x128xf32>
    %add3A_666 = arith.addf %add3A_663, %squeeze3A_665 : vector<8x128xf32>
    %slice3A_667 = vector.extract_strided_slice %add3A_666 {offsets = [4, 0], sizes = [4, 128], strides = [1, 1]} : vector<8x128xf32> to vector<4x128xf32>
    %slice3A_668 = vector.extract_strided_slice %add3A_666 {offsets = [0, 0], sizes = [4, 128], strides = [1, 1]} : vector<8x128xf32> to vector<4x128xf32>
    %add3A_669 = arith.addf %slice3A_667, %slice3A_668 : vector<4x128xf32>
    %slice3A_670 = vector.extract_strided_slice %add3A_669 {offsets = [2, 0], sizes = [2, 128], strides = [1, 1]} : vector<4x128xf32> to vector<2x128xf32>
    %slice3A_671 = vector.extract_strided_slice %add3A_669 {offsets = [0, 0], sizes = [2, 128], strides = [1, 1]} : vector<4x128xf32> to vector<2x128xf32>
    %add3A_672 = arith.addf %slice3A_670, %slice3A_671 : vector<2x128xf32>
    %slice3A_673 = vector.extract_strided_slice %add3A_672 {offsets = [1, 0], sizes = [1, 128], strides = [1, 1]} : vector<2x128xf32> to vector<1x128xf32>
    %slice3A_674 = vector.extract_strided_slice %add3A_672 {offsets = [0, 0], sizes = [1, 128], strides = [1, 1]} : vector<2x128xf32> to vector<1x128xf32>
    %add3A_675 = arith.addf %slice3A_673, %slice3A_674 : vector<1x128xf32>
    %sqrt3A_676 = math.sqrt %add3A_675 : vector<1x128xf32>
    %transpose3A_677 = tpu.transpose %sqrt3A_676, [1, 0] : vector<1x128xf32> -> vector<128x1xf32>
    %div3A_678 = vector.broadcast %transpose3A_677 : vector<128x1xf32> to vector<128x256xf32>
    %div3A_679 = arith.divf %slice3A_568, %div3A_678 : vector<128x256xf32>
    %swap3A_680 = arith.constant 640 : index
    %swap3A_681 = arith.constant 0 : index
    %swap3A_682 = vector.load %arg2[%swap3A_680, %swap3A_681] : memref<1024x256xf32, #tpu.memory_space<vmem>>, vector<128x256xf32>
    tpu.vector_store %arg2[%swap3A_680, %swap3A_681], %div3A_679 {strides = array<i32>} : memref<1024x256xf32, #tpu.memory_space<vmem>>, vector<128x256xf32>,
    %slice3A_683 = vector.extract_strided_slice %get3A_1 {offsets = [768, 0], sizes = [128, 256], strides = [1, 1]} : vector<1024x256xf32> to vector<128x256xf32>
    %mul3A_684 = arith.mulf %slice3A_683, %slice3A_683 : vector<128x256xf32>
    %transpose3A_685 = tpu.transpose %mul3A_684, [1, 0] : vector<128x256xf32> -> vector<256x128xf32>
    %reshape3A_686 = vector.shape_cast %transpose3A_685 : vector<256x128xf32> to vector<32x8x128xf32>
    %slice3A_687 = vector.extract_strided_slice %reshape3A_686 {offsets = [0, 0, 0], sizes = [1, 8, 128], strides = [1, 1, 1]} : vector<32x8x128xf32> to vector<1x8x128xf32>
    %squeeze3A_688 = vector.shape_cast %slice3A_687 : vector<1x8x128xf32> to vector<8x128xf32>
    %slice3A_689 = vector.extract_strided_slice %reshape3A_686 {offsets = [1, 0, 0], sizes = [1, 8, 128], strides = [1, 1, 1]} : vector<32x8x128xf32> to vector<1x8x128xf32>
    %squeeze3A_690 = vector.shape_cast %slice3A_689 : vector<1x8x128xf32> to vector<8x128xf32>
    %add3A_691 = arith.addf %squeeze3A_688, %squeeze3A_690 : vector<8x128xf32>
    %slice3A_692 = vector.extract_strided_slice %reshape3A_686 {offsets = [2, 0, 0], sizes = [1, 8, 128], strides = [1, 1, 1]} : vector<32x8x128xf32> to vector<1x8x128xf32>
    %squeeze3A_693 = vector.shape_cast %slice3A_692 : vector<1x8x128xf32> to vector<8x128xf32>
    %add3A_694 = arith.addf %add3A_691, %squeeze3A_693 : vector<8x128xf32>
    %slice3A_695 = vector.extract_strided_slice %reshape3A_686 {offsets = [3, 0, 0], sizes = [1, 8, 128], strides = [1, 1, 1]} : vector<32x8x128xf32> to vector<1x8x128xf32>
    %squeeze3A_696 = vector.shape_cast %slice3A_695 : vector<1x8x128xf32> to vector<8x128xf32>
    %add3A_697 = arith.addf %add3A_694, %squeeze3A_696 : vector<8x128xf32>
    %slice3A_698 = vector.extract_strided_slice %reshape3A_686 {offsets = [4, 0, 0], sizes = [1, 8, 128], strides = [1, 1, 1]} : vector<32x8x128xf32> to vector<1x8x128xf32>
    %squeeze3A_699 = vector.shape_cast %slice3A_698 : vector<1x8x128xf32> to vector<8x128xf32>
    %add3A_700 = arith.addf %add3A_697, %squeeze3A_699 : vector<8x128xf32>
    %slice3A_701 = vector.extract_strided_slice %reshape3A_686 {offsets = [5, 0, 0], sizes = [1, 8, 128], strides = [1, 1, 1]} : vector<32x8x128xf32> to vector<1x8x128xf32>
    %squeeze3A_702 = vector.shape_cast %slice3A_701 : vector<1x8x128xf32> to vector<8x128xf32>
    %add3A_703 = arith.addf %add3A_700, %squeeze3A_702 : vector<8x128xf32>
    %slice3A_704 = vector.extract_strided_slice %reshape3A_686 {offsets = [6, 0, 0], sizes = [1, 8, 128], strides = [1, 1, 1]} : vector<32x8x128xf32> to vector<1x8x128xf32>
    %squeeze3A_705 = vector.shape_cast %slice3A_704 : vector<1x8x128xf32> to vector<8x128xf32>
    %add3A_706 = arith.addf %add3A_703, %squeeze3A_705 : vector<8x128xf32>
    %slice3A_707 = vector.extract_strided_slice %reshape3A_686 {offsets = [7, 0, 0], sizes = [1, 8, 128], strides = [1, 1, 1]} : vector<32x8x128xf32> to vector<1x8x128xf32>
    %squeeze3A_708 = vector.shape_cast %slice3A_707 : vector<1x8x128xf32> to vector<8x128xf32>
    %add3A_709 = arith.addf %add3A_706, %squeeze3A_708 : vector<8x128xf32>
    %slice3A_710 = vector.extract_strided_slice %reshape3A_686 {offsets = [8, 0, 0], sizes = [1, 8, 128], strides = [1, 1, 1]} : vector<32x8x128xf32> to vector<1x8x128xf32>
    %squeeze3A_711 = vector.shape_cast %slice3A_710 : vector<1x8x128xf32> to vector<8x128xf32>
    %add3A_712 = arith.addf %add3A_709, %squeeze3A_711 : vector<8x128xf32>
    %slice3A_713 = vector.extract_strided_slice %reshape3A_686 {offsets = [9, 0, 0], sizes = [1, 8, 128], strides = [1, 1, 1]} : vector<32x8x128xf32> to vector<1x8x128xf32>
    %squeeze3A_714 = vector.shape_cast %slice3A_713 : vector<1x8x128xf32> to vector<8x128xf32>
    %add3A_715 = arith.addf %add3A_712, %squeeze3A_714 : vector<8x128xf32>
    %slice3A_716 = vector.extract_strided_slice %reshape3A_686 {offsets = [10, 0, 0], sizes = [1, 8, 128], strides = [1, 1, 1]} : vector<32x8x128xf32> to vector<1x8x128xf32>
    %squeeze3A_717 = vector.shape_cast %slice3A_716 : vector<1x8x128xf32> to vector<8x128xf32>
    %add3A_718 = arith.addf %add3A_715, %squeeze3A_717 : vector<8x128xf32>
    %slice3A_719 = vector.extract_strided_slice %reshape3A_686 {offsets = [11, 0, 0], sizes = [1, 8, 128], strides = [1, 1, 1]} : vector<32x8x128xf32> to vector<1x8x128xf32>
    %squeeze3A_720 = vector.shape_cast %slice3A_719 : vector<1x8x128xf32> to vector<8x128xf32>
    %add3A_721 = arith.addf %add3A_718, %squeeze3A_720 : vector<8x128xf32>
    %slice3A_722 = vector.extract_strided_slice %reshape3A_686 {offsets = [12, 0, 0], sizes = [1, 8, 128], strides = [1, 1, 1]} : vector<32x8x128xf32> to vector<1x8x128xf32>
    %squeeze3A_723 = vector.shape_cast %slice3A_722 : vector<1x8x128xf32> to vector<8x128xf32>
    %add3A_724 = arith.addf %add3A_721, %squeeze3A_723 : vector<8x128xf32>
    %slice3A_725 = vector.extract_strided_slice %reshape3A_686 {offsets = [13, 0, 0], sizes = [1, 8, 128], strides = [1, 1, 1]} : vector<32x8x128xf32> to vector<1x8x128xf32>
    %squeeze3A_726 = vector.shape_cast %slice3A_725 : vector<1x8x128xf32> to vector<8x128xf32>
    %add3A_727 = arith.addf %add3A_724, %squeeze3A_726 : vector<8x128xf32>
    %slice3A_728 = vector.extract_strided_slice %reshape3A_686 {offsets = [14, 0, 0], sizes = [1, 8, 128], strides = [1, 1, 1]} : vector<32x8x128xf32> to vector<1x8x128xf32>
    %squeeze3A_729 = vector.shape_cast %slice3A_728 : vector<1x8x128xf32> to vector<8x128xf32>
    %add3A_730 = arith.addf %add3A_727, %squeeze3A_729 : vector<8x128xf32>
    %slice3A_731 = vector.extract_strided_slice %reshape3A_686 {offsets = [15, 0, 0], sizes = [1, 8, 128], strides = [1, 1, 1]} : vector<32x8x128xf32> to vector<1x8x128xf32>
    %squeeze3A_732 = vector.shape_cast %slice3A_731 : vector<1x8x128xf32> to vector<8x128xf32>
    %add3A_733 = arith.addf %add3A_730, %squeeze3A_732 : vector<8x128xf32>
    %slice3A_734 = vector.extract_strided_slice %reshape3A_686 {offsets = [16, 0, 0], sizes = [1, 8, 128], strides = [1, 1, 1]} : vector<32x8x128xf32> to vector<1x8x128xf32>
    %squeeze3A_735 = vector.shape_cast %slice3A_734 : vector<1x8x128xf32> to vector<8x128xf32>
    %add3A_736 = arith.addf %add3A_733, %squeeze3A_735 : vector<8x128xf32>
    %slice3A_737 = vector.extract_strided_slice %reshape3A_686 {offsets = [17, 0, 0], sizes = [1, 8, 128], strides = [1, 1, 1]} : vector<32x8x128xf32> to vector<1x8x128xf32>
    %squeeze3A_738 = vector.shape_cast %slice3A_737 : vector<1x8x128xf32> to vector<8x128xf32>
    %add3A_739 = arith.addf %add3A_736, %squeeze3A_738 : vector<8x128xf32>
    %slice3A_740 = vector.extract_strided_slice %reshape3A_686 {offsets = [18, 0, 0], sizes = [1, 8, 128], strides = [1, 1, 1]} : vector<32x8x128xf32> to vector<1x8x128xf32>
    %squeeze3A_741 = vector.shape_cast %slice3A_740 : vector<1x8x128xf32> to vector<8x128xf32>
    %add3A_742 = arith.addf %add3A_739, %squeeze3A_741 : vector<8x128xf32>
    %slice3A_743 = vector.extract_strided_slice %reshape3A_686 {offsets = [19, 0, 0], sizes = [1, 8, 128], strides = [1, 1, 1]} : vector<32x8x128xf32> to vector<1x8x128xf32>
    %squeeze3A_744 = vector.shape_cast %slice3A_743 : vector<1x8x128xf32> to vector<8x128xf32>
    %add3A_745 = arith.addf %add3A_742, %squeeze3A_744 : vector<8x128xf32>
    %slice3A_746 = vector.extract_strided_slice %reshape3A_686 {offsets = [20, 0, 0], sizes = [1, 8, 128], strides = [1, 1, 1]} : vector<32x8x128xf32> to vector<1x8x128xf32>
    %squeeze3A_747 = vector.shape_cast %slice3A_746 : vector<1x8x128xf32> to vector<8x128xf32>
    %add3A_748 = arith.addf %add3A_745, %squeeze3A_747 : vector<8x128xf32>
    %slice3A_749 = vector.extract_strided_slice %reshape3A_686 {offsets = [21, 0, 0], sizes = [1, 8, 128], strides = [1, 1, 1]} : vector<32x8x128xf32> to vector<1x8x128xf32>
    %squeeze3A_750 = vector.shape_cast %slice3A_749 : vector<1x8x128xf32> to vector<8x128xf32>
    %add3A_751 = arith.addf %add3A_748, %squeeze3A_750 : vector<8x128xf32>
    %slice3A_752 = vector.extract_strided_slice %reshape3A_686 {offsets = [22, 0, 0], sizes = [1, 8, 128], strides = [1, 1, 1]} : vector<32x8x128xf32> to vector<1x8x128xf32>
    %squeeze3A_753 = vector.shape_cast %slice3A_752 : vector<1x8x128xf32> to vector<8x128xf32>
    %add3A_754 = arith.addf %add3A_751, %squeeze3A_753 : vector<8x128xf32>
    %slice3A_755 = vector.extract_strided_slice %reshape3A_686 {offsets = [23, 0, 0], sizes = [1, 8, 128], strides = [1, 1, 1]} : vector<32x8x128xf32> to vector<1x8x128xf32>
    %squeeze3A_756 = vector.shape_cast %slice3A_755 : vector<1x8x128xf32> to vector<8x128xf32>
    %add3A_757 = arith.addf %add3A_754, %squeeze3A_756 : vector<8x128xf32>
    %slice3A_758 = vector.extract_strided_slice %reshape3A_686 {offsets = [24, 0, 0], sizes = [1, 8, 128], strides = [1, 1, 1]} : vector<32x8x128xf32> to vector<1x8x128xf32>
    %squeeze3A_759 = vector.shape_cast %slice3A_758 : vector<1x8x128xf32> to vector<8x128xf32>
    %add3A_760 = arith.addf %add3A_757, %squeeze3A_759 : vector<8x128xf32>
    %slice3A_761 = vector.extract_strided_slice %reshape3A_686 {offsets = [25, 0, 0], sizes = [1, 8, 128], strides = [1, 1, 1]} : vector<32x8x128xf32> to vector<1x8x128xf32>
    %squeeze3A_762 = vector.shape_cast %slice3A_761 : vector<1x8x128xf32> to vector<8x128xf32>
    %add3A_763 = arith.addf %add3A_760, %squeeze3A_762 : vector<8x128xf32>
    %slice3A_764 = vector.extract_strided_slice %reshape3A_686 {offsets = [26, 0, 0], sizes = [1, 8, 128], strides = [1, 1, 1]} : vector<32x8x128xf32> to vector<1x8x128xf32>
    %squeeze3A_765 = vector.shape_cast %slice3A_764 : vector<1x8x128xf32> to vector<8x128xf32>
    %add3A_766 = arith.addf %add3A_763, %squeeze3A_765 : vector<8x128xf32>
    %slice3A_767 = vector.extract_strided_slice %reshape3A_686 {offsets = [27, 0, 0], sizes = [1, 8, 128], strides = [1, 1, 1]} : vector<32x8x128xf32> to vector<1x8x128xf32>
    %squeeze3A_768 = vector.shape_cast %slice3A_767 : vector<1x8x128xf32> to vector<8x128xf32>
    %add3A_769 = arith.addf %add3A_766, %squeeze3A_768 : vector<8x128xf32>
    %slice3A_770 = vector.extract_strided_slice %reshape3A_686 {offsets = [28, 0, 0], sizes = [1, 8, 128], strides = [1, 1, 1]} : vector<32x8x128xf32> to vector<1x8x128xf32>
    %squeeze3A_771 = vector.shape_cast %slice3A_770 : vector<1x8x128xf32> to vector<8x128xf32>
    %add3A_772 = arith.addf %add3A_769, %squeeze3A_771 : vector<8x128xf32>
    %slice3A_773 = vector.extract_strided_slice %reshape3A_686 {offsets = [29, 0, 0], sizes = [1, 8, 128], strides = [1, 1, 1]} : vector<32x8x128xf32> to vector<1x8x128xf32>
    %squeeze3A_774 = vector.shape_cast %slice3A_773 : vector<1x8x128xf32> to vector<8x128xf32>
    %add3A_775 = arith.addf %add3A_772, %squeeze3A_774 : vector<8x128xf32>
    %slice3A_776 = vector.extract_strided_slice %reshape3A_686 {offsets = [30, 0, 0], sizes = [1, 8, 128], strides = [1, 1, 1]} : vector<32x8x128xf32> to vector<1x8x128xf32>
    %squeeze3A_777 = vector.shape_cast %slice3A_776 : vector<1x8x128xf32> to vector<8x128xf32>
    %add3A_778 = arith.addf %add3A_775, %squeeze3A_777 : vector<8x128xf32>
    %slice3A_779 = vector.extract_strided_slice %reshape3A_686 {offsets = [31, 0, 0], sizes = [1, 8, 128], strides = [1, 1, 1]} : vector<32x8x128xf32> to vector<1x8x128xf32>
    %squeeze3A_780 = vector.shape_cast %slice3A_779 : vector<1x8x128xf32> to vector<8x128xf32>
    %add3A_781 = arith.addf %add3A_778, %squeeze3A_780 : vector<8x128xf32>
    %slice3A_782 = vector.extract_strided_slice %add3A_781 {offsets = [4, 0], sizes = [4, 128], strides = [1, 1]} : vector<8x128xf32> to vector<4x128xf32>
    %slice3A_783 = vector.extract_strided_slice %add3A_781 {offsets = [0, 0], sizes = [4, 128], strides = [1, 1]} : vector<8x128xf32> to vector<4x128xf32>
    %add3A_784 = arith.addf %slice3A_782, %slice3A_783 : vector<4x128xf32>
    %slice3A_785 = vector.extract_strided_slice %add3A_784 {offsets = [2, 0], sizes = [2, 128], strides = [1, 1]} : vector<4x128xf32> to vector<2x128xf32>
    %slice3A_786 = vector.extract_strided_slice %add3A_784 {offsets = [0, 0], sizes = [2, 128], strides = [1, 1]} : vector<4x128xf32> to vector<2x128xf32>
    %add3A_787 = arith.addf %slice3A_785, %slice3A_786 : vector<2x128xf32>
    %slice3A_788 = vector.extract_strided_slice %add3A_787 {offsets = [1, 0], sizes = [1, 128], strides = [1, 1]} : vector<2x128xf32> to vector<1x128xf32>
    %slice3A_789 = vector.extract_strided_slice %add3A_787 {offsets = [0, 0], sizes = [1, 128], strides = [1, 1]} : vector<2x128xf32> to vector<1x128xf32>
    %add3A_790 = arith.addf %slice3A_788, %slice3A_789 : vector<1x128xf32>
    %sqrt3A_791 = math.sqrt %add3A_790 : vector<1x128xf32>
    %transpose3A_792 = tpu.transpose %sqrt3A_791, [1, 0] : vector<1x128xf32> -> vector<128x1xf32>
    %div3A_793 = vector.broadcast %transpose3A_792 : vector<128x1xf32> to vector<128x256xf32>
    %div3A_794 = arith.divf %slice3A_683, %div3A_793 : vector<128x256xf32>
    %swap3A_795 = arith.constant 768 : index
    %swap3A_796 = arith.constant 0 : index
    %swap3A_797 = vector.load %arg2[%swap3A_795, %swap3A_796] : memref<1024x256xf32, #tpu.memory_space<vmem>>, vector<128x256xf32>
    tpu.vector_store %arg2[%swap3A_795, %swap3A_796], %div3A_794 {strides = array<i32>} : memref<1024x256xf32, #tpu.memory_space<vmem>>, vector<128x256xf32>,
    %slice3A_798 = vector.extract_strided_slice %get3A_1 {offsets = [896, 0], sizes = [128, 256], strides = [1, 1]} : vector<1024x256xf32> to vector<128x256xf32>
    %mul3A_799 = arith.mulf %slice3A_798, %slice3A_798 : vector<128x256xf32>
    %transpose3A_800 = tpu.transpose %mul3A_799, [1, 0] : vector<128x256xf32> -> vector<256x128xf32>
    %reshape3A_801 = vector.shape_cast %transpose3A_800 : vector<256x128xf32> to vector<32x8x128xf32>
    %slice3A_802 = vector.extract_strided_slice %reshape3A_801 {offsets = [0, 0, 0], sizes = [1, 8, 128], strides = [1, 1, 1]} : vector<32x8x128xf32> to vector<1x8x128xf32>
    %squeeze3A_803 = vector.shape_cast %slice3A_802 : vector<1x8x128xf32> to vector<8x128xf32>
    %slice3A_804 = vector.extract_strided_slice %reshape3A_801 {offsets = [1, 0, 0], sizes = [1, 8, 128], strides = [1, 1, 1]} : vector<32x8x128xf32> to vector<1x8x128xf32>
    %squeeze3A_805 = vector.shape_cast %slice3A_804 : vector<1x8x128xf32> to vector<8x128xf32>
    %add3A_806 = arith.addf %squeeze3A_803, %squeeze3A_805 : vector<8x128xf32>
    %slice3A_807 = vector.extract_strided_slice %reshape3A_801 {offsets = [2, 0, 0], sizes = [1, 8, 128], strides = [1, 1, 1]} : vector<32x8x128xf32> to vector<1x8x128xf32>
    %squeeze3A_808 = vector.shape_cast %slice3A_807 : vector<1x8x128xf32> to vector<8x128xf32>
    %add3A_809 = arith.addf %add3A_806, %squeeze3A_808 : vector<8x128xf32>
    %slice3A_810 = vector.extract_strided_slice %reshape3A_801 {offsets = [3, 0, 0], sizes = [1, 8, 128], strides = [1, 1, 1]} : vector<32x8x128xf32> to vector<1x8x128xf32>
    %squeeze3A_811 = vector.shape_cast %slice3A_810 : vector<1x8x128xf32> to vector<8x128xf32>
    %add3A_812 = arith.addf %add3A_809, %squeeze3A_811 : vector<8x128xf32>
    %slice3A_813 = vector.extract_strided_slice %reshape3A_801 {offsets = [4, 0, 0], sizes = [1, 8, 128], strides = [1, 1, 1]} : vector<32x8x128xf32> to vector<1x8x128xf32>
    %squeeze3A_814 = vector.shape_cast %slice3A_813 : vector<1x8x128xf32> to vector<8x128xf32>
    %add3A_815 = arith.addf %add3A_812, %squeeze3A_814 : vector<8x128xf32>
    %slice3A_816 = vector.extract_strided_slice %reshape3A_801 {offsets = [5, 0, 0], sizes = [1, 8, 128], strides = [1, 1, 1]} : vector<32x8x128xf32> to vector<1x8x128xf32>
    %squeeze3A_817 = vector.shape_cast %slice3A_816 : vector<1x8x128xf32> to vector<8x128xf32>
    %add3A_818 = arith.addf %add3A_815, %squeeze3A_817 : vector<8x128xf32>
    %slice3A_819 = vector.extract_strided_slice %reshape3A_801 {offsets = [6, 0, 0], sizes = [1, 8, 128], strides = [1, 1, 1]} : vector<32x8x128xf32> to vector<1x8x128xf32>
    %squeeze3A_820 = vector.shape_cast %slice3A_819 : vector<1x8x128xf32> to vector<8x128xf32>
    %add3A_821 = arith.addf %add3A_818, %squeeze3A_820 : vector<8x128xf32>
    %slice3A_822 = vector.extract_strided_slice %reshape3A_801 {offsets = [7, 0, 0], sizes = [1, 8, 128], strides = [1, 1, 1]} : vector<32x8x128xf32> to vector<1x8x128xf32>
    %squeeze3A_823 = vector.shape_cast %slice3A_822 : vector<1x8x128xf32> to vector<8x128xf32>
    %add3A_824 = arith.addf %add3A_821, %squeeze3A_823 : vector<8x128xf32>
    %slice3A_825 = vector.extract_strided_slice %reshape3A_801 {offsets = [8, 0, 0], sizes = [1, 8, 128], strides = [1, 1, 1]} : vector<32x8x128xf32> to vector<1x8x128xf32>
    %squeeze3A_826 = vector.shape_cast %slice3A_825 : vector<1x8x128xf32> to vector<8x128xf32>
    %add3A_827 = arith.addf %add3A_824, %squeeze3A_826 : vector<8x128xf32>
    %slice3A_828 = vector.extract_strided_slice %reshape3A_801 {offsets = [9, 0, 0], sizes = [1, 8, 128], strides = [1, 1, 1]} : vector<32x8x128xf32> to vector<1x8x128xf32>
    %squeeze3A_829 = vector.shape_cast %slice3A_828 : vector<1x8x128xf32> to vector<8x128xf32>
    %add3A_830 = arith.addf %add3A_827, %squeeze3A_829 : vector<8x128xf32>
    %slice3A_831 = vector.extract_strided_slice %reshape3A_801 {offsets = [10, 0, 0], sizes = [1, 8, 128], strides = [1, 1, 1]} : vector<32x8x128xf32> to vector<1x8x128xf32>
    %squeeze3A_832 = vector.shape_cast %slice3A_831 : vector<1x8x128xf32> to vector<8x128xf32>
    %add3A_833 = arith.addf %add3A_830, %squeeze3A_832 : vector<8x128xf32>
    %slice3A_834 = vector.extract_strided_slice %reshape3A_801 {offsets = [11, 0, 0], sizes = [1, 8, 128], strides = [1, 1, 1]} : vector<32x8x128xf32> to vector<1x8x128xf32>
    %squeeze3A_835 = vector.shape_cast %slice3A_834 : vector<1x8x128xf32> to vector<8x128xf32>
    %add3A_836 = arith.addf %add3A_833, %squeeze3A_835 : vector<8x128xf32>
    %slice3A_837 = vector.extract_strided_slice %reshape3A_801 {offsets = [12, 0, 0], sizes = [1, 8, 128], strides = [1, 1, 1]} : vector<32x8x128xf32> to vector<1x8x128xf32>
    %squeeze3A_838 = vector.shape_cast %slice3A_837 : vector<1x8x128xf32> to vector<8x128xf32>
    %add3A_839 = arith.addf %add3A_836, %squeeze3A_838 : vector<8x128xf32>
    %slice3A_840 = vector.extract_strided_slice %reshape3A_801 {offsets = [13, 0, 0], sizes = [1, 8, 128], strides = [1, 1, 1]} : vector<32x8x128xf32> to vector<1x8x128xf32>
    %squeeze3A_841 = vector.shape_cast %slice3A_840 : vector<1x8x128xf32> to vector<8x128xf32>
    %add3A_842 = arith.addf %add3A_839, %squeeze3A_841 : vector<8x128xf32>
    %slice3A_843 = vector.extract_strided_slice %reshape3A_801 {offsets = [14, 0, 0], sizes = [1, 8, 128], strides = [1, 1, 1]} : vector<32x8x128xf32> to vector<1x8x128xf32>
    %squeeze3A_844 = vector.shape_cast %slice3A_843 : vector<1x8x128xf32> to vector<8x128xf32>
    %add3A_845 = arith.addf %add3A_842, %squeeze3A_844 : vector<8x128xf32>
    %slice3A_846 = vector.extract_strided_slice %reshape3A_801 {offsets = [15, 0, 0], sizes = [1, 8, 128], strides = [1, 1, 1]} : vector<32x8x128xf32> to vector<1x8x128xf32>
    %squeeze3A_847 = vector.shape_cast %slice3A_846 : vector<1x8x128xf32> to vector<8x128xf32>
    %add3A_848 = arith.addf %add3A_845, %squeeze3A_847 : vector<8x128xf32>
    %slice3A_849 = vector.extract_strided_slice %reshape3A_801 {offsets = [16, 0, 0], sizes = [1, 8, 128], strides = [1, 1, 1]} : vector<32x8x128xf32> to vector<1x8x128xf32>
    %squeeze3A_850 = vector.shape_cast %slice3A_849 : vector<1x8x128xf32> to vector<8x128xf32>
    %add3A_851 = arith.addf %add3A_848, %squeeze3A_850 : vector<8x128xf32>
    %slice3A_852 = vector.extract_strided_slice %reshape3A_801 {offsets = [17, 0, 0], sizes = [1, 8, 128], strides = [1, 1, 1]} : vector<32x8x128xf32> to vector<1x8x128xf32>
    %squeeze3A_853 = vector.shape_cast %slice3A_852 : vector<1x8x128xf32> to vector<8x128xf32>
    %add3A_854 = arith.addf %add3A_851, %squeeze3A_853 : vector<8x128xf32>
    %slice3A_855 = vector.extract_strided_slice %reshape3A_801 {offsets = [18, 0, 0], sizes = [1, 8, 128], strides = [1, 1, 1]} : vector<32x8x128xf32> to vector<1x8x128xf32>
    %squeeze3A_856 = vector.shape_cast %slice3A_855 : vector<1x8x128xf32> to vector<8x128xf32>
    %add3A_857 = arith.addf %add3A_854, %squeeze3A_856 : vector<8x128xf32>
    %slice3A_858 = vector.extract_strided_slice %reshape3A_801 {offsets = [19, 0, 0], sizes = [1, 8, 128], strides = [1, 1, 1]} : vector<32x8x128xf32> to vector<1x8x128xf32>
    %squeeze3A_859 = vector.shape_cast %slice3A_858 : vector<1x8x128xf32> to vector<8x128xf32>
    %add3A_860 = arith.addf %add3A_857, %squeeze3A_859 : vector<8x128xf32>
    %slice3A_861 = vector.extract_strided_slice %reshape3A_801 {offsets = [20, 0, 0], sizes = [1, 8, 128], strides = [1, 1, 1]} : vector<32x8x128xf32> to vector<1x8x128xf32>
    %squeeze3A_862 = vector.shape_cast %slice3A_861 : vector<1x8x128xf32> to vector<8x128xf32>
    %add3A_863 = arith.addf %add3A_860, %squeeze3A_862 : vector<8x128xf32>
    %slice3A_864 = vector.extract_strided_slice %reshape3A_801 {offsets = [21, 0, 0], sizes = [1, 8, 128], strides = [1, 1, 1]} : vector<32x8x128xf32> to vector<1x8x128xf32>
    %squeeze3A_865 = vector.shape_cast %slice3A_864 : vector<1x8x128xf32> to vector<8x128xf32>
    %add3A_866 = arith.addf %add3A_863, %squeeze3A_865 : vector<8x128xf32>
    %slice3A_867 = vector.extract_strided_slice %reshape3A_801 {offsets = [22, 0, 0], sizes = [1, 8, 128], strides = [1, 1, 1]} : vector<32x8x128xf32> to vector<1x8x128xf32>
    %squeeze3A_868 = vector.shape_cast %slice3A_867 : vector<1x8x128xf32> to vector<8x128xf32>
    %add3A_869 = arith.addf %add3A_866, %squeeze3A_868 : vector<8x128xf32>
    %slice3A_870 = vector.extract_strided_slice %reshape3A_801 {offsets = [23, 0, 0], sizes = [1, 8, 128], strides = [1, 1, 1]} : vector<32x8x128xf32> to vector<1x8x128xf32>
    %squeeze3A_871 = vector.shape_cast %slice3A_870 : vector<1x8x128xf32> to vector<8x128xf32>
    %add3A_872 = arith.addf %add3A_869, %squeeze3A_871 : vector<8x128xf32>
    %slice3A_873 = vector.extract_strided_slice %reshape3A_801 {offsets = [24, 0, 0], sizes = [1, 8, 128], strides = [1, 1, 1]} : vector<32x8x128xf32> to vector<1x8x128xf32>
    %squeeze3A_874 = vector.shape_cast %slice3A_873 : vector<1x8x128xf32> to vector<8x128xf32>
    %add3A_875 = arith.addf %add3A_872, %squeeze3A_874 : vector<8x128xf32>
    %slice3A_876 = vector.extract_strided_slice %reshape3A_801 {offsets = [25, 0, 0], sizes = [1, 8, 128], strides = [1, 1, 1]} : vector<32x8x128xf32> to vector<1x8x128xf32>
    %squeeze3A_877 = vector.shape_cast %slice3A_876 : vector<1x8x128xf32> to vector<8x128xf32>
    %add3A_878 = arith.addf %add3A_875, %squeeze3A_877 : vector<8x128xf32>
    %slice3A_879 = vector.extract_strided_slice %reshape3A_801 {offsets = [26, 0, 0], sizes = [1, 8, 128], strides = [1, 1, 1]} : vector<32x8x128xf32> to vector<1x8x128xf32>
    %squeeze3A_880 = vector.shape_cast %slice3A_879 : vector<1x8x128xf32> to vector<8x128xf32>
    %add3A_881 = arith.addf %add3A_878, %squeeze3A_880 : vector<8x128xf32>
    %slice3A_882 = vector.extract_strided_slice %reshape3A_801 {offsets = [27, 0, 0], sizes = [1, 8, 128], strides = [1, 1, 1]} : vector<32x8x128xf32> to vector<1x8x128xf32>
    %squeeze3A_883 = vector.shape_cast %slice3A_882 : vector<1x8x128xf32> to vector<8x128xf32>
    %add3A_884 = arith.addf %add3A_881, %squeeze3A_883 : vector<8x128xf32>
    %slice3A_885 = vector.extract_strided_slice %reshape3A_801 {offsets = [28, 0, 0], sizes = [1, 8, 128], strides = [1, 1, 1]} : vector<32x8x128xf32> to vector<1x8x128xf32>
    %squeeze3A_886 = vector.shape_cast %slice3A_885 : vector<1x8x128xf32> to vector<8x128xf32>
    %add3A_887 = arith.addf %add3A_884, %squeeze3A_886 : vector<8x128xf32>
    %slice3A_888 = vector.extract_strided_slice %reshape3A_801 {offsets = [29, 0, 0], sizes = [1, 8, 128], strides = [1, 1, 1]} : vector<32x8x128xf32> to vector<1x8x128xf32>
    %squeeze3A_889 = vector.shape_cast %slice3A_888 : vector<1x8x128xf32> to vector<8x128xf32>
    %add3A_890 = arith.addf %add3A_887, %squeeze3A_889 : vector<8x128xf32>
    %slice3A_891 = vector.extract_strided_slice %reshape3A_801 {offsets = [30, 0, 0], sizes = [1, 8, 128], strides = [1, 1, 1]} : vector<32x8x128xf32> to vector<1x8x128xf32>
    %squeeze3A_892 = vector.shape_cast %slice3A_891 : vector<1x8x128xf32> to vector<8x128xf32>
    %add3A_893 = arith.addf %add3A_890, %squeeze3A_892 : vector<8x128xf32>
    %slice3A_894 = vector.extract_strided_slice %reshape3A_801 {offsets = [31, 0, 0], sizes = [1, 8, 128], strides = [1, 1, 1]} : vector<32x8x128xf32> to vector<1x8x128xf32>
    %squeeze3A_895 = vector.shape_cast %slice3A_894 : vector<1x8x128xf32> to vector<8x128xf32>
    %add3A_896 = arith.addf %add3A_893, %squeeze3A_895 : vector<8x128xf32>
    %slice3A_897 = vector.extract_strided_slice %add3A_896 {offsets = [4, 0], sizes = [4, 128], strides = [1, 1]} : vector<8x128xf32> to vector<4x128xf32>
    %slice3A_898 = vector.extract_strided_slice %add3A_896 {offsets = [0, 0], sizes = [4, 128], strides = [1, 1]} : vector<8x128xf32> to vector<4x128xf32>
    %add3A_899 = arith.addf %slice3A_897, %slice3A_898 : vector<4x128xf32>
    %slice3A_900 = vector.extract_strided_slice %add3A_899 {offsets = [2, 0], sizes = [2, 128], strides = [1, 1]} : vector<4x128xf32> to vector<2x128xf32>
    %slice3A_901 = vector.extract_strided_slice %add3A_899 {offsets = [0, 0], sizes = [2, 128], strides = [1, 1]} : vector<4x128xf32> to vector<2x128xf32>
    %add3A_902 = arith.addf %slice3A_900, %slice3A_901 : vector<2x128xf32>
    %slice3A_903 = vector.extract_strided_slice %add3A_902 {offsets = [1, 0], sizes = [1, 128], strides = [1, 1]} : vector<2x128xf32> to vector<1x128xf32>
    %slice3A_904 = vector.extract_strided_slice %add3A_902 {offsets = [0, 0], sizes = [1, 128], strides = [1, 1]} : vector<2x128xf32> to vector<1x128xf32>
    %add3A_905 = arith.addf %slice3A_903, %slice3A_904 : vector<1x128xf32>
    %sqrt3A_906 = math.sqrt %add3A_905 : vector<1x128xf32>
    %transpose3A_907 = tpu.transpose %sqrt3A_906, [1, 0] : vector<1x128xf32> -> vector<128x1xf32>
    %div3A_908 = vector.broadcast %transpose3A_907 : vector<128x1xf32> to vector<128x256xf32>
    %div3A_909 = arith.divf %slice3A_798, %div3A_908 : vector<128x256xf32>
    %swap3A_910 = arith.constant 896 : index
    %swap3A_911 = arith.constant 0 : index
    %swap3A_912 = vector.load %arg2[%swap3A_910, %swap3A_911] : memref<1024x256xf32, #tpu.memory_space<vmem>>, vector<128x256xf32>
    tpu.vector_store %arg2[%swap3A_910, %swap3A_911], %div3A_909 {strides = array<i32>} : memref<1024x256xf32, #tpu.memory_space<vmem>>, vector<128x256xf32>,
    return
  }
  func.func @transform_0(%arg0: i32) -> (i32, i32) {
    %c0_i32 = arith.constant 0 : i32
    %c0_i32_0 = arith.constant 0 : i32
    return %arg0, %c0_i32 : i32, i32
  }
  func.func @transform_1(%arg0: i32) -> (i32, i32) {
    %c0_i32 = arith.constant 0 : i32
    %c0_i32_0 = arith.constant 0 : i32
    return %arg0, %c0_i32 : i32, i32
  }
}

module attributes {stable_mosaic.version = 14 : i64} {
  func.func @_h_body(%arg0: i32, %arg1: memref<1024x512xf32, #tpu.memory_space<vmem>>, %arg2: memref<512x80xf32, #tpu.memory_space<vmem>>, %arg3: memref<1x80xf32, #tpu.memory_space<vmem>>, %arg4: memref<1024x80xf32, #tpu.memory_space<vmem>>) attributes {dimension_semantics = [#tpu.dimension_semantics<arbitrary>], iteration_bounds = array<i64: 16>, scalar_prefetch = 0 : i64, scratch_operands = 0 : i64, tpu.core_type = #tpu.core_type<tc>, window_params = [{transform_indices = @transform_0, window_bounds = array<i64: 1024, 512>}, {pipeline_mode = #tpu.pipeline_mode<synchronous>, transform_indices = @transform_1, window_bounds = array<i64: 512, 80>}, {pipeline_mode = #tpu.pipeline_mode<synchronous>, transform_indices = @transform_2, window_bounds = array<i64: 1, 80>}, {transform_indices = @transform_3, window_bounds = array<i64: 1024, 80>}]} {
    %get3A = arith.constant 0 : index
    %get3A_0 = arith.constant 0 : index
    %get3A_1 = vector.load %arg1[%get3A, %get3A_0] : memref<1024x512xf32, #tpu.memory_space<vmem>>, vector<1024x256xf32>
    %get3A_2 = arith.constant 0 : index
    %get3A_3 = arith.constant 0 : index
    %get3A_4 = vector.load %arg2[%get3A_2, %get3A_3] : memref<512x80xf32, #tpu.memory_space<vmem>>, vector<256x80xf32>
    %dot_general3A = arith.constant dense<0.000000e+00> : vector<1024x80xf32>
    %dot_general3A_5 = tpu.matmul %get3A_1, %get3A_4, %dot_general3A {dimension_numbers = #tpu.dot_dimension_numbers<[1], [0], [0], [1], [0, 0, 1, 1], [], []>, transpose_lhs_hint = false} : vector<1024x256xf32>, vector<256x80xf32>, vector<1024x80xf32> -> vector<1024x80xf32>
    %get3A_6 = arith.constant 0 : index
    %get3A_7 = arith.constant 256 : index
    %get3A_8 = vector.load %arg1[%get3A_6, %get3A_7] : memref<1024x512xf32, #tpu.memory_space<vmem>>, vector<1024x256xf32>
    %get3A_9 = arith.constant 256 : index
    %get3A_10 = arith.constant 0 : index
    %get3A_11 = vector.load %arg2[%get3A_9, %get3A_10] : memref<512x80xf32, #tpu.memory_space<vmem>>, vector<256x80xf32>
    %dot_general3A_12 = arith.constant dense<0.000000e+00> : vector<1024x80xf32>
    %dot_general3A_13 = tpu.matmul %get3A_8, %get3A_11, %dot_general3A_12 {dimension_numbers = #tpu.dot_dimension_numbers<[1], [0], [0], [1], [0, 0, 1, 1], [], []>, transpose_lhs_hint = false} : vector<1024x256xf32>, vector<256x80xf32>, vector<1024x80xf32> -> vector<1024x80xf32>
    %get3A_14 = arith.constant 0 : index
    %get3A_15 = arith.constant 0 : index
    %get3A_16 = vector.load %arg3[%get3A_14, %get3A_15] : memref<1x80xf32, #tpu.memory_space<vmem>>, vector<1x80xf32>
    %add3A = vector.broadcast %get3A_16 : vector<1x80xf32> to vector<1024x80xf32>
    %add3A_17 = arith.addf %add3A, %dot_general3A_5 : vector<1024x80xf32>
    %add3A_18 = arith.addf %add3A_17, %dot_general3A_13 : vector<1024x80xf32>
    %swap3A = arith.constant 0 : index
    %swap3A_19 = arith.constant 0 : index
    %swap3A_20 = vector.load %arg4[%swap3A, %swap3A_19] : memref<1024x80xf32, #tpu.memory_space<vmem>>, vector<1024x80xf32>
    tpu.vector_store %arg4[%swap3A, %swap3A_19], %add3A_18 {strides = array<i32>} : memref<1024x80xf32, #tpu.memory_space<vmem>>, vector<1024x80xf32>,
    return
  }
  func.func @transform_0(%arg0: i32) -> (i32, i32) {
    %c0_i32 = arith.constant 0 : i32
    %c0_i32_0 = arith.constant 0 : i32
    return %arg0, %c0_i32 : i32, i32
  }
  func.func @transform_1(%arg0: i32) -> (i32, i32) {
    %c0_i32 = arith.constant 0 : i32
    %c0_i32_0 = arith.constant 0 : i32
    %c0_i32_1 = arith.constant 0 : i32
    return %c0_i32, %c0_i32_0 : i32, i32
  }
  func.func @transform_2(%arg0: i32) -> (i32, i32) {
    %c0_i32 = arith.constant 0 : i32
    %c0_i32_0 = arith.constant 0 : i32
    %c0_i32_1 = arith.constant 0 : i32
    return %c0_i32, %c0_i32_0 : i32, i32
  }
  func.func @transform_3(%arg0: i32) -> (i32, i32) {
    %c0_i32 = arith.constant 0 : i32
    %c0_i32_0 = arith.constant 0 : i32
    return %arg0, %c0_i32 : i32, i32
  }
}

module attributes {stable_mosaic.version = 14 : i64} {
  func.func @_fu_body(%arg0: i32, %arg1: memref<1024x80xf32, #tpu.memory_space<vmem>>, %arg2: memref<80x256xf32, #tpu.memory_space<vmem>>, %arg3: memref<1x256xf32, #tpu.memory_space<vmem>>, %arg4: memref<1024x256xf32, #tpu.memory_space<vmem>>) attributes {dimension_semantics = [#tpu.dimension_semantics<arbitrary>], iteration_bounds = array<i64: 16>, scalar_prefetch = 0 : i64, scratch_operands = 0 : i64, tpu.core_type = #tpu.core_type<tc>, window_params = [{transform_indices = @transform_0, window_bounds = array<i64: 1024, 80>}, {pipeline_mode = #tpu.pipeline_mode<synchronous>, transform_indices = @transform_1, window_bounds = array<i64: 80, 256>}, {pipeline_mode = #tpu.pipeline_mode<synchronous>, transform_indices = @transform_2, window_bounds = array<i64: 1, 256>}, {transform_indices = @transform_3, window_bounds = array<i64: 1024, 256>}]} {
    %get3A = arith.constant 0 : index
    %get3A_0 = arith.constant 0 : index
    %get3A_1 = vector.load %arg1[%get3A, %get3A_0] : memref<1024x80xf32, #tpu.memory_space<vmem>>, vector<1024x80xf32>
    %get3A_2 = arith.constant 0 : index
    %get3A_3 = arith.constant 0 : index
    %get3A_4 = vector.load %arg2[%get3A_2, %get3A_3] : memref<80x256xf32, #tpu.memory_space<vmem>>, vector<80x256xf32>
    %dot_general3A = arith.constant dense<0.000000e+00> : vector<1024x256xf32>
    %dot_general3A_5 = tpu.matmul %get3A_1, %get3A_4, %dot_general3A {dimension_numbers = #tpu.dot_dimension_numbers<[1], [0], [0], [1], [0, 0, 1, 1], [], []>, transpose_lhs_hint = false} : vector<1024x80xf32>, vector<80x256xf32>, vector<1024x256xf32> -> vector<1024x256xf32>
    %get3A_6 = arith.constant 0 : index
    %get3A_7 = arith.constant 0 : index
    %get3A_8 = vector.load %arg3[%get3A_6, %get3A_7] : memref<1x256xf32, #tpu.memory_space<vmem>>, vector<1x256xf32>
    %add3A = vector.broadcast %get3A_8 : vector<1x256xf32> to vector<1024x256xf32>
    %add3A_9 = arith.addf %dot_general3A_5, %add3A : vector<1024x256xf32>
    %swap3A = arith.constant 0 : index
    %swap3A_10 = arith.constant 0 : index
    %swap3A_11 = vector.load %arg4[%swap3A, %swap3A_10] : memref<1024x256xf32, #tpu.memory_space<vmem>>, vector<1024x256xf32>
    tpu.vector_store %arg4[%swap3A, %swap3A_10], %add3A_9 {strides = array<i32>} : memref<1024x256xf32, #tpu.memory_space<vmem>>, vector<1024x256xf32>,
    return
  }
  func.func @transform_0(%arg0: i32) -> (i32, i32) {
    %c0_i32 = arith.constant 0 : i32
    %c0_i32_0 = arith.constant 0 : i32
    return %arg0, %c0_i32 : i32, i32
  }
  func.func @transform_1(%arg0: i32) -> (i32, i32) {
    %c0_i32 = arith.constant 0 : i32
    %c0_i32_0 = arith.constant 0 : i32
    %c0_i32_1 = arith.constant 0 : i32
    return %c0_i32, %c0_i32_0 : i32, i32
  }
  func.func @transform_2(%arg0: i32) -> (i32, i32) {
    %c0_i32 = arith.constant 0 : i32
    %c0_i32_0 = arith.constant 0 : i32
    %c0_i32_1 = arith.constant 0 : i32
    return %c0_i32, %c0_i32_0 : i32, i32
  }
  func.func @transform_3(%arg0: i32) -> (i32, i32) {
    %c0_i32 = arith.constant 0 : i32
    %c0_i32_0 = arith.constant 0 : i32
    return %arg0, %c0_i32 : i32, i32
  }
}

module attributes {stable_mosaic.version = 14 : i64} {
  func.func @_mu_body(%arg0: memref<1x256xf32, #tpu.memory_space<vmem>>, %arg1: memref<1x256xf32, #tpu.memory_space<vmem>>) attributes {dimension_semantics = [], scalar_prefetch = 0 : i64, scratch_operands = 0 : i64, tpu.core_type = #tpu.core_type<tc>} {
    %get3A = arith.constant 0 : index
    %get3A_0 = arith.constant 0 : index
    %get3A_1 = vector.load %arg0[%get3A, %get3A_0] : memref<1x256xf32, #tpu.memory_space<vmem>>, vector<1x256xf32>
    %reshape3A = vector.shape_cast %get3A_1 : vector<1x256xf32> to vector<2x128xf32>
    %mul3A = arith.mulf %reshape3A, %reshape3A : vector<2x128xf32>
    %slice3A = vector.extract_strided_slice %mul3A {offsets = [1, 0], sizes = [1, 128], strides = [1, 1]} : vector<2x128xf32> to vector<1x128xf32>
    %slice3A_2 = vector.extract_strided_slice %mul3A {offsets = [0, 0], sizes = [1, 128], strides = [1, 1]} : vector<2x128xf32> to vector<1x128xf32>
    %add3A = arith.addf %slice3A, %slice3A_2 : vector<1x128xf32>
    %get3A_3 = arith.constant 0 : index
    %get3A_4 = arith.constant 0 : index
    %get3A_5 = vector.load %arg0[%get3A_3, %get3A_4] : memref<1x256xf32, #tpu.memory_space<vmem>>, vector<1x256xf32>
    %reduce_sum3A = vector.shape_cast %add3A : vector<1x128xf32> to vector<1x1x128xf32>
    %reduce_sum3A_6 = arith.constant dense<0.000000e+00> : vector<1xf32>
    %reduce_sum3A_7 = vector.multi_reduction <add>, %reduce_sum3A, %reduce_sum3A_6 [1, 2] : vector<1x1x128xf32> to vector<1xf32>
    %reduce_sum3A_8 = vector.shape_cast %reduce_sum3A_7 : vector<1xf32> to vector<1x1x1xf32>
    %reduce_sum3A_9 = vector.extract %reduce_sum3A_8[0, 0, 0] : f32 from vector<1x1x1xf32>
    %sqrt3A = math.sqrt %reduce_sum3A_9 : f32
    %div3A = vector.broadcast %sqrt3A : f32 to vector<1x256xf32>
    %div3A_10 = arith.divf %get3A_5, %div3A : vector<1x256xf32>
    %swap3A = arith.constant 0 : index
    %swap3A_11 = arith.constant 0 : index
    %swap3A_12 = vector.load %arg1[%swap3A, %swap3A_11] : memref<1x256xf32, #tpu.memory_space<vmem>>, vector<1x256xf32>
    tpu.vector_store %arg1[%swap3A, %swap3A_11], %div3A_10 {strides = array<i32>} : memref<1x256xf32, #tpu.memory_space<vmem>>, vector<1x256xf32>,
    return
  }
}

module attributes {stable_mosaic.version = 14 : i64} {
  func.func @_herd_body(%arg0: memref<128x128x256xf32, #tpu.memory_space<vmem>>, %arg1: memref<1x256xf32, #tpu.memory_space<vmem>>, %arg2: memref<8x128xi32, #tpu.memory_space<vmem>>, %arg3: memref<128x1x128xf32, #tpu.memory_space<vmem>>) attributes {dimension_semantics = [], scalar_prefetch = 0 : i64, scratch_operands = 1 : i64, tpu.core_type = #tpu.core_type<tc>} {
    %get3A = arith.constant 0 : index
    %get3A_0 = arith.constant 0 : index
    %get3A_1 = vector.load %arg1[%get3A, %get3A_0] : memref<1x256xf32, #tpu.memory_space<vmem>>, vector<1x256xf32>
    %broadcast_in_dim3A = arith.constant 0.000000e+00 : f32
    %broadcast_in_dim3A_2 = vector.broadcast %broadcast_in_dim3A : f32 to vector<128x1x128xf32>
    %swap3A = arith.constant 0 : index
    %swap3A_3 = arith.constant 0 : index
    %swap3A_4 = arith.constant 0 : index
    %swap3A_5 = vector.load %arg3[%swap3A, %swap3A_3, %swap3A_4] : memref<128x1x128xf32, #tpu.memory_space<vmem>>, vector<128x1x128xf32>
    tpu.vector_store %arg3[%swap3A, %swap3A_3, %swap3A_4], %broadcast_in_dim3A_2 {strides = array<i32>} : memref<128x1x128xf32, #tpu.memory_space<vmem>>, vector<128x1x128xf32>,
    %iota3A = tpu.iota {dimensions = array<i32: 1>} : vector<1x128xi32>
    %iota3A_6 = tpu.iota {dimensions = array<i32: 0>} : vector<128x1xi32>
    %iota3A_7 = tpu.iota {dimensions = array<i32: 0>} : vector<8x128xi32>
    %mul3A = arith.constant 128 : i32
    %mul3A_8 = vector.broadcast %mul3A : i32 to vector<8x128xi32>
    %mul3A_9 = arith.muli %iota3A_7, %mul3A_8 : vector<8x128xi32>
    %iota3A_10 = tpu.iota {dimensions = array<i32: 1>} : vector<8x128xi32>
    %add3A = arith.addi %mul3A_9, %iota3A_10 : vector<8x128xi32>
    %broadcast_in_dim3A_11 = arith.constant 0.000000e+00 : f32
    %broadcast_in_dim3A_12 = vector.broadcast %broadcast_in_dim3A_11 : f32 to vector<1x256xf32>
    %broadcast_in_dim3A_13 = arith.constant 0 : i32
    %broadcast_in_dim3A_14 = vector.broadcast %broadcast_in_dim3A_13 : i32 to vector<8x128xi32>
    %scan3A = arith.constant 0 : i32
    %scan3A_15 = arith.constant 200 : i32
    %scan3A_16 = arith.addi %scan3A, %scan3A_15 : i32
    %scan3A_17 = arith.constant 1 : i32
    %scan3A_18:2 = scf.for %scan3A_23 = %scan3A to %scan3A_16 step %scan3A_17 iter_args(%scan3A_24 = %broadcast_in_dim3A_12, %scan3A_25 = %broadcast_in_dim3A_14) -> (vector<1x256xf32>, vector<8x128xi32>)  : i32 {
      %convert_element_type3A = arith.sitofp %scan3A_23 : i32 to f32
      %add3A_26 = arith.constant 1.000000e+00 : f32
      %add3A_27 = arith.addf %convert_element_type3A, %add3A_26 : f32
      %div3A = arith.constant 1.000000e+00 : f32
      %div3A_28 = arith.divf %div3A, %add3A_27 : f32
      %scan3A_29 = arith.constant 0x7F800000 : f32
      %scan3A_30 = arith.constant 0 : i32
      %scan3A_31 = arith.constant 0 : i32
      %scan3A_32 = arith.constant 128 : i32
      %scan3A_33 = arith.addi %scan3A_31, %scan3A_32 : i32
      %scan3A_34 = arith.constant 16 : i32
      %scan3A_35:2 = scf.for %scan3A_91 = %scan3A_31 to %scan3A_33 step %scan3A_34 iter_args(%scan3A_92 = %scan3A_29, %scan3A_93 = %scan3A_30) -> (f32, i32)  : i32 {
        %get3A_94 = arith.index_cast %scan3A_91 : i32 to index
        %get3A_95 = arith.constant 0 : index
        %get3A_96 = arith.constant 0 : index
        %get3A_97 = vector.load %arg0[%get3A_94, %get3A_95, %get3A_96] : memref<128x128x256xf32, #tpu.memory_space<vmem>>, vector<1x128x256xf32>
        %get3A_98 = vector.shape_cast %get3A_97 : vector<1x128x256xf32> to vector<128x256xf32>
        %add3A_99 = vector.broadcast %scan3A_24 : vector<1x256xf32> to vector<128x256xf32>
        %add3A_100 = arith.addf %get3A_98, %add3A_99 : vector<128x256xf32>
        %mul3A_101 = vector.broadcast %div3A_28 : f32 to vector<128x256xf32>
        %mul3A_102 = arith.mulf %mul3A_101, %add3A_100 : vector<128x256xf32>
        %sub3A_103 = vector.broadcast %get3A_1 : vector<1x256xf32> to vector<128x256xf32>
        %sub3A_104 = arith.subf %sub3A_103, %mul3A_102 : vector<128x256xf32>
        %mul3A_105 = arith.mulf %sub3A_104, %sub3A_104 : vector<128x256xf32>
        %slice3A = vector.extract_strided_slice %mul3A_105 {offsets = [0, 0], sizes = [128, 128], strides = [1, 1]} : vector<128x256xf32> to vector<128x128xf32>
        %transpose3A = tpu.transpose %slice3A, [1, 0] : vector<128x128xf32> -> vector<128x128xf32>
        %reshape3A = vector.shape_cast %transpose3A : vector<128x128xf32> to vector<16x8x128xf32>
        %slice3A_106 = vector.extract_strided_slice %reshape3A {offsets = [0, 0, 0], sizes = [1, 8, 128], strides = [1, 1, 1]} : vector<16x8x128xf32> to vector<1x8x128xf32>
        %squeeze3A = vector.shape_cast %slice3A_106 : vector<1x8x128xf32> to vector<8x128xf32>
        %slice3A_107 = vector.extract_strided_slice %reshape3A {offsets = [1, 0, 0], sizes = [1, 8, 128], strides = [1, 1, 1]} : vector<16x8x128xf32> to vector<1x8x128xf32>
        %squeeze3A_108 = vector.shape_cast %slice3A_107 : vector<1x8x128xf32> to vector<8x128xf32>
        %add3A_109 = arith.addf %squeeze3A, %squeeze3A_108 : vector<8x128xf32>
        %slice3A_110 = vector.extract_strided_slice %reshape3A {offsets = [2, 0, 0], sizes = [1, 8, 128], strides = [1, 1, 1]} : vector<16x8x128xf32> to vector<1x8x128xf32>
        %squeeze3A_111 = vector.shape_cast %slice3A_110 : vector<1x8x128xf32> to vector<8x128xf32>
        %add3A_112 = arith.addf %add3A_109, %squeeze3A_111 : vector<8x128xf32>
        %slice3A_113 = vector.extract_strided_slice %reshape3A {offsets = [3, 0, 0], sizes = [1, 8, 128], strides = [1, 1, 1]} : vector<16x8x128xf32> to vector<1x8x128xf32>
        %squeeze3A_114 = vector.shape_cast %slice3A_113 : vector<1x8x128xf32> to vector<8x128xf32>
        %add3A_115 = arith.addf %add3A_112, %squeeze3A_114 : vector<8x128xf32>
        %slice3A_116 = vector.extract_strided_slice %reshape3A {offsets = [4, 0, 0], sizes = [1, 8, 128], strides = [1, 1, 1]} : vector<16x8x128xf32> to vector<1x8x128xf32>
        %squeeze3A_117 = vector.shape_cast %slice3A_116 : vector<1x8x128xf32> to vector<8x128xf32>
        %add3A_118 = arith.addf %add3A_115, %squeeze3A_117 : vector<8x128xf32>
        %slice3A_119 = vector.extract_strided_slice %reshape3A {offsets = [5, 0, 0], sizes = [1, 8, 128], strides = [1, 1, 1]} : vector<16x8x128xf32> to vector<1x8x128xf32>
        %squeeze3A_120 = vector.shape_cast %slice3A_119 : vector<1x8x128xf32> to vector<8x128xf32>
        %add3A_121 = arith.addf %add3A_118, %squeeze3A_120 : vector<8x128xf32>
        %slice3A_122 = vector.extract_strided_slice %reshape3A {offsets = [6, 0, 0], sizes = [1, 8, 128], strides = [1, 1, 1]} : vector<16x8x128xf32> to vector<1x8x128xf32>
        %squeeze3A_123 = vector.shape_cast %slice3A_122 : vector<1x8x128xf32> to vector<8x128xf32>
        %add3A_124 = arith.addf %add3A_121, %squeeze3A_123 : vector<8x128xf32>
        %slice3A_125 = vector.extract_strided_slice %reshape3A {offsets = [7, 0, 0], sizes = [1, 8, 128], strides = [1, 1, 1]} : vector<16x8x128xf32> to vector<1x8x128xf32>
        %squeeze3A_126 = vector.shape_cast %slice3A_125 : vector<1x8x128xf32> to vector<8x128xf32>
        %add3A_127 = arith.addf %add3A_124, %squeeze3A_126 : vector<8x128xf32>
        %slice3A_128 = vector.extract_strided_slice %reshape3A {offsets = [8, 0, 0], sizes = [1, 8, 128], strides = [1, 1, 1]} : vector<16x8x128xf32> to vector<1x8x128xf32>
        %squeeze3A_129 = vector.shape_cast %slice3A_128 : vector<1x8x128xf32> to vector<8x128xf32>
        %add3A_130 = arith.addf %add3A_127, %squeeze3A_129 : vector<8x128xf32>
        %slice3A_131 = vector.extract_strided_slice %reshape3A {offsets = [9, 0, 0], sizes = [1, 8, 128], strides = [1, 1, 1]} : vector<16x8x128xf32> to vector<1x8x128xf32>
        %squeeze3A_132 = vector.shape_cast %slice3A_131 : vector<1x8x128xf32> to vector<8x128xf32>
        %add3A_133 = arith.addf %add3A_130, %squeeze3A_132 : vector<8x128xf32>
        %slice3A_134 = vector.extract_strided_slice %reshape3A {offsets = [10, 0, 0], sizes = [1, 8, 128], strides = [1, 1, 1]} : vector<16x8x128xf32> to vector<1x8x128xf32>
        %squeeze3A_135 = vector.shape_cast %slice3A_134 : vector<1x8x128xf32> to vector<8x128xf32>
        %add3A_136 = arith.addf %add3A_133, %squeeze3A_135 : vector<8x128xf32>
        %slice3A_137 = vector.extract_strided_slice %reshape3A {offsets = [11, 0, 0], sizes = [1, 8, 128], strides = [1, 1, 1]} : vector<16x8x128xf32> to vector<1x8x128xf32>
        %squeeze3A_138 = vector.shape_cast %slice3A_137 : vector<1x8x128xf32> to vector<8x128xf32>
        %add3A_139 = arith.addf %add3A_136, %squeeze3A_138 : vector<8x128xf32>
        %slice3A_140 = vector.extract_strided_slice %reshape3A {offsets = [12, 0, 0], sizes = [1, 8, 128], strides = [1, 1, 1]} : vector<16x8x128xf32> to vector<1x8x128xf32>
        %squeeze3A_141 = vector.shape_cast %slice3A_140 : vector<1x8x128xf32> to vector<8x128xf32>
        %add3A_142 = arith.addf %add3A_139, %squeeze3A_141 : vector<8x128xf32>
        %slice3A_143 = vector.extract_strided_slice %reshape3A {offsets = [13, 0, 0], sizes = [1, 8, 128], strides = [1, 1, 1]} : vector<16x8x128xf32> to vector<1x8x128xf32>
        %squeeze3A_144 = vector.shape_cast %slice3A_143 : vector<1x8x128xf32> to vector<8x128xf32>
        %add3A_145 = arith.addf %add3A_142, %squeeze3A_144 : vector<8x128xf32>
        %slice3A_146 = vector.extract_strided_slice %reshape3A {offsets = [14, 0, 0], sizes = [1, 8, 128], strides = [1, 1, 1]} : vector<16x8x128xf32> to vector<1x8x128xf32>
        %squeeze3A_147 = vector.shape_cast %slice3A_146 : vector<1x8x128xf32> to vector<8x128xf32>
        %add3A_148 = arith.addf %add3A_145, %squeeze3A_147 : vector<8x128xf32>
        %slice3A_149 = vector.extract_strided_slice %reshape3A {offsets = [15, 0, 0], sizes = [1, 8, 128], strides = [1, 1, 1]} : vector<16x8x128xf32> to vector<1x8x128xf32>
        %squeeze3A_150 = vector.shape_cast %slice3A_149 : vector<1x8x128xf32> to vector<8x128xf32>
        %add3A_151 = arith.addf %add3A_148, %squeeze3A_150 : vector<8x128xf32>
        %slice3A_152 = vector.extract_strided_slice %add3A_151 {offsets = [4, 0], sizes = [4, 128], strides = [1, 1]} : vector<8x128xf32> to vector<4x128xf32>
        %slice3A_153 = vector.extract_strided_slice %add3A_151 {offsets = [0, 0], sizes = [4, 128], strides = [1, 1]} : vector<8x128xf32> to vector<4x128xf32>
        %add3A_154 = arith.addf %slice3A_152, %slice3A_153 : vector<4x128xf32>
        %slice3A_155 = vector.extract_strided_slice %add3A_154 {offsets = [2, 0], sizes = [2, 128], strides = [1, 1]} : vector<4x128xf32> to vector<2x128xf32>
        %slice3A_156 = vector.extract_strided_slice %add3A_154 {offsets = [0, 0], sizes = [2, 128], strides = [1, 1]} : vector<4x128xf32> to vector<2x128xf32>
        %add3A_157 = arith.addf %slice3A_155, %slice3A_156 : vector<2x128xf32>
        %slice3A_158 = vector.extract_strided_slice %add3A_157 {offsets = [1, 0], sizes = [1, 128], strides = [1, 1]} : vector<2x128xf32> to vector<1x128xf32>
        %slice3A_159 = vector.extract_strided_slice %add3A_157 {offsets = [0, 0], sizes = [1, 128], strides = [1, 1]} : vector<2x128xf32> to vector<1x128xf32>
        %add3A_160 = arith.addf %slice3A_158, %slice3A_159 : vector<1x128xf32>
        %slice3A_161 = vector.extract_strided_slice %mul3A_105 {offsets = [0, 128], sizes = [128, 128], strides = [1, 1]} : vector<128x256xf32> to vector<128x128xf32>
        %transpose3A_162 = tpu.transpose %slice3A_161, [1, 0] : vector<128x128xf32> -> vector<128x128xf32>
        %reshape3A_163 = vector.shape_cast %transpose3A_162 : vector<128x128xf32> to vector<16x8x128xf32>
        %slice3A_164 = vector.extract_strided_slice %reshape3A_163 {offsets = [0, 0, 0], sizes = [1, 8, 128], strides = [1, 1, 1]} : vector<16x8x128xf32> to vector<1x8x128xf32>
        %squeeze3A_165 = vector.shape_cast %slice3A_164 : vector<1x8x128xf32> to vector<8x128xf32>
        %slice3A_166 = vector.extract_strided_slice %reshape3A_163 {offsets = [1, 0, 0], sizes = [1, 8, 128], strides = [1, 1, 1]} : vector<16x8x128xf32> to vector<1x8x128xf32>
        %squeeze3A_167 = vector.shape_cast %slice3A_166 : vector<1x8x128xf32> to vector<8x128xf32>
        %add3A_168 = arith.addf %squeeze3A_165, %squeeze3A_167 : vector<8x128xf32>
        %slice3A_169 = vector.extract_strided_slice %reshape3A_163 {offsets = [2, 0, 0], sizes = [1, 8, 128], strides = [1, 1, 1]} : vector<16x8x128xf32> to vector<1x8x128xf32>
        %squeeze3A_170 = vector.shape_cast %slice3A_169 : vector<1x8x128xf32> to vector<8x128xf32>
        %add3A_171 = arith.addf %add3A_168, %squeeze3A_170 : vector<8x128xf32>
        %slice3A_172 = vector.extract_strided_slice %reshape3A_163 {offsets = [3, 0, 0], sizes = [1, 8, 128], strides = [1, 1, 1]} : vector<16x8x128xf32> to vector<1x8x128xf32>
        %squeeze3A_173 = vector.shape_cast %slice3A_172 : vector<1x8x128xf32> to vector<8x128xf32>
        %add3A_174 = arith.addf %add3A_171, %squeeze3A_173 : vector<8x128xf32>
        %slice3A_175 = vector.extract_strided_slice %reshape3A_163 {offsets = [4, 0, 0], sizes = [1, 8, 128], strides = [1, 1, 1]} : vector<16x8x128xf32> to vector<1x8x128xf32>
        %squeeze3A_176 = vector.shape_cast %slice3A_175 : vector<1x8x128xf32> to vector<8x128xf32>
        %add3A_177 = arith.addf %add3A_174, %squeeze3A_176 : vector<8x128xf32>
        %slice3A_178 = vector.extract_strided_slice %reshape3A_163 {offsets = [5, 0, 0], sizes = [1, 8, 128], strides = [1, 1, 1]} : vector<16x8x128xf32> to vector<1x8x128xf32>
        %squeeze3A_179 = vector.shape_cast %slice3A_178 : vector<1x8x128xf32> to vector<8x128xf32>
        %add3A_180 = arith.addf %add3A_177, %squeeze3A_179 : vector<8x128xf32>
        %slice3A_181 = vector.extract_strided_slice %reshape3A_163 {offsets = [6, 0, 0], sizes = [1, 8, 128], strides = [1, 1, 1]} : vector<16x8x128xf32> to vector<1x8x128xf32>
        %squeeze3A_182 = vector.shape_cast %slice3A_181 : vector<1x8x128xf32> to vector<8x128xf32>
        %add3A_183 = arith.addf %add3A_180, %squeeze3A_182 : vector<8x128xf32>
        %slice3A_184 = vector.extract_strided_slice %reshape3A_163 {offsets = [7, 0, 0], sizes = [1, 8, 128], strides = [1, 1, 1]} : vector<16x8x128xf32> to vector<1x8x128xf32>
        %squeeze3A_185 = vector.shape_cast %slice3A_184 : vector<1x8x128xf32> to vector<8x128xf32>
        %add3A_186 = arith.addf %add3A_183, %squeeze3A_185 : vector<8x128xf32>
        %slice3A_187 = vector.extract_strided_slice %reshape3A_163 {offsets = [8, 0, 0], sizes = [1, 8, 128], strides = [1, 1, 1]} : vector<16x8x128xf32> to vector<1x8x128xf32>
        %squeeze3A_188 = vector.shape_cast %slice3A_187 : vector<1x8x128xf32> to vector<8x128xf32>
        %add3A_189 = arith.addf %add3A_186, %squeeze3A_188 : vector<8x128xf32>
        %slice3A_190 = vector.extract_strided_slice %reshape3A_163 {offsets = [9, 0, 0], sizes = [1, 8, 128], strides = [1, 1, 1]} : vector<16x8x128xf32> to vector<1x8x128xf32>
        %squeeze3A_191 = vector.shape_cast %slice3A_190 : vector<1x8x128xf32> to vector<8x128xf32>
        %add3A_192 = arith.addf %add3A_189, %squeeze3A_191 : vector<8x128xf32>
        %slice3A_193 = vector.extract_strided_slice %reshape3A_163 {offsets = [10, 0, 0], sizes = [1, 8, 128], strides = [1, 1, 1]} : vector<16x8x128xf32> to vector<1x8x128xf32>
        %squeeze3A_194 = vector.shape_cast %slice3A_193 : vector<1x8x128xf32> to vector<8x128xf32>
        %add3A_195 = arith.addf %add3A_192, %squeeze3A_194 : vector<8x128xf32>
        %slice3A_196 = vector.extract_strided_slice %reshape3A_163 {offsets = [11, 0, 0], sizes = [1, 8, 128], strides = [1, 1, 1]} : vector<16x8x128xf32> to vector<1x8x128xf32>
        %squeeze3A_197 = vector.shape_cast %slice3A_196 : vector<1x8x128xf32> to vector<8x128xf32>
        %add3A_198 = arith.addf %add3A_195, %squeeze3A_197 : vector<8x128xf32>
        %slice3A_199 = vector.extract_strided_slice %reshape3A_163 {offsets = [12, 0, 0], sizes = [1, 8, 128], strides = [1, 1, 1]} : vector<16x8x128xf32> to vector<1x8x128xf32>
        %squeeze3A_200 = vector.shape_cast %slice3A_199 : vector<1x8x128xf32> to vector<8x128xf32>
        %add3A_201 = arith.addf %add3A_198, %squeeze3A_200 : vector<8x128xf32>
        %slice3A_202 = vector.extract_strided_slice %reshape3A_163 {offsets = [13, 0, 0], sizes = [1, 8, 128], strides = [1, 1, 1]} : vector<16x8x128xf32> to vector<1x8x128xf32>
        %squeeze3A_203 = vector.shape_cast %slice3A_202 : vector<1x8x128xf32> to vector<8x128xf32>
        %add3A_204 = arith.addf %add3A_201, %squeeze3A_203 : vector<8x128xf32>
        %slice3A_205 = vector.extract_strided_slice %reshape3A_163 {offsets = [14, 0, 0], sizes = [1, 8, 128], strides = [1, 1, 1]} : vector<16x8x128xf32> to vector<1x8x128xf32>
        %squeeze3A_206 = vector.shape_cast %slice3A_205 : vector<1x8x128xf32> to vector<8x128xf32>
        %add3A_207 = arith.addf %add3A_204, %squeeze3A_206 : vector<8x128xf32>
        %slice3A_208 = vector.extract_strided_slice %reshape3A_163 {offsets = [15, 0, 0], sizes = [1, 8, 128], strides = [1, 1, 1]} : vector<16x8x128xf32> to vector<1x8x128xf32>
        %squeeze3A_209 = vector.shape_cast %slice3A_208 : vector<1x8x128xf32> to vector<8x128xf32>
        %add3A_210 = arith.addf %add3A_207, %squeeze3A_209 : vector<8x128xf32>
        %slice3A_211 = vector.extract_strided_slice %add3A_210 {offsets = [4, 0], sizes = [4, 128], strides = [1, 1]} : vector<8x128xf32> to vector<4x128xf32>
        %slice3A_212 = vector.extract_strided_slice %add3A_210 {offsets = [0, 0], sizes = [4, 128], strides = [1, 1]} : vector<8x128xf32> to vector<4x128xf32>
        %add3A_213 = arith.addf %slice3A_211, %slice3A_212 : vector<4x128xf32>
        %slice3A_214 = vector.extract_strided_slice %add3A_213 {offsets = [2, 0], sizes = [2, 128], strides = [1, 1]} : vector<4x128xf32> to vector<2x128xf32>
        %slice3A_215 = vector.extract_strided_slice %add3A_213 {offsets = [0, 0], sizes = [2, 128], strides = [1, 1]} : vector<4x128xf32> to vector<2x128xf32>
        %add3A_216 = arith.addf %slice3A_214, %slice3A_215 : vector<2x128xf32>
        %slice3A_217 = vector.extract_strided_slice %add3A_216 {offsets = [1, 0], sizes = [1, 128], strides = [1, 1]} : vector<2x128xf32> to vector<1x128xf32>
        %slice3A_218 = vector.extract_strided_slice %add3A_216 {offsets = [0, 0], sizes = [1, 128], strides = [1, 1]} : vector<2x128xf32> to vector<1x128xf32>
        %add3A_219 = arith.addf %slice3A_217, %slice3A_218 : vector<1x128xf32>
        %add3A_220 = arith.addf %add3A_160, %add3A_219 : vector<1x128xf32>
        %sqrt3A = math.sqrt %add3A_220 : vector<1x128xf32>
        %get3A_221 = arith.index_cast %scan3A_91 : i32 to index
        %get3A_222 = arith.constant 0 : index
        %get3A_223 = arith.constant 0 : index
        %get3A_224 = vector.load %arg3[%get3A_221, %get3A_222, %get3A_223] : memref<128x1x128xf32, #tpu.memory_space<vmem>>, vector<1x1x128xf32>
        %get3A_225 = vector.shape_cast %get3A_224 : vector<1x1x128xf32> to vector<1x128xf32>
        %gt3A = arith.constant 0.000000e+00 : f32
        %gt3A_226 = vector.broadcast %gt3A : f32 to vector<1x128xf32>
        %gt3A_227 = arith.cmpf ogt, %get3A_225, %gt3A_226 : vector<1x128xf32>
        %jit3A_228 = arith.constant 0x7F800000 : f32
        %broadcast_in_dim3A_229 = vector.broadcast %jit3A_228 : f32 to vector<1x128xf32>
        %select_n3A_230 = arith.select %gt3A_227, %broadcast_in_dim3A_229, %sqrt3A : vector<1x128xi1>, vector<1x128xf32>
        %reduce_min3A = vector.shape_cast %select_n3A_230 : vector<1x128xf32> to vector<1x1x128xf32>
        %reduce_min3A_231 = arith.constant dense<0x7F800000> : vector<1xf32>
        %reduce_min3A_232 = vector.multi_reduction <minimumf>, %reduce_min3A, %reduce_min3A_231 [1, 2] : vector<1x1x128xf32> to vector<1xf32>
        %reduce_min3A_233 = vector.shape_cast %reduce_min3A_232 : vector<1xf32> to vector<1x1x1xf32>
        %reduce_min3A_234 = vector.extract %reduce_min3A_233[0, 0, 0] : f32 from vector<1x1x1xf32>
        %eq3A_235 = vector.broadcast %reduce_min3A_234 : f32 to vector<1x128xf32>
        %eq3A_236 = arith.cmpf oeq, %select_n3A_230, %eq3A_235 : vector<1x128xf32>
        %jit3A_237 = arith.constant 16384 : i32
        %broadcast_in_dim3A_238 = vector.broadcast %jit3A_237 : i32 to vector<1x128xi32>
        %select_n3A_239 = arith.select %eq3A_236, %iota3A, %broadcast_in_dim3A_238 : vector<1x128xi1>, vector<1x128xi32>
        %reduce_min3A_240 = vector.shape_cast %select_n3A_239 : vector<1x128xi32> to vector<1x1x128xi32>
        %reduce_min3A_241 = arith.constant dense<2147483647> : vector<1xi32>
        %reduce_min3A_242 = vector.multi_reduction <minsi>, %reduce_min3A_240, %reduce_min3A_241 [1, 2] : vector<1x1x128xi32> to vector<1xi32>
        %reduce_min3A_243 = vector.shape_cast %reduce_min3A_242 : vector<1xi32> to vector<1x1x1xi32>
        %reduce_min3A_244 = vector.extract %reduce_min3A_243[0, 0, 0] : i32 from vector<1x1x1xi32>
        %lt3A = arith.cmpf olt, %reduce_min3A_234, %scan3A_92 : f32
        %select_n3A_245 = arith.select %lt3A, %reduce_min3A_234, %scan3A_92 : f32
        %mul3A_246 = arith.constant 128 : i32
        %mul3A_247 = arith.muli %scan3A_91, %mul3A_246 : i32
        %add3A_248 = arith.addi %mul3A_247, %reduce_min3A_244 : i32
        %select_n3A_249 = arith.select %lt3A, %add3A_248, %scan3A_93 : i32
        %scan3A_250 = arith.constant 1 : i32
        %scan3A_251 = arith.addi %scan3A_91, %scan3A_250 : i32
        %get3A_252 = arith.index_cast %scan3A_251 : i32 to index
        %get3A_253 = arith.constant 0 : index
        %get3A_254 = arith.constant 0 : index
        %get3A_255 = vector.load %arg0[%get3A_252, %get3A_253, %get3A_254] : memref<128x128x256xf32, #tpu.memory_space<vmem>>, vector<1x128x256xf32>
        %get3A_256 = vector.shape_cast %get3A_255 : vector<1x128x256xf32> to vector<128x256xf32>
        %add3A_257 = vector.broadcast %scan3A_24 : vector<1x256xf32> to vector<128x256xf32>
        %add3A_258 = arith.addf %get3A_256, %add3A_257 : vector<128x256xf32>
        %mul3A_259 = vector.broadcast %div3A_28 : f32 to vector<128x256xf32>
        %mul3A_260 = arith.mulf %mul3A_259, %add3A_258 : vector<128x256xf32>
        %sub3A_261 = vector.broadcast %get3A_1 : vector<1x256xf32> to vector<128x256xf32>
        %sub3A_262 = arith.subf %sub3A_261, %mul3A_260 : vector<128x256xf32>
        %mul3A_263 = arith.mulf %sub3A_262, %sub3A_262 : vector<128x256xf32>
        %slice3A_264 = vector.extract_strided_slice %mul3A_263 {offsets = [0, 0], sizes = [128, 128], strides = [1, 1]} : vector<128x256xf32> to vector<128x128xf32>
        %transpose3A_265 = tpu.transpose %slice3A_264, [1, 0] : vector<128x128xf32> -> vector<128x128xf32>
        %reshape3A_266 = vector.shape_cast %transpose3A_265 : vector<128x128xf32> to vector<16x8x128xf32>
        %slice3A_267 = vector.extract_strided_slice %reshape3A_266 {offsets = [0, 0, 0], sizes = [1, 8, 128], strides = [1, 1, 1]} : vector<16x8x128xf32> to vector<1x8x128xf32>
        %squeeze3A_268 = vector.shape_cast %slice3A_267 : vector<1x8x128xf32> to vector<8x128xf32>
        %slice3A_269 = vector.extract_strided_slice %reshape3A_266 {offsets = [1, 0, 0], sizes = [1, 8, 128], strides = [1, 1, 1]} : vector<16x8x128xf32> to vector<1x8x128xf32>
        %squeeze3A_270 = vector.shape_cast %slice3A_269 : vector<1x8x128xf32> to vector<8x128xf32>
        %add3A_271 = arith.addf %squeeze3A_268, %squeeze3A_270 : vector<8x128xf32>
        %slice3A_272 = vector.extract_strided_slice %reshape3A_266 {offsets = [2, 0, 0], sizes = [1, 8, 128], strides = [1, 1, 1]} : vector<16x8x128xf32> to vector<1x8x128xf32>
        %squeeze3A_273 = vector.shape_cast %slice3A_272 : vector<1x8x128xf32> to vector<8x128xf32>
        %add3A_274 = arith.addf %add3A_271, %squeeze3A_273 : vector<8x128xf32>
        %slice3A_275 = vector.extract_strided_slice %reshape3A_266 {offsets = [3, 0, 0], sizes = [1, 8, 128], strides = [1, 1, 1]} : vector<16x8x128xf32> to vector<1x8x128xf32>
        %squeeze3A_276 = vector.shape_cast %slice3A_275 : vector<1x8x128xf32> to vector<8x128xf32>
        %add3A_277 = arith.addf %add3A_274, %squeeze3A_276 : vector<8x128xf32>
        %slice3A_278 = vector.extract_strided_slice %reshape3A_266 {offsets = [4, 0, 0], sizes = [1, 8, 128], strides = [1, 1, 1]} : vector<16x8x128xf32> to vector<1x8x128xf32>
        %squeeze3A_279 = vector.shape_cast %slice3A_278 : vector<1x8x128xf32> to vector<8x128xf32>
        %add3A_280 = arith.addf %add3A_277, %squeeze3A_279 : vector<8x128xf32>
        %slice3A_281 = vector.extract_strided_slice %reshape3A_266 {offsets = [5, 0, 0], sizes = [1, 8, 128], strides = [1, 1, 1]} : vector<16x8x128xf32> to vector<1x8x128xf32>
        %squeeze3A_282 = vector.shape_cast %slice3A_281 : vector<1x8x128xf32> to vector<8x128xf32>
        %add3A_283 = arith.addf %add3A_280, %squeeze3A_282 : vector<8x128xf32>
        %slice3A_284 = vector.extract_strided_slice %reshape3A_266 {offsets = [6, 0, 0], sizes = [1, 8, 128], strides = [1, 1, 1]} : vector<16x8x128xf32> to vector<1x8x128xf32>
        %squeeze3A_285 = vector.shape_cast %slice3A_284 : vector<1x8x128xf32> to vector<8x128xf32>
        %add3A_286 = arith.addf %add3A_283, %squeeze3A_285 : vector<8x128xf32>
        %slice3A_287 = vector.extract_strided_slice %reshape3A_266 {offsets = [7, 0, 0], sizes = [1, 8, 128], strides = [1, 1, 1]} : vector<16x8x128xf32> to vector<1x8x128xf32>
        %squeeze3A_288 = vector.shape_cast %slice3A_287 : vector<1x8x128xf32> to vector<8x128xf32>
        %add3A_289 = arith.addf %add3A_286, %squeeze3A_288 : vector<8x128xf32>
        %slice3A_290 = vector.extract_strided_slice %reshape3A_266 {offsets = [8, 0, 0], sizes = [1, 8, 128], strides = [1, 1, 1]} : vector<16x8x128xf32> to vector<1x8x128xf32>
        %squeeze3A_291 = vector.shape_cast %slice3A_290 : vector<1x8x128xf32> to vector<8x128xf32>
        %add3A_292 = arith.addf %add3A_289, %squeeze3A_291 : vector<8x128xf32>
        %slice3A_293 = vector.extract_strided_slice %reshape3A_266 {offsets = [9, 0, 0], sizes = [1, 8, 128], strides = [1, 1, 1]} : vector<16x8x128xf32> to vector<1x8x128xf32>
        %squeeze3A_294 = vector.shape_cast %slice3A_293 : vector<1x8x128xf32> to vector<8x128xf32>
        %add3A_295 = arith.addf %add3A_292, %squeeze3A_294 : vector<8x128xf32>
        %slice3A_296 = vector.extract_strided_slice %reshape3A_266 {offsets = [10, 0, 0], sizes = [1, 8, 128], strides = [1, 1, 1]} : vector<16x8x128xf32> to vector<1x8x128xf32>
        %squeeze3A_297 = vector.shape_cast %slice3A_296 : vector<1x8x128xf32> to vector<8x128xf32>
        %add3A_298 = arith.addf %add3A_295, %squeeze3A_297 : vector<8x128xf32>
        %slice3A_299 = vector.extract_strided_slice %reshape3A_266 {offsets = [11, 0, 0], sizes = [1, 8, 128], strides = [1, 1, 1]} : vector<16x8x128xf32> to vector<1x8x128xf32>
        %squeeze3A_300 = vector.shape_cast %slice3A_299 : vector<1x8x128xf32> to vector<8x128xf32>
        %add3A_301 = arith.addf %add3A_298, %squeeze3A_300 : vector<8x128xf32>
        %slice3A_302 = vector.extract_strided_slice %reshape3A_266 {offsets = [12, 0, 0], sizes = [1, 8, 128], strides = [1, 1, 1]} : vector<16x8x128xf32> to vector<1x8x128xf32>
        %squeeze3A_303 = vector.shape_cast %slice3A_302 : vector<1x8x128xf32> to vector<8x128xf32>
        %add3A_304 = arith.addf %add3A_301, %squeeze3A_303 : vector<8x128xf32>
        %slice3A_305 = vector.extract_strided_slice %reshape3A_266 {offsets = [13, 0, 0], sizes = [1, 8, 128], strides = [1, 1, 1]} : vector<16x8x128xf32> to vector<1x8x128xf32>
        %squeeze3A_306 = vector.shape_cast %slice3A_305 : vector<1x8x128xf32> to vector<8x128xf32>
        %add3A_307 = arith.addf %add3A_304, %squeeze3A_306 : vector<8x128xf32>
        %slice3A_308 = vector.extract_strided_slice %reshape3A_266 {offsets = [14, 0, 0], sizes = [1, 8, 128], strides = [1, 1, 1]} : vector<16x8x128xf32> to vector<1x8x128xf32>
        %squeeze3A_309 = vector.shape_cast %slice3A_308 : vector<1x8x128xf32> to vector<8x128xf32>
        %add3A_310 = arith.addf %add3A_307, %squeeze3A_309 : vector<8x128xf32>
        %slice3A_311 = vector.extract_strided_slice %reshape3A_266 {offsets = [15, 0, 0], sizes = [1, 8, 128], strides = [1, 1, 1]} : vector<16x8x128xf32> to vector<1x8x128xf32>
        %squeeze3A_312 = vector.shape_cast %slice3A_311 : vector<1x8x128xf32> to vector<8x128xf32>
        %add3A_313 = arith.addf %add3A_310, %squeeze3A_312 : vector<8x128xf32>
        %slice3A_314 = vector.extract_strided_slice %add3A_313 {offsets = [4, 0], sizes = [4, 128], strides = [1, 1]} : vector<8x128xf32> to vector<4x128xf32>
        %slice3A_315 = vector.extract_strided_slice %add3A_313 {offsets = [0, 0], sizes = [4, 128], strides = [1, 1]} : vector<8x128xf32> to vector<4x128xf32>
        %add3A_316 = arith.addf %slice3A_314, %slice3A_315 : vector<4x128xf32>
        %slice3A_317 = vector.extract_strided_slice %add3A_316 {offsets = [2, 0], sizes = [2, 128], strides = [1, 1]} : vector<4x128xf32> to vector<2x128xf32>
        %slice3A_318 = vector.extract_strided_slice %add3A_316 {offsets = [0, 0], sizes = [2, 128], strides = [1, 1]} : vector<4x128xf32> to vector<2x128xf32>
        %add3A_319 = arith.addf %slice3A_317, %slice3A_318 : vector<2x128xf32>
        %slice3A_320 = vector.extract_strided_slice %add3A_319 {offsets = [1, 0], sizes = [1, 128], strides = [1, 1]} : vector<2x128xf32> to vector<1x128xf32>
        %slice3A_321 = vector.extract_strided_slice %add3A_319 {offsets = [0, 0], sizes = [1, 128], strides = [1, 1]} : vector<2x128xf32> to vector<1x128xf32>
        %add3A_322 = arith.addf %slice3A_320, %slice3A_321 : vector<1x128xf32>
        %slice3A_323 = vector.extract_strided_slice %mul3A_263 {offsets = [0, 128], sizes = [128, 128], strides = [1, 1]} : vector<128x256xf32> to vector<128x128xf32>
        %transpose3A_324 = tpu.transpose %slice3A_323, [1, 0] : vector<128x128xf32> -> vector<128x128xf32>
        %reshape3A_325 = vector.shape_cast %transpose3A_324 : vector<128x128xf32> to vector<16x8x128xf32>
        %slice3A_326 = vector.extract_strided_slice %reshape3A_325 {offsets = [0, 0, 0], sizes = [1, 8, 128], strides = [1, 1, 1]} : vector<16x8x128xf32> to vector<1x8x128xf32>
        %squeeze3A_327 = vector.shape_cast %slice3A_326 : vector<1x8x128xf32> to vector<8x128xf32>
        %slice3A_328 = vector.extract_strided_slice %reshape3A_325 {offsets = [1, 0, 0], sizes = [1, 8, 128], strides = [1, 1, 1]} : vector<16x8x128xf32> to vector<1x8x128xf32>
        %squeeze3A_329 = vector.shape_cast %slice3A_328 : vector<1x8x128xf32> to vector<8x128xf32>
        %add3A_330 = arith.addf %squeeze3A_327, %squeeze3A_329 : vector<8x128xf32>
        %slice3A_331 = vector.extract_strided_slice %reshape3A_325 {offsets = [2, 0, 0], sizes = [1, 8, 128], strides = [1, 1, 1]} : vector<16x8x128xf32> to vector<1x8x128xf32>
        %squeeze3A_332 = vector.shape_cast %slice3A_331 : vector<1x8x128xf32> to vector<8x128xf32>
        %add3A_333 = arith.addf %add3A_330, %squeeze3A_332 : vector<8x128xf32>
        %slice3A_334 = vector.extract_strided_slice %reshape3A_325 {offsets = [3, 0, 0], sizes = [1, 8, 128], strides = [1, 1, 1]} : vector<16x8x128xf32> to vector<1x8x128xf32>
        %squeeze3A_335 = vector.shape_cast %slice3A_334 : vector<1x8x128xf32> to vector<8x128xf32>
        %add3A_336 = arith.addf %add3A_333, %squeeze3A_335 : vector<8x128xf32>
        %slice3A_337 = vector.extract_strided_slice %reshape3A_325 {offsets = [4, 0, 0], sizes = [1, 8, 128], strides = [1, 1, 1]} : vector<16x8x128xf32> to vector<1x8x128xf32>
        %squeeze3A_338 = vector.shape_cast %slice3A_337 : vector<1x8x128xf32> to vector<8x128xf32>
        %add3A_339 = arith.addf %add3A_336, %squeeze3A_338 : vector<8x128xf32>
        %slice3A_340 = vector.extract_strided_slice %reshape3A_325 {offsets = [5, 0, 0], sizes = [1, 8, 128], strides = [1, 1, 1]} : vector<16x8x128xf32> to vector<1x8x128xf32>
        %squeeze3A_341 = vector.shape_cast %slice3A_340 : vector<1x8x128xf32> to vector<8x128xf32>
        %add3A_342 = arith.addf %add3A_339, %squeeze3A_341 : vector<8x128xf32>
        %slice3A_343 = vector.extract_strided_slice %reshape3A_325 {offsets = [6, 0, 0], sizes = [1, 8, 128], strides = [1, 1, 1]} : vector<16x8x128xf32> to vector<1x8x128xf32>
        %squeeze3A_344 = vector.shape_cast %slice3A_343 : vector<1x8x128xf32> to vector<8x128xf32>
        %add3A_345 = arith.addf %add3A_342, %squeeze3A_344 : vector<8x128xf32>
        %slice3A_346 = vector.extract_strided_slice %reshape3A_325 {offsets = [7, 0, 0], sizes = [1, 8, 128], strides = [1, 1, 1]} : vector<16x8x128xf32> to vector<1x8x128xf32>
        %squeeze3A_347 = vector.shape_cast %slice3A_346 : vector<1x8x128xf32> to vector<8x128xf32>
        %add3A_348 = arith.addf %add3A_345, %squeeze3A_347 : vector<8x128xf32>
        %slice3A_349 = vector.extract_strided_slice %reshape3A_325 {offsets = [8, 0, 0], sizes = [1, 8, 128], strides = [1, 1, 1]} : vector<16x8x128xf32> to vector<1x8x128xf32>
        %squeeze3A_350 = vector.shape_cast %slice3A_349 : vector<1x8x128xf32> to vector<8x128xf32>
        %add3A_351 = arith.addf %add3A_348, %squeeze3A_350 : vector<8x128xf32>
        %slice3A_352 = vector.extract_strided_slice %reshape3A_325 {offsets = [9, 0, 0], sizes = [1, 8, 128], strides = [1, 1, 1]} : vector<16x8x128xf32> to vector<1x8x128xf32>
        %squeeze3A_353 = vector.shape_cast %slice3A_352 : vector<1x8x128xf32> to vector<8x128xf32>
        %add3A_354 = arith.addf %add3A_351, %squeeze3A_353 : vector<8x128xf32>
        %slice3A_355 = vector.extract_strided_slice %reshape3A_325 {offsets = [10, 0, 0], sizes = [1, 8, 128], strides = [1, 1, 1]} : vector<16x8x128xf32> to vector<1x8x128xf32>
        %squeeze3A_356 = vector.shape_cast %slice3A_355 : vector<1x8x128xf32> to vector<8x128xf32>
        %add3A_357 = arith.addf %add3A_354, %squeeze3A_356 : vector<8x128xf32>
        %slice3A_358 = vector.extract_strided_slice %reshape3A_325 {offsets = [11, 0, 0], sizes = [1, 8, 128], strides = [1, 1, 1]} : vector<16x8x128xf32> to vector<1x8x128xf32>
        %squeeze3A_359 = vector.shape_cast %slice3A_358 : vector<1x8x128xf32> to vector<8x128xf32>
        %add3A_360 = arith.addf %add3A_357, %squeeze3A_359 : vector<8x128xf32>
        %slice3A_361 = vector.extract_strided_slice %reshape3A_325 {offsets = [12, 0, 0], sizes = [1, 8, 128], strides = [1, 1, 1]} : vector<16x8x128xf32> to vector<1x8x128xf32>
        %squeeze3A_362 = vector.shape_cast %slice3A_361 : vector<1x8x128xf32> to vector<8x128xf32>
        %add3A_363 = arith.addf %add3A_360, %squeeze3A_362 : vector<8x128xf32>
        %slice3A_364 = vector.extract_strided_slice %reshape3A_325 {offsets = [13, 0, 0], sizes = [1, 8, 128], strides = [1, 1, 1]} : vector<16x8x128xf32> to vector<1x8x128xf32>
        %squeeze3A_365 = vector.shape_cast %slice3A_364 : vector<1x8x128xf32> to vector<8x128xf32>
        %add3A_366 = arith.addf %add3A_363, %squeeze3A_365 : vector<8x128xf32>
        %slice3A_367 = vector.extract_strided_slice %reshape3A_325 {offsets = [14, 0, 0], sizes = [1, 8, 128], strides = [1, 1, 1]} : vector<16x8x128xf32> to vector<1x8x128xf32>
        %squeeze3A_368 = vector.shape_cast %slice3A_367 : vector<1x8x128xf32> to vector<8x128xf32>
        %add3A_369 = arith.addf %add3A_366, %squeeze3A_368 : vector<8x128xf32>
        %slice3A_370 = vector.extract_strided_slice %reshape3A_325 {offsets = [15, 0, 0], sizes = [1, 8, 128], strides = [1, 1, 1]} : vector<16x8x128xf32> to vector<1x8x128xf32>
        %squeeze3A_371 = vector.shape_cast %slice3A_370 : vector<1x8x128xf32> to vector<8x128xf32>
        %add3A_372 = arith.addf %add3A_369, %squeeze3A_371 : vector<8x128xf32>
        %slice3A_373 = vector.extract_strided_slice %add3A_372 {offsets = [4, 0], sizes = [4, 128], strides = [1, 1]} : vector<8x128xf32> to vector<4x128xf32>
        %slice3A_374 = vector.extract_strided_slice %add3A_372 {offsets = [0, 0], sizes = [4, 128], strides = [1, 1]} : vector<8x128xf32> to vector<4x128xf32>
        %add3A_375 = arith.addf %slice3A_373, %slice3A_374 : vector<4x128xf32>
        %slice3A_376 = vector.extract_strided_slice %add3A_375 {offsets = [2, 0], sizes = [2, 128], strides = [1, 1]} : vector<4x128xf32> to vector<2x128xf32>
        %slice3A_377 = vector.extract_strided_slice %add3A_375 {offsets = [0, 0], sizes = [2, 128], strides = [1, 1]} : vector<4x128xf32> to vector<2x128xf32>
        %add3A_378 = arith.addf %slice3A_376, %slice3A_377 : vector<2x128xf32>
        %slice3A_379 = vector.extract_strided_slice %add3A_378 {offsets = [1, 0], sizes = [1, 128], strides = [1, 1]} : vector<2x128xf32> to vector<1x128xf32>
        %slice3A_380 = vector.extract_strided_slice %add3A_378 {offsets = [0, 0], sizes = [1, 128], strides = [1, 1]} : vector<2x128xf32> to vector<1x128xf32>
        %add3A_381 = arith.addf %slice3A_379, %slice3A_380 : vector<1x128xf32>
        %add3A_382 = arith.addf %add3A_322, %add3A_381 : vector<1x128xf32>
        %sqrt3A_383 = math.sqrt %add3A_382 : vector<1x128xf32>
        %get3A_384 = arith.index_cast %scan3A_251 : i32 to index
        %get3A_385 = arith.constant 0 : index
        %get3A_386 = arith.constant 0 : index
        %get3A_387 = vector.load %arg3[%get3A_384, %get3A_385, %get3A_386] : memref<128x1x128xf32, #tpu.memory_space<vmem>>, vector<1x1x128xf32>
        %get3A_388 = vector.shape_cast %get3A_387 : vector<1x1x128xf32> to vector<1x128xf32>
        %gt3A_389 = arith.constant 0.000000e+00 : f32
        %gt3A_390 = vector.broadcast %gt3A_389 : f32 to vector<1x128xf32>
        %gt3A_391 = arith.cmpf ogt, %get3A_388, %gt3A_390 : vector<1x128xf32>
        %jit3A_392 = arith.constant 0x7F800000 : f32
        %broadcast_in_dim3A_393 = vector.broadcast %jit3A_392 : f32 to vector<1x128xf32>
        %select_n3A_394 = arith.select %gt3A_391, %broadcast_in_dim3A_393, %sqrt3A_383 : vector<1x128xi1>, vector<1x128xf32>
        %reduce_min3A_395 = vector.shape_cast %select_n3A_394 : vector<1x128xf32> to vector<1x1x128xf32>
        %reduce_min3A_396 = arith.constant dense<0x7F800000> : vector<1xf32>
        %reduce_min3A_397 = vector.multi_reduction <minimumf>, %reduce_min3A_395, %reduce_min3A_396 [1, 2] : vector<1x1x128xf32> to vector<1xf32>
        %reduce_min3A_398 = vector.shape_cast %reduce_min3A_397 : vector<1xf32> to vector<1x1x1xf32>
        %reduce_min3A_399 = vector.extract %reduce_min3A_398[0, 0, 0] : f32 from vector<1x1x1xf32>
        %eq3A_400 = vector.broadcast %reduce_min3A_399 : f32 to vector<1x128xf32>
        %eq3A_401 = arith.cmpf oeq, %select_n3A_394, %eq3A_400 : vector<1x128xf32>
        %jit3A_402 = arith.constant 16384 : i32
        %broadcast_in_dim3A_403 = vector.broadcast %jit3A_402 : i32 to vector<1x128xi32>
        %select_n3A_404 = arith.select %eq3A_401, %iota3A, %broadcast_in_dim3A_403 : vector<1x128xi1>, vector<1x128xi32>
        %reduce_min3A_405 = vector.shape_cast %select_n3A_404 : vector<1x128xi32> to vector<1x1x128xi32>
        %reduce_min3A_406 = arith.constant dense<2147483647> : vector<1xi32>
        %reduce_min3A_407 = vector.multi_reduction <minsi>, %reduce_min3A_405, %reduce_min3A_406 [1, 2] : vector<1x1x128xi32> to vector<1xi32>
        %reduce_min3A_408 = vector.shape_cast %reduce_min3A_407 : vector<1xi32> to vector<1x1x1xi32>
        %reduce_min3A_409 = vector.extract %reduce_min3A_408[0, 0, 0] : i32 from vector<1x1x1xi32>
        %lt3A_410 = arith.cmpf olt, %reduce_min3A_399, %select_n3A_245 : f32
        %select_n3A_411 = arith.select %lt3A_410, %reduce_min3A_399, %select_n3A_245 : f32
        %mul3A_412 = arith.constant 128 : i32
        %mul3A_413 = arith.muli %scan3A_251, %mul3A_412 : i32
        %add3A_414 = arith.addi %mul3A_413, %reduce_min3A_409 : i32
        %select_n3A_415 = arith.select %lt3A_410, %add3A_414, %select_n3A_249 : i32
        %scan3A_416 = arith.constant 2 : i32
        %scan3A_417 = arith.addi %scan3A_91, %scan3A_416 : i32
        %get3A_418 = arith.index_cast %scan3A_417 : i32 to index
        %get3A_419 = arith.constant 0 : index
        %get3A_420 = arith.constant 0 : index
        %get3A_421 = vector.load %arg0[%get3A_418, %get3A_419, %get3A_420] : memref<128x128x256xf32, #tpu.memory_space<vmem>>, vector<1x128x256xf32>
        %get3A_422 = vector.shape_cast %get3A_421 : vector<1x128x256xf32> to vector<128x256xf32>
        %add3A_423 = vector.broadcast %scan3A_24 : vector<1x256xf32> to vector<128x256xf32>
        %add3A_424 = arith.addf %get3A_422, %add3A_423 : vector<128x256xf32>
        %mul3A_425 = vector.broadcast %div3A_28 : f32 to vector<128x256xf32>
        %mul3A_426 = arith.mulf %mul3A_425, %add3A_424 : vector<128x256xf32>
        %sub3A_427 = vector.broadcast %get3A_1 : vector<1x256xf32> to vector<128x256xf32>
        %sub3A_428 = arith.subf %sub3A_427, %mul3A_426 : vector<128x256xf32>
        %mul3A_429 = arith.mulf %sub3A_428, %sub3A_428 : vector<128x256xf32>
        %slice3A_430 = vector.extract_strided_slice %mul3A_429 {offsets = [0, 0], sizes = [128, 128], strides = [1, 1]} : vector<128x256xf32> to vector<128x128xf32>
        %transpose3A_431 = tpu.transpose %slice3A_430, [1, 0] : vector<128x128xf32> -> vector<128x128xf32>
        %reshape3A_432 = vector.shape_cast %transpose3A_431 : vector<128x128xf32> to vector<16x8x128xf32>
        %slice3A_433 = vector.extract_strided_slice %reshape3A_432 {offsets = [0, 0, 0], sizes = [1, 8, 128], strides = [1, 1, 1]} : vector<16x8x128xf32> to vector<1x8x128xf32>
        %squeeze3A_434 = vector.shape_cast %slice3A_433 : vector<1x8x128xf32> to vector<8x128xf32>
        %slice3A_435 = vector.extract_strided_slice %reshape3A_432 {offsets = [1, 0, 0], sizes = [1, 8, 128], strides = [1, 1, 1]} : vector<16x8x128xf32> to vector<1x8x128xf32>
        %squeeze3A_436 = vector.shape_cast %slice3A_435 : vector<1x8x128xf32> to vector<8x128xf32>
        %add3A_437 = arith.addf %squeeze3A_434, %squeeze3A_436 : vector<8x128xf32>
        %slice3A_438 = vector.extract_strided_slice %reshape3A_432 {offsets = [2, 0, 0], sizes = [1, 8, 128], strides = [1, 1, 1]} : vector<16x8x128xf32> to vector<1x8x128xf32>
        %squeeze3A_439 = vector.shape_cast %slice3A_438 : vector<1x8x128xf32> to vector<8x128xf32>
        %add3A_440 = arith.addf %add3A_437, %squeeze3A_439 : vector<8x128xf32>
        %slice3A_441 = vector.extract_strided_slice %reshape3A_432 {offsets = [3, 0, 0], sizes = [1, 8, 128], strides = [1, 1, 1]} : vector<16x8x128xf32> to vector<1x8x128xf32>
        %squeeze3A_442 = vector.shape_cast %slice3A_441 : vector<1x8x128xf32> to vector<8x128xf32>
        %add3A_443 = arith.addf %add3A_440, %squeeze3A_442 : vector<8x128xf32>
        %slice3A_444 = vector.extract_strided_slice %reshape3A_432 {offsets = [4, 0, 0], sizes = [1, 8, 128], strides = [1, 1, 1]} : vector<16x8x128xf32> to vector<1x8x128xf32>
        %squeeze3A_445 = vector.shape_cast %slice3A_444 : vector<1x8x128xf32> to vector<8x128xf32>
        %add3A_446 = arith.addf %add3A_443, %squeeze3A_445 : vector<8x128xf32>
        %slice3A_447 = vector.extract_strided_slice %reshape3A_432 {offsets = [5, 0, 0], sizes = [1, 8, 128], strides = [1, 1, 1]} : vector<16x8x128xf32> to vector<1x8x128xf32>
        %squeeze3A_448 = vector.shape_cast %slice3A_447 : vector<1x8x128xf32> to vector<8x128xf32>
        %add3A_449 = arith.addf %add3A_446, %squeeze3A_448 : vector<8x128xf32>
        %slice3A_450 = vector.extract_strided_slice %reshape3A_432 {offsets = [6, 0, 0], sizes = [1, 8, 128], strides = [1, 1, 1]} : vector<16x8x128xf32> to vector<1x8x128xf32>
        %squeeze3A_451 = vector.shape_cast %slice3A_450 : vector<1x8x128xf32> to vector<8x128xf32>
        %add3A_452 = arith.addf %add3A_449, %squeeze3A_451 : vector<8x128xf32>
        %slice3A_453 = vector.extract_strided_slice %reshape3A_432 {offsets = [7, 0, 0], sizes = [1, 8, 128], strides = [1, 1, 1]} : vector<16x8x128xf32> to vector<1x8x128xf32>
        %squeeze3A_454 = vector.shape_cast %slice3A_453 : vector<1x8x128xf32> to vector<8x128xf32>
        %add3A_455 = arith.addf %add3A_452, %squeeze3A_454 : vector<8x128xf32>
        %slice3A_456 = vector.extract_strided_slice %reshape3A_432 {offsets = [8, 0, 0], sizes = [1, 8, 128], strides = [1, 1, 1]} : vector<16x8x128xf32> to vector<1x8x128xf32>
        %squeeze3A_457 = vector.shape_cast %slice3A_456 : vector<1x8x128xf32> to vector<8x128xf32>
        %add3A_458 = arith.addf %add3A_455, %squeeze3A_457 : vector<8x128xf32>
        %slice3A_459 = vector.extract_strided_slice %reshape3A_432 {offsets = [9, 0, 0], sizes = [1, 8, 128], strides = [1, 1, 1]} : vector<16x8x128xf32> to vector<1x8x128xf32>
        %squeeze3A_460 = vector.shape_cast %slice3A_459 : vector<1x8x128xf32> to vector<8x128xf32>
        %add3A_461 = arith.addf %add3A_458, %squeeze3A_460 : vector<8x128xf32>
        %slice3A_462 = vector.extract_strided_slice %reshape3A_432 {offsets = [10, 0, 0], sizes = [1, 8, 128], strides = [1, 1, 1]} : vector<16x8x128xf32> to vector<1x8x128xf32>
        %squeeze3A_463 = vector.shape_cast %slice3A_462 : vector<1x8x128xf32> to vector<8x128xf32>
        %add3A_464 = arith.addf %add3A_461, %squeeze3A_463 : vector<8x128xf32>
        %slice3A_465 = vector.extract_strided_slice %reshape3A_432 {offsets = [11, 0, 0], sizes = [1, 8, 128], strides = [1, 1, 1]} : vector<16x8x128xf32> to vector<1x8x128xf32>
        %squeeze3A_466 = vector.shape_cast %slice3A_465 : vector<1x8x128xf32> to vector<8x128xf32>
        %add3A_467 = arith.addf %add3A_464, %squeeze3A_466 : vector<8x128xf32>
        %slice3A_468 = vector.extract_strided_slice %reshape3A_432 {offsets = [12, 0, 0], sizes = [1, 8, 128], strides = [1, 1, 1]} : vector<16x8x128xf32> to vector<1x8x128xf32>
        %squeeze3A_469 = vector.shape_cast %slice3A_468 : vector<1x8x128xf32> to vector<8x128xf32>
        %add3A_470 = arith.addf %add3A_467, %squeeze3A_469 : vector<8x128xf32>
        %slice3A_471 = vector.extract_strided_slice %reshape3A_432 {offsets = [13, 0, 0], sizes = [1, 8, 128], strides = [1, 1, 1]} : vector<16x8x128xf32> to vector<1x8x128xf32>
        %squeeze3A_472 = vector.shape_cast %slice3A_471 : vector<1x8x128xf32> to vector<8x128xf32>
        %add3A_473 = arith.addf %add3A_470, %squeeze3A_472 : vector<8x128xf32>
        %slice3A_474 = vector.extract_strided_slice %reshape3A_432 {offsets = [14, 0, 0], sizes = [1, 8, 128], strides = [1, 1, 1]} : vector<16x8x128xf32> to vector<1x8x128xf32>
        %squeeze3A_475 = vector.shape_cast %slice3A_474 : vector<1x8x128xf32> to vector<8x128xf32>
        %add3A_476 = arith.addf %add3A_473, %squeeze3A_475 : vector<8x128xf32>
        %slice3A_477 = vector.extract_strided_slice %reshape3A_432 {offsets = [15, 0, 0], sizes = [1, 8, 128], strides = [1, 1, 1]} : vector<16x8x128xf32> to vector<1x8x128xf32>
        %squeeze3A_478 = vector.shape_cast %slice3A_477 : vector<1x8x128xf32> to vector<8x128xf32>
        %add3A_479 = arith.addf %add3A_476, %squeeze3A_478 : vector<8x128xf32>
        %slice3A_480 = vector.extract_strided_slice %add3A_479 {offsets = [4, 0], sizes = [4, 128], strides = [1, 1]} : vector<8x128xf32> to vector<4x128xf32>
        %slice3A_481 = vector.extract_strided_slice %add3A_479 {offsets = [0, 0], sizes = [4, 128], strides = [1, 1]} : vector<8x128xf32> to vector<4x128xf32>
        %add3A_482 = arith.addf %slice3A_480, %slice3A_481 : vector<4x128xf32>
        %slice3A_483 = vector.extract_strided_slice %add3A_482 {offsets = [2, 0], sizes = [2, 128], strides = [1, 1]} : vector<4x128xf32> to vector<2x128xf32>
        %slice3A_484 = vector.extract_strided_slice %add3A_482 {offsets = [0, 0], sizes = [2, 128], strides = [1, 1]} : vector<4x128xf32> to vector<2x128xf32>
        %add3A_485 = arith.addf %slice3A_483, %slice3A_484 : vector<2x128xf32>
        %slice3A_486 = vector.extract_strided_slice %add3A_485 {offsets = [1, 0], sizes = [1, 128], strides = [1, 1]} : vector<2x128xf32> to vector<1x128xf32>
        %slice3A_487 = vector.extract_strided_slice %add3A_485 {offsets = [0, 0], sizes = [1, 128], strides = [1, 1]} : vector<2x128xf32> to vector<1x128xf32>
        %add3A_488 = arith.addf %slice3A_486, %slice3A_487 : vector<1x128xf32>
        %slice3A_489 = vector.extract_strided_slice %mul3A_429 {offsets = [0, 128], sizes = [128, 128], strides = [1, 1]} : vector<128x256xf32> to vector<128x128xf32>
        %transpose3A_490 = tpu.transpose %slice3A_489, [1, 0] : vector<128x128xf32> -> vector<128x128xf32>
        %reshape3A_491 = vector.shape_cast %transpose3A_490 : vector<128x128xf32> to vector<16x8x128xf32>
        %slice3A_492 = vector.extract_strided_slice %reshape3A_491 {offsets = [0, 0, 0], sizes = [1, 8, 128], strides = [1, 1, 1]} : vector<16x8x128xf32> to vector<1x8x128xf32>
        %squeeze3A_493 = vector.shape_cast %slice3A_492 : vector<1x8x128xf32> to vector<8x128xf32>
        %slice3A_494 = vector.extract_strided_slice %reshape3A_491 {offsets = [1, 0, 0], sizes = [1, 8, 128], strides = [1, 1, 1]} : vector<16x8x128xf32> to vector<1x8x128xf32>
        %squeeze3A_495 = vector.shape_cast %slice3A_494 : vector<1x8x128xf32> to vector<8x128xf32>
        %add3A_496 = arith.addf %squeeze3A_493, %squeeze3A_495 : vector<8x128xf32>
        %slice3A_497 = vector.extract_strided_slice %reshape3A_491 {offsets = [2, 0, 0], sizes = [1, 8, 128], strides = [1, 1, 1]} : vector<16x8x128xf32> to vector<1x8x128xf32>
        %squeeze3A_498 = vector.shape_cast %slice3A_497 : vector<1x8x128xf32> to vector<8x128xf32>
        %add3A_499 = arith.addf %add3A_496, %squeeze3A_498 : vector<8x128xf32>
        %slice3A_500 = vector.extract_strided_slice %reshape3A_491 {offsets = [3, 0, 0], sizes = [1, 8, 128], strides = [1, 1, 1]} : vector<16x8x128xf32> to vector<1x8x128xf32>
        %squeeze3A_501 = vector.shape_cast %slice3A_500 : vector<1x8x128xf32> to vector<8x128xf32>
        %add3A_502 = arith.addf %add3A_499, %squeeze3A_501 : vector<8x128xf32>
        %slice3A_503 = vector.extract_strided_slice %reshape3A_491 {offsets = [4, 0, 0], sizes = [1, 8, 128], strides = [1, 1, 1]} : vector<16x8x128xf32> to vector<1x8x128xf32>
        %squeeze3A_504 = vector.shape_cast %slice3A_503 : vector<1x8x128xf32> to vector<8x128xf32>
        %add3A_505 = arith.addf %add3A_502, %squeeze3A_504 : vector<8x128xf32>
        %slice3A_506 = vector.extract_strided_slice %reshape3A_491 {offsets = [5, 0, 0], sizes = [1, 8, 128], strides = [1, 1, 1]} : vector<16x8x128xf32> to vector<1x8x128xf32>
        %squeeze3A_507 = vector.shape_cast %slice3A_506 : vector<1x8x128xf32> to vector<8x128xf32>
        %add3A_508 = arith.addf %add3A_505, %squeeze3A_507 : vector<8x128xf32>
        %slice3A_509 = vector.extract_strided_slice %reshape3A_491 {offsets = [6, 0, 0], sizes = [1, 8, 128], strides = [1, 1, 1]} : vector<16x8x128xf32> to vector<1x8x128xf32>
        %squeeze3A_510 = vector.shape_cast %slice3A_509 : vector<1x8x128xf32> to vector<8x128xf32>
        %add3A_511 = arith.addf %add3A_508, %squeeze3A_510 : vector<8x128xf32>
        %slice3A_512 = vector.extract_strided_slice %reshape3A_491 {offsets = [7, 0, 0], sizes = [1, 8, 128], strides = [1, 1, 1]} : vector<16x8x128xf32> to vector<1x8x128xf32>
        %squeeze3A_513 = vector.shape_cast %slice3A_512 : vector<1x8x128xf32> to vector<8x128xf32>
        %add3A_514 = arith.addf %add3A_511, %squeeze3A_513 : vector<8x128xf32>
        %slice3A_515 = vector.extract_strided_slice %reshape3A_491 {offsets = [8, 0, 0], sizes = [1, 8, 128], strides = [1, 1, 1]} : vector<16x8x128xf32> to vector<1x8x128xf32>
        %squeeze3A_516 = vector.shape_cast %slice3A_515 : vector<1x8x128xf32> to vector<8x128xf32>
        %add3A_517 = arith.addf %add3A_514, %squeeze3A_516 : vector<8x128xf32>
        %slice3A_518 = vector.extract_strided_slice %reshape3A_491 {offsets = [9, 0, 0], sizes = [1, 8, 128], strides = [1, 1, 1]} : vector<16x8x128xf32> to vector<1x8x128xf32>
        %squeeze3A_519 = vector.shape_cast %slice3A_518 : vector<1x8x128xf32> to vector<8x128xf32>
        %add3A_520 = arith.addf %add3A_517, %squeeze3A_519 : vector<8x128xf32>
        %slice3A_521 = vector.extract_strided_slice %reshape3A_491 {offsets = [10, 0, 0], sizes = [1, 8, 128], strides = [1, 1, 1]} : vector<16x8x128xf32> to vector<1x8x128xf32>
        %squeeze3A_522 = vector.shape_cast %slice3A_521 : vector<1x8x128xf32> to vector<8x128xf32>
        %add3A_523 = arith.addf %add3A_520, %squeeze3A_522 : vector<8x128xf32>
        %slice3A_524 = vector.extract_strided_slice %reshape3A_491 {offsets = [11, 0, 0], sizes = [1, 8, 128], strides = [1, 1, 1]} : vector<16x8x128xf32> to vector<1x8x128xf32>
        %squeeze3A_525 = vector.shape_cast %slice3A_524 : vector<1x8x128xf32> to vector<8x128xf32>
        %add3A_526 = arith.addf %add3A_523, %squeeze3A_525 : vector<8x128xf32>
        %slice3A_527 = vector.extract_strided_slice %reshape3A_491 {offsets = [12, 0, 0], sizes = [1, 8, 128], strides = [1, 1, 1]} : vector<16x8x128xf32> to vector<1x8x128xf32>
        %squeeze3A_528 = vector.shape_cast %slice3A_527 : vector<1x8x128xf32> to vector<8x128xf32>
        %add3A_529 = arith.addf %add3A_526, %squeeze3A_528 : vector<8x128xf32>
        %slice3A_530 = vector.extract_strided_slice %reshape3A_491 {offsets = [13, 0, 0], sizes = [1, 8, 128], strides = [1, 1, 1]} : vector<16x8x128xf32> to vector<1x8x128xf32>
        %squeeze3A_531 = vector.shape_cast %slice3A_530 : vector<1x8x128xf32> to vector<8x128xf32>
        %add3A_532 = arith.addf %add3A_529, %squeeze3A_531 : vector<8x128xf32>
        %slice3A_533 = vector.extract_strided_slice %reshape3A_491 {offsets = [14, 0, 0], sizes = [1, 8, 128], strides = [1, 1, 1]} : vector<16x8x128xf32> to vector<1x8x128xf32>
        %squeeze3A_534 = vector.shape_cast %slice3A_533 : vector<1x8x128xf32> to vector<8x128xf32>
        %add3A_535 = arith.addf %add3A_532, %squeeze3A_534 : vector<8x128xf32>
        %slice3A_536 = vector.extract_strided_slice %reshape3A_491 {offsets = [15, 0, 0], sizes = [1, 8, 128], strides = [1, 1, 1]} : vector<16x8x128xf32> to vector<1x8x128xf32>
        %squeeze3A_537 = vector.shape_cast %slice3A_536 : vector<1x8x128xf32> to vector<8x128xf32>
        %add3A_538 = arith.addf %add3A_535, %squeeze3A_537 : vector<8x128xf32>
        %slice3A_539 = vector.extract_strided_slice %add3A_538 {offsets = [4, 0], sizes = [4, 128], strides = [1, 1]} : vector<8x128xf32> to vector<4x128xf32>
        %slice3A_540 = vector.extract_strided_slice %add3A_538 {offsets = [0, 0], sizes = [4, 128], strides = [1, 1]} : vector<8x128xf32> to vector<4x128xf32>
        %add3A_541 = arith.addf %slice3A_539, %slice3A_540 : vector<4x128xf32>
        %slice3A_542 = vector.extract_strided_slice %add3A_541 {offsets = [2, 0], sizes = [2, 128], strides = [1, 1]} : vector<4x128xf32> to vector<2x128xf32>
        %slice3A_543 = vector.extract_strided_slice %add3A_541 {offsets = [0, 0], sizes = [2, 128], strides = [1, 1]} : vector<4x128xf32> to vector<2x128xf32>
        %add3A_544 = arith.addf %slice3A_542, %slice3A_543 : vector<2x128xf32>
        %slice3A_545 = vector.extract_strided_slice %add3A_544 {offsets = [1, 0], sizes = [1, 128], strides = [1, 1]} : vector<2x128xf32> to vector<1x128xf32>
        %slice3A_546 = vector.extract_strided_slice %add3A_544 {offsets = [0, 0], sizes = [1, 128], strides = [1, 1]} : vector<2x128xf32> to vector<1x128xf32>
        %add3A_547 = arith.addf %slice3A_545, %slice3A_546 : vector<1x128xf32>
        %add3A_548 = arith.addf %add3A_488, %add3A_547 : vector<1x128xf32>
        %sqrt3A_549 = math.sqrt %add3A_548 : vector<1x128xf32>
        %get3A_550 = arith.index_cast %scan3A_417 : i32 to index
        %get3A_551 = arith.constant 0 : index
        %get3A_552 = arith.constant 0 : index
        %get3A_553 = vector.load %arg3[%get3A_550, %get3A_551, %get3A_552] : memref<128x1x128xf32, #tpu.memory_space<vmem>>, vector<1x1x128xf32>
        %get3A_554 = vector.shape_cast %get3A_553 : vector<1x1x128xf32> to vector<1x128xf32>
        %gt3A_555 = arith.constant 0.000000e+00 : f32
        %gt3A_556 = vector.broadcast %gt3A_555 : f32 to vector<1x128xf32>
        %gt3A_557 = arith.cmpf ogt, %get3A_554, %gt3A_556 : vector<1x128xf32>
        %jit3A_558 = arith.constant 0x7F800000 : f32
        %broadcast_in_dim3A_559 = vector.broadcast %jit3A_558 : f32 to vector<1x128xf32>
        %select_n3A_560 = arith.select %gt3A_557, %broadcast_in_dim3A_559, %sqrt3A_549 : vector<1x128xi1>, vector<1x128xf32>
        %reduce_min3A_561 = vector.shape_cast %select_n3A_560 : vector<1x128xf32> to vector<1x1x128xf32>
        %reduce_min3A_562 = arith.constant dense<0x7F800000> : vector<1xf32>
        %reduce_min3A_563 = vector.multi_reduction <minimumf>, %reduce_min3A_561, %reduce_min3A_562 [1, 2] : vector<1x1x128xf32> to vector<1xf32>
        %reduce_min3A_564 = vector.shape_cast %reduce_min3A_563 : vector<1xf32> to vector<1x1x1xf32>
        %reduce_min3A_565 = vector.extract %reduce_min3A_564[0, 0, 0] : f32 from vector<1x1x1xf32>
        %eq3A_566 = vector.broadcast %reduce_min3A_565 : f32 to vector<1x128xf32>
        %eq3A_567 = arith.cmpf oeq, %select_n3A_560, %eq3A_566 : vector<1x128xf32>
        %jit3A_568 = arith.constant 16384 : i32
        %broadcast_in_dim3A_569 = vector.broadcast %jit3A_568 : i32 to vector<1x128xi32>
        %select_n3A_570 = arith.select %eq3A_567, %iota3A, %broadcast_in_dim3A_569 : vector<1x128xi1>, vector<1x128xi32>
        %reduce_min3A_571 = vector.shape_cast %select_n3A_570 : vector<1x128xi32> to vector<1x1x128xi32>
        %reduce_min3A_572 = arith.constant dense<2147483647> : vector<1xi32>
        %reduce_min3A_573 = vector.multi_reduction <minsi>, %reduce_min3A_571, %reduce_min3A_572 [1, 2] : vector<1x1x128xi32> to vector<1xi32>
        %reduce_min3A_574 = vector.shape_cast %reduce_min3A_573 : vector<1xi32> to vector<1x1x1xi32>
        %reduce_min3A_575 = vector.extract %reduce_min3A_574[0, 0, 0] : i32 from vector<1x1x1xi32>
        %lt3A_576 = arith.cmpf olt, %reduce_min3A_565, %select_n3A_411 : f32
        %select_n3A_577 = arith.select %lt3A_576, %reduce_min3A_565, %select_n3A_411 : f32
        %mul3A_578 = arith.constant 128 : i32
        %mul3A_579 = arith.muli %scan3A_417, %mul3A_578 : i32
        %add3A_580 = arith.addi %mul3A_579, %reduce_min3A_575 : i32
        %select_n3A_581 = arith.select %lt3A_576, %add3A_580, %select_n3A_415 : i32
        %scan3A_582 = arith.constant 3 : i32
        %scan3A_583 = arith.addi %scan3A_91, %scan3A_582 : i32
        %get3A_584 = arith.index_cast %scan3A_583 : i32 to index
        %get3A_585 = arith.constant 0 : index
        %get3A_586 = arith.constant 0 : index
        %get3A_587 = vector.load %arg0[%get3A_584, %get3A_585, %get3A_586] : memref<128x128x256xf32, #tpu.memory_space<vmem>>, vector<1x128x256xf32>
        %get3A_588 = vector.shape_cast %get3A_587 : vector<1x128x256xf32> to vector<128x256xf32>
        %add3A_589 = vector.broadcast %scan3A_24 : vector<1x256xf32> to vector<128x256xf32>
        %add3A_590 = arith.addf %get3A_588, %add3A_589 : vector<128x256xf32>
        %mul3A_591 = vector.broadcast %div3A_28 : f32 to vector<128x256xf32>
        %mul3A_592 = arith.mulf %mul3A_591, %add3A_590 : vector<128x256xf32>
        %sub3A_593 = vector.broadcast %get3A_1 : vector<1x256xf32> to vector<128x256xf32>
        %sub3A_594 = arith.subf %sub3A_593, %mul3A_592 : vector<128x256xf32>
        %mul3A_595 = arith.mulf %sub3A_594, %sub3A_594 : vector<128x256xf32>
        %slice3A_596 = vector.extract_strided_slice %mul3A_595 {offsets = [0, 0], sizes = [128, 128], strides = [1, 1]} : vector<128x256xf32> to vector<128x128xf32>
        %transpose3A_597 = tpu.transpose %slice3A_596, [1, 0] : vector<128x128xf32> -> vector<128x128xf32>
        %reshape3A_598 = vector.shape_cast %transpose3A_597 : vector<128x128xf32> to vector<16x8x128xf32>
        %slice3A_599 = vector.extract_strided_slice %reshape3A_598 {offsets = [0, 0, 0], sizes = [1, 8, 128], strides = [1, 1, 1]} : vector<16x8x128xf32> to vector<1x8x128xf32>
        %squeeze3A_600 = vector.shape_cast %slice3A_599 : vector<1x8x128xf32> to vector<8x128xf32>
        %slice3A_601 = vector.extract_strided_slice %reshape3A_598 {offsets = [1, 0, 0], sizes = [1, 8, 128], strides = [1, 1, 1]} : vector<16x8x128xf32> to vector<1x8x128xf32>
        %squeeze3A_602 = vector.shape_cast %slice3A_601 : vector<1x8x128xf32> to vector<8x128xf32>
        %add3A_603 = arith.addf %squeeze3A_600, %squeeze3A_602 : vector<8x128xf32>
        %slice3A_604 = vector.extract_strided_slice %reshape3A_598 {offsets = [2, 0, 0], sizes = [1, 8, 128], strides = [1, 1, 1]} : vector<16x8x128xf32> to vector<1x8x128xf32>
        %squeeze3A_605 = vector.shape_cast %slice3A_604 : vector<1x8x128xf32> to vector<8x128xf32>
        %add3A_606 = arith.addf %add3A_603, %squeeze3A_605 : vector<8x128xf32>
        %slice3A_607 = vector.extract_strided_slice %reshape3A_598 {offsets = [3, 0, 0], sizes = [1, 8, 128], strides = [1, 1, 1]} : vector<16x8x128xf32> to vector<1x8x128xf32>
        %squeeze3A_608 = vector.shape_cast %slice3A_607 : vector<1x8x128xf32> to vector<8x128xf32>
        %add3A_609 = arith.addf %add3A_606, %squeeze3A_608 : vector<8x128xf32>
        %slice3A_610 = vector.extract_strided_slice %reshape3A_598 {offsets = [4, 0, 0], sizes = [1, 8, 128], strides = [1, 1, 1]} : vector<16x8x128xf32> to vector<1x8x128xf32>
        %squeeze3A_611 = vector.shape_cast %slice3A_610 : vector<1x8x128xf32> to vector<8x128xf32>
        %add3A_612 = arith.addf %add3A_609, %squeeze3A_611 : vector<8x128xf32>
        %slice3A_613 = vector.extract_strided_slice %reshape3A_598 {offsets = [5, 0, 0], sizes = [1, 8, 128], strides = [1, 1, 1]} : vector<16x8x128xf32> to vector<1x8x128xf32>
        %squeeze3A_614 = vector.shape_cast %slice3A_613 : vector<1x8x128xf32> to vector<8x128xf32>
        %add3A_615 = arith.addf %add3A_612, %squeeze3A_614 : vector<8x128xf32>
        %slice3A_616 = vector.extract_strided_slice %reshape3A_598 {offsets = [6, 0, 0], sizes = [1, 8, 128], strides = [1, 1, 1]} : vector<16x8x128xf32> to vector<1x8x128xf32>
        %squeeze3A_617 = vector.shape_cast %slice3A_616 : vector<1x8x128xf32> to vector<8x128xf32>
        %add3A_618 = arith.addf %add3A_615, %squeeze3A_617 : vector<8x128xf32>
        %slice3A_619 = vector.extract_strided_slice %reshape3A_598 {offsets = [7, 0, 0], sizes = [1, 8, 128], strides = [1, 1, 1]} : vector<16x8x128xf32> to vector<1x8x128xf32>
        %squeeze3A_620 = vector.shape_cast %slice3A_619 : vector<1x8x128xf32> to vector<8x128xf32>
        %add3A_621 = arith.addf %add3A_618, %squeeze3A_620 : vector<8x128xf32>
        %slice3A_622 = vector.extract_strided_slice %reshape3A_598 {offsets = [8, 0, 0], sizes = [1, 8, 128], strides = [1, 1, 1]} : vector<16x8x128xf32> to vector<1x8x128xf32>
        %squeeze3A_623 = vector.shape_cast %slice3A_622 : vector<1x8x128xf32> to vector<8x128xf32>
        %add3A_624 = arith.addf %add3A_621, %squeeze3A_623 : vector<8x128xf32>
        %slice3A_625 = vector.extract_strided_slice %reshape3A_598 {offsets = [9, 0, 0], sizes = [1, 8, 128], strides = [1, 1, 1]} : vector<16x8x128xf32> to vector<1x8x128xf32>
        %squeeze3A_626 = vector.shape_cast %slice3A_625 : vector<1x8x128xf32> to vector<8x128xf32>
        %add3A_627 = arith.addf %add3A_624, %squeeze3A_626 : vector<8x128xf32>
        %slice3A_628 = vector.extract_strided_slice %reshape3A_598 {offsets = [10, 0, 0], sizes = [1, 8, 128], strides = [1, 1, 1]} : vector<16x8x128xf32> to vector<1x8x128xf32>
        %squeeze3A_629 = vector.shape_cast %slice3A_628 : vector<1x8x128xf32> to vector<8x128xf32>
        %add3A_630 = arith.addf %add3A_627, %squeeze3A_629 : vector<8x128xf32>
        %slice3A_631 = vector.extract_strided_slice %reshape3A_598 {offsets = [11, 0, 0], sizes = [1, 8, 128], strides = [1, 1, 1]} : vector<16x8x128xf32> to vector<1x8x128xf32>
        %squeeze3A_632 = vector.shape_cast %slice3A_631 : vector<1x8x128xf32> to vector<8x128xf32>
        %add3A_633 = arith.addf %add3A_630, %squeeze3A_632 : vector<8x128xf32>
        %slice3A_634 = vector.extract_strided_slice %reshape3A_598 {offsets = [12, 0, 0], sizes = [1, 8, 128], strides = [1, 1, 1]} : vector<16x8x128xf32> to vector<1x8x128xf32>
        %squeeze3A_635 = vector.shape_cast %slice3A_634 : vector<1x8x128xf32> to vector<8x128xf32>
        %add3A_636 = arith.addf %add3A_633, %squeeze3A_635 : vector<8x128xf32>
        %slice3A_637 = vector.extract_strided_slice %reshape3A_598 {offsets = [13, 0, 0], sizes = [1, 8, 128], strides = [1, 1, 1]} : vector<16x8x128xf32> to vector<1x8x128xf32>
        %squeeze3A_638 = vector.shape_cast %slice3A_637 : vector<1x8x128xf32> to vector<8x128xf32>
        %add3A_639 = arith.addf %add3A_636, %squeeze3A_638 : vector<8x128xf32>
        %slice3A_640 = vector.extract_strided_slice %reshape3A_598 {offsets = [14, 0, 0], sizes = [1, 8, 128], strides = [1, 1, 1]} : vector<16x8x128xf32> to vector<1x8x128xf32>
        %squeeze3A_641 = vector.shape_cast %slice3A_640 : vector<1x8x128xf32> to vector<8x128xf32>
        %add3A_642 = arith.addf %add3A_639, %squeeze3A_641 : vector<8x128xf32>
        %slice3A_643 = vector.extract_strided_slice %reshape3A_598 {offsets = [15, 0, 0], sizes = [1, 8, 128], strides = [1, 1, 1]} : vector<16x8x128xf32> to vector<1x8x128xf32>
        %squeeze3A_644 = vector.shape_cast %slice3A_643 : vector<1x8x128xf32> to vector<8x128xf32>
        %add3A_645 = arith.addf %add3A_642, %squeeze3A_644 : vector<8x128xf32>
        %slice3A_646 = vector.extract_strided_slice %add3A_645 {offsets = [4, 0], sizes = [4, 128], strides = [1, 1]} : vector<8x128xf32> to vector<4x128xf32>
        %slice3A_647 = vector.extract_strided_slice %add3A_645 {offsets = [0, 0], sizes = [4, 128], strides = [1, 1]} : vector<8x128xf32> to vector<4x128xf32>
        %add3A_648 = arith.addf %slice3A_646, %slice3A_647 : vector<4x128xf32>
        %slice3A_649 = vector.extract_strided_slice %add3A_648 {offsets = [2, 0], sizes = [2, 128], strides = [1, 1]} : vector<4x128xf32> to vector<2x128xf32>
        %slice3A_650 = vector.extract_strided_slice %add3A_648 {offsets = [0, 0], sizes = [2, 128], strides = [1, 1]} : vector<4x128xf32> to vector<2x128xf32>
        %add3A_651 = arith.addf %slice3A_649, %slice3A_650 : vector<2x128xf32>
        %slice3A_652 = vector.extract_strided_slice %add3A_651 {offsets = [1, 0], sizes = [1, 128], strides = [1, 1]} : vector<2x128xf32> to vector<1x128xf32>
        %slice3A_653 = vector.extract_strided_slice %add3A_651 {offsets = [0, 0], sizes = [1, 128], strides = [1, 1]} : vector<2x128xf32> to vector<1x128xf32>
        %add3A_654 = arith.addf %slice3A_652, %slice3A_653 : vector<1x128xf32>
        %slice3A_655 = vector.extract_strided_slice %mul3A_595 {offsets = [0, 128], sizes = [128, 128], strides = [1, 1]} : vector<128x256xf32> to vector<128x128xf32>
        %transpose3A_656 = tpu.transpose %slice3A_655, [1, 0] : vector<128x128xf32> -> vector<128x128xf32>
        %reshape3A_657 = vector.shape_cast %transpose3A_656 : vector<128x128xf32> to vector<16x8x128xf32>
        %slice3A_658 = vector.extract_strided_slice %reshape3A_657 {offsets = [0, 0, 0], sizes = [1, 8, 128], strides = [1, 1, 1]} : vector<16x8x128xf32> to vector<1x8x128xf32>
        %squeeze3A_659 = vector.shape_cast %slice3A_658 : vector<1x8x128xf32> to vector<8x128xf32>
        %slice3A_660 = vector.extract_strided_slice %reshape3A_657 {offsets = [1, 0, 0], sizes = [1, 8, 128], strides = [1, 1, 1]} : vector<16x8x128xf32> to vector<1x8x128xf32>
        %squeeze3A_661 = vector.shape_cast %slice3A_660 : vector<1x8x128xf32> to vector<8x128xf32>
        %add3A_662 = arith.addf %squeeze3A_659, %squeeze3A_661 : vector<8x128xf32>
        %slice3A_663 = vector.extract_strided_slice %reshape3A_657 {offsets = [2, 0, 0], sizes = [1, 8, 128], strides = [1, 1, 1]} : vector<16x8x128xf32> to vector<1x8x128xf32>
        %squeeze3A_664 = vector.shape_cast %slice3A_663 : vector<1x8x128xf32> to vector<8x128xf32>
        %add3A_665 = arith.addf %add3A_662, %squeeze3A_664 : vector<8x128xf32>
        %slice3A_666 = vector.extract_strided_slice %reshape3A_657 {offsets = [3, 0, 0], sizes = [1, 8, 128], strides = [1, 1, 1]} : vector<16x8x128xf32> to vector<1x8x128xf32>
        %squeeze3A_667 = vector.shape_cast %slice3A_666 : vector<1x8x128xf32> to vector<8x128xf32>
        %add3A_668 = arith.addf %add3A_665, %squeeze3A_667 : vector<8x128xf32>
        %slice3A_669 = vector.extract_strided_slice %reshape3A_657 {offsets = [4, 0, 0], sizes = [1, 8, 128], strides = [1, 1, 1]} : vector<16x8x128xf32> to vector<1x8x128xf32>
        %squeeze3A_670 = vector.shape_cast %slice3A_669 : vector<1x8x128xf32> to vector<8x128xf32>
        %add3A_671 = arith.addf %add3A_668, %squeeze3A_670 : vector<8x128xf32>
        %slice3A_672 = vector.extract_strided_slice %reshape3A_657 {offsets = [5, 0, 0], sizes = [1, 8, 128], strides = [1, 1, 1]} : vector<16x8x128xf32> to vector<1x8x128xf32>
        %squeeze3A_673 = vector.shape_cast %slice3A_672 : vector<1x8x128xf32> to vector<8x128xf32>
        %add3A_674 = arith.addf %add3A_671, %squeeze3A_673 : vector<8x128xf32>
        %slice3A_675 = vector.extract_strided_slice %reshape3A_657 {offsets = [6, 0, 0], sizes = [1, 8, 128], strides = [1, 1, 1]} : vector<16x8x128xf32> to vector<1x8x128xf32>
        %squeeze3A_676 = vector.shape_cast %slice3A_675 : vector<1x8x128xf32> to vector<8x128xf32>
        %add3A_677 = arith.addf %add3A_674, %squeeze3A_676 : vector<8x128xf32>
        %slice3A_678 = vector.extract_strided_slice %reshape3A_657 {offsets = [7, 0, 0], sizes = [1, 8, 128], strides = [1, 1, 1]} : vector<16x8x128xf32> to vector<1x8x128xf32>
        %squeeze3A_679 = vector.shape_cast %slice3A_678 : vector<1x8x128xf32> to vector<8x128xf32>
        %add3A_680 = arith.addf %add3A_677, %squeeze3A_679 : vector<8x128xf32>
        %slice3A_681 = vector.extract_strided_slice %reshape3A_657 {offsets = [8, 0, 0], sizes = [1, 8, 128], strides = [1, 1, 1]} : vector<16x8x128xf32> to vector<1x8x128xf32>
        %squeeze3A_682 = vector.shape_cast %slice3A_681 : vector<1x8x128xf32> to vector<8x128xf32>
        %add3A_683 = arith.addf %add3A_680, %squeeze3A_682 : vector<8x128xf32>
        %slice3A_684 = vector.extract_strided_slice %reshape3A_657 {offsets = [9, 0, 0], sizes = [1, 8, 128], strides = [1, 1, 1]} : vector<16x8x128xf32> to vector<1x8x128xf32>
        %squeeze3A_685 = vector.shape_cast %slice3A_684 : vector<1x8x128xf32> to vector<8x128xf32>
        %add3A_686 = arith.addf %add3A_683, %squeeze3A_685 : vector<8x128xf32>
        %slice3A_687 = vector.extract_strided_slice %reshape3A_657 {offsets = [10, 0, 0], sizes = [1, 8, 128], strides = [1, 1, 1]} : vector<16x8x128xf32> to vector<1x8x128xf32>
        %squeeze3A_688 = vector.shape_cast %slice3A_687 : vector<1x8x128xf32> to vector<8x128xf32>
        %add3A_689 = arith.addf %add3A_686, %squeeze3A_688 : vector<8x128xf32>
        %slice3A_690 = vector.extract_strided_slice %reshape3A_657 {offsets = [11, 0, 0], sizes = [1, 8, 128], strides = [1, 1, 1]} : vector<16x8x128xf32> to vector<1x8x128xf32>
        %squeeze3A_691 = vector.shape_cast %slice3A_690 : vector<1x8x128xf32> to vector<8x128xf32>
        %add3A_692 = arith.addf %add3A_689, %squeeze3A_691 : vector<8x128xf32>
        %slice3A_693 = vector.extract_strided_slice %reshape3A_657 {offsets = [12, 0, 0], sizes = [1, 8, 128], strides = [1, 1, 1]} : vector<16x8x128xf32> to vector<1x8x128xf32>
        %squeeze3A_694 = vector.shape_cast %slice3A_693 : vector<1x8x128xf32> to vector<8x128xf32>
        %add3A_695 = arith.addf %add3A_692, %squeeze3A_694 : vector<8x128xf32>
        %slice3A_696 = vector.extract_strided_slice %reshape3A_657 {offsets = [13, 0, 0], sizes = [1, 8, 128], strides = [1, 1, 1]} : vector<16x8x128xf32> to vector<1x8x128xf32>
        %squeeze3A_697 = vector.shape_cast %slice3A_696 : vector<1x8x128xf32> to vector<8x128xf32>
        %add3A_698 = arith.addf %add3A_695, %squeeze3A_697 : vector<8x128xf32>
        %slice3A_699 = vector.extract_strided_slice %reshape3A_657 {offsets = [14, 0, 0], sizes = [1, 8, 128], strides = [1, 1, 1]} : vector<16x8x128xf32> to vector<1x8x128xf32>
        %squeeze3A_700 = vector.shape_cast %slice3A_699 : vector<1x8x128xf32> to vector<8x128xf32>
        %add3A_701 = arith.addf %add3A_698, %squeeze3A_700 : vector<8x128xf32>
        %slice3A_702 = vector.extract_strided_slice %reshape3A_657 {offsets = [15, 0, 0], sizes = [1, 8, 128], strides = [1, 1, 1]} : vector<16x8x128xf32> to vector<1x8x128xf32>
        %squeeze3A_703 = vector.shape_cast %slice3A_702 : vector<1x8x128xf32> to vector<8x128xf32>
        %add3A_704 = arith.addf %add3A_701, %squeeze3A_703 : vector<8x128xf32>
        %slice3A_705 = vector.extract_strided_slice %add3A_704 {offsets = [4, 0], sizes = [4, 128], strides = [1, 1]} : vector<8x128xf32> to vector<4x128xf32>
        %slice3A_706 = vector.extract_strided_slice %add3A_704 {offsets = [0, 0], sizes = [4, 128], strides = [1, 1]} : vector<8x128xf32> to vector<4x128xf32>
        %add3A_707 = arith.addf %slice3A_705, %slice3A_706 : vector<4x128xf32>
        %slice3A_708 = vector.extract_strided_slice %add3A_707 {offsets = [2, 0], sizes = [2, 128], strides = [1, 1]} : vector<4x128xf32> to vector<2x128xf32>
        %slice3A_709 = vector.extract_strided_slice %add3A_707 {offsets = [0, 0], sizes = [2, 128], strides = [1, 1]} : vector<4x128xf32> to vector<2x128xf32>
        %add3A_710 = arith.addf %slice3A_708, %slice3A_709 : vector<2x128xf32>
        %slice3A_711 = vector.extract_strided_slice %add3A_710 {offsets = [1, 0], sizes = [1, 128], strides = [1, 1]} : vector<2x128xf32> to vector<1x128xf32>
        %slice3A_712 = vector.extract_strided_slice %add3A_710 {offsets = [0, 0], sizes = [1, 128], strides = [1, 1]} : vector<2x128xf32> to vector<1x128xf32>
        %add3A_713 = arith.addf %slice3A_711, %slice3A_712 : vector<1x128xf32>
        %add3A_714 = arith.addf %add3A_654, %add3A_713 : vector<1x128xf32>
        %sqrt3A_715 = math.sqrt %add3A_714 : vector<1x128xf32>
        %get3A_716 = arith.index_cast %scan3A_583 : i32 to index
        %get3A_717 = arith.constant 0 : index
        %get3A_718 = arith.constant 0 : index
        %get3A_719 = vector.load %arg3[%get3A_716, %get3A_717, %get3A_718] : memref<128x1x128xf32, #tpu.memory_space<vmem>>, vector<1x1x128xf32>
        %get3A_720 = vector.shape_cast %get3A_719 : vector<1x1x128xf32> to vector<1x128xf32>
        %gt3A_721 = arith.constant 0.000000e+00 : f32
        %gt3A_722 = vector.broadcast %gt3A_721 : f32 to vector<1x128xf32>
        %gt3A_723 = arith.cmpf ogt, %get3A_720, %gt3A_722 : vector<1x128xf32>
        %jit3A_724 = arith.constant 0x7F800000 : f32
        %broadcast_in_dim3A_725 = vector.broadcast %jit3A_724 : f32 to vector<1x128xf32>
        %select_n3A_726 = arith.select %gt3A_723, %broadcast_in_dim3A_725, %sqrt3A_715 : vector<1x128xi1>, vector<1x128xf32>
        %reduce_min3A_727 = vector.shape_cast %select_n3A_726 : vector<1x128xf32> to vector<1x1x128xf32>
        %reduce_min3A_728 = arith.constant dense<0x7F800000> : vector<1xf32>
        %reduce_min3A_729 = vector.multi_reduction <minimumf>, %reduce_min3A_727, %reduce_min3A_728 [1, 2] : vector<1x1x128xf32> to vector<1xf32>
        %reduce_min3A_730 = vector.shape_cast %reduce_min3A_729 : vector<1xf32> to vector<1x1x1xf32>
        %reduce_min3A_731 = vector.extract %reduce_min3A_730[0, 0, 0] : f32 from vector<1x1x1xf32>
        %eq3A_732 = vector.broadcast %reduce_min3A_731 : f32 to vector<1x128xf32>
        %eq3A_733 = arith.cmpf oeq, %select_n3A_726, %eq3A_732 : vector<1x128xf32>
        %jit3A_734 = arith.constant 16384 : i32
        %broadcast_in_dim3A_735 = vector.broadcast %jit3A_734 : i32 to vector<1x128xi32>
        %select_n3A_736 = arith.select %eq3A_733, %iota3A, %broadcast_in_dim3A_735 : vector<1x128xi1>, vector<1x128xi32>
        %reduce_min3A_737 = vector.shape_cast %select_n3A_736 : vector<1x128xi32> to vector<1x1x128xi32>
        %reduce_min3A_738 = arith.constant dense<2147483647> : vector<1xi32>
        %reduce_min3A_739 = vector.multi_reduction <minsi>, %reduce_min3A_737, %reduce_min3A_738 [1, 2] : vector<1x1x128xi32> to vector<1xi32>
        %reduce_min3A_740 = vector.shape_cast %reduce_min3A_739 : vector<1xi32> to vector<1x1x1xi32>
        %reduce_min3A_741 = vector.extract %reduce_min3A_740[0, 0, 0] : i32 from vector<1x1x1xi32>
        %lt3A_742 = arith.cmpf olt, %reduce_min3A_731, %select_n3A_577 : f32
        %select_n3A_743 = arith.select %lt3A_742, %reduce_min3A_731, %select_n3A_577 : f32
        %mul3A_744 = arith.constant 128 : i32
        %mul3A_745 = arith.muli %scan3A_583, %mul3A_744 : i32
        %add3A_746 = arith.addi %mul3A_745, %reduce_min3A_741 : i32
        %select_n3A_747 = arith.select %lt3A_742, %add3A_746, %select_n3A_581 : i32
        %scan3A_748 = arith.constant 4 : i32
        %scan3A_749 = arith.addi %scan3A_91, %scan3A_748 : i32
        %get3A_750 = arith.index_cast %scan3A_749 : i32 to index
        %get3A_751 = arith.constant 0 : index
        %get3A_752 = arith.constant 0 : index
        %get3A_753 = vector.load %arg0[%get3A_750, %get3A_751, %get3A_752] : memref<128x128x256xf32, #tpu.memory_space<vmem>>, vector<1x128x256xf32>
        %get3A_754 = vector.shape_cast %get3A_753 : vector<1x128x256xf32> to vector<128x256xf32>
        %add3A_755 = vector.broadcast %scan3A_24 : vector<1x256xf32> to vector<128x256xf32>
        %add3A_756 = arith.addf %get3A_754, %add3A_755 : vector<128x256xf32>
        %mul3A_757 = vector.broadcast %div3A_28 : f32 to vector<128x256xf32>
        %mul3A_758 = arith.mulf %mul3A_757, %add3A_756 : vector<128x256xf32>
        %sub3A_759 = vector.broadcast %get3A_1 : vector<1x256xf32> to vector<128x256xf32>
        %sub3A_760 = arith.subf %sub3A_759, %mul3A_758 : vector<128x256xf32>
        %mul3A_761 = arith.mulf %sub3A_760, %sub3A_760 : vector<128x256xf32>
        %slice3A_762 = vector.extract_strided_slice %mul3A_761 {offsets = [0, 0], sizes = [128, 128], strides = [1, 1]} : vector<128x256xf32> to vector<128x128xf32>
        %transpose3A_763 = tpu.transpose %slice3A_762, [1, 0] : vector<128x128xf32> -> vector<128x128xf32>
        %reshape3A_764 = vector.shape_cast %transpose3A_763 : vector<128x128xf32> to vector<16x8x128xf32>
        %slice3A_765 = vector.extract_strided_slice %reshape3A_764 {offsets = [0, 0, 0], sizes = [1, 8, 128], strides = [1, 1, 1]} : vector<16x8x128xf32> to vector<1x8x128xf32>
        %squeeze3A_766 = vector.shape_cast %slice3A_765 : vector<1x8x128xf32> to vector<8x128xf32>
        %slice3A_767 = vector.extract_strided_slice %reshape3A_764 {offsets = [1, 0, 0], sizes = [1, 8, 128], strides = [1, 1, 1]} : vector<16x8x128xf32> to vector<1x8x128xf32>
        %squeeze3A_768 = vector.shape_cast %slice3A_767 : vector<1x8x128xf32> to vector<8x128xf32>
        %add3A_769 = arith.addf %squeeze3A_766, %squeeze3A_768 : vector<8x128xf32>
        %slice3A_770 = vector.extract_strided_slice %reshape3A_764 {offsets = [2, 0, 0], sizes = [1, 8, 128], strides = [1, 1, 1]} : vector<16x8x128xf32> to vector<1x8x128xf32>
        %squeeze3A_771 = vector.shape_cast %slice3A_770 : vector<1x8x128xf32> to vector<8x128xf32>
        %add3A_772 = arith.addf %add3A_769, %squeeze3A_771 : vector<8x128xf32>
        %slice3A_773 = vector.extract_strided_slice %reshape3A_764 {offsets = [3, 0, 0], sizes = [1, 8, 128], strides = [1, 1, 1]} : vector<16x8x128xf32> to vector<1x8x128xf32>
        %squeeze3A_774 = vector.shape_cast %slice3A_773 : vector<1x8x128xf32> to vector<8x128xf32>
        %add3A_775 = arith.addf %add3A_772, %squeeze3A_774 : vector<8x128xf32>
        %slice3A_776 = vector.extract_strided_slice %reshape3A_764 {offsets = [4, 0, 0], sizes = [1, 8, 128], strides = [1, 1, 1]} : vector<16x8x128xf32> to vector<1x8x128xf32>
        %squeeze3A_777 = vector.shape_cast %slice3A_776 : vector<1x8x128xf32> to vector<8x128xf32>
        %add3A_778 = arith.addf %add3A_775, %squeeze3A_777 : vector<8x128xf32>
        %slice3A_779 = vector.extract_strided_slice %reshape3A_764 {offsets = [5, 0, 0], sizes = [1, 8, 128], strides = [1, 1, 1]} : vector<16x8x128xf32> to vector<1x8x128xf32>
        %squeeze3A_780 = vector.shape_cast %slice3A_779 : vector<1x8x128xf32> to vector<8x128xf32>
        %add3A_781 = arith.addf %add3A_778, %squeeze3A_780 : vector<8x128xf32>
        %slice3A_782 = vector.extract_strided_slice %reshape3A_764 {offsets = [6, 0, 0], sizes = [1, 8, 128], strides = [1, 1, 1]} : vector<16x8x128xf32> to vector<1x8x128xf32>
        %squeeze3A_783 = vector.shape_cast %slice3A_782 : vector<1x8x128xf32> to vector<8x128xf32>
        %add3A_784 = arith.addf %add3A_781, %squeeze3A_783 : vector<8x128xf32>
        %slice3A_785 = vector.extract_strided_slice %reshape3A_764 {offsets = [7, 0, 0], sizes = [1, 8, 128], strides = [1, 1, 1]} : vector<16x8x128xf32> to vector<1x8x128xf32>
        %squeeze3A_786 = vector.shape_cast %slice3A_785 : vector<1x8x128xf32> to vector<8x128xf32>
        %add3A_787 = arith.addf %add3A_784, %squeeze3A_786 : vector<8x128xf32>
        %slice3A_788 = vector.extract_strided_slice %reshape3A_764 {offsets = [8, 0, 0], sizes = [1, 8, 128], strides = [1, 1, 1]} : vector<16x8x128xf32> to vector<1x8x128xf32>
        %squeeze3A_789 = vector.shape_cast %slice3A_788 : vector<1x8x128xf32> to vector<8x128xf32>
        %add3A_790 = arith.addf %add3A_787, %squeeze3A_789 : vector<8x128xf32>
        %slice3A_791 = vector.extract_strided_slice %reshape3A_764 {offsets = [9, 0, 0], sizes = [1, 8, 128], strides = [1, 1, 1]} : vector<16x8x128xf32> to vector<1x8x128xf32>
        %squeeze3A_792 = vector.shape_cast %slice3A_791 : vector<1x8x128xf32> to vector<8x128xf32>
        %add3A_793 = arith.addf %add3A_790, %squeeze3A_792 : vector<8x128xf32>
        %slice3A_794 = vector.extract_strided_slice %reshape3A_764 {offsets = [10, 0, 0], sizes = [1, 8, 128], strides = [1, 1, 1]} : vector<16x8x128xf32> to vector<1x8x128xf32>
        %squeeze3A_795 = vector.shape_cast %slice3A_794 : vector<1x8x128xf32> to vector<8x128xf32>
        %add3A_796 = arith.addf %add3A_793, %squeeze3A_795 : vector<8x128xf32>
        %slice3A_797 = vector.extract_strided_slice %reshape3A_764 {offsets = [11, 0, 0], sizes = [1, 8, 128], strides = [1, 1, 1]} : vector<16x8x128xf32> to vector<1x8x128xf32>
        %squeeze3A_798 = vector.shape_cast %slice3A_797 : vector<1x8x128xf32> to vector<8x128xf32>
        %add3A_799 = arith.addf %add3A_796, %squeeze3A_798 : vector<8x128xf32>
        %slice3A_800 = vector.extract_strided_slice %reshape3A_764 {offsets = [12, 0, 0], sizes = [1, 8, 128], strides = [1, 1, 1]} : vector<16x8x128xf32> to vector<1x8x128xf32>
        %squeeze3A_801 = vector.shape_cast %slice3A_800 : vector<1x8x128xf32> to vector<8x128xf32>
        %add3A_802 = arith.addf %add3A_799, %squeeze3A_801 : vector<8x128xf32>
        %slice3A_803 = vector.extract_strided_slice %reshape3A_764 {offsets = [13, 0, 0], sizes = [1, 8, 128], strides = [1, 1, 1]} : vector<16x8x128xf32> to vector<1x8x128xf32>
        %squeeze3A_804 = vector.shape_cast %slice3A_803 : vector<1x8x128xf32> to vector<8x128xf32>
        %add3A_805 = arith.addf %add3A_802, %squeeze3A_804 : vector<8x128xf32>
        %slice3A_806 = vector.extract_strided_slice %reshape3A_764 {offsets = [14, 0, 0], sizes = [1, 8, 128], strides = [1, 1, 1]} : vector<16x8x128xf32> to vector<1x8x128xf32>
        %squeeze3A_807 = vector.shape_cast %slice3A_806 : vector<1x8x128xf32> to vector<8x128xf32>
        %add3A_808 = arith.addf %add3A_805, %squeeze3A_807 : vector<8x128xf32>
        %slice3A_809 = vector.extract_strided_slice %reshape3A_764 {offsets = [15, 0, 0], sizes = [1, 8, 128], strides = [1, 1, 1]} : vector<16x8x128xf32> to vector<1x8x128xf32>
        %squeeze3A_810 = vector.shape_cast %slice3A_809 : vector<1x8x128xf32> to vector<8x128xf32>
        %add3A_811 = arith.addf %add3A_808, %squeeze3A_810 : vector<8x128xf32>
        %slice3A_812 = vector.extract_strided_slice %add3A_811 {offsets = [4, 0], sizes = [4, 128], strides = [1, 1]} : vector<8x128xf32> to vector<4x128xf32>
        %slice3A_813 = vector.extract_strided_slice %add3A_811 {offsets = [0, 0], sizes = [4, 128], strides = [1, 1]} : vector<8x128xf32> to vector<4x128xf32>
        %add3A_814 = arith.addf %slice3A_812, %slice3A_813 : vector<4x128xf32>
        %slice3A_815 = vector.extract_strided_slice %add3A_814 {offsets = [2, 0], sizes = [2, 128], strides = [1, 1]} : vector<4x128xf32> to vector<2x128xf32>
        %slice3A_816 = vector.extract_strided_slice %add3A_814 {offsets = [0, 0], sizes = [2, 128], strides = [1, 1]} : vector<4x128xf32> to vector<2x128xf32>
        %add3A_817 = arith.addf %slice3A_815, %slice3A_816 : vector<2x128xf32>
        %slice3A_818 = vector.extract_strided_slice %add3A_817 {offsets = [1, 0], sizes = [1, 128], strides = [1, 1]} : vector<2x128xf32> to vector<1x128xf32>
        %slice3A_819 = vector.extract_strided_slice %add3A_817 {offsets = [0, 0], sizes = [1, 128], strides = [1, 1]} : vector<2x128xf32> to vector<1x128xf32>
        %add3A_820 = arith.addf %slice3A_818, %slice3A_819 : vector<1x128xf32>
        %slice3A_821 = vector.extract_strided_slice %mul3A_761 {offsets = [0, 128], sizes = [128, 128], strides = [1, 1]} : vector<128x256xf32> to vector<128x128xf32>
        %transpose3A_822 = tpu.transpose %slice3A_821, [1, 0] : vector<128x128xf32> -> vector<128x128xf32>
        %reshape3A_823 = vector.shape_cast %transpose3A_822 : vector<128x128xf32> to vector<16x8x128xf32>
        %slice3A_824 = vector.extract_strided_slice %reshape3A_823 {offsets = [0, 0, 0], sizes = [1, 8, 128], strides = [1, 1, 1]} : vector<16x8x128xf32> to vector<1x8x128xf32>
        %squeeze3A_825 = vector.shape_cast %slice3A_824 : vector<1x8x128xf32> to vector<8x128xf32>
        %slice3A_826 = vector.extract_strided_slice %reshape3A_823 {offsets = [1, 0, 0], sizes = [1, 8, 128], strides = [1, 1, 1]} : vector<16x8x128xf32> to vector<1x8x128xf32>
        %squeeze3A_827 = vector.shape_cast %slice3A_826 : vector<1x8x128xf32> to vector<8x128xf32>
        %add3A_828 = arith.addf %squeeze3A_825, %squeeze3A_827 : vector<8x128xf32>
        %slice3A_829 = vector.extract_strided_slice %reshape3A_823 {offsets = [2, 0, 0], sizes = [1, 8, 128], strides = [1, 1, 1]} : vector<16x8x128xf32> to vector<1x8x128xf32>
        %squeeze3A_830 = vector.shape_cast %slice3A_829 : vector<1x8x128xf32> to vector<8x128xf32>
        %add3A_831 = arith.addf %add3A_828, %squeeze3A_830 : vector<8x128xf32>
        %slice3A_832 = vector.extract_strided_slice %reshape3A_823 {offsets = [3, 0, 0], sizes = [1, 8, 128], strides = [1, 1, 1]} : vector<16x8x128xf32> to vector<1x8x128xf32>
        %squeeze3A_833 = vector.shape_cast %slice3A_832 : vector<1x8x128xf32> to vector<8x128xf32>
        %add3A_834 = arith.addf %add3A_831, %squeeze3A_833 : vector<8x128xf32>
        %slice3A_835 = vector.extract_strided_slice %reshape3A_823 {offsets = [4, 0, 0], sizes = [1, 8, 128], strides = [1, 1, 1]} : vector<16x8x128xf32> to vector<1x8x128xf32>
        %squeeze3A_836 = vector.shape_cast %slice3A_835 : vector<1x8x128xf32> to vector<8x128xf32>
        %add3A_837 = arith.addf %add3A_834, %squeeze3A_836 : vector<8x128xf32>
        %slice3A_838 = vector.extract_strided_slice %reshape3A_823 {offsets = [5, 0, 0], sizes = [1, 8, 128], strides = [1, 1, 1]} : vector<16x8x128xf32> to vector<1x8x128xf32>
        %squeeze3A_839 = vector.shape_cast %slice3A_838 : vector<1x8x128xf32> to vector<8x128xf32>
        %add3A_840 = arith.addf %add3A_837, %squeeze3A_839 : vector<8x128xf32>
        %slice3A_841 = vector.extract_strided_slice %reshape3A_823 {offsets = [6, 0, 0], sizes = [1, 8, 128], strides = [1, 1, 1]} : vector<16x8x128xf32> to vector<1x8x128xf32>
        %squeeze3A_842 = vector.shape_cast %slice3A_841 : vector<1x8x128xf32> to vector<8x128xf32>
        %add3A_843 = arith.addf %add3A_840, %squeeze3A_842 : vector<8x128xf32>
        %slice3A_844 = vector.extract_strided_slice %reshape3A_823 {offsets = [7, 0, 0], sizes = [1, 8, 128], strides = [1, 1, 1]} : vector<16x8x128xf32> to vector<1x8x128xf32>
        %squeeze3A_845 = vector.shape_cast %slice3A_844 : vector<1x8x128xf32> to vector<8x128xf32>
        %add3A_846 = arith.addf %add3A_843, %squeeze3A_845 : vector<8x128xf32>
        %slice3A_847 = vector.extract_strided_slice %reshape3A_823 {offsets = [8, 0, 0], sizes = [1, 8, 128], strides = [1, 1, 1]} : vector<16x8x128xf32> to vector<1x8x128xf32>
        %squeeze3A_848 = vector.shape_cast %slice3A_847 : vector<1x8x128xf32> to vector<8x128xf32>
        %add3A_849 = arith.addf %add3A_846, %squeeze3A_848 : vector<8x128xf32>
        %slice3A_850 = vector.extract_strided_slice %reshape3A_823 {offsets = [9, 0, 0], sizes = [1, 8, 128], strides = [1, 1, 1]} : vector<16x8x128xf32> to vector<1x8x128xf32>
        %squeeze3A_851 = vector.shape_cast %slice3A_850 : vector<1x8x128xf32> to vector<8x128xf32>
        %add3A_852 = arith.addf %add3A_849, %squeeze3A_851 : vector<8x128xf32>
        %slice3A_853 = vector.extract_strided_slice %reshape3A_823 {offsets = [10, 0, 0], sizes = [1, 8, 128], strides = [1, 1, 1]} : vector<16x8x128xf32> to vector<1x8x128xf32>
        %squeeze3A_854 = vector.shape_cast %slice3A_853 : vector<1x8x128xf32> to vector<8x128xf32>
        %add3A_855 = arith.addf %add3A_852, %squeeze3A_854 : vector<8x128xf32>
        %slice3A_856 = vector.extract_strided_slice %reshape3A_823 {offsets = [11, 0, 0], sizes = [1, 8, 128], strides = [1, 1, 1]} : vector<16x8x128xf32> to vector<1x8x128xf32>
        %squeeze3A_857 = vector.shape_cast %slice3A_856 : vector<1x8x128xf32> to vector<8x128xf32>
        %add3A_858 = arith.addf %add3A_855, %squeeze3A_857 : vector<8x128xf32>
        %slice3A_859 = vector.extract_strided_slice %reshape3A_823 {offsets = [12, 0, 0], sizes = [1, 8, 128], strides = [1, 1, 1]} : vector<16x8x128xf32> to vector<1x8x128xf32>
        %squeeze3A_860 = vector.shape_cast %slice3A_859 : vector<1x8x128xf32> to vector<8x128xf32>
        %add3A_861 = arith.addf %add3A_858, %squeeze3A_860 : vector<8x128xf32>
        %slice3A_862 = vector.extract_strided_slice %reshape3A_823 {offsets = [13, 0, 0], sizes = [1, 8, 128], strides = [1, 1, 1]} : vector<16x8x128xf32> to vector<1x8x128xf32>
        %squeeze3A_863 = vector.shape_cast %slice3A_862 : vector<1x8x128xf32> to vector<8x128xf32>
        %add3A_864 = arith.addf %add3A_861, %squeeze3A_863 : vector<8x128xf32>
        %slice3A_865 = vector.extract_strided_slice %reshape3A_823 {offsets = [14, 0, 0], sizes = [1, 8, 128], strides = [1, 1, 1]} : vector<16x8x128xf32> to vector<1x8x128xf32>
        %squeeze3A_866 = vector.shape_cast %slice3A_865 : vector<1x8x128xf32> to vector<8x128xf32>
        %add3A_867 = arith.addf %add3A_864, %squeeze3A_866 : vector<8x128xf32>
        %slice3A_868 = vector.extract_strided_slice %reshape3A_823 {offsets = [15, 0, 0], sizes = [1, 8, 128], strides = [1, 1, 1]} : vector<16x8x128xf32> to vector<1x8x128xf32>
        %squeeze3A_869 = vector.shape_cast %slice3A_868 : vector<1x8x128xf32> to vector<8x128xf32>
        %add3A_870 = arith.addf %add3A_867, %squeeze3A_869 : vector<8x128xf32>
        %slice3A_871 = vector.extract_strided_slice %add3A_870 {offsets = [4, 0], sizes = [4, 128], strides = [1, 1]} : vector<8x128xf32> to vector<4x128xf32>
        %slice3A_872 = vector.extract_strided_slice %add3A_870 {offsets = [0, 0], sizes = [4, 128], strides = [1, 1]} : vector<8x128xf32> to vector<4x128xf32>
        %add3A_873 = arith.addf %slice3A_871, %slice3A_872 : vector<4x128xf32>
        %slice3A_874 = vector.extract_strided_slice %add3A_873 {offsets = [2, 0], sizes = [2, 128], strides = [1, 1]} : vector<4x128xf32> to vector<2x128xf32>
        %slice3A_875 = vector.extract_strided_slice %add3A_873 {offsets = [0, 0], sizes = [2, 128], strides = [1, 1]} : vector<4x128xf32> to vector<2x128xf32>
        %add3A_876 = arith.addf %slice3A_874, %slice3A_875 : vector<2x128xf32>
        %slice3A_877 = vector.extract_strided_slice %add3A_876 {offsets = [1, 0], sizes = [1, 128], strides = [1, 1]} : vector<2x128xf32> to vector<1x128xf32>
        %slice3A_878 = vector.extract_strided_slice %add3A_876 {offsets = [0, 0], sizes = [1, 128], strides = [1, 1]} : vector<2x128xf32> to vector<1x128xf32>
        %add3A_879 = arith.addf %slice3A_877, %slice3A_878 : vector<1x128xf32>
        %add3A_880 = arith.addf %add3A_820, %add3A_879 : vector<1x128xf32>
        %sqrt3A_881 = math.sqrt %add3A_880 : vector<1x128xf32>
        %get3A_882 = arith.index_cast %scan3A_749 : i32 to index
        %get3A_883 = arith.constant 0 : index
        %get3A_884 = arith.constant 0 : index
        %get3A_885 = vector.load %arg3[%get3A_882, %get3A_883, %get3A_884] : memref<128x1x128xf32, #tpu.memory_space<vmem>>, vector<1x1x128xf32>
        %get3A_886 = vector.shape_cast %get3A_885 : vector<1x1x128xf32> to vector<1x128xf32>
        %gt3A_887 = arith.constant 0.000000e+00 : f32
        %gt3A_888 = vector.broadcast %gt3A_887 : f32 to vector<1x128xf32>
        %gt3A_889 = arith.cmpf ogt, %get3A_886, %gt3A_888 : vector<1x128xf32>
        %jit3A_890 = arith.constant 0x7F800000 : f32
        %broadcast_in_dim3A_891 = vector.broadcast %jit3A_890 : f32 to vector<1x128xf32>
        %select_n3A_892 = arith.select %gt3A_889, %broadcast_in_dim3A_891, %sqrt3A_881 : vector<1x128xi1>, vector<1x128xf32>
        %reduce_min3A_893 = vector.shape_cast %select_n3A_892 : vector<1x128xf32> to vector<1x1x128xf32>
        %reduce_min3A_894 = arith.constant dense<0x7F800000> : vector<1xf32>
        %reduce_min3A_895 = vector.multi_reduction <minimumf>, %reduce_min3A_893, %reduce_min3A_894 [1, 2] : vector<1x1x128xf32> to vector<1xf32>
        %reduce_min3A_896 = vector.shape_cast %reduce_min3A_895 : vector<1xf32> to vector<1x1x1xf32>
        %reduce_min3A_897 = vector.extract %reduce_min3A_896[0, 0, 0] : f32 from vector<1x1x1xf32>
        %eq3A_898 = vector.broadcast %reduce_min3A_897 : f32 to vector<1x128xf32>
        %eq3A_899 = arith.cmpf oeq, %select_n3A_892, %eq3A_898 : vector<1x128xf32>
        %jit3A_900 = arith.constant 16384 : i32
        %broadcast_in_dim3A_901 = vector.broadcast %jit3A_900 : i32 to vector<1x128xi32>
        %select_n3A_902 = arith.select %eq3A_899, %iota3A, %broadcast_in_dim3A_901 : vector<1x128xi1>, vector<1x128xi32>
        %reduce_min3A_903 = vector.shape_cast %select_n3A_902 : vector<1x128xi32> to vector<1x1x128xi32>
        %reduce_min3A_904 = arith.constant dense<2147483647> : vector<1xi32>
        %reduce_min3A_905 = vector.multi_reduction <minsi>, %reduce_min3A_903, %reduce_min3A_904 [1, 2] : vector<1x1x128xi32> to vector<1xi32>
        %reduce_min3A_906 = vector.shape_cast %reduce_min3A_905 : vector<1xi32> to vector<1x1x1xi32>
        %reduce_min3A_907 = vector.extract %reduce_min3A_906[0, 0, 0] : i32 from vector<1x1x1xi32>
        %lt3A_908 = arith.cmpf olt, %reduce_min3A_897, %select_n3A_743 : f32
        %select_n3A_909 = arith.select %lt3A_908, %reduce_min3A_897, %select_n3A_743 : f32
        %mul3A_910 = arith.constant 128 : i32
        %mul3A_911 = arith.muli %scan3A_749, %mul3A_910 : i32
        %add3A_912 = arith.addi %mul3A_911, %reduce_min3A_907 : i32
        %select_n3A_913 = arith.select %lt3A_908, %add3A_912, %select_n3A_747 : i32
        %scan3A_914 = arith.constant 5 : i32
        %scan3A_915 = arith.addi %scan3A_91, %scan3A_914 : i32
        %get3A_916 = arith.index_cast %scan3A_915 : i32 to index
        %get3A_917 = arith.constant 0 : index
        %get3A_918 = arith.constant 0 : index
        %get3A_919 = vector.load %arg0[%get3A_916, %get3A_917, %get3A_918] : memref<128x128x256xf32, #tpu.memory_space<vmem>>, vector<1x128x256xf32>
        %get3A_920 = vector.shape_cast %get3A_919 : vector<1x128x256xf32> to vector<128x256xf32>
        %add3A_921 = vector.broadcast %scan3A_24 : vector<1x256xf32> to vector<128x256xf32>
        %add3A_922 = arith.addf %get3A_920, %add3A_921 : vector<128x256xf32>
        %mul3A_923 = vector.broadcast %div3A_28 : f32 to vector<128x256xf32>
        %mul3A_924 = arith.mulf %mul3A_923, %add3A_922 : vector<128x256xf32>
        %sub3A_925 = vector.broadcast %get3A_1 : vector<1x256xf32> to vector<128x256xf32>
        %sub3A_926 = arith.subf %sub3A_925, %mul3A_924 : vector<128x256xf32>
        %mul3A_927 = arith.mulf %sub3A_926, %sub3A_926 : vector<128x256xf32>
        %slice3A_928 = vector.extract_strided_slice %mul3A_927 {offsets = [0, 0], sizes = [128, 128], strides = [1, 1]} : vector<128x256xf32> to vector<128x128xf32>
        %transpose3A_929 = tpu.transpose %slice3A_928, [1, 0] : vector<128x128xf32> -> vector<128x128xf32>
        %reshape3A_930 = vector.shape_cast %transpose3A_929 : vector<128x128xf32> to vector<16x8x128xf32>
        %slice3A_931 = vector.extract_strided_slice %reshape3A_930 {offsets = [0, 0, 0], sizes = [1, 8, 128], strides = [1, 1, 1]} : vector<16x8x128xf32> to vector<1x8x128xf32>
        %squeeze3A_932 = vector.shape_cast %slice3A_931 : vector<1x8x128xf32> to vector<8x128xf32>
        %slice3A_933 = vector.extract_strided_slice %reshape3A_930 {offsets = [1, 0, 0], sizes = [1, 8, 128], strides = [1, 1, 1]} : vector<16x8x128xf32> to vector<1x8x128xf32>
        %squeeze3A_934 = vector.shape_cast %slice3A_933 : vector<1x8x128xf32> to vector<8x128xf32>
        %add3A_935 = arith.addf %squeeze3A_932, %squeeze3A_934 : vector<8x128xf32>
        %slice3A_936 = vector.extract_strided_slice %reshape3A_930 {offsets = [2, 0, 0], sizes = [1, 8, 128], strides = [1, 1, 1]} : vector<16x8x128xf32> to vector<1x8x128xf32>
        %squeeze3A_937 = vector.shape_cast %slice3A_936 : vector<1x8x128xf32> to vector<8x128xf32>
        %add3A_938 = arith.addf %add3A_935, %squeeze3A_937 : vector<8x128xf32>
        %slice3A_939 = vector.extract_strided_slice %reshape3A_930 {offsets = [3, 0, 0], sizes = [1, 8, 128], strides = [1, 1, 1]} : vector<16x8x128xf32> to vector<1x8x128xf32>
        %squeeze3A_940 = vector.shape_cast %slice3A_939 : vector<1x8x128xf32> to vector<8x128xf32>
        %add3A_941 = arith.addf %add3A_938, %squeeze3A_940 : vector<8x128xf32>
        %slice3A_942 = vector.extract_strided_slice %reshape3A_930 {offsets = [4, 0, 0], sizes = [1, 8, 128], strides = [1, 1, 1]} : vector<16x8x128xf32> to vector<1x8x128xf32>
        %squeeze3A_943 = vector.shape_cast %slice3A_942 : vector<1x8x128xf32> to vector<8x128xf32>
        %add3A_944 = arith.addf %add3A_941, %squeeze3A_943 : vector<8x128xf32>
        %slice3A_945 = vector.extract_strided_slice %reshape3A_930 {offsets = [5, 0, 0], sizes = [1, 8, 128], strides = [1, 1, 1]} : vector<16x8x128xf32> to vector<1x8x128xf32>
        %squeeze3A_946 = vector.shape_cast %slice3A_945 : vector<1x8x128xf32> to vector<8x128xf32>
        %add3A_947 = arith.addf %add3A_944, %squeeze3A_946 : vector<8x128xf32>
        %slice3A_948 = vector.extract_strided_slice %reshape3A_930 {offsets = [6, 0, 0], sizes = [1, 8, 128], strides = [1, 1, 1]} : vector<16x8x128xf32> to vector<1x8x128xf32>
        %squeeze3A_949 = vector.shape_cast %slice3A_948 : vector<1x8x128xf32> to vector<8x128xf32>
        %add3A_950 = arith.addf %add3A_947, %squeeze3A_949 : vector<8x128xf32>
        %slice3A_951 = vector.extract_strided_slice %reshape3A_930 {offsets = [7, 0, 0], sizes = [1, 8, 128], strides = [1, 1, 1]} : vector<16x8x128xf32> to vector<1x8x128xf32>
        %squeeze3A_952 = vector.shape_cast %slice3A_951 : vector<1x8x128xf32> to vector<8x128xf32>
        %add3A_953 = arith.addf %add3A_950, %squeeze3A_952 : vector<8x128xf32>
        %slice3A_954 = vector.extract_strided_slice %reshape3A_930 {offsets = [8, 0, 0], sizes = [1, 8, 128], strides = [1, 1, 1]} : vector<16x8x128xf32> to vector<1x8x128xf32>
        %squeeze3A_955 = vector.shape_cast %slice3A_954 : vector<1x8x128xf32> to vector<8x128xf32>
        %add3A_956 = arith.addf %add3A_953, %squeeze3A_955 : vector<8x128xf32>
        %slice3A_957 = vector.extract_strided_slice %reshape3A_930 {offsets = [9, 0, 0], sizes = [1, 8, 128], strides = [1, 1, 1]} : vector<16x8x128xf32> to vector<1x8x128xf32>
        %squeeze3A_958 = vector.shape_cast %slice3A_957 : vector<1x8x128xf32> to vector<8x128xf32>
        %add3A_959 = arith.addf %add3A_956, %squeeze3A_958 : vector<8x128xf32>
        %slice3A_960 = vector.extract_strided_slice %reshape3A_930 {offsets = [10, 0, 0], sizes = [1, 8, 128], strides = [1, 1, 1]} : vector<16x8x128xf32> to vector<1x8x128xf32>
        %squeeze3A_961 = vector.shape_cast %slice3A_960 : vector<1x8x128xf32> to vector<8x128xf32>
        %add3A_962 = arith.addf %add3A_959, %squeeze3A_961 : vector<8x128xf32>
        %slice3A_963 = vector.extract_strided_slice %reshape3A_930 {offsets = [11, 0, 0], sizes = [1, 8, 128], strides = [1, 1, 1]} : vector<16x8x128xf32> to vector<1x8x128xf32>
        %squeeze3A_964 = vector.shape_cast %slice3A_963 : vector<1x8x128xf32> to vector<8x128xf32>
        %add3A_965 = arith.addf %add3A_962, %squeeze3A_964 : vector<8x128xf32>
        %slice3A_966 = vector.extract_strided_slice %reshape3A_930 {offsets = [12, 0, 0], sizes = [1, 8, 128], strides = [1, 1, 1]} : vector<16x8x128xf32> to vector<1x8x128xf32>
        %squeeze3A_967 = vector.shape_cast %slice3A_966 : vector<1x8x128xf32> to vector<8x128xf32>
        %add3A_968 = arith.addf %add3A_965, %squeeze3A_967 : vector<8x128xf32>
        %slice3A_969 = vector.extract_strided_slice %reshape3A_930 {offsets = [13, 0, 0], sizes = [1, 8, 128], strides = [1, 1, 1]} : vector<16x8x128xf32> to vector<1x8x128xf32>
        %squeeze3A_970 = vector.shape_cast %slice3A_969 : vector<1x8x128xf32> to vector<8x128xf32>
        %add3A_971 = arith.addf %add3A_968, %squeeze3A_970 : vector<8x128xf32>
        %slice3A_972 = vector.extract_strided_slice %reshape3A_930 {offsets = [14, 0, 0], sizes = [1, 8, 128], strides = [1, 1, 1]} : vector<16x8x128xf32> to vector<1x8x128xf32>
        %squeeze3A_973 = vector.shape_cast %slice3A_972 : vector<1x8x128xf32> to vector<8x128xf32>
        %add3A_974 = arith.addf %add3A_971, %squeeze3A_973 : vector<8x128xf32>
        %slice3A_975 = vector.extract_strided_slice %reshape3A_930 {offsets = [15, 0, 0], sizes = [1, 8, 128], strides = [1, 1, 1]} : vector<16x8x128xf32> to vector<1x8x128xf32>
        %squeeze3A_976 = vector.shape_cast %slice3A_975 : vector<1x8x128xf32> to vector<8x128xf32>
        %add3A_977 = arith.addf %add3A_974, %squeeze3A_976 : vector<8x128xf32>
        %slice3A_978 = vector.extract_strided_slice %add3A_977 {offsets = [4, 0], sizes = [4, 128], strides = [1, 1]} : vector<8x128xf32> to vector<4x128xf32>
        %slice3A_979 = vector.extract_strided_slice %add3A_977 {offsets = [0, 0], sizes = [4, 128], strides = [1, 1]} : vector<8x128xf32> to vector<4x128xf32>
        %add3A_980 = arith.addf %slice3A_978, %slice3A_979 : vector<4x128xf32>
        %slice3A_981 = vector.extract_strided_slice %add3A_980 {offsets = [2, 0], sizes = [2, 128], strides = [1, 1]} : vector<4x128xf32> to vector<2x128xf32>
        %slice3A_982 = vector.extract_strided_slice %add3A_980 {offsets = [0, 0], sizes = [2, 128], strides = [1, 1]} : vector<4x128xf32> to vector<2x128xf32>
        %add3A_983 = arith.addf %slice3A_981, %slice3A_982 : vector<2x128xf32>
        %slice3A_984 = vector.extract_strided_slice %add3A_983 {offsets = [1, 0], sizes = [1, 128], strides = [1, 1]} : vector<2x128xf32> to vector<1x128xf32>
        %slice3A_985 = vector.extract_strided_slice %add3A_983 {offsets = [0, 0], sizes = [1, 128], strides = [1, 1]} : vector<2x128xf32> to vector<1x128xf32>
        %add3A_986 = arith.addf %slice3A_984, %slice3A_985 : vector<1x128xf32>
        %slice3A_987 = vector.extract_strided_slice %mul3A_927 {offsets = [0, 128], sizes = [128, 128], strides = [1, 1]} : vector<128x256xf32> to vector<128x128xf32>
        %transpose3A_988 = tpu.transpose %slice3A_987, [1, 0] : vector<128x128xf32> -> vector<128x128xf32>
        %reshape3A_989 = vector.shape_cast %transpose3A_988 : vector<128x128xf32> to vector<16x8x128xf32>
        %slice3A_990 = vector.extract_strided_slice %reshape3A_989 {offsets = [0, 0, 0], sizes = [1, 8, 128], strides = [1, 1, 1]} : vector<16x8x128xf32> to vector<1x8x128xf32>
        %squeeze3A_991 = vector.shape_cast %slice3A_990 : vector<1x8x128xf32> to vector<8x128xf32>
        %slice3A_992 = vector.extract_strided_slice %reshape3A_989 {offsets = [1, 0, 0], sizes = [1, 8, 128], strides = [1, 1, 1]} : vector<16x8x128xf32> to vector<1x8x128xf32>
        %squeeze3A_993 = vector.shape_cast %slice3A_992 : vector<1x8x128xf32> to vector<8x128xf32>
        %add3A_994 = arith.addf %squeeze3A_991, %squeeze3A_993 : vector<8x128xf32>
        %slice3A_995 = vector.extract_strided_slice %reshape3A_989 {offsets = [2, 0, 0], sizes = [1, 8, 128], strides = [1, 1, 1]} : vector<16x8x128xf32> to vector<1x8x128xf32>
        %squeeze3A_996 = vector.shape_cast %slice3A_995 : vector<1x8x128xf32> to vector<8x128xf32>
        %add3A_997 = arith.addf %add3A_994, %squeeze3A_996 : vector<8x128xf32>
        %slice3A_998 = vector.extract_strided_slice %reshape3A_989 {offsets = [3, 0, 0], sizes = [1, 8, 128], strides = [1, 1, 1]} : vector<16x8x128xf32> to vector<1x8x128xf32>
        %squeeze3A_999 = vector.shape_cast %slice3A_998 : vector<1x8x128xf32> to vector<8x128xf32>
        %add3A_1000 = arith.addf %add3A_997, %squeeze3A_999 : vector<8x128xf32>
        %slice3A_1001 = vector.extract_strided_slice %reshape3A_989 {offsets = [4, 0, 0], sizes = [1, 8, 128], strides = [1, 1, 1]} : vector<16x8x128xf32> to vector<1x8x128xf32>
        %squeeze3A_1002 = vector.shape_cast %slice3A_1001 : vector<1x8x128xf32> to vector<8x128xf32>
        %add3A_1003 = arith.addf %add3A_1000, %squeeze3A_1002 : vector<8x128xf32>
        %slice3A_1004 = vector.extract_strided_slice %reshape3A_989 {offsets = [5, 0, 0], sizes = [1, 8, 128], strides = [1, 1, 1]} : vector<16x8x128xf32> to vector<1x8x128xf32>
        %squeeze3A_1005 = vector.shape_cast %slice3A_1004 : vector<1x8x128xf32> to vector<8x128xf32>
        %add3A_1006 = arith.addf %add3A_1003, %squeeze3A_1005 : vector<8x128xf32>
        %slice3A_1007 = vector.extract_strided_slice %reshape3A_989 {offsets = [6, 0, 0], sizes = [1, 8, 128], strides = [1, 1, 1]} : vector<16x8x128xf32> to vector<1x8x128xf32>
        %squeeze3A_1008 = vector.shape_cast %slice3A_1007 : vector<1x8x128xf32> to vector<8x128xf32>
        %add3A_1009 = arith.addf %add3A_1006, %squeeze3A_1008 : vector<8x128xf32>
        %slice3A_1010 = vector.extract_strided_slice %reshape3A_989 {offsets = [7, 0, 0], sizes = [1, 8, 128], strides = [1, 1, 1]} : vector<16x8x128xf32> to vector<1x8x128xf32>
        %squeeze3A_1011 = vector.shape_cast %slice3A_1010 : vector<1x8x128xf32> to vector<8x128xf32>
        %add3A_1012 = arith.addf %add3A_1009, %squeeze3A_1011 : vector<8x128xf32>
        %slice3A_1013 = vector.extract_strided_slice %reshape3A_989 {offsets = [8, 0, 0], sizes = [1, 8, 128], strides = [1, 1, 1]} : vector<16x8x128xf32> to vector<1x8x128xf32>
        %squeeze3A_1014 = vector.shape_cast %slice3A_1013 : vector<1x8x128xf32> to vector<8x128xf32>
        %add3A_1015 = arith.addf %add3A_1012, %squeeze3A_1014 : vector<8x128xf32>
        %slice3A_1016 = vector.extract_strided_slice %reshape3A_989 {offsets = [9, 0, 0], sizes = [1, 8, 128], strides = [1, 1, 1]} : vector<16x8x128xf32> to vector<1x8x128xf32>
        %squeeze3A_1017 = vector.shape_cast %slice3A_1016 : vector<1x8x128xf32> to vector<8x128xf32>
        %add3A_1018 = arith.addf %add3A_1015, %squeeze3A_1017 : vector<8x128xf32>
        %slice3A_1019 = vector.extract_strided_slice %reshape3A_989 {offsets = [10, 0, 0], sizes = [1, 8, 128], strides = [1, 1, 1]} : vector<16x8x128xf32> to vector<1x8x128xf32>
        %squeeze3A_1020 = vector.shape_cast %slice3A_1019 : vector<1x8x128xf32> to vector<8x128xf32>
        %add3A_1021 = arith.addf %add3A_1018, %squeeze3A_1020 : vector<8x128xf32>
        %slice3A_1022 = vector.extract_strided_slice %reshape3A_989 {offsets = [11, 0, 0], sizes = [1, 8, 128], strides = [1, 1, 1]} : vector<16x8x128xf32> to vector<1x8x128xf32>
        %squeeze3A_1023 = vector.shape_cast %slice3A_1022 : vector<1x8x128xf32> to vector<8x128xf32>
        %add3A_1024 = arith.addf %add3A_1021, %squeeze3A_1023 : vector<8x128xf32>
        %slice3A_1025 = vector.extract_strided_slice %reshape3A_989 {offsets = [12, 0, 0], sizes = [1, 8, 128], strides = [1, 1, 1]} : vector<16x8x128xf32> to vector<1x8x128xf32>
        %squeeze3A_1026 = vector.shape_cast %slice3A_1025 : vector<1x8x128xf32> to vector<8x128xf32>
        %add3A_1027 = arith.addf %add3A_1024, %squeeze3A_1026 : vector<8x128xf32>
        %slice3A_1028 = vector.extract_strided_slice %reshape3A_989 {offsets = [13, 0, 0], sizes = [1, 8, 128], strides = [1, 1, 1]} : vector<16x8x128xf32> to vector<1x8x128xf32>
        %squeeze3A_1029 = vector.shape_cast %slice3A_1028 : vector<1x8x128xf32> to vector<8x128xf32>
        %add3A_1030 = arith.addf %add3A_1027, %squeeze3A_1029 : vector<8x128xf32>
        %slice3A_1031 = vector.extract_strided_slice %reshape3A_989 {offsets = [14, 0, 0], sizes = [1, 8, 128], strides = [1, 1, 1]} : vector<16x8x128xf32> to vector<1x8x128xf32>
        %squeeze3A_1032 = vector.shape_cast %slice3A_1031 : vector<1x8x128xf32> to vector<8x128xf32>
        %add3A_1033 = arith.addf %add3A_1030, %squeeze3A_1032 : vector<8x128xf32>
        %slice3A_1034 = vector.extract_strided_slice %reshape3A_989 {offsets = [15, 0, 0], sizes = [1, 8, 128], strides = [1, 1, 1]} : vector<16x8x128xf32> to vector<1x8x128xf32>
        %squeeze3A_1035 = vector.shape_cast %slice3A_1034 : vector<1x8x128xf32> to vector<8x128xf32>
        %add3A_1036 = arith.addf %add3A_1033, %squeeze3A_1035 : vector<8x128xf32>
        %slice3A_1037 = vector.extract_strided_slice %add3A_1036 {offsets = [4, 0], sizes = [4, 128], strides = [1, 1]} : vector<8x128xf32> to vector<4x128xf32>
        %slice3A_1038 = vector.extract_strided_slice %add3A_1036 {offsets = [0, 0], sizes = [4, 128], strides = [1, 1]} : vector<8x128xf32> to vector<4x128xf32>
        %add3A_1039 = arith.addf %slice3A_1037, %slice3A_1038 : vector<4x128xf32>
        %slice3A_1040 = vector.extract_strided_slice %add3A_1039 {offsets = [2, 0], sizes = [2, 128], strides = [1, 1]} : vector<4x128xf32> to vector<2x128xf32>
        %slice3A_1041 = vector.extract_strided_slice %add3A_1039 {offsets = [0, 0], sizes = [2, 128], strides = [1, 1]} : vector<4x128xf32> to vector<2x128xf32>
        %add3A_1042 = arith.addf %slice3A_1040, %slice3A_1041 : vector<2x128xf32>
        %slice3A_1043 = vector.extract_strided_slice %add3A_1042 {offsets = [1, 0], sizes = [1, 128], strides = [1, 1]} : vector<2x128xf32> to vector<1x128xf32>
        %slice3A_1044 = vector.extract_strided_slice %add3A_1042 {offsets = [0, 0], sizes = [1, 128], strides = [1, 1]} : vector<2x128xf32> to vector<1x128xf32>
        %add3A_1045 = arith.addf %slice3A_1043, %slice3A_1044 : vector<1x128xf32>
        %add3A_1046 = arith.addf %add3A_986, %add3A_1045 : vector<1x128xf32>
        %sqrt3A_1047 = math.sqrt %add3A_1046 : vector<1x128xf32>
        %get3A_1048 = arith.index_cast %scan3A_915 : i32 to index
        %get3A_1049 = arith.constant 0 : index
        %get3A_1050 = arith.constant 0 : index
        %get3A_1051 = vector.load %arg3[%get3A_1048, %get3A_1049, %get3A_1050] : memref<128x1x128xf32, #tpu.memory_space<vmem>>, vector<1x1x128xf32>
        %get3A_1052 = vector.shape_cast %get3A_1051 : vector<1x1x128xf32> to vector<1x128xf32>
        %gt3A_1053 = arith.constant 0.000000e+00 : f32
        %gt3A_1054 = vector.broadcast %gt3A_1053 : f32 to vector<1x128xf32>
        %gt3A_1055 = arith.cmpf ogt, %get3A_1052, %gt3A_1054 : vector<1x128xf32>
        %jit3A_1056 = arith.constant 0x7F800000 : f32
        %broadcast_in_dim3A_1057 = vector.broadcast %jit3A_1056 : f32 to vector<1x128xf32>
        %select_n3A_1058 = arith.select %gt3A_1055, %broadcast_in_dim3A_1057, %sqrt3A_1047 : vector<1x128xi1>, vector<1x128xf32>
        %reduce_min3A_1059 = vector.shape_cast %select_n3A_1058 : vector<1x128xf32> to vector<1x1x128xf32>
        %reduce_min3A_1060 = arith.constant dense<0x7F800000> : vector<1xf32>
        %reduce_min3A_1061 = vector.multi_reduction <minimumf>, %reduce_min3A_1059, %reduce_min3A_1060 [1, 2] : vector<1x1x128xf32> to vector<1xf32>
        %reduce_min3A_1062 = vector.shape_cast %reduce_min3A_1061 : vector<1xf32> to vector<1x1x1xf32>
        %reduce_min3A_1063 = vector.extract %reduce_min3A_1062[0, 0, 0] : f32 from vector<1x1x1xf32>
        %eq3A_1064 = vector.broadcast %reduce_min3A_1063 : f32 to vector<1x128xf32>
        %eq3A_1065 = arith.cmpf oeq, %select_n3A_1058, %eq3A_1064 : vector<1x128xf32>
        %jit3A_1066 = arith.constant 16384 : i32
        %broadcast_in_dim3A_1067 = vector.broadcast %jit3A_1066 : i32 to vector<1x128xi32>
        %select_n3A_1068 = arith.select %eq3A_1065, %iota3A, %broadcast_in_dim3A_1067 : vector<1x128xi1>, vector<1x128xi32>
        %reduce_min3A_1069 = vector.shape_cast %select_n3A_1068 : vector<1x128xi32> to vector<1x1x128xi32>
        %reduce_min3A_1070 = arith.constant dense<2147483647> : vector<1xi32>
        %reduce_min3A_1071 = vector.multi_reduction <minsi>, %reduce_min3A_1069, %reduce_min3A_1070 [1, 2] : vector<1x1x128xi32> to vector<1xi32>
        %reduce_min3A_1072 = vector.shape_cast %reduce_min3A_1071 : vector<1xi32> to vector<1x1x1xi32>
        %reduce_min3A_1073 = vector.extract %reduce_min3A_1072[0, 0, 0] : i32 from vector<1x1x1xi32>
        %lt3A_1074 = arith.cmpf olt, %reduce_min3A_1063, %select_n3A_909 : f32
        %select_n3A_1075 = arith.select %lt3A_1074, %reduce_min3A_1063, %select_n3A_909 : f32
        %mul3A_1076 = arith.constant 128 : i32
        %mul3A_1077 = arith.muli %scan3A_915, %mul3A_1076 : i32
        %add3A_1078 = arith.addi %mul3A_1077, %reduce_min3A_1073 : i32
        %select_n3A_1079 = arith.select %lt3A_1074, %add3A_1078, %select_n3A_913 : i32
        %scan3A_1080 = arith.constant 6 : i32
        %scan3A_1081 = arith.addi %scan3A_91, %scan3A_1080 : i32
        %get3A_1082 = arith.index_cast %scan3A_1081 : i32 to index
        %get3A_1083 = arith.constant 0 : index
        %get3A_1084 = arith.constant 0 : index
        %get3A_1085 = vector.load %arg0[%get3A_1082, %get3A_1083, %get3A_1084] : memref<128x128x256xf32, #tpu.memory_space<vmem>>, vector<1x128x256xf32>
        %get3A_1086 = vector.shape_cast %get3A_1085 : vector<1x128x256xf32> to vector<128x256xf32>
        %add3A_1087 = vector.broadcast %scan3A_24 : vector<1x256xf32> to vector<128x256xf32>
        %add3A_1088 = arith.addf %get3A_1086, %add3A_1087 : vector<128x256xf32>
        %mul3A_1089 = vector.broadcast %div3A_28 : f32 to vector<128x256xf32>
        %mul3A_1090 = arith.mulf %mul3A_1089, %add3A_1088 : vector<128x256xf32>
        %sub3A_1091 = vector.broadcast %get3A_1 : vector<1x256xf32> to vector<128x256xf32>
        %sub3A_1092 = arith.subf %sub3A_1091, %mul3A_1090 : vector<128x256xf32>
        %mul3A_1093 = arith.mulf %sub3A_1092, %sub3A_1092 : vector<128x256xf32>
        %slice3A_1094 = vector.extract_strided_slice %mul3A_1093 {offsets = [0, 0], sizes = [128, 128], strides = [1, 1]} : vector<128x256xf32> to vector<128x128xf32>
        %transpose3A_1095 = tpu.transpose %slice3A_1094, [1, 0] : vector<128x128xf32> -> vector<128x128xf32>
        %reshape3A_1096 = vector.shape_cast %transpose3A_1095 : vector<128x128xf32> to vector<16x8x128xf32>
        %slice3A_1097 = vector.extract_strided_slice %reshape3A_1096 {offsets = [0, 0, 0], sizes = [1, 8, 128], strides = [1, 1, 1]} : vector<16x8x128xf32> to vector<1x8x128xf32>
        %squeeze3A_1098 = vector.shape_cast %slice3A_1097 : vector<1x8x128xf32> to vector<8x128xf32>
        %slice3A_1099 = vector.extract_strided_slice %reshape3A_1096 {offsets = [1, 0, 0], sizes = [1, 8, 128], strides = [1, 1, 1]} : vector<16x8x128xf32> to vector<1x8x128xf32>
        %squeeze3A_1100 = vector.shape_cast %slice3A_1099 : vector<1x8x128xf32> to vector<8x128xf32>
        %add3A_1101 = arith.addf %squeeze3A_1098, %squeeze3A_1100 : vector<8x128xf32>
        %slice3A_1102 = vector.extract_strided_slice %reshape3A_1096 {offsets = [2, 0, 0], sizes = [1, 8, 128], strides = [1, 1, 1]} : vector<16x8x128xf32> to vector<1x8x128xf32>
        %squeeze3A_1103 = vector.shape_cast %slice3A_1102 : vector<1x8x128xf32> to vector<8x128xf32>
        %add3A_1104 = arith.addf %add3A_1101, %squeeze3A_1103 : vector<8x128xf32>
        %slice3A_1105 = vector.extract_strided_slice %reshape3A_1096 {offsets = [3, 0, 0], sizes = [1, 8, 128], strides = [1, 1, 1]} : vector<16x8x128xf32> to vector<1x8x128xf32>
        %squeeze3A_1106 = vector.shape_cast %slice3A_1105 : vector<1x8x128xf32> to vector<8x128xf32>
        %add3A_1107 = arith.addf %add3A_1104, %squeeze3A_1106 : vector<8x128xf32>
        %slice3A_1108 = vector.extract_strided_slice %reshape3A_1096 {offsets = [4, 0, 0], sizes = [1, 8, 128], strides = [1, 1, 1]} : vector<16x8x128xf32> to vector<1x8x128xf32>
        %squeeze3A_1109 = vector.shape_cast %slice3A_1108 : vector<1x8x128xf32> to vector<8x128xf32>
        %add3A_1110 = arith.addf %add3A_1107, %squeeze3A_1109 : vector<8x128xf32>
        %slice3A_1111 = vector.extract_strided_slice %reshape3A_1096 {offsets = [5, 0, 0], sizes = [1, 8, 128], strides = [1, 1, 1]} : vector<16x8x128xf32> to vector<1x8x128xf32>
        %squeeze3A_1112 = vector.shape_cast %slice3A_1111 : vector<1x8x128xf32> to vector<8x128xf32>
        %add3A_1113 = arith.addf %add3A_1110, %squeeze3A_1112 : vector<8x128xf32>
        %slice3A_1114 = vector.extract_strided_slice %reshape3A_1096 {offsets = [6, 0, 0], sizes = [1, 8, 128], strides = [1, 1, 1]} : vector<16x8x128xf32> to vector<1x8x128xf32>
        %squeeze3A_1115 = vector.shape_cast %slice3A_1114 : vector<1x8x128xf32> to vector<8x128xf32>
        %add3A_1116 = arith.addf %add3A_1113, %squeeze3A_1115 : vector<8x128xf32>
        %slice3A_1117 = vector.extract_strided_slice %reshape3A_1096 {offsets = [7, 0, 0], sizes = [1, 8, 128], strides = [1, 1, 1]} : vector<16x8x128xf32> to vector<1x8x128xf32>
        %squeeze3A_1118 = vector.shape_cast %slice3A_1117 : vector<1x8x128xf32> to vector<8x128xf32>
        %add3A_1119 = arith.addf %add3A_1116, %squeeze3A_1118 : vector<8x128xf32>
        %slice3A_1120 = vector.extract_strided_slice %reshape3A_1096 {offsets = [8, 0, 0], sizes = [1, 8, 128], strides = [1, 1, 1]} : vector<16x8x128xf32> to vector<1x8x128xf32>
        %squeeze3A_1121 = vector.shape_cast %slice3A_1120 : vector<1x8x128xf32> to vector<8x128xf32>
        %add3A_1122 = arith.addf %add3A_1119, %squeeze3A_1121 : vector<8x128xf32>
        %slice3A_1123 = vector.extract_strided_slice %reshape3A_1096 {offsets = [9, 0, 0], sizes = [1, 8, 128], strides = [1, 1, 1]} : vector<16x8x128xf32> to vector<1x8x128xf32>
        %squeeze3A_1124 = vector.shape_cast %slice3A_1123 : vector<1x8x128xf32> to vector<8x128xf32>
        %add3A_1125 = arith.addf %add3A_1122, %squeeze3A_1124 : vector<8x128xf32>
        %slice3A_1126 = vector.extract_strided_slice %reshape3A_1096 {offsets = [10, 0, 0], sizes = [1, 8, 128], strides = [1, 1, 1]} : vector<16x8x128xf32> to vector<1x8x128xf32>
        %squeeze3A_1127 = vector.shape_cast %slice3A_1126 : vector<1x8x128xf32> to vector<8x128xf32>
        %add3A_1128 = arith.addf %add3A_1125, %squeeze3A_1127 : vector<8x128xf32>
        %slice3A_1129 = vector.extract_strided_slice %reshape3A_1096 {offsets = [11, 0, 0], sizes = [1, 8, 128], strides = [1, 1, 1]} : vector<16x8x128xf32> to vector<1x8x128xf32>
        %squeeze3A_1130 = vector.shape_cast %slice3A_1129 : vector<1x8x128xf32> to vector<8x128xf32>
        %add3A_1131 = arith.addf %add3A_1128, %squeeze3A_1130 : vector<8x128xf32>
        %slice3A_1132 = vector.extract_strided_slice %reshape3A_1096 {offsets = [12, 0, 0], sizes = [1, 8, 128], strides = [1, 1, 1]} : vector<16x8x128xf32> to vector<1x8x128xf32>
        %squeeze3A_1133 = vector.shape_cast %slice3A_1132 : vector<1x8x128xf32> to vector<8x128xf32>
        %add3A_1134 = arith.addf %add3A_1131, %squeeze3A_1133 : vector<8x128xf32>
        %slice3A_1135 = vector.extract_strided_slice %reshape3A_1096 {offsets = [13, 0, 0], sizes = [1, 8, 128], strides = [1, 1, 1]} : vector<16x8x128xf32> to vector<1x8x128xf32>
        %squeeze3A_1136 = vector.shape_cast %slice3A_1135 : vector<1x8x128xf32> to vector<8x128xf32>
        %add3A_1137 = arith.addf %add3A_1134, %squeeze3A_1136 : vector<8x128xf32>
        %slice3A_1138 = vector.extract_strided_slice %reshape3A_1096 {offsets = [14, 0, 0], sizes = [1, 8, 128], strides = [1, 1, 1]} : vector<16x8x128xf32> to vector<1x8x128xf32>
        %squeeze3A_1139 = vector.shape_cast %slice3A_1138 : vector<1x8x128xf32> to vector<8x128xf32>
        %add3A_1140 = arith.addf %add3A_1137, %squeeze3A_1139 : vector<8x128xf32>
        %slice3A_1141 = vector.extract_strided_slice %reshape3A_1096 {offsets = [15, 0, 0], sizes = [1, 8, 128], strides = [1, 1, 1]} : vector<16x8x128xf32> to vector<1x8x128xf32>
        %squeeze3A_1142 = vector.shape_cast %slice3A_1141 : vector<1x8x128xf32> to vector<8x128xf32>
        %add3A_1143 = arith.addf %add3A_1140, %squeeze3A_1142 : vector<8x128xf32>
        %slice3A_1144 = vector.extract_strided_slice %add3A_1143 {offsets = [4, 0], sizes = [4, 128], strides = [1, 1]} : vector<8x128xf32> to vector<4x128xf32>
        %slice3A_1145 = vector.extract_strided_slice %add3A_1143 {offsets = [0, 0], sizes = [4, 128], strides = [1, 1]} : vector<8x128xf32> to vector<4x128xf32>
        %add3A_1146 = arith.addf %slice3A_1144, %slice3A_1145 : vector<4x128xf32>
        %slice3A_1147 = vector.extract_strided_slice %add3A_1146 {offsets = [2, 0], sizes = [2, 128], strides = [1, 1]} : vector<4x128xf32> to vector<2x128xf32>
        %slice3A_1148 = vector.extract_strided_slice %add3A_1146 {offsets = [0, 0], sizes = [2, 128], strides = [1, 1]} : vector<4x128xf32> to vector<2x128xf32>
        %add3A_1149 = arith.addf %slice3A_1147, %slice3A_1148 : vector<2x128xf32>
        %slice3A_1150 = vector.extract_strided_slice %add3A_1149 {offsets = [1, 0], sizes = [1, 128], strides = [1, 1]} : vector<2x128xf32> to vector<1x128xf32>
        %slice3A_1151 = vector.extract_strided_slice %add3A_1149 {offsets = [0, 0], sizes = [1, 128], strides = [1, 1]} : vector<2x128xf32> to vector<1x128xf32>
        %add3A_1152 = arith.addf %slice3A_1150, %slice3A_1151 : vector<1x128xf32>
        %slice3A_1153 = vector.extract_strided_slice %mul3A_1093 {offsets = [0, 128], sizes = [128, 128], strides = [1, 1]} : vector<128x256xf32> to vector<128x128xf32>
        %transpose3A_1154 = tpu.transpose %slice3A_1153, [1, 0] : vector<128x128xf32> -> vector<128x128xf32>
        %reshape3A_1155 = vector.shape_cast %transpose3A_1154 : vector<128x128xf32> to vector<16x8x128xf32>
        %slice3A_1156 = vector.extract_strided_slice %reshape3A_1155 {offsets = [0, 0, 0], sizes = [1, 8, 128], strides = [1, 1, 1]} : vector<16x8x128xf32> to vector<1x8x128xf32>
        %squeeze3A_1157 = vector.shape_cast %slice3A_1156 : vector<1x8x128xf32> to vector<8x128xf32>
        %slice3A_1158 = vector.extract_strided_slice %reshape3A_1155 {offsets = [1, 0, 0], sizes = [1, 8, 128], strides = [1, 1, 1]} : vector<16x8x128xf32> to vector<1x8x128xf32>
        %squeeze3A_1159 = vector.shape_cast %slice3A_1158 : vector<1x8x128xf32> to vector<8x128xf32>
        %add3A_1160 = arith.addf %squeeze3A_1157, %squeeze3A_1159 : vector<8x128xf32>
        %slice3A_1161 = vector.extract_strided_slice %reshape3A_1155 {offsets = [2, 0, 0], sizes = [1, 8, 128], strides = [1, 1, 1]} : vector<16x8x128xf32> to vector<1x8x128xf32>
        %squeeze3A_1162 = vector.shape_cast %slice3A_1161 : vector<1x8x128xf32> to vector<8x128xf32>
        %add3A_1163 = arith.addf %add3A_1160, %squeeze3A_1162 : vector<8x128xf32>
        %slice3A_1164 = vector.extract_strided_slice %reshape3A_1155 {offsets = [3, 0, 0], sizes = [1, 8, 128], strides = [1, 1, 1]} : vector<16x8x128xf32> to vector<1x8x128xf32>
        %squeeze3A_1165 = vector.shape_cast %slice3A_1164 : vector<1x8x128xf32> to vector<8x128xf32>
        %add3A_1166 = arith.addf %add3A_1163, %squeeze3A_1165 : vector<8x128xf32>
        %slice3A_1167 = vector.extract_strided_slice %reshape3A_1155 {offsets = [4, 0, 0], sizes = [1, 8, 128], strides = [1, 1, 1]} : vector<16x8x128xf32> to vector<1x8x128xf32>
        %squeeze3A_1168 = vector.shape_cast %slice3A_1167 : vector<1x8x128xf32> to vector<8x128xf32>
        %add3A_1169 = arith.addf %add3A_1166, %squeeze3A_1168 : vector<8x128xf32>
        %slice3A_1170 = vector.extract_strided_slice %reshape3A_1155 {offsets = [5, 0, 0], sizes = [1, 8, 128], strides = [1, 1, 1]} : vector<16x8x128xf32> to vector<1x8x128xf32>
        %squeeze3A_1171 = vector.shape_cast %slice3A_1170 : vector<1x8x128xf32> to vector<8x128xf32>
        %add3A_1172 = arith.addf %add3A_1169, %squeeze3A_1171 : vector<8x128xf32>
        %slice3A_1173 = vector.extract_strided_slice %reshape3A_1155 {offsets = [6, 0, 0], sizes = [1, 8, 128], strides = [1, 1, 1]} : vector<16x8x128xf32> to vector<1x8x128xf32>
        %squeeze3A_1174 = vector.shape_cast %slice3A_1173 : vector<1x8x128xf32> to vector<8x128xf32>
        %add3A_1175 = arith.addf %add3A_1172, %squeeze3A_1174 : vector<8x128xf32>
        %slice3A_1176 = vector.extract_strided_slice %reshape3A_1155 {offsets = [7, 0, 0], sizes = [1, 8, 128], strides = [1, 1, 1]} : vector<16x8x128xf32> to vector<1x8x128xf32>
        %squeeze3A_1177 = vector.shape_cast %slice3A_1176 : vector<1x8x128xf32> to vector<8x128xf32>
        %add3A_1178 = arith.addf %add3A_1175, %squeeze3A_1177 : vector<8x128xf32>
        %slice3A_1179 = vector.extract_strided_slice %reshape3A_1155 {offsets = [8, 0, 0], sizes = [1, 8, 128], strides = [1, 1, 1]} : vector<16x8x128xf32> to vector<1x8x128xf32>
        %squeeze3A_1180 = vector.shape_cast %slice3A_1179 : vector<1x8x128xf32> to vector<8x128xf32>
        %add3A_1181 = arith.addf %add3A_1178, %squeeze3A_1180 : vector<8x128xf32>
        %slice3A_1182 = vector.extract_strided_slice %reshape3A_1155 {offsets = [9, 0, 0], sizes = [1, 8, 128], strides = [1, 1, 1]} : vector<16x8x128xf32> to vector<1x8x128xf32>
        %squeeze3A_1183 = vector.shape_cast %slice3A_1182 : vector<1x8x128xf32> to vector<8x128xf32>
        %add3A_1184 = arith.addf %add3A_1181, %squeeze3A_1183 : vector<8x128xf32>
        %slice3A_1185 = vector.extract_strided_slice %reshape3A_1155 {offsets = [10, 0, 0], sizes = [1, 8, 128], strides = [1, 1, 1]} : vector<16x8x128xf32> to vector<1x8x128xf32>
        %squeeze3A_1186 = vector.shape_cast %slice3A_1185 : vector<1x8x128xf32> to vector<8x128xf32>
        %add3A_1187 = arith.addf %add3A_1184, %squeeze3A_1186 : vector<8x128xf32>
        %slice3A_1188 = vector.extract_strided_slice %reshape3A_1155 {offsets = [11, 0, 0], sizes = [1, 8, 128], strides = [1, 1, 1]} : vector<16x8x128xf32> to vector<1x8x128xf32>
        %squeeze3A_1189 = vector.shape_cast %slice3A_1188 : vector<1x8x128xf32> to vector<8x128xf32>
        %add3A_1190 = arith.addf %add3A_1187, %squeeze3A_1189 : vector<8x128xf32>
        %slice3A_1191 = vector.extract_strided_slice %reshape3A_1155 {offsets = [12, 0, 0], sizes = [1, 8, 128], strides = [1, 1, 1]} : vector<16x8x128xf32> to vector<1x8x128xf32>
        %squeeze3A_1192 = vector.shape_cast %slice3A_1191 : vector<1x8x128xf32> to vector<8x128xf32>
        %add3A_1193 = arith.addf %add3A_1190, %squeeze3A_1192 : vector<8x128xf32>
        %slice3A_1194 = vector.extract_strided_slice %reshape3A_1155 {offsets = [13, 0, 0], sizes = [1, 8, 128], strides = [1, 1, 1]} : vector<16x8x128xf32> to vector<1x8x128xf32>
        %squeeze3A_1195 = vector.shape_cast %slice3A_1194 : vector<1x8x128xf32> to vector<8x128xf32>
        %add3A_1196 = arith.addf %add3A_1193, %squeeze3A_1195 : vector<8x128xf32>
        %slice3A_1197 = vector.extract_strided_slice %reshape3A_1155 {offsets = [14, 0, 0], sizes = [1, 8, 128], strides = [1, 1, 1]} : vector<16x8x128xf32> to vector<1x8x128xf32>
        %squeeze3A_1198 = vector.shape_cast %slice3A_1197 : vector<1x8x128xf32> to vector<8x128xf32>
        %add3A_1199 = arith.addf %add3A_1196, %squeeze3A_1198 : vector<8x128xf32>
        %slice3A_1200 = vector.extract_strided_slice %reshape3A_1155 {offsets = [15, 0, 0], sizes = [1, 8, 128], strides = [1, 1, 1]} : vector<16x8x128xf32> to vector<1x8x128xf32>
        %squeeze3A_1201 = vector.shape_cast %slice3A_1200 : vector<1x8x128xf32> to vector<8x128xf32>
        %add3A_1202 = arith.addf %add3A_1199, %squeeze3A_1201 : vector<8x128xf32>
        %slice3A_1203 = vector.extract_strided_slice %add3A_1202 {offsets = [4, 0], sizes = [4, 128], strides = [1, 1]} : vector<8x128xf32> to vector<4x128xf32>
        %slice3A_1204 = vector.extract_strided_slice %add3A_1202 {offsets = [0, 0], sizes = [4, 128], strides = [1, 1]} : vector<8x128xf32> to vector<4x128xf32>
        %add3A_1205 = arith.addf %slice3A_1203, %slice3A_1204 : vector<4x128xf32>
        %slice3A_1206 = vector.extract_strided_slice %add3A_1205 {offsets = [2, 0], sizes = [2, 128], strides = [1, 1]} : vector<4x128xf32> to vector<2x128xf32>
        %slice3A_1207 = vector.extract_strided_slice %add3A_1205 {offsets = [0, 0], sizes = [2, 128], strides = [1, 1]} : vector<4x128xf32> to vector<2x128xf32>
        %add3A_1208 = arith.addf %slice3A_1206, %slice3A_1207 : vector<2x128xf32>
        %slice3A_1209 = vector.extract_strided_slice %add3A_1208 {offsets = [1, 0], sizes = [1, 128], strides = [1, 1]} : vector<2x128xf32> to vector<1x128xf32>
        %slice3A_1210 = vector.extract_strided_slice %add3A_1208 {offsets = [0, 0], sizes = [1, 128], strides = [1, 1]} : vector<2x128xf32> to vector<1x128xf32>
        %add3A_1211 = arith.addf %slice3A_1209, %slice3A_1210 : vector<1x128xf32>
        %add3A_1212 = arith.addf %add3A_1152, %add3A_1211 : vector<1x128xf32>
        %sqrt3A_1213 = math.sqrt %add3A_1212 : vector<1x128xf32>
        %get3A_1214 = arith.index_cast %scan3A_1081 : i32 to index
        %get3A_1215 = arith.constant 0 : index
        %get3A_1216 = arith.constant 0 : index
        %get3A_1217 = vector.load %arg3[%get3A_1214, %get3A_1215, %get3A_1216] : memref<128x1x128xf32, #tpu.memory_space<vmem>>, vector<1x1x128xf32>
        %get3A_1218 = vector.shape_cast %get3A_1217 : vector<1x1x128xf32> to vector<1x128xf32>
        %gt3A_1219 = arith.constant 0.000000e+00 : f32
        %gt3A_1220 = vector.broadcast %gt3A_1219 : f32 to vector<1x128xf32>
        %gt3A_1221 = arith.cmpf ogt, %get3A_1218, %gt3A_1220 : vector<1x128xf32>
        %jit3A_1222 = arith.constant 0x7F800000 : f32
        %broadcast_in_dim3A_1223 = vector.broadcast %jit3A_1222 : f32 to vector<1x128xf32>
        %select_n3A_1224 = arith.select %gt3A_1221, %broadcast_in_dim3A_1223, %sqrt3A_1213 : vector<1x128xi1>, vector<1x128xf32>
        %reduce_min3A_1225 = vector.shape_cast %select_n3A_1224 : vector<1x128xf32> to vector<1x1x128xf32>
        %reduce_min3A_1226 = arith.constant dense<0x7F800000> : vector<1xf32>
        %reduce_min3A_1227 = vector.multi_reduction <minimumf>, %reduce_min3A_1225, %reduce_min3A_1226 [1, 2] : vector<1x1x128xf32> to vector<1xf32>
        %reduce_min3A_1228 = vector.shape_cast %reduce_min3A_1227 : vector<1xf32> to vector<1x1x1xf32>
        %reduce_min3A_1229 = vector.extract %reduce_min3A_1228[0, 0, 0] : f32 from vector<1x1x1xf32>
        %eq3A_1230 = vector.broadcast %reduce_min3A_1229 : f32 to vector<1x128xf32>
        %eq3A_1231 = arith.cmpf oeq, %select_n3A_1224, %eq3A_1230 : vector<1x128xf32>
        %jit3A_1232 = arith.constant 16384 : i32
        %broadcast_in_dim3A_1233 = vector.broadcast %jit3A_1232 : i32 to vector<1x128xi32>
        %select_n3A_1234 = arith.select %eq3A_1231, %iota3A, %broadcast_in_dim3A_1233 : vector<1x128xi1>, vector<1x128xi32>
        %reduce_min3A_1235 = vector.shape_cast %select_n3A_1234 : vector<1x128xi32> to vector<1x1x128xi32>
        %reduce_min3A_1236 = arith.constant dense<2147483647> : vector<1xi32>
        %reduce_min3A_1237 = vector.multi_reduction <minsi>, %reduce_min3A_1235, %reduce_min3A_1236 [1, 2] : vector<1x1x128xi32> to vector<1xi32>
        %reduce_min3A_1238 = vector.shape_cast %reduce_min3A_1237 : vector<1xi32> to vector<1x1x1xi32>
        %reduce_min3A_1239 = vector.extract %reduce_min3A_1238[0, 0, 0] : i32 from vector<1x1x1xi32>
        %lt3A_1240 = arith.cmpf olt, %reduce_min3A_1229, %select_n3A_1075 : f32
        %select_n3A_1241 = arith.select %lt3A_1240, %reduce_min3A_1229, %select_n3A_1075 : f32
        %mul3A_1242 = arith.constant 128 : i32
        %mul3A_1243 = arith.muli %scan3A_1081, %mul3A_1242 : i32
        %add3A_1244 = arith.addi %mul3A_1243, %reduce_min3A_1239 : i32
        %select_n3A_1245 = arith.select %lt3A_1240, %add3A_1244, %select_n3A_1079 : i32
        %scan3A_1246 = arith.constant 7 : i32
        %scan3A_1247 = arith.addi %scan3A_91, %scan3A_1246 : i32
        %get3A_1248 = arith.index_cast %scan3A_1247 : i32 to index
        %get3A_1249 = arith.constant 0 : index
        %get3A_1250 = arith.constant 0 : index
        %get3A_1251 = vector.load %arg0[%get3A_1248, %get3A_1249, %get3A_1250] : memref<128x128x256xf32, #tpu.memory_space<vmem>>, vector<1x128x256xf32>
        %get3A_1252 = vector.shape_cast %get3A_1251 : vector<1x128x256xf32> to vector<128x256xf32>
        %add3A_1253 = vector.broadcast %scan3A_24 : vector<1x256xf32> to vector<128x256xf32>
        %add3A_1254 = arith.addf %get3A_1252, %add3A_1253 : vector<128x256xf32>
        %mul3A_1255 = vector.broadcast %div3A_28 : f32 to vector<128x256xf32>
        %mul3A_1256 = arith.mulf %mul3A_1255, %add3A_1254 : vector<128x256xf32>
        %sub3A_1257 = vector.broadcast %get3A_1 : vector<1x256xf32> to vector<128x256xf32>
        %sub3A_1258 = arith.subf %sub3A_1257, %mul3A_1256 : vector<128x256xf32>
        %mul3A_1259 = arith.mulf %sub3A_1258, %sub3A_1258 : vector<128x256xf32>
        %slice3A_1260 = vector.extract_strided_slice %mul3A_1259 {offsets = [0, 0], sizes = [128, 128], strides = [1, 1]} : vector<128x256xf32> to vector<128x128xf32>
        %transpose3A_1261 = tpu.transpose %slice3A_1260, [1, 0] : vector<128x128xf32> -> vector<128x128xf32>
        %reshape3A_1262 = vector.shape_cast %transpose3A_1261 : vector<128x128xf32> to vector<16x8x128xf32>
        %slice3A_1263 = vector.extract_strided_slice %reshape3A_1262 {offsets = [0, 0, 0], sizes = [1, 8, 128], strides = [1, 1, 1]} : vector<16x8x128xf32> to vector<1x8x128xf32>
        %squeeze3A_1264 = vector.shape_cast %slice3A_1263 : vector<1x8x128xf32> to vector<8x128xf32>
        %slice3A_1265 = vector.extract_strided_slice %reshape3A_1262 {offsets = [1, 0, 0], sizes = [1, 8, 128], strides = [1, 1, 1]} : vector<16x8x128xf32> to vector<1x8x128xf32>
        %squeeze3A_1266 = vector.shape_cast %slice3A_1265 : vector<1x8x128xf32> to vector<8x128xf32>
        %add3A_1267 = arith.addf %squeeze3A_1264, %squeeze3A_1266 : vector<8x128xf32>
        %slice3A_1268 = vector.extract_strided_slice %reshape3A_1262 {offsets = [2, 0, 0], sizes = [1, 8, 128], strides = [1, 1, 1]} : vector<16x8x128xf32> to vector<1x8x128xf32>
        %squeeze3A_1269 = vector.shape_cast %slice3A_1268 : vector<1x8x128xf32> to vector<8x128xf32>
        %add3A_1270 = arith.addf %add3A_1267, %squeeze3A_1269 : vector<8x128xf32>
        %slice3A_1271 = vector.extract_strided_slice %reshape3A_1262 {offsets = [3, 0, 0], sizes = [1, 8, 128], strides = [1, 1, 1]} : vector<16x8x128xf32> to vector<1x8x128xf32>
        %squeeze3A_1272 = vector.shape_cast %slice3A_1271 : vector<1x8x128xf32> to vector<8x128xf32>
        %add3A_1273 = arith.addf %add3A_1270, %squeeze3A_1272 : vector<8x128xf32>
        %slice3A_1274 = vector.extract_strided_slice %reshape3A_1262 {offsets = [4, 0, 0], sizes = [1, 8, 128], strides = [1, 1, 1]} : vector<16x8x128xf32> to vector<1x8x128xf32>
        %squeeze3A_1275 = vector.shape_cast %slice3A_1274 : vector<1x8x128xf32> to vector<8x128xf32>
        %add3A_1276 = arith.addf %add3A_1273, %squeeze3A_1275 : vector<8x128xf32>
        %slice3A_1277 = vector.extract_strided_slice %reshape3A_1262 {offsets = [5, 0, 0], sizes = [1, 8, 128], strides = [1, 1, 1]} : vector<16x8x128xf32> to vector<1x8x128xf32>
        %squeeze3A_1278 = vector.shape_cast %slice3A_1277 : vector<1x8x128xf32> to vector<8x128xf32>
        %add3A_1279 = arith.addf %add3A_1276, %squeeze3A_1278 : vector<8x128xf32>
        %slice3A_1280 = vector.extract_strided_slice %reshape3A_1262 {offsets = [6, 0, 0], sizes = [1, 8, 128], strides = [1, 1, 1]} : vector<16x8x128xf32> to vector<1x8x128xf32>
        %squeeze3A_1281 = vector.shape_cast %slice3A_1280 : vector<1x8x128xf32> to vector<8x128xf32>
        %add3A_1282 = arith.addf %add3A_1279, %squeeze3A_1281 : vector<8x128xf32>
        %slice3A_1283 = vector.extract_strided_slice %reshape3A_1262 {offsets = [7, 0, 0], sizes = [1, 8, 128], strides = [1, 1, 1]} : vector<16x8x128xf32> to vector<1x8x128xf32>
        %squeeze3A_1284 = vector.shape_cast %slice3A_1283 : vector<1x8x128xf32> to vector<8x128xf32>
        %add3A_1285 = arith.addf %add3A_1282, %squeeze3A_1284 : vector<8x128xf32>
        %slice3A_1286 = vector.extract_strided_slice %reshape3A_1262 {offsets = [8, 0, 0], sizes = [1, 8, 128], strides = [1, 1, 1]} : vector<16x8x128xf32> to vector<1x8x128xf32>
        %squeeze3A_1287 = vector.shape_cast %slice3A_1286 : vector<1x8x128xf32> to vector<8x128xf32>
        %add3A_1288 = arith.addf %add3A_1285, %squeeze3A_1287 : vector<8x128xf32>
        %slice3A_1289 = vector.extract_strided_slice %reshape3A_1262 {offsets = [9, 0, 0], sizes = [1, 8, 128], strides = [1, 1, 1]} : vector<16x8x128xf32> to vector<1x8x128xf32>
        %squeeze3A_1290 = vector.shape_cast %slice3A_1289 : vector<1x8x128xf32> to vector<8x128xf32>
        %add3A_1291 = arith.addf %add3A_1288, %squeeze3A_1290 : vector<8x128xf32>
        %slice3A_1292 = vector.extract_strided_slice %reshape3A_1262 {offsets = [10, 0, 0], sizes = [1, 8, 128], strides = [1, 1, 1]} : vector<16x8x128xf32> to vector<1x8x128xf32>
        %squeeze3A_1293 = vector.shape_cast %slice3A_1292 : vector<1x8x128xf32> to vector<8x128xf32>
        %add3A_1294 = arith.addf %add3A_1291, %squeeze3A_1293 : vector<8x128xf32>
        %slice3A_1295 = vector.extract_strided_slice %reshape3A_1262 {offsets = [11, 0, 0], sizes = [1, 8, 128], strides = [1, 1, 1]} : vector<16x8x128xf32> to vector<1x8x128xf32>
        %squeeze3A_1296 = vector.shape_cast %slice3A_1295 : vector<1x8x128xf32> to vector<8x128xf32>
        %add3A_1297 = arith.addf %add3A_1294, %squeeze3A_1296 : vector<8x128xf32>
        %slice3A_1298 = vector.extract_strided_slice %reshape3A_1262 {offsets = [12, 0, 0], sizes = [1, 8, 128], strides = [1, 1, 1]} : vector<16x8x128xf32> to vector<1x8x128xf32>
        %squeeze3A_1299 = vector.shape_cast %slice3A_1298 : vector<1x8x128xf32> to vector<8x128xf32>
        %add3A_1300 = arith.addf %add3A_1297, %squeeze3A_1299 : vector<8x128xf32>
        %slice3A_1301 = vector.extract_strided_slice %reshape3A_1262 {offsets = [13, 0, 0], sizes = [1, 8, 128], strides = [1, 1, 1]} : vector<16x8x128xf32> to vector<1x8x128xf32>
        %squeeze3A_1302 = vector.shape_cast %slice3A_1301 : vector<1x8x128xf32> to vector<8x128xf32>
        %add3A_1303 = arith.addf %add3A_1300, %squeeze3A_1302 : vector<8x128xf32>
        %slice3A_1304 = vector.extract_strided_slice %reshape3A_1262 {offsets = [14, 0, 0], sizes = [1, 8, 128], strides = [1, 1, 1]} : vector<16x8x128xf32> to vector<1x8x128xf32>
        %squeeze3A_1305 = vector.shape_cast %slice3A_1304 : vector<1x8x128xf32> to vector<8x128xf32>
        %add3A_1306 = arith.addf %add3A_1303, %squeeze3A_1305 : vector<8x128xf32>
        %slice3A_1307 = vector.extract_strided_slice %reshape3A_1262 {offsets = [15, 0, 0], sizes = [1, 8, 128], strides = [1, 1, 1]} : vector<16x8x128xf32> to vector<1x8x128xf32>
        %squeeze3A_1308 = vector.shape_cast %slice3A_1307 : vector<1x8x128xf32> to vector<8x128xf32>
        %add3A_1309 = arith.addf %add3A_1306, %squeeze3A_1308 : vector<8x128xf32>
        %slice3A_1310 = vector.extract_strided_slice %add3A_1309 {offsets = [4, 0], sizes = [4, 128], strides = [1, 1]} : vector<8x128xf32> to vector<4x128xf32>
        %slice3A_1311 = vector.extract_strided_slice %add3A_1309 {offsets = [0, 0], sizes = [4, 128], strides = [1, 1]} : vector<8x128xf32> to vector<4x128xf32>
        %add3A_1312 = arith.addf %slice3A_1310, %slice3A_1311 : vector<4x128xf32>
        %slice3A_1313 = vector.extract_strided_slice %add3A_1312 {offsets = [2, 0], sizes = [2, 128], strides = [1, 1]} : vector<4x128xf32> to vector<2x128xf32>
        %slice3A_1314 = vector.extract_strided_slice %add3A_1312 {offsets = [0, 0], sizes = [2, 128], strides = [1, 1]} : vector<4x128xf32> to vector<2x128xf32>
        %add3A_1315 = arith.addf %slice3A_1313, %slice3A_1314 : vector<2x128xf32>
        %slice3A_1316 = vector.extract_strided_slice %add3A_1315 {offsets = [1, 0], sizes = [1, 128], strides = [1, 1]} : vector<2x128xf32> to vector<1x128xf32>
        %slice3A_1317 = vector.extract_strided_slice %add3A_1315 {offsets = [0, 0], sizes = [1, 128], strides = [1, 1]} : vector<2x128xf32> to vector<1x128xf32>
        %add3A_1318 = arith.addf %slice3A_1316, %slice3A_1317 : vector<1x128xf32>
        %slice3A_1319 = vector.extract_strided_slice %mul3A_1259 {offsets = [0, 128], sizes = [128, 128], strides = [1, 1]} : vector<128x256xf32> to vector<128x128xf32>
        %transpose3A_1320 = tpu.transpose %slice3A_1319, [1, 0] : vector<128x128xf32> -> vector<128x128xf32>
        %reshape3A_1321 = vector.shape_cast %transpose3A_1320 : vector<128x128xf32> to vector<16x8x128xf32>
        %slice3A_1322 = vector.extract_strided_slice %reshape3A_1321 {offsets = [0, 0, 0], sizes = [1, 8, 128], strides = [1, 1, 1]} : vector<16x8x128xf32> to vector<1x8x128xf32>
        %squeeze3A_1323 = vector.shape_cast %slice3A_1322 : vector<1x8x128xf32> to vector<8x128xf32>
        %slice3A_1324 = vector.extract_strided_slice %reshape3A_1321 {offsets = [1, 0, 0], sizes = [1, 8, 128], strides = [1, 1, 1]} : vector<16x8x128xf32> to vector<1x8x128xf32>
        %squeeze3A_1325 = vector.shape_cast %slice3A_1324 : vector<1x8x128xf32> to vector<8x128xf32>
        %add3A_1326 = arith.addf %squeeze3A_1323, %squeeze3A_1325 : vector<8x128xf32>
        %slice3A_1327 = vector.extract_strided_slice %reshape3A_1321 {offsets = [2, 0, 0], sizes = [1, 8, 128], strides = [1, 1, 1]} : vector<16x8x128xf32> to vector<1x8x128xf32>
        %squeeze3A_1328 = vector.shape_cast %slice3A_1327 : vector<1x8x128xf32> to vector<8x128xf32>
        %add3A_1329 = arith.addf %add3A_1326, %squeeze3A_1328 : vector<8x128xf32>
        %slice3A_1330 = vector.extract_strided_slice %reshape3A_1321 {offsets = [3, 0, 0], sizes = [1, 8, 128], strides = [1, 1, 1]} : vector<16x8x128xf32> to vector<1x8x128xf32>
        %squeeze3A_1331 = vector.shape_cast %slice3A_1330 : vector<1x8x128xf32> to vector<8x128xf32>
        %add3A_1332 = arith.addf %add3A_1329, %squeeze3A_1331 : vector<8x128xf32>
        %slice3A_1333 = vector.extract_strided_slice %reshape3A_1321 {offsets = [4, 0, 0], sizes = [1, 8, 128], strides = [1, 1, 1]} : vector<16x8x128xf32> to vector<1x8x128xf32>
        %squeeze3A_1334 = vector.shape_cast %slice3A_1333 : vector<1x8x128xf32> to vector<8x128xf32>
        %add3A_1335 = arith.addf %add3A_1332, %squeeze3A_1334 : vector<8x128xf32>
        %slice3A_1336 = vector.extract_strided_slice %reshape3A_1321 {offsets = [5, 0, 0], sizes = [1, 8, 128], strides = [1, 1, 1]} : vector<16x8x128xf32> to vector<1x8x128xf32>
        %squeeze3A_1337 = vector.shape_cast %slice3A_1336 : vector<1x8x128xf32> to vector<8x128xf32>
        %add3A_1338 = arith.addf %add3A_1335, %squeeze3A_1337 : vector<8x128xf32>
        %slice3A_1339 = vector.extract_strided_slice %reshape3A_1321 {offsets = [6, 0, 0], sizes = [1, 8, 128], strides = [1, 1, 1]} : vector<16x8x128xf32> to vector<1x8x128xf32>
        %squeeze3A_1340 = vector.shape_cast %slice3A_1339 : vector<1x8x128xf32> to vector<8x128xf32>
        %add3A_1341 = arith.addf %add3A_1338, %squeeze3A_1340 : vector<8x128xf32>
        %slice3A_1342 = vector.extract_strided_slice %reshape3A_1321 {offsets = [7, 0, 0], sizes = [1, 8, 128], strides = [1, 1, 1]} : vector<16x8x128xf32> to vector<1x8x128xf32>
        %squeeze3A_1343 = vector.shape_cast %slice3A_1342 : vector<1x8x128xf32> to vector<8x128xf32>
        %add3A_1344 = arith.addf %add3A_1341, %squeeze3A_1343 : vector<8x128xf32>
        %slice3A_1345 = vector.extract_strided_slice %reshape3A_1321 {offsets = [8, 0, 0], sizes = [1, 8, 128], strides = [1, 1, 1]} : vector<16x8x128xf32> to vector<1x8x128xf32>
        %squeeze3A_1346 = vector.shape_cast %slice3A_1345 : vector<1x8x128xf32> to vector<8x128xf32>
        %add3A_1347 = arith.addf %add3A_1344, %squeeze3A_1346 : vector<8x128xf32>
        %slice3A_1348 = vector.extract_strided_slice %reshape3A_1321 {offsets = [9, 0, 0], sizes = [1, 8, 128], strides = [1, 1, 1]} : vector<16x8x128xf32> to vector<1x8x128xf32>
        %squeeze3A_1349 = vector.shape_cast %slice3A_1348 : vector<1x8x128xf32> to vector<8x128xf32>
        %add3A_1350 = arith.addf %add3A_1347, %squeeze3A_1349 : vector<8x128xf32>
        %slice3A_1351 = vector.extract_strided_slice %reshape3A_1321 {offsets = [10, 0, 0], sizes = [1, 8, 128], strides = [1, 1, 1]} : vector<16x8x128xf32> to vector<1x8x128xf32>
        %squeeze3A_1352 = vector.shape_cast %slice3A_1351 : vector<1x8x128xf32> to vector<8x128xf32>
        %add3A_1353 = arith.addf %add3A_1350, %squeeze3A_1352 : vector<8x128xf32>
        %slice3A_1354 = vector.extract_strided_slice %reshape3A_1321 {offsets = [11, 0, 0], sizes = [1, 8, 128], strides = [1, 1, 1]} : vector<16x8x128xf32> to vector<1x8x128xf32>
        %squeeze3A_1355 = vector.shape_cast %slice3A_1354 : vector<1x8x128xf32> to vector<8x128xf32>
        %add3A_1356 = arith.addf %add3A_1353, %squeeze3A_1355 : vector<8x128xf32>
        %slice3A_1357 = vector.extract_strided_slice %reshape3A_1321 {offsets = [12, 0, 0], sizes = [1, 8, 128], strides = [1, 1, 1]} : vector<16x8x128xf32> to vector<1x8x128xf32>
        %squeeze3A_1358 = vector.shape_cast %slice3A_1357 : vector<1x8x128xf32> to vector<8x128xf32>
        %add3A_1359 = arith.addf %add3A_1356, %squeeze3A_1358 : vector<8x128xf32>
        %slice3A_1360 = vector.extract_strided_slice %reshape3A_1321 {offsets = [13, 0, 0], sizes = [1, 8, 128], strides = [1, 1, 1]} : vector<16x8x128xf32> to vector<1x8x128xf32>
        %squeeze3A_1361 = vector.shape_cast %slice3A_1360 : vector<1x8x128xf32> to vector<8x128xf32>
        %add3A_1362 = arith.addf %add3A_1359, %squeeze3A_1361 : vector<8x128xf32>
        %slice3A_1363 = vector.extract_strided_slice %reshape3A_1321 {offsets = [14, 0, 0], sizes = [1, 8, 128], strides = [1, 1, 1]} : vector<16x8x128xf32> to vector<1x8x128xf32>
        %squeeze3A_1364 = vector.shape_cast %slice3A_1363 : vector<1x8x128xf32> to vector<8x128xf32>
        %add3A_1365 = arith.addf %add3A_1362, %squeeze3A_1364 : vector<8x128xf32>
        %slice3A_1366 = vector.extract_strided_slice %reshape3A_1321 {offsets = [15, 0, 0], sizes = [1, 8, 128], strides = [1, 1, 1]} : vector<16x8x128xf32> to vector<1x8x128xf32>
        %squeeze3A_1367 = vector.shape_cast %slice3A_1366 : vector<1x8x128xf32> to vector<8x128xf32>
        %add3A_1368 = arith.addf %add3A_1365, %squeeze3A_1367 : vector<8x128xf32>
        %slice3A_1369 = vector.extract_strided_slice %add3A_1368 {offsets = [4, 0], sizes = [4, 128], strides = [1, 1]} : vector<8x128xf32> to vector<4x128xf32>
        %slice3A_1370 = vector.extract_strided_slice %add3A_1368 {offsets = [0, 0], sizes = [4, 128], strides = [1, 1]} : vector<8x128xf32> to vector<4x128xf32>
        %add3A_1371 = arith.addf %slice3A_1369, %slice3A_1370 : vector<4x128xf32>
        %slice3A_1372 = vector.extract_strided_slice %add3A_1371 {offsets = [2, 0], sizes = [2, 128], strides = [1, 1]} : vector<4x128xf32> to vector<2x128xf32>
        %slice3A_1373 = vector.extract_strided_slice %add3A_1371 {offsets = [0, 0], sizes = [2, 128], strides = [1, 1]} : vector<4x128xf32> to vector<2x128xf32>
        %add3A_1374 = arith.addf %slice3A_1372, %slice3A_1373 : vector<2x128xf32>
        %slice3A_1375 = vector.extract_strided_slice %add3A_1374 {offsets = [1, 0], sizes = [1, 128], strides = [1, 1]} : vector<2x128xf32> to vector<1x128xf32>
        %slice3A_1376 = vector.extract_strided_slice %add3A_1374 {offsets = [0, 0], sizes = [1, 128], strides = [1, 1]} : vector<2x128xf32> to vector<1x128xf32>
        %add3A_1377 = arith.addf %slice3A_1375, %slice3A_1376 : vector<1x128xf32>
        %add3A_1378 = arith.addf %add3A_1318, %add3A_1377 : vector<1x128xf32>
        %sqrt3A_1379 = math.sqrt %add3A_1378 : vector<1x128xf32>
        %get3A_1380 = arith.index_cast %scan3A_1247 : i32 to index
        %get3A_1381 = arith.constant 0 : index
        %get3A_1382 = arith.constant 0 : index
        %get3A_1383 = vector.load %arg3[%get3A_1380, %get3A_1381, %get3A_1382] : memref<128x1x128xf32, #tpu.memory_space<vmem>>, vector<1x1x128xf32>
        %get3A_1384 = vector.shape_cast %get3A_1383 : vector<1x1x128xf32> to vector<1x128xf32>
        %gt3A_1385 = arith.constant 0.000000e+00 : f32
        %gt3A_1386 = vector.broadcast %gt3A_1385 : f32 to vector<1x128xf32>
        %gt3A_1387 = arith.cmpf ogt, %get3A_1384, %gt3A_1386 : vector<1x128xf32>
        %jit3A_1388 = arith.constant 0x7F800000 : f32
        %broadcast_in_dim3A_1389 = vector.broadcast %jit3A_1388 : f32 to vector<1x128xf32>
        %select_n3A_1390 = arith.select %gt3A_1387, %broadcast_in_dim3A_1389, %sqrt3A_1379 : vector<1x128xi1>, vector<1x128xf32>
        %reduce_min3A_1391 = vector.shape_cast %select_n3A_1390 : vector<1x128xf32> to vector<1x1x128xf32>
        %reduce_min3A_1392 = arith.constant dense<0x7F800000> : vector<1xf32>
        %reduce_min3A_1393 = vector.multi_reduction <minimumf>, %reduce_min3A_1391, %reduce_min3A_1392 [1, 2] : vector<1x1x128xf32> to vector<1xf32>
        %reduce_min3A_1394 = vector.shape_cast %reduce_min3A_1393 : vector<1xf32> to vector<1x1x1xf32>
        %reduce_min3A_1395 = vector.extract %reduce_min3A_1394[0, 0, 0] : f32 from vector<1x1x1xf32>
        %eq3A_1396 = vector.broadcast %reduce_min3A_1395 : f32 to vector<1x128xf32>
        %eq3A_1397 = arith.cmpf oeq, %select_n3A_1390, %eq3A_1396 : vector<1x128xf32>
        %jit3A_1398 = arith.constant 16384 : i32
        %broadcast_in_dim3A_1399 = vector.broadcast %jit3A_1398 : i32 to vector<1x128xi32>
        %select_n3A_1400 = arith.select %eq3A_1397, %iota3A, %broadcast_in_dim3A_1399 : vector<1x128xi1>, vector<1x128xi32>
        %reduce_min3A_1401 = vector.shape_cast %select_n3A_1400 : vector<1x128xi32> to vector<1x1x128xi32>
        %reduce_min3A_1402 = arith.constant dense<2147483647> : vector<1xi32>
        %reduce_min3A_1403 = vector.multi_reduction <minsi>, %reduce_min3A_1401, %reduce_min3A_1402 [1, 2] : vector<1x1x128xi32> to vector<1xi32>
        %reduce_min3A_1404 = vector.shape_cast %reduce_min3A_1403 : vector<1xi32> to vector<1x1x1xi32>
        %reduce_min3A_1405 = vector.extract %reduce_min3A_1404[0, 0, 0] : i32 from vector<1x1x1xi32>
        %lt3A_1406 = arith.cmpf olt, %reduce_min3A_1395, %select_n3A_1241 : f32
        %select_n3A_1407 = arith.select %lt3A_1406, %reduce_min3A_1395, %select_n3A_1241 : f32
        %mul3A_1408 = arith.constant 128 : i32
        %mul3A_1409 = arith.muli %scan3A_1247, %mul3A_1408 : i32
        %add3A_1410 = arith.addi %mul3A_1409, %reduce_min3A_1405 : i32
        %select_n3A_1411 = arith.select %lt3A_1406, %add3A_1410, %select_n3A_1245 : i32
        %scan3A_1412 = arith.constant 8 : i32
        %scan3A_1413 = arith.addi %scan3A_91, %scan3A_1412 : i32
        %get3A_1414 = arith.index_cast %scan3A_1413 : i32 to index
        %get3A_1415 = arith.constant 0 : index
        %get3A_1416 = arith.constant 0 : index
        %get3A_1417 = vector.load %arg0[%get3A_1414, %get3A_1415, %get3A_1416] : memref<128x128x256xf32, #tpu.memory_space<vmem>>, vector<1x128x256xf32>
        %get3A_1418 = vector.shape_cast %get3A_1417 : vector<1x128x256xf32> to vector<128x256xf32>
        %add3A_1419 = vector.broadcast %scan3A_24 : vector<1x256xf32> to vector<128x256xf32>
        %add3A_1420 = arith.addf %get3A_1418, %add3A_1419 : vector<128x256xf32>
        %mul3A_1421 = vector.broadcast %div3A_28 : f32 to vector<128x256xf32>
        %mul3A_1422 = arith.mulf %mul3A_1421, %add3A_1420 : vector<128x256xf32>
        %sub3A_1423 = vector.broadcast %get3A_1 : vector<1x256xf32> to vector<128x256xf32>
        %sub3A_1424 = arith.subf %sub3A_1423, %mul3A_1422 : vector<128x256xf32>
        %mul3A_1425 = arith.mulf %sub3A_1424, %sub3A_1424 : vector<128x256xf32>
        %slice3A_1426 = vector.extract_strided_slice %mul3A_1425 {offsets = [0, 0], sizes = [128, 128], strides = [1, 1]} : vector<128x256xf32> to vector<128x128xf32>
        %transpose3A_1427 = tpu.transpose %slice3A_1426, [1, 0] : vector<128x128xf32> -> vector<128x128xf32>
        %reshape3A_1428 = vector.shape_cast %transpose3A_1427 : vector<128x128xf32> to vector<16x8x128xf32>
        %slice3A_1429 = vector.extract_strided_slice %reshape3A_1428 {offsets = [0, 0, 0], sizes = [1, 8, 128], strides = [1, 1, 1]} : vector<16x8x128xf32> to vector<1x8x128xf32>
        %squeeze3A_1430 = vector.shape_cast %slice3A_1429 : vector<1x8x128xf32> to vector<8x128xf32>
        %slice3A_1431 = vector.extract_strided_slice %reshape3A_1428 {offsets = [1, 0, 0], sizes = [1, 8, 128], strides = [1, 1, 1]} : vector<16x8x128xf32> to vector<1x8x128xf32>
        %squeeze3A_1432 = vector.shape_cast %slice3A_1431 : vector<1x8x128xf32> to vector<8x128xf32>
        %add3A_1433 = arith.addf %squeeze3A_1430, %squeeze3A_1432 : vector<8x128xf32>
        %slice3A_1434 = vector.extract_strided_slice %reshape3A_1428 {offsets = [2, 0, 0], sizes = [1, 8, 128], strides = [1, 1, 1]} : vector<16x8x128xf32> to vector<1x8x128xf32>
        %squeeze3A_1435 = vector.shape_cast %slice3A_1434 : vector<1x8x128xf32> to vector<8x128xf32>
        %add3A_1436 = arith.addf %add3A_1433, %squeeze3A_1435 : vector<8x128xf32>
        %slice3A_1437 = vector.extract_strided_slice %reshape3A_1428 {offsets = [3, 0, 0], sizes = [1, 8, 128], strides = [1, 1, 1]} : vector<16x8x128xf32> to vector<1x8x128xf32>
        %squeeze3A_1438 = vector.shape_cast %slice3A_1437 : vector<1x8x128xf32> to vector<8x128xf32>
        %add3A_1439 = arith.addf %add3A_1436, %squeeze3A_1438 : vector<8x128xf32>
        %slice3A_1440 = vector.extract_strided_slice %reshape3A_1428 {offsets = [4, 0, 0], sizes = [1, 8, 128], strides = [1, 1, 1]} : vector<16x8x128xf32> to vector<1x8x128xf32>
        %squeeze3A_1441 = vector.shape_cast %slice3A_1440 : vector<1x8x128xf32> to vector<8x128xf32>
        %add3A_1442 = arith.addf %add3A_1439, %squeeze3A_1441 : vector<8x128xf32>
        %slice3A_1443 = vector.extract_strided_slice %reshape3A_1428 {offsets = [5, 0, 0], sizes = [1, 8, 128], strides = [1, 1, 1]} : vector<16x8x128xf32> to vector<1x8x128xf32>
        %squeeze3A_1444 = vector.shape_cast %slice3A_1443 : vector<1x8x128xf32> to vector<8x128xf32>
        %add3A_1445 = arith.addf %add3A_1442, %squeeze3A_1444 : vector<8x128xf32>
        %slice3A_1446 = vector.extract_strided_slice %reshape3A_1428 {offsets = [6, 0, 0], sizes = [1, 8, 128], strides = [1, 1, 1]} : vector<16x8x128xf32> to vector<1x8x128xf32>
        %squeeze3A_1447 = vector.shape_cast %slice3A_1446 : vector<1x8x128xf32> to vector<8x128xf32>
        %add3A_1448 = arith.addf %add3A_1445, %squeeze3A_1447 : vector<8x128xf32>
        %slice3A_1449 = vector.extract_strided_slice %reshape3A_1428 {offsets = [7, 0, 0], sizes = [1, 8, 128], strides = [1, 1, 1]} : vector<16x8x128xf32> to vector<1x8x128xf32>
        %squeeze3A_1450 = vector.shape_cast %slice3A_1449 : vector<1x8x128xf32> to vector<8x128xf32>
        %add3A_1451 = arith.addf %add3A_1448, %squeeze3A_1450 : vector<8x128xf32>
        %slice3A_1452 = vector.extract_strided_slice %reshape3A_1428 {offsets = [8, 0, 0], sizes = [1, 8, 128], strides = [1, 1, 1]} : vector<16x8x128xf32> to vector<1x8x128xf32>
        %squeeze3A_1453 = vector.shape_cast %slice3A_1452 : vector<1x8x128xf32> to vector<8x128xf32>
        %add3A_1454 = arith.addf %add3A_1451, %squeeze3A_1453 : vector<8x128xf32>
        %slice3A_1455 = vector.extract_strided_slice %reshape3A_1428 {offsets = [9, 0, 0], sizes = [1, 8, 128], strides = [1, 1, 1]} : vector<16x8x128xf32> to vector<1x8x128xf32>
        %squeeze3A_1456 = vector.shape_cast %slice3A_1455 : vector<1x8x128xf32> to vector<8x128xf32>
        %add3A_1457 = arith.addf %add3A_1454, %squeeze3A_1456 : vector<8x128xf32>
        %slice3A_1458 = vector.extract_strided_slice %reshape3A_1428 {offsets = [10, 0, 0], sizes = [1, 8, 128], strides = [1, 1, 1]} : vector<16x8x128xf32> to vector<1x8x128xf32>
        %squeeze3A_1459 = vector.shape_cast %slice3A_1458 : vector<1x8x128xf32> to vector<8x128xf32>
        %add3A_1460 = arith.addf %add3A_1457, %squeeze3A_1459 : vector<8x128xf32>
        %slice3A_1461 = vector.extract_strided_slice %reshape3A_1428 {offsets = [11, 0, 0], sizes = [1, 8, 128], strides = [1, 1, 1]} : vector<16x8x128xf32> to vector<1x8x128xf32>
        %squeeze3A_1462 = vector.shape_cast %slice3A_1461 : vector<1x8x128xf32> to vector<8x128xf32>
        %add3A_1463 = arith.addf %add3A_1460, %squeeze3A_1462 : vector<8x128xf32>
        %slice3A_1464 = vector.extract_strided_slice %reshape3A_1428 {offsets = [12, 0, 0], sizes = [1, 8, 128], strides = [1, 1, 1]} : vector<16x8x128xf32> to vector<1x8x128xf32>
        %squeeze3A_1465 = vector.shape_cast %slice3A_1464 : vector<1x8x128xf32> to vector<8x128xf32>
        %add3A_1466 = arith.addf %add3A_1463, %squeeze3A_1465 : vector<8x128xf32>
        %slice3A_1467 = vector.extract_strided_slice %reshape3A_1428 {offsets = [13, 0, 0], sizes = [1, 8, 128], strides = [1, 1, 1]} : vector<16x8x128xf32> to vector<1x8x128xf32>
        %squeeze3A_1468 = vector.shape_cast %slice3A_1467 : vector<1x8x128xf32> to vector<8x128xf32>
        %add3A_1469 = arith.addf %add3A_1466, %squeeze3A_1468 : vector<8x128xf32>
        %slice3A_1470 = vector.extract_strided_slice %reshape3A_1428 {offsets = [14, 0, 0], sizes = [1, 8, 128], strides = [1, 1, 1]} : vector<16x8x128xf32> to vector<1x8x128xf32>
        %squeeze3A_1471 = vector.shape_cast %slice3A_1470 : vector<1x8x128xf32> to vector<8x128xf32>
        %add3A_1472 = arith.addf %add3A_1469, %squeeze3A_1471 : vector<8x128xf32>
        %slice3A_1473 = vector.extract_strided_slice %reshape3A_1428 {offsets = [15, 0, 0], sizes = [1, 8, 128], strides = [1, 1, 1]} : vector<16x8x128xf32> to vector<1x8x128xf32>
        %squeeze3A_1474 = vector.shape_cast %slice3A_1473 : vector<1x8x128xf32> to vector<8x128xf32>
        %add3A_1475 = arith.addf %add3A_1472, %squeeze3A_1474 : vector<8x128xf32>
        %slice3A_1476 = vector.extract_strided_slice %add3A_1475 {offsets = [4, 0], sizes = [4, 128], strides = [1, 1]} : vector<8x128xf32> to vector<4x128xf32>
        %slice3A_1477 = vector.extract_strided_slice %add3A_1475 {offsets = [0, 0], sizes = [4, 128], strides = [1, 1]} : vector<8x128xf32> to vector<4x128xf32>
        %add3A_1478 = arith.addf %slice3A_1476, %slice3A_1477 : vector<4x128xf32>
        %slice3A_1479 = vector.extract_strided_slice %add3A_1478 {offsets = [2, 0], sizes = [2, 128], strides = [1, 1]} : vector<4x128xf32> to vector<2x128xf32>
        %slice3A_1480 = vector.extract_strided_slice %add3A_1478 {offsets = [0, 0], sizes = [2, 128], strides = [1, 1]} : vector<4x128xf32> to vector<2x128xf32>
        %add3A_1481 = arith.addf %slice3A_1479, %slice3A_1480 : vector<2x128xf32>
        %slice3A_1482 = vector.extract_strided_slice %add3A_1481 {offsets = [1, 0], sizes = [1, 128], strides = [1, 1]} : vector<2x128xf32> to vector<1x128xf32>
        %slice3A_1483 = vector.extract_strided_slice %add3A_1481 {offsets = [0, 0], sizes = [1, 128], strides = [1, 1]} : vector<2x128xf32> to vector<1x128xf32>
        %add3A_1484 = arith.addf %slice3A_1482, %slice3A_1483 : vector<1x128xf32>
        %slice3A_1485 = vector.extract_strided_slice %mul3A_1425 {offsets = [0, 128], sizes = [128, 128], strides = [1, 1]} : vector<128x256xf32> to vector<128x128xf32>
        %transpose3A_1486 = tpu.transpose %slice3A_1485, [1, 0] : vector<128x128xf32> -> vector<128x128xf32>
        %reshape3A_1487 = vector.shape_cast %transpose3A_1486 : vector<128x128xf32> to vector<16x8x128xf32>
        %slice3A_1488 = vector.extract_strided_slice %reshape3A_1487 {offsets = [0, 0, 0], sizes = [1, 8, 128], strides = [1, 1, 1]} : vector<16x8x128xf32> to vector<1x8x128xf32>
        %squeeze3A_1489 = vector.shape_cast %slice3A_1488 : vector<1x8x128xf32> to vector<8x128xf32>
        %slice3A_1490 = vector.extract_strided_slice %reshape3A_1487 {offsets = [1, 0, 0], sizes = [1, 8, 128], strides = [1, 1, 1]} : vector<16x8x128xf32> to vector<1x8x128xf32>
        %squeeze3A_1491 = vector.shape_cast %slice3A_1490 : vector<1x8x128xf32> to vector<8x128xf32>
        %add3A_1492 = arith.addf %squeeze3A_1489, %squeeze3A_1491 : vector<8x128xf32>
        %slice3A_1493 = vector.extract_strided_slice %reshape3A_1487 {offsets = [2, 0, 0], sizes = [1, 8, 128], strides = [1, 1, 1]} : vector<16x8x128xf32> to vector<1x8x128xf32>
        %squeeze3A_1494 = vector.shape_cast %slice3A_1493 : vector<1x8x128xf32> to vector<8x128xf32>
        %add3A_1495 = arith.addf %add3A_1492, %squeeze3A_1494 : vector<8x128xf32>
        %slice3A_1496 = vector.extract_strided_slice %reshape3A_1487 {offsets = [3, 0, 0], sizes = [1, 8, 128], strides = [1, 1, 1]} : vector<16x8x128xf32> to vector<1x8x128xf32>
        %squeeze3A_1497 = vector.shape_cast %slice3A_1496 : vector<1x8x128xf32> to vector<8x128xf32>
        %add3A_1498 = arith.addf %add3A_1495, %squeeze3A_1497 : vector<8x128xf32>
        %slice3A_1499 = vector.extract_strided_slice %reshape3A_1487 {offsets = [4, 0, 0], sizes = [1, 8, 128], strides = [1, 1, 1]} : vector<16x8x128xf32> to vector<1x8x128xf32>
        %squeeze3A_1500 = vector.shape_cast %slice3A_1499 : vector<1x8x128xf32> to vector<8x128xf32>
        %add3A_1501 = arith.addf %add3A_1498, %squeeze3A_1500 : vector<8x128xf32>
        %slice3A_1502 = vector.extract_strided_slice %reshape3A_1487 {offsets = [5, 0, 0], sizes = [1, 8, 128], strides = [1, 1, 1]} : vector<16x8x128xf32> to vector<1x8x128xf32>
        %squeeze3A_1503 = vector.shape_cast %slice3A_1502 : vector<1x8x128xf32> to vector<8x128xf32>
        %add3A_1504 = arith.addf %add3A_1501, %squeeze3A_1503 : vector<8x128xf32>
        %slice3A_1505 = vector.extract_strided_slice %reshape3A_1487 {offsets = [6, 0, 0], sizes = [1, 8, 128], strides = [1, 1, 1]} : vector<16x8x128xf32> to vector<1x8x128xf32>
        %squeeze3A_1506 = vector.shape_cast %slice3A_1505 : vector<1x8x128xf32> to vector<8x128xf32>
        %add3A_1507 = arith.addf %add3A_1504, %squeeze3A_1506 : vector<8x128xf32>
        %slice3A_1508 = vector.extract_strided_slice %reshape3A_1487 {offsets = [7, 0, 0], sizes = [1, 8, 128], strides = [1, 1, 1]} : vector<16x8x128xf32> to vector<1x8x128xf32>
        %squeeze3A_1509 = vector.shape_cast %slice3A_1508 : vector<1x8x128xf32> to vector<8x128xf32>
        %add3A_1510 = arith.addf %add3A_1507, %squeeze3A_1509 : vector<8x128xf32>
        %slice3A_1511 = vector.extract_strided_slice %reshape3A_1487 {offsets = [8, 0, 0], sizes = [1, 8, 128], strides = [1, 1, 1]} : vector<16x8x128xf32> to vector<1x8x128xf32>
        %squeeze3A_1512 = vector.shape_cast %slice3A_1511 : vector<1x8x128xf32> to vector<8x128xf32>
        %add3A_1513 = arith.addf %add3A_1510, %squeeze3A_1512 : vector<8x128xf32>
        %slice3A_1514 = vector.extract_strided_slice %reshape3A_1487 {offsets = [9, 0, 0], sizes = [1, 8, 128], strides = [1, 1, 1]} : vector<16x8x128xf32> to vector<1x8x128xf32>
        %squeeze3A_1515 = vector.shape_cast %slice3A_1514 : vector<1x8x128xf32> to vector<8x128xf32>
        %add3A_1516 = arith.addf %add3A_1513, %squeeze3A_1515 : vector<8x128xf32>
        %slice3A_1517 = vector.extract_strided_slice %reshape3A_1487 {offsets = [10, 0, 0], sizes = [1, 8, 128], strides = [1, 1, 1]} : vector<16x8x128xf32> to vector<1x8x128xf32>
        %squeeze3A_1518 = vector.shape_cast %slice3A_1517 : vector<1x8x128xf32> to vector<8x128xf32>
        %add3A_1519 = arith.addf %add3A_1516, %squeeze3A_1518 : vector<8x128xf32>
        %slice3A_1520 = vector.extract_strided_slice %reshape3A_1487 {offsets = [11, 0, 0], sizes = [1, 8, 128], strides = [1, 1, 1]} : vector<16x8x128xf32> to vector<1x8x128xf32>
        %squeeze3A_1521 = vector.shape_cast %slice3A_1520 : vector<1x8x128xf32> to vector<8x128xf32>
        %add3A_1522 = arith.addf %add3A_1519, %squeeze3A_1521 : vector<8x128xf32>
        %slice3A_1523 = vector.extract_strided_slice %reshape3A_1487 {offsets = [12, 0, 0], sizes = [1, 8, 128], strides = [1, 1, 1]} : vector<16x8x128xf32> to vector<1x8x128xf32>
        %squeeze3A_1524 = vector.shape_cast %slice3A_1523 : vector<1x8x128xf32> to vector<8x128xf32>
        %add3A_1525 = arith.addf %add3A_1522, %squeeze3A_1524 : vector<8x128xf32>
        %slice3A_1526 = vector.extract_strided_slice %reshape3A_1487 {offsets = [13, 0, 0], sizes = [1, 8, 128], strides = [1, 1, 1]} : vector<16x8x128xf32> to vector<1x8x128xf32>
        %squeeze3A_1527 = vector.shape_cast %slice3A_1526 : vector<1x8x128xf32> to vector<8x128xf32>
        %add3A_1528 = arith.addf %add3A_1525, %squeeze3A_1527 : vector<8x128xf32>
        %slice3A_1529 = vector.extract_strided_slice %reshape3A_1487 {offsets = [14, 0, 0], sizes = [1, 8, 128], strides = [1, 1, 1]} : vector<16x8x128xf32> to vector<1x8x128xf32>
        %squeeze3A_1530 = vector.shape_cast %slice3A_1529 : vector<1x8x128xf32> to vector<8x128xf32>
        %add3A_1531 = arith.addf %add3A_1528, %squeeze3A_1530 : vector<8x128xf32>
        %slice3A_1532 = vector.extract_strided_slice %reshape3A_1487 {offsets = [15, 0, 0], sizes = [1, 8, 128], strides = [1, 1, 1]} : vector<16x8x128xf32> to vector<1x8x128xf32>
        %squeeze3A_1533 = vector.shape_cast %slice3A_1532 : vector<1x8x128xf32> to vector<8x128xf32>
        %add3A_1534 = arith.addf %add3A_1531, %squeeze3A_1533 : vector<8x128xf32>
        %slice3A_1535 = vector.extract_strided_slice %add3A_1534 {offsets = [4, 0], sizes = [4, 128], strides = [1, 1]} : vector<8x128xf32> to vector<4x128xf32>
        %slice3A_1536 = vector.extract_strided_slice %add3A_1534 {offsets = [0, 0], sizes = [4, 128], strides = [1, 1]} : vector<8x128xf32> to vector<4x128xf32>
        %add3A_1537 = arith.addf %slice3A_1535, %slice3A_1536 : vector<4x128xf32>
        %slice3A_1538 = vector.extract_strided_slice %add3A_1537 {offsets = [2, 0], sizes = [2, 128], strides = [1, 1]} : vector<4x128xf32> to vector<2x128xf32>
        %slice3A_1539 = vector.extract_strided_slice %add3A_1537 {offsets = [0, 0], sizes = [2, 128], strides = [1, 1]} : vector<4x128xf32> to vector<2x128xf32>
        %add3A_1540 = arith.addf %slice3A_1538, %slice3A_1539 : vector<2x128xf32>
        %slice3A_1541 = vector.extract_strided_slice %add3A_1540 {offsets = [1, 0], sizes = [1, 128], strides = [1, 1]} : vector<2x128xf32> to vector<1x128xf32>
        %slice3A_1542 = vector.extract_strided_slice %add3A_1540 {offsets = [0, 0], sizes = [1, 128], strides = [1, 1]} : vector<2x128xf32> to vector<1x128xf32>
        %add3A_1543 = arith.addf %slice3A_1541, %slice3A_1542 : vector<1x128xf32>
        %add3A_1544 = arith.addf %add3A_1484, %add3A_1543 : vector<1x128xf32>
        %sqrt3A_1545 = math.sqrt %add3A_1544 : vector<1x128xf32>
        %get3A_1546 = arith.index_cast %scan3A_1413 : i32 to index
        %get3A_1547 = arith.constant 0 : index
        %get3A_1548 = arith.constant 0 : index
        %get3A_1549 = vector.load %arg3[%get3A_1546, %get3A_1547, %get3A_1548] : memref<128x1x128xf32, #tpu.memory_space<vmem>>, vector<1x1x128xf32>
        %get3A_1550 = vector.shape_cast %get3A_1549 : vector<1x1x128xf32> to vector<1x128xf32>
        %gt3A_1551 = arith.constant 0.000000e+00 : f32
        %gt3A_1552 = vector.broadcast %gt3A_1551 : f32 to vector<1x128xf32>
        %gt3A_1553 = arith.cmpf ogt, %get3A_1550, %gt3A_1552 : vector<1x128xf32>
        %jit3A_1554 = arith.constant 0x7F800000 : f32
        %broadcast_in_dim3A_1555 = vector.broadcast %jit3A_1554 : f32 to vector<1x128xf32>
        %select_n3A_1556 = arith.select %gt3A_1553, %broadcast_in_dim3A_1555, %sqrt3A_1545 : vector<1x128xi1>, vector<1x128xf32>
        %reduce_min3A_1557 = vector.shape_cast %select_n3A_1556 : vector<1x128xf32> to vector<1x1x128xf32>
        %reduce_min3A_1558 = arith.constant dense<0x7F800000> : vector<1xf32>
        %reduce_min3A_1559 = vector.multi_reduction <minimumf>, %reduce_min3A_1557, %reduce_min3A_1558 [1, 2] : vector<1x1x128xf32> to vector<1xf32>
        %reduce_min3A_1560 = vector.shape_cast %reduce_min3A_1559 : vector<1xf32> to vector<1x1x1xf32>
        %reduce_min3A_1561 = vector.extract %reduce_min3A_1560[0, 0, 0] : f32 from vector<1x1x1xf32>
        %eq3A_1562 = vector.broadcast %reduce_min3A_1561 : f32 to vector<1x128xf32>
        %eq3A_1563 = arith.cmpf oeq, %select_n3A_1556, %eq3A_1562 : vector<1x128xf32>
        %jit3A_1564 = arith.constant 16384 : i32
        %broadcast_in_dim3A_1565 = vector.broadcast %jit3A_1564 : i32 to vector<1x128xi32>
        %select_n3A_1566 = arith.select %eq3A_1563, %iota3A, %broadcast_in_dim3A_1565 : vector<1x128xi1>, vector<1x128xi32>
        %reduce_min3A_1567 = vector.shape_cast %select_n3A_1566 : vector<1x128xi32> to vector<1x1x128xi32>
        %reduce_min3A_1568 = arith.constant dense<2147483647> : vector<1xi32>
        %reduce_min3A_1569 = vector.multi_reduction <minsi>, %reduce_min3A_1567, %reduce_min3A_1568 [1, 2] : vector<1x1x128xi32> to vector<1xi32>
        %reduce_min3A_1570 = vector.shape_cast %reduce_min3A_1569 : vector<1xi32> to vector<1x1x1xi32>
        %reduce_min3A_1571 = vector.extract %reduce_min3A_1570[0, 0, 0] : i32 from vector<1x1x1xi32>
        %lt3A_1572 = arith.cmpf olt, %reduce_min3A_1561, %select_n3A_1407 : f32
        %select_n3A_1573 = arith.select %lt3A_1572, %reduce_min3A_1561, %select_n3A_1407 : f32
        %mul3A_1574 = arith.constant 128 : i32
        %mul3A_1575 = arith.muli %scan3A_1413, %mul3A_1574 : i32
        %add3A_1576 = arith.addi %mul3A_1575, %reduce_min3A_1571 : i32
        %select_n3A_1577 = arith.select %lt3A_1572, %add3A_1576, %select_n3A_1411 : i32
        %scan3A_1578 = arith.constant 9 : i32
        %scan3A_1579 = arith.addi %scan3A_91, %scan3A_1578 : i32
        %get3A_1580 = arith.index_cast %scan3A_1579 : i32 to index
        %get3A_1581 = arith.constant 0 : index
        %get3A_1582 = arith.constant 0 : index
        %get3A_1583 = vector.load %arg0[%get3A_1580, %get3A_1581, %get3A_1582] : memref<128x128x256xf32, #tpu.memory_space<vmem>>, vector<1x128x256xf32>
        %get3A_1584 = vector.shape_cast %get3A_1583 : vector<1x128x256xf32> to vector<128x256xf32>
        %add3A_1585 = vector.broadcast %scan3A_24 : vector<1x256xf32> to vector<128x256xf32>
        %add3A_1586 = arith.addf %get3A_1584, %add3A_1585 : vector<128x256xf32>
        %mul3A_1587 = vector.broadcast %div3A_28 : f32 to vector<128x256xf32>
        %mul3A_1588 = arith.mulf %mul3A_1587, %add3A_1586 : vector<128x256xf32>
        %sub3A_1589 = vector.broadcast %get3A_1 : vector<1x256xf32> to vector<128x256xf32>
        %sub3A_1590 = arith.subf %sub3A_1589, %mul3A_1588 : vector<128x256xf32>
        %mul3A_1591 = arith.mulf %sub3A_1590, %sub3A_1590 : vector<128x256xf32>
        %slice3A_1592 = vector.extract_strided_slice %mul3A_1591 {offsets = [0, 0], sizes = [128, 128], strides = [1, 1]} : vector<128x256xf32> to vector<128x128xf32>
        %transpose3A_1593 = tpu.transpose %slice3A_1592, [1, 0] : vector<128x128xf32> -> vector<128x128xf32>
        %reshape3A_1594 = vector.shape_cast %transpose3A_1593 : vector<128x128xf32> to vector<16x8x128xf32>
        %slice3A_1595 = vector.extract_strided_slice %reshape3A_1594 {offsets = [0, 0, 0], sizes = [1, 8, 128], strides = [1, 1, 1]} : vector<16x8x128xf32> to vector<1x8x128xf32>
        %squeeze3A_1596 = vector.shape_cast %slice3A_1595 : vector<1x8x128xf32> to vector<8x128xf32>
        %slice3A_1597 = vector.extract_strided_slice %reshape3A_1594 {offsets = [1, 0, 0], sizes = [1, 8, 128], strides = [1, 1, 1]} : vector<16x8x128xf32> to vector<1x8x128xf32>
        %squeeze3A_1598 = vector.shape_cast %slice3A_1597 : vector<1x8x128xf32> to vector<8x128xf32>
        %add3A_1599 = arith.addf %squeeze3A_1596, %squeeze3A_1598 : vector<8x128xf32>
        %slice3A_1600 = vector.extract_strided_slice %reshape3A_1594 {offsets = [2, 0, 0], sizes = [1, 8, 128], strides = [1, 1, 1]} : vector<16x8x128xf32> to vector<1x8x128xf32>
        %squeeze3A_1601 = vector.shape_cast %slice3A_1600 : vector<1x8x128xf32> to vector<8x128xf32>
        %add3A_1602 = arith.addf %add3A_1599, %squeeze3A_1601 : vector<8x128xf32>
        %slice3A_1603 = vector.extract_strided_slice %reshape3A_1594 {offsets = [3, 0, 0], sizes = [1, 8, 128], strides = [1, 1, 1]} : vector<16x8x128xf32> to vector<1x8x128xf32>
        %squeeze3A_1604 = vector.shape_cast %slice3A_1603 : vector<1x8x128xf32> to vector<8x128xf32>
        %add3A_1605 = arith.addf %add3A_1602, %squeeze3A_1604 : vector<8x128xf32>
        %slice3A_1606 = vector.extract_strided_slice %reshape3A_1594 {offsets = [4, 0, 0], sizes = [1, 8, 128], strides = [1, 1, 1]} : vector<16x8x128xf32> to vector<1x8x128xf32>
        %squeeze3A_1607 = vector.shape_cast %slice3A_1606 : vector<1x8x128xf32> to vector<8x128xf32>
        %add3A_1608 = arith.addf %add3A_1605, %squeeze3A_1607 : vector<8x128xf32>
        %slice3A_1609 = vector.extract_strided_slice %reshape3A_1594 {offsets = [5, 0, 0], sizes = [1, 8, 128], strides = [1, 1, 1]} : vector<16x8x128xf32> to vector<1x8x128xf32>
        %squeeze3A_1610 = vector.shape_cast %slice3A_1609 : vector<1x8x128xf32> to vector<8x128xf32>
        %add3A_1611 = arith.addf %add3A_1608, %squeeze3A_1610 : vector<8x128xf32>
        %slice3A_1612 = vector.extract_strided_slice %reshape3A_1594 {offsets = [6, 0, 0], sizes = [1, 8, 128], strides = [1, 1, 1]} : vector<16x8x128xf32> to vector<1x8x128xf32>
        %squeeze3A_1613 = vector.shape_cast %slice3A_1612 : vector<1x8x128xf32> to vector<8x128xf32>
        %add3A_1614 = arith.addf %add3A_1611, %squeeze3A_1613 : vector<8x128xf32>
        %slice3A_1615 = vector.extract_strided_slice %reshape3A_1594 {offsets = [7, 0, 0], sizes = [1, 8, 128], strides = [1, 1, 1]} : vector<16x8x128xf32> to vector<1x8x128xf32>
        %squeeze3A_1616 = vector.shape_cast %slice3A_1615 : vector<1x8x128xf32> to vector<8x128xf32>
        %add3A_1617 = arith.addf %add3A_1614, %squeeze3A_1616 : vector<8x128xf32>
        %slice3A_1618 = vector.extract_strided_slice %reshape3A_1594 {offsets = [8, 0, 0], sizes = [1, 8, 128], strides = [1, 1, 1]} : vector<16x8x128xf32> to vector<1x8x128xf32>
        %squeeze3A_1619 = vector.shape_cast %slice3A_1618 : vector<1x8x128xf32> to vector<8x128xf32>
        %add3A_1620 = arith.addf %add3A_1617, %squeeze3A_1619 : vector<8x128xf32>
        %slice3A_1621 = vector.extract_strided_slice %reshape3A_1594 {offsets = [9, 0, 0], sizes = [1, 8, 128], strides = [1, 1, 1]} : vector<16x8x128xf32> to vector<1x8x128xf32>
        %squeeze3A_1622 = vector.shape_cast %slice3A_1621 : vector<1x8x128xf32> to vector<8x128xf32>
        %add3A_1623 = arith.addf %add3A_1620, %squeeze3A_1622 : vector<8x128xf32>
        %slice3A_1624 = vector.extract_strided_slice %reshape3A_1594 {offsets = [10, 0, 0], sizes = [1, 8, 128], strides = [1, 1, 1]} : vector<16x8x128xf32> to vector<1x8x128xf32>
        %squeeze3A_1625 = vector.shape_cast %slice3A_1624 : vector<1x8x128xf32> to vector<8x128xf32>
        %add3A_1626 = arith.addf %add3A_1623, %squeeze3A_1625 : vector<8x128xf32>
        %slice3A_1627 = vector.extract_strided_slice %reshape3A_1594 {offsets = [11, 0, 0], sizes = [1, 8, 128], strides = [1, 1, 1]} : vector<16x8x128xf32> to vector<1x8x128xf32>
        %squeeze3A_1628 = vector.shape_cast %slice3A_1627 : vector<1x8x128xf32> to vector<8x128xf32>
        %add3A_1629 = arith.addf %add3A_1626, %squeeze3A_1628 : vector<8x128xf32>
        %slice3A_1630 = vector.extract_strided_slice %reshape3A_1594 {offsets = [12, 0, 0], sizes = [1, 8, 128], strides = [1, 1, 1]} : vector<16x8x128xf32> to vector<1x8x128xf32>
        %squeeze3A_1631 = vector.shape_cast %slice3A_1630 : vector<1x8x128xf32> to vector<8x128xf32>
        %add3A_1632 = arith.addf %add3A_1629, %squeeze3A_1631 : vector<8x128xf32>
        %slice3A_1633 = vector.extract_strided_slice %reshape3A_1594 {offsets = [13, 0, 0], sizes = [1, 8, 128], strides = [1, 1, 1]} : vector<16x8x128xf32> to vector<1x8x128xf32>
        %squeeze3A_1634 = vector.shape_cast %slice3A_1633 : vector<1x8x128xf32> to vector<8x128xf32>
        %add3A_1635 = arith.addf %add3A_1632, %squeeze3A_1634 : vector<8x128xf32>
        %slice3A_1636 = vector.extract_strided_slice %reshape3A_1594 {offsets = [14, 0, 0], sizes = [1, 8, 128], strides = [1, 1, 1]} : vector<16x8x128xf32> to vector<1x8x128xf32>
        %squeeze3A_1637 = vector.shape_cast %slice3A_1636 : vector<1x8x128xf32> to vector<8x128xf32>
        %add3A_1638 = arith.addf %add3A_1635, %squeeze3A_1637 : vector<8x128xf32>
        %slice3A_1639 = vector.extract_strided_slice %reshape3A_1594 {offsets = [15, 0, 0], sizes = [1, 8, 128], strides = [1, 1, 1]} : vector<16x8x128xf32> to vector<1x8x128xf32>
        %squeeze3A_1640 = vector.shape_cast %slice3A_1639 : vector<1x8x128xf32> to vector<8x128xf32>
        %add3A_1641 = arith.addf %add3A_1638, %squeeze3A_1640 : vector<8x128xf32>
        %slice3A_1642 = vector.extract_strided_slice %add3A_1641 {offsets = [4, 0], sizes = [4, 128], strides = [1, 1]} : vector<8x128xf32> to vector<4x128xf32>
        %slice3A_1643 = vector.extract_strided_slice %add3A_1641 {offsets = [0, 0], sizes = [4, 128], strides = [1, 1]} : vector<8x128xf32> to vector<4x128xf32>
        %add3A_1644 = arith.addf %slice3A_1642, %slice3A_1643 : vector<4x128xf32>
        %slice3A_1645 = vector.extract_strided_slice %add3A_1644 {offsets = [2, 0], sizes = [2, 128], strides = [1, 1]} : vector<4x128xf32> to vector<2x128xf32>
        %slice3A_1646 = vector.extract_strided_slice %add3A_1644 {offsets = [0, 0], sizes = [2, 128], strides = [1, 1]} : vector<4x128xf32> to vector<2x128xf32>
        %add3A_1647 = arith.addf %slice3A_1645, %slice3A_1646 : vector<2x128xf32>
        %slice3A_1648 = vector.extract_strided_slice %add3A_1647 {offsets = [1, 0], sizes = [1, 128], strides = [1, 1]} : vector<2x128xf32> to vector<1x128xf32>
        %slice3A_1649 = vector.extract_strided_slice %add3A_1647 {offsets = [0, 0], sizes = [1, 128], strides = [1, 1]} : vector<2x128xf32> to vector<1x128xf32>
        %add3A_1650 = arith.addf %slice3A_1648, %slice3A_1649 : vector<1x128xf32>
        %slice3A_1651 = vector.extract_strided_slice %mul3A_1591 {offsets = [0, 128], sizes = [128, 128], strides = [1, 1]} : vector<128x256xf32> to vector<128x128xf32>
        %transpose3A_1652 = tpu.transpose %slice3A_1651, [1, 0] : vector<128x128xf32> -> vector<128x128xf32>
        %reshape3A_1653 = vector.shape_cast %transpose3A_1652 : vector<128x128xf32> to vector<16x8x128xf32>
        %slice3A_1654 = vector.extract_strided_slice %reshape3A_1653 {offsets = [0, 0, 0], sizes = [1, 8, 128], strides = [1, 1, 1]} : vector<16x8x128xf32> to vector<1x8x128xf32>
        %squeeze3A_1655 = vector.shape_cast %slice3A_1654 : vector<1x8x128xf32> to vector<8x128xf32>
        %slice3A_1656 = vector.extract_strided_slice %reshape3A_1653 {offsets = [1, 0, 0], sizes = [1, 8, 128], strides = [1, 1, 1]} : vector<16x8x128xf32> to vector<1x8x128xf32>
        %squeeze3A_1657 = vector.shape_cast %slice3A_1656 : vector<1x8x128xf32> to vector<8x128xf32>
        %add3A_1658 = arith.addf %squeeze3A_1655, %squeeze3A_1657 : vector<8x128xf32>
        %slice3A_1659 = vector.extract_strided_slice %reshape3A_1653 {offsets = [2, 0, 0], sizes = [1, 8, 128], strides = [1, 1, 1]} : vector<16x8x128xf32> to vector<1x8x128xf32>
        %squeeze3A_1660 = vector.shape_cast %slice3A_1659 : vector<1x8x128xf32> to vector<8x128xf32>
        %add3A_1661 = arith.addf %add3A_1658, %squeeze3A_1660 : vector<8x128xf32>
        %slice3A_1662 = vector.extract_strided_slice %reshape3A_1653 {offsets = [3, 0, 0], sizes = [1, 8, 128], strides = [1, 1, 1]} : vector<16x8x128xf32> to vector<1x8x128xf32>
        %squeeze3A_1663 = vector.shape_cast %slice3A_1662 : vector<1x8x128xf32> to vector<8x128xf32>
        %add3A_1664 = arith.addf %add3A_1661, %squeeze3A_1663 : vector<8x128xf32>
        %slice3A_1665 = vector.extract_strided_slice %reshape3A_1653 {offsets = [4, 0, 0], sizes = [1, 8, 128], strides = [1, 1, 1]} : vector<16x8x128xf32> to vector<1x8x128xf32>
        %squeeze3A_1666 = vector.shape_cast %slice3A_1665 : vector<1x8x128xf32> to vector<8x128xf32>
        %add3A_1667 = arith.addf %add3A_1664, %squeeze3A_1666 : vector<8x128xf32>
        %slice3A_1668 = vector.extract_strided_slice %reshape3A_1653 {offsets = [5, 0, 0], sizes = [1, 8, 128], strides = [1, 1, 1]} : vector<16x8x128xf32> to vector<1x8x128xf32>
        %squeeze3A_1669 = vector.shape_cast %slice3A_1668 : vector<1x8x128xf32> to vector<8x128xf32>
        %add3A_1670 = arith.addf %add3A_1667, %squeeze3A_1669 : vector<8x128xf32>
        %slice3A_1671 = vector.extract_strided_slice %reshape3A_1653 {offsets = [6, 0, 0], sizes = [1, 8, 128], strides = [1, 1, 1]} : vector<16x8x128xf32> to vector<1x8x128xf32>
        %squeeze3A_1672 = vector.shape_cast %slice3A_1671 : vector<1x8x128xf32> to vector<8x128xf32>
        %add3A_1673 = arith.addf %add3A_1670, %squeeze3A_1672 : vector<8x128xf32>
        %slice3A_1674 = vector.extract_strided_slice %reshape3A_1653 {offsets = [7, 0, 0], sizes = [1, 8, 128], strides = [1, 1, 1]} : vector<16x8x128xf32> to vector<1x8x128xf32>
        %squeeze3A_1675 = vector.shape_cast %slice3A_1674 : vector<1x8x128xf32> to vector<8x128xf32>
        %add3A_1676 = arith.addf %add3A_1673, %squeeze3A_1675 : vector<8x128xf32>
        %slice3A_1677 = vector.extract_strided_slice %reshape3A_1653 {offsets = [8, 0, 0], sizes = [1, 8, 128], strides = [1, 1, 1]} : vector<16x8x128xf32> to vector<1x8x128xf32>
        %squeeze3A_1678 = vector.shape_cast %slice3A_1677 : vector<1x8x128xf32> to vector<8x128xf32>
        %add3A_1679 = arith.addf %add3A_1676, %squeeze3A_1678 : vector<8x128xf32>
        %slice3A_1680 = vector.extract_strided_slice %reshape3A_1653 {offsets = [9, 0, 0], sizes = [1, 8, 128], strides = [1, 1, 1]} : vector<16x8x128xf32> to vector<1x8x128xf32>
        %squeeze3A_1681 = vector.shape_cast %slice3A_1680 : vector<1x8x128xf32> to vector<8x128xf32>
        %add3A_1682 = arith.addf %add3A_1679, %squeeze3A_1681 : vector<8x128xf32>
        %slice3A_1683 = vector.extract_strided_slice %reshape3A_1653 {offsets = [10, 0, 0], sizes = [1, 8, 128], strides = [1, 1, 1]} : vector<16x8x128xf32> to vector<1x8x128xf32>
        %squeeze3A_1684 = vector.shape_cast %slice3A_1683 : vector<1x8x128xf32> to vector<8x128xf32>
        %add3A_1685 = arith.addf %add3A_1682, %squeeze3A_1684 : vector<8x128xf32>
        %slice3A_1686 = vector.extract_strided_slice %reshape3A_1653 {offsets = [11, 0, 0], sizes = [1, 8, 128], strides = [1, 1, 1]} : vector<16x8x128xf32> to vector<1x8x128xf32>
        %squeeze3A_1687 = vector.shape_cast %slice3A_1686 : vector<1x8x128xf32> to vector<8x128xf32>
        %add3A_1688 = arith.addf %add3A_1685, %squeeze3A_1687 : vector<8x128xf32>
        %slice3A_1689 = vector.extract_strided_slice %reshape3A_1653 {offsets = [12, 0, 0], sizes = [1, 8, 128], strides = [1, 1, 1]} : vector<16x8x128xf32> to vector<1x8x128xf32>
        %squeeze3A_1690 = vector.shape_cast %slice3A_1689 : vector<1x8x128xf32> to vector<8x128xf32>
        %add3A_1691 = arith.addf %add3A_1688, %squeeze3A_1690 : vector<8x128xf32>
        %slice3A_1692 = vector.extract_strided_slice %reshape3A_1653 {offsets = [13, 0, 0], sizes = [1, 8, 128], strides = [1, 1, 1]} : vector<16x8x128xf32> to vector<1x8x128xf32>
        %squeeze3A_1693 = vector.shape_cast %slice3A_1692 : vector<1x8x128xf32> to vector<8x128xf32>
        %add3A_1694 = arith.addf %add3A_1691, %squeeze3A_1693 : vector<8x128xf32>
        %slice3A_1695 = vector.extract_strided_slice %reshape3A_1653 {offsets = [14, 0, 0], sizes = [1, 8, 128], strides = [1, 1, 1]} : vector<16x8x128xf32> to vector<1x8x128xf32>
        %squeeze3A_1696 = vector.shape_cast %slice3A_1695 : vector<1x8x128xf32> to vector<8x128xf32>
        %add3A_1697 = arith.addf %add3A_1694, %squeeze3A_1696 : vector<8x128xf32>
        %slice3A_1698 = vector.extract_strided_slice %reshape3A_1653 {offsets = [15, 0, 0], sizes = [1, 8, 128], strides = [1, 1, 1]} : vector<16x8x128xf32> to vector<1x8x128xf32>
        %squeeze3A_1699 = vector.shape_cast %slice3A_1698 : vector<1x8x128xf32> to vector<8x128xf32>
        %add3A_1700 = arith.addf %add3A_1697, %squeeze3A_1699 : vector<8x128xf32>
        %slice3A_1701 = vector.extract_strided_slice %add3A_1700 {offsets = [4, 0], sizes = [4, 128], strides = [1, 1]} : vector<8x128xf32> to vector<4x128xf32>
        %slice3A_1702 = vector.extract_strided_slice %add3A_1700 {offsets = [0, 0], sizes = [4, 128], strides = [1, 1]} : vector<8x128xf32> to vector<4x128xf32>
        %add3A_1703 = arith.addf %slice3A_1701, %slice3A_1702 : vector<4x128xf32>
        %slice3A_1704 = vector.extract_strided_slice %add3A_1703 {offsets = [2, 0], sizes = [2, 128], strides = [1, 1]} : vector<4x128xf32> to vector<2x128xf32>
        %slice3A_1705 = vector.extract_strided_slice %add3A_1703 {offsets = [0, 0], sizes = [2, 128], strides = [1, 1]} : vector<4x128xf32> to vector<2x128xf32>
        %add3A_1706 = arith.addf %slice3A_1704, %slice3A_1705 : vector<2x128xf32>
        %slice3A_1707 = vector.extract_strided_slice %add3A_1706 {offsets = [1, 0], sizes = [1, 128], strides = [1, 1]} : vector<2x128xf32> to vector<1x128xf32>
        %slice3A_1708 = vector.extract_strided_slice %add3A_1706 {offsets = [0, 0], sizes = [1, 128], strides = [1, 1]} : vector<2x128xf32> to vector<1x128xf32>
        %add3A_1709 = arith.addf %slice3A_1707, %slice3A_1708 : vector<1x128xf32>
        %add3A_1710 = arith.addf %add3A_1650, %add3A_1709 : vector<1x128xf32>
        %sqrt3A_1711 = math.sqrt %add3A_1710 : vector<1x128xf32>
        %get3A_1712 = arith.index_cast %scan3A_1579 : i32 to index
        %get3A_1713 = arith.constant 0 : index
        %get3A_1714 = arith.constant 0 : index
        %get3A_1715 = vector.load %arg3[%get3A_1712, %get3A_1713, %get3A_1714] : memref<128x1x128xf32, #tpu.memory_space<vmem>>, vector<1x1x128xf32>
        %get3A_1716 = vector.shape_cast %get3A_1715 : vector<1x1x128xf32> to vector<1x128xf32>
        %gt3A_1717 = arith.constant 0.000000e+00 : f32
        %gt3A_1718 = vector.broadcast %gt3A_1717 : f32 to vector<1x128xf32>
        %gt3A_1719 = arith.cmpf ogt, %get3A_1716, %gt3A_1718 : vector<1x128xf32>
        %jit3A_1720 = arith.constant 0x7F800000 : f32
        %broadcast_in_dim3A_1721 = vector.broadcast %jit3A_1720 : f32 to vector<1x128xf32>
        %select_n3A_1722 = arith.select %gt3A_1719, %broadcast_in_dim3A_1721, %sqrt3A_1711 : vector<1x128xi1>, vector<1x128xf32>
        %reduce_min3A_1723 = vector.shape_cast %select_n3A_1722 : vector<1x128xf32> to vector<1x1x128xf32>
        %reduce_min3A_1724 = arith.constant dense<0x7F800000> : vector<1xf32>
        %reduce_min3A_1725 = vector.multi_reduction <minimumf>, %reduce_min3A_1723, %reduce_min3A_1724 [1, 2] : vector<1x1x128xf32> to vector<1xf32>
        %reduce_min3A_1726 = vector.shape_cast %reduce_min3A_1725 : vector<1xf32> to vector<1x1x1xf32>
        %reduce_min3A_1727 = vector.extract %reduce_min3A_1726[0, 0, 0] : f32 from vector<1x1x1xf32>
        %eq3A_1728 = vector.broadcast %reduce_min3A_1727 : f32 to vector<1x128xf32>
        %eq3A_1729 = arith.cmpf oeq, %select_n3A_1722, %eq3A_1728 : vector<1x128xf32>
        %jit3A_1730 = arith.constant 16384 : i32
        %broadcast_in_dim3A_1731 = vector.broadcast %jit3A_1730 : i32 to vector<1x128xi32>
        %select_n3A_1732 = arith.select %eq3A_1729, %iota3A, %broadcast_in_dim3A_1731 : vector<1x128xi1>, vector<1x128xi32>
        %reduce_min3A_1733 = vector.shape_cast %select_n3A_1732 : vector<1x128xi32> to vector<1x1x128xi32>
        %reduce_min3A_1734 = arith.constant dense<2147483647> : vector<1xi32>
        %reduce_min3A_1735 = vector.multi_reduction <minsi>, %reduce_min3A_1733, %reduce_min3A_1734 [1, 2] : vector<1x1x128xi32> to vector<1xi32>
        %reduce_min3A_1736 = vector.shape_cast %reduce_min3A_1735 : vector<1xi32> to vector<1x1x1xi32>
        %reduce_min3A_1737 = vector.extract %reduce_min3A_1736[0, 0, 0] : i32 from vector<1x1x1xi32>
        %lt3A_1738 = arith.cmpf olt, %reduce_min3A_1727, %select_n3A_1573 : f32
        %select_n3A_1739 = arith.select %lt3A_1738, %reduce_min3A_1727, %select_n3A_1573 : f32
        %mul3A_1740 = arith.constant 128 : i32
        %mul3A_1741 = arith.muli %scan3A_1579, %mul3A_1740 : i32
        %add3A_1742 = arith.addi %mul3A_1741, %reduce_min3A_1737 : i32
        %select_n3A_1743 = arith.select %lt3A_1738, %add3A_1742, %select_n3A_1577 : i32
        %scan3A_1744 = arith.constant 10 : i32
        %scan3A_1745 = arith.addi %scan3A_91, %scan3A_1744 : i32
        %get3A_1746 = arith.index_cast %scan3A_1745 : i32 to index
        %get3A_1747 = arith.constant 0 : index
        %get3A_1748 = arith.constant 0 : index
        %get3A_1749 = vector.load %arg0[%get3A_1746, %get3A_1747, %get3A_1748] : memref<128x128x256xf32, #tpu.memory_space<vmem>>, vector<1x128x256xf32>
        %get3A_1750 = vector.shape_cast %get3A_1749 : vector<1x128x256xf32> to vector<128x256xf32>
        %add3A_1751 = vector.broadcast %scan3A_24 : vector<1x256xf32> to vector<128x256xf32>
        %add3A_1752 = arith.addf %get3A_1750, %add3A_1751 : vector<128x256xf32>
        %mul3A_1753 = vector.broadcast %div3A_28 : f32 to vector<128x256xf32>
        %mul3A_1754 = arith.mulf %mul3A_1753, %add3A_1752 : vector<128x256xf32>
        %sub3A_1755 = vector.broadcast %get3A_1 : vector<1x256xf32> to vector<128x256xf32>
        %sub3A_1756 = arith.subf %sub3A_1755, %mul3A_1754 : vector<128x256xf32>
        %mul3A_1757 = arith.mulf %sub3A_1756, %sub3A_1756 : vector<128x256xf32>
        %slice3A_1758 = vector.extract_strided_slice %mul3A_1757 {offsets = [0, 0], sizes = [128, 128], strides = [1, 1]} : vector<128x256xf32> to vector<128x128xf32>
        %transpose3A_1759 = tpu.transpose %slice3A_1758, [1, 0] : vector<128x128xf32> -> vector<128x128xf32>
        %reshape3A_1760 = vector.shape_cast %transpose3A_1759 : vector<128x128xf32> to vector<16x8x128xf32>
        %slice3A_1761 = vector.extract_strided_slice %reshape3A_1760 {offsets = [0, 0, 0], sizes = [1, 8, 128], strides = [1, 1, 1]} : vector<16x8x128xf32> to vector<1x8x128xf32>
        %squeeze3A_1762 = vector.shape_cast %slice3A_1761 : vector<1x8x128xf32> to vector<8x128xf32>
        %slice3A_1763 = vector.extract_strided_slice %reshape3A_1760 {offsets = [1, 0, 0], sizes = [1, 8, 128], strides = [1, 1, 1]} : vector<16x8x128xf32> to vector<1x8x128xf32>
        %squeeze3A_1764 = vector.shape_cast %slice3A_1763 : vector<1x8x128xf32> to vector<8x128xf32>
        %add3A_1765 = arith.addf %squeeze3A_1762, %squeeze3A_1764 : vector<8x128xf32>
        %slice3A_1766 = vector.extract_strided_slice %reshape3A_1760 {offsets = [2, 0, 0], sizes = [1, 8, 128], strides = [1, 1, 1]} : vector<16x8x128xf32> to vector<1x8x128xf32>
        %squeeze3A_1767 = vector.shape_cast %slice3A_1766 : vector<1x8x128xf32> to vector<8x128xf32>
        %add3A_1768 = arith.addf %add3A_1765, %squeeze3A_1767 : vector<8x128xf32>
        %slice3A_1769 = vector.extract_strided_slice %reshape3A_1760 {offsets = [3, 0, 0], sizes = [1, 8, 128], strides = [1, 1, 1]} : vector<16x8x128xf32> to vector<1x8x128xf32>
        %squeeze3A_1770 = vector.shape_cast %slice3A_1769 : vector<1x8x128xf32> to vector<8x128xf32>
        %add3A_1771 = arith.addf %add3A_1768, %squeeze3A_1770 : vector<8x128xf32>
        %slice3A_1772 = vector.extract_strided_slice %reshape3A_1760 {offsets = [4, 0, 0], sizes = [1, 8, 128], strides = [1, 1, 1]} : vector<16x8x128xf32> to vector<1x8x128xf32>
        %squeeze3A_1773 = vector.shape_cast %slice3A_1772 : vector<1x8x128xf32> to vector<8x128xf32>
        %add3A_1774 = arith.addf %add3A_1771, %squeeze3A_1773 : vector<8x128xf32>
        %slice3A_1775 = vector.extract_strided_slice %reshape3A_1760 {offsets = [5, 0, 0], sizes = [1, 8, 128], strides = [1, 1, 1]} : vector<16x8x128xf32> to vector<1x8x128xf32>
        %squeeze3A_1776 = vector.shape_cast %slice3A_1775 : vector<1x8x128xf32> to vector<8x128xf32>
        %add3A_1777 = arith.addf %add3A_1774, %squeeze3A_1776 : vector<8x128xf32>
        %slice3A_1778 = vector.extract_strided_slice %reshape3A_1760 {offsets = [6, 0, 0], sizes = [1, 8, 128], strides = [1, 1, 1]} : vector<16x8x128xf32> to vector<1x8x128xf32>
        %squeeze3A_1779 = vector.shape_cast %slice3A_1778 : vector<1x8x128xf32> to vector<8x128xf32>
        %add3A_1780 = arith.addf %add3A_1777, %squeeze3A_1779 : vector<8x128xf32>
        %slice3A_1781 = vector.extract_strided_slice %reshape3A_1760 {offsets = [7, 0, 0], sizes = [1, 8, 128], strides = [1, 1, 1]} : vector<16x8x128xf32> to vector<1x8x128xf32>
        %squeeze3A_1782 = vector.shape_cast %slice3A_1781 : vector<1x8x128xf32> to vector<8x128xf32>
        %add3A_1783 = arith.addf %add3A_1780, %squeeze3A_1782 : vector<8x128xf32>
        %slice3A_1784 = vector.extract_strided_slice %reshape3A_1760 {offsets = [8, 0, 0], sizes = [1, 8, 128], strides = [1, 1, 1]} : vector<16x8x128xf32> to vector<1x8x128xf32>
        %squeeze3A_1785 = vector.shape_cast %slice3A_1784 : vector<1x8x128xf32> to vector<8x128xf32>
        %add3A_1786 = arith.addf %add3A_1783, %squeeze3A_1785 : vector<8x128xf32>
        %slice3A_1787 = vector.extract_strided_slice %reshape3A_1760 {offsets = [9, 0, 0], sizes = [1, 8, 128], strides = [1, 1, 1]} : vector<16x8x128xf32> to vector<1x8x128xf32>
        %squeeze3A_1788 = vector.shape_cast %slice3A_1787 : vector<1x8x128xf32> to vector<8x128xf32>
        %add3A_1789 = arith.addf %add3A_1786, %squeeze3A_1788 : vector<8x128xf32>
        %slice3A_1790 = vector.extract_strided_slice %reshape3A_1760 {offsets = [10, 0, 0], sizes = [1, 8, 128], strides = [1, 1, 1]} : vector<16x8x128xf32> to vector<1x8x128xf32>
        %squeeze3A_1791 = vector.shape_cast %slice3A_1790 : vector<1x8x128xf32> to vector<8x128xf32>
        %add3A_1792 = arith.addf %add3A_1789, %squeeze3A_1791 : vector<8x128xf32>
        %slice3A_1793 = vector.extract_strided_slice %reshape3A_1760 {offsets = [11, 0, 0], sizes = [1, 8, 128], strides = [1, 1, 1]} : vector<16x8x128xf32> to vector<1x8x128xf32>
        %squeeze3A_1794 = vector.shape_cast %slice3A_1793 : vector<1x8x128xf32> to vector<8x128xf32>
        %add3A_1795 = arith.addf %add3A_1792, %squeeze3A_1794 : vector<8x128xf32>
        %slice3A_1796 = vector.extract_strided_slice %reshape3A_1760 {offsets = [12, 0, 0], sizes = [1, 8, 128], strides = [1, 1, 1]} : vector<16x8x128xf32> to vector<1x8x128xf32>
        %squeeze3A_1797 = vector.shape_cast %slice3A_1796 : vector<1x8x128xf32> to vector<8x128xf32>
        %add3A_1798 = arith.addf %add3A_1795, %squeeze3A_1797 : vector<8x128xf32>
        %slice3A_1799 = vector.extract_strided_slice %reshape3A_1760 {offsets = [13, 0, 0], sizes = [1, 8, 128], strides = [1, 1, 1]} : vector<16x8x128xf32> to vector<1x8x128xf32>
        %squeeze3A_1800 = vector.shape_cast %slice3A_1799 : vector<1x8x128xf32> to vector<8x128xf32>
        %add3A_1801 = arith.addf %add3A_1798, %squeeze3A_1800 : vector<8x128xf32>
        %slice3A_1802 = vector.extract_strided_slice %reshape3A_1760 {offsets = [14, 0, 0], sizes = [1, 8, 128], strides = [1, 1, 1]} : vector<16x8x128xf32> to vector<1x8x128xf32>
        %squeeze3A_1803 = vector.shape_cast %slice3A_1802 : vector<1x8x128xf32> to vector<8x128xf32>
        %add3A_1804 = arith.addf %add3A_1801, %squeeze3A_1803 : vector<8x128xf32>
        %slice3A_1805 = vector.extract_strided_slice %reshape3A_1760 {offsets = [15, 0, 0], sizes = [1, 8, 128], strides = [1, 1, 1]} : vector<16x8x128xf32> to vector<1x8x128xf32>
        %squeeze3A_1806 = vector.shape_cast %slice3A_1805 : vector<1x8x128xf32> to vector<8x128xf32>
        %add3A_1807 = arith.addf %add3A_1804, %squeeze3A_1806 : vector<8x128xf32>
        %slice3A_1808 = vector.extract_strided_slice %add3A_1807 {offsets = [4, 0], sizes = [4, 128], strides = [1, 1]} : vector<8x128xf32> to vector<4x128xf32>
        %slice3A_1809 = vector.extract_strided_slice %add3A_1807 {offsets = [0, 0], sizes = [4, 128], strides = [1, 1]} : vector<8x128xf32> to vector<4x128xf32>
        %add3A_1810 = arith.addf %slice3A_1808, %slice3A_1809 : vector<4x128xf32>
        %slice3A_1811 = vector.extract_strided_slice %add3A_1810 {offsets = [2, 0], sizes = [2, 128], strides = [1, 1]} : vector<4x128xf32> to vector<2x128xf32>
        %slice3A_1812 = vector.extract_strided_slice %add3A_1810 {offsets = [0, 0], sizes = [2, 128], strides = [1, 1]} : vector<4x128xf32> to vector<2x128xf32>
        %add3A_1813 = arith.addf %slice3A_1811, %slice3A_1812 : vector<2x128xf32>
        %slice3A_1814 = vector.extract_strided_slice %add3A_1813 {offsets = [1, 0], sizes = [1, 128], strides = [1, 1]} : vector<2x128xf32> to vector<1x128xf32>
        %slice3A_1815 = vector.extract_strided_slice %add3A_1813 {offsets = [0, 0], sizes = [1, 128], strides = [1, 1]} : vector<2x128xf32> to vector<1x128xf32>
        %add3A_1816 = arith.addf %slice3A_1814, %slice3A_1815 : vector<1x128xf32>
        %slice3A_1817 = vector.extract_strided_slice %mul3A_1757 {offsets = [0, 128], sizes = [128, 128], strides = [1, 1]} : vector<128x256xf32> to vector<128x128xf32>
        %transpose3A_1818 = tpu.transpose %slice3A_1817, [1, 0] : vector<128x128xf32> -> vector<128x128xf32>
        %reshape3A_1819 = vector.shape_cast %transpose3A_1818 : vector<128x128xf32> to vector<16x8x128xf32>
        %slice3A_1820 = vector.extract_strided_slice %reshape3A_1819 {offsets = [0, 0, 0], sizes = [1, 8, 128], strides = [1, 1, 1]} : vector<16x8x128xf32> to vector<1x8x128xf32>
        %squeeze3A_1821 = vector.shape_cast %slice3A_1820 : vector<1x8x128xf32> to vector<8x128xf32>
        %slice3A_1822 = vector.extract_strided_slice %reshape3A_1819 {offsets = [1, 0, 0], sizes = [1, 8, 128], strides = [1, 1, 1]} : vector<16x8x128xf32> to vector<1x8x128xf32>
        %squeeze3A_1823 = vector.shape_cast %slice3A_1822 : vector<1x8x128xf32> to vector<8x128xf32>
        %add3A_1824 = arith.addf %squeeze3A_1821, %squeeze3A_1823 : vector<8x128xf32>
        %slice3A_1825 = vector.extract_strided_slice %reshape3A_1819 {offsets = [2, 0, 0], sizes = [1, 8, 128], strides = [1, 1, 1]} : vector<16x8x128xf32> to vector<1x8x128xf32>
        %squeeze3A_1826 = vector.shape_cast %slice3A_1825 : vector<1x8x128xf32> to vector<8x128xf32>
        %add3A_1827 = arith.addf %add3A_1824, %squeeze3A_1826 : vector<8x128xf32>
        %slice3A_1828 = vector.extract_strided_slice %reshape3A_1819 {offsets = [3, 0, 0], sizes = [1, 8, 128], strides = [1, 1, 1]} : vector<16x8x128xf32> to vector<1x8x128xf32>
        %squeeze3A_1829 = vector.shape_cast %slice3A_1828 : vector<1x8x128xf32> to vector<8x128xf32>
        %add3A_1830 = arith.addf %add3A_1827, %squeeze3A_1829 : vector<8x128xf32>
        %slice3A_1831 = vector.extract_strided_slice %reshape3A_1819 {offsets = [4, 0, 0], sizes = [1, 8, 128], strides = [1, 1, 1]} : vector<16x8x128xf32> to vector<1x8x128xf32>
        %squeeze3A_1832 = vector.shape_cast %slice3A_1831 : vector<1x8x128xf32> to vector<8x128xf32>
        %add3A_1833 = arith.addf %add3A_1830, %squeeze3A_1832 : vector<8x128xf32>
        %slice3A_1834 = vector.extract_strided_slice %reshape3A_1819 {offsets = [5, 0, 0], sizes = [1, 8, 128], strides = [1, 1, 1]} : vector<16x8x128xf32> to vector<1x8x128xf32>
        %squeeze3A_1835 = vector.shape_cast %slice3A_1834 : vector<1x8x128xf32> to vector<8x128xf32>
        %add3A_1836 = arith.addf %add3A_1833, %squeeze3A_1835 : vector<8x128xf32>
        %slice3A_1837 = vector.extract_strided_slice %reshape3A_1819 {offsets = [6, 0, 0], sizes = [1, 8, 128], strides = [1, 1, 1]} : vector<16x8x128xf32> to vector<1x8x128xf32>
        %squeeze3A_1838 = vector.shape_cast %slice3A_1837 : vector<1x8x128xf32> to vector<8x128xf32>
        %add3A_1839 = arith.addf %add3A_1836, %squeeze3A_1838 : vector<8x128xf32>
        %slice3A_1840 = vector.extract_strided_slice %reshape3A_1819 {offsets = [7, 0, 0], sizes = [1, 8, 128], strides = [1, 1, 1]} : vector<16x8x128xf32> to vector<1x8x128xf32>
        %squeeze3A_1841 = vector.shape_cast %slice3A_1840 : vector<1x8x128xf32> to vector<8x128xf32>
        %add3A_1842 = arith.addf %add3A_1839, %squeeze3A_1841 : vector<8x128xf32>
        %slice3A_1843 = vector.extract_strided_slice %reshape3A_1819 {offsets = [8, 0, 0], sizes = [1, 8, 128], strides = [1, 1, 1]} : vector<16x8x128xf32> to vector<1x8x128xf32>
        %squeeze3A_1844 = vector.shape_cast %slice3A_1843 : vector<1x8x128xf32> to vector<8x128xf32>
        %add3A_1845 = arith.addf %add3A_1842, %squeeze3A_1844 : vector<8x128xf32>
        %slice3A_1846 = vector.extract_strided_slice %reshape3A_1819 {offsets = [9, 0, 0], sizes = [1, 8, 128], strides = [1, 1, 1]} : vector<16x8x128xf32> to vector<1x8x128xf32>
        %squeeze3A_1847 = vector.shape_cast %slice3A_1846 : vector<1x8x128xf32> to vector<8x128xf32>
        %add3A_1848 = arith.addf %add3A_1845, %squeeze3A_1847 : vector<8x128xf32>
        %slice3A_1849 = vector.extract_strided_slice %reshape3A_1819 {offsets = [10, 0, 0], sizes = [1, 8, 128], strides = [1, 1, 1]} : vector<16x8x128xf32> to vector<1x8x128xf32>
        %squeeze3A_1850 = vector.shape_cast %slice3A_1849 : vector<1x8x128xf32> to vector<8x128xf32>
        %add3A_1851 = arith.addf %add3A_1848, %squeeze3A_1850 : vector<8x128xf32>
        %slice3A_1852 = vector.extract_strided_slice %reshape3A_1819 {offsets = [11, 0, 0], sizes = [1, 8, 128], strides = [1, 1, 1]} : vector<16x8x128xf32> to vector<1x8x128xf32>
        %squeeze3A_1853 = vector.shape_cast %slice3A_1852 : vector<1x8x128xf32> to vector<8x128xf32>
        %add3A_1854 = arith.addf %add3A_1851, %squeeze3A_1853 : vector<8x128xf32>
        %slice3A_1855 = vector.extract_strided_slice %reshape3A_1819 {offsets = [12, 0, 0], sizes = [1, 8, 128], strides = [1, 1, 1]} : vector<16x8x128xf32> to vector<1x8x128xf32>
        %squeeze3A_1856 = vector.shape_cast %slice3A_1855 : vector<1x8x128xf32> to vector<8x128xf32>
        %add3A_1857 = arith.addf %add3A_1854, %squeeze3A_1856 : vector<8x128xf32>
        %slice3A_1858 = vector.extract_strided_slice %reshape3A_1819 {offsets = [13, 0, 0], sizes = [1, 8, 128], strides = [1, 1, 1]} : vector<16x8x128xf32> to vector<1x8x128xf32>
        %squeeze3A_1859 = vector.shape_cast %slice3A_1858 : vector<1x8x128xf32> to vector<8x128xf32>
        %add3A_1860 = arith.addf %add3A_1857, %squeeze3A_1859 : vector<8x128xf32>
        %slice3A_1861 = vector.extract_strided_slice %reshape3A_1819 {offsets = [14, 0, 0], sizes = [1, 8, 128], strides = [1, 1, 1]} : vector<16x8x128xf32> to vector<1x8x128xf32>
        %squeeze3A_1862 = vector.shape_cast %slice3A_1861 : vector<1x8x128xf32> to vector<8x128xf32>
        %add3A_1863 = arith.addf %add3A_1860, %squeeze3A_1862 : vector<8x128xf32>
        %slice3A_1864 = vector.extract_strided_slice %reshape3A_1819 {offsets = [15, 0, 0], sizes = [1, 8, 128], strides = [1, 1, 1]} : vector<16x8x128xf32> to vector<1x8x128xf32>
        %squeeze3A_1865 = vector.shape_cast %slice3A_1864 : vector<1x8x128xf32> to vector<8x128xf32>
        %add3A_1866 = arith.addf %add3A_1863, %squeeze3A_1865 : vector<8x128xf32>
        %slice3A_1867 = vector.extract_strided_slice %add3A_1866 {offsets = [4, 0], sizes = [4, 128], strides = [1, 1]} : vector<8x128xf32> to vector<4x128xf32>
        %slice3A_1868 = vector.extract_strided_slice %add3A_1866 {offsets = [0, 0], sizes = [4, 128], strides = [1, 1]} : vector<8x128xf32> to vector<4x128xf32>
        %add3A_1869 = arith.addf %slice3A_1867, %slice3A_1868 : vector<4x128xf32>
        %slice3A_1870 = vector.extract_strided_slice %add3A_1869 {offsets = [2, 0], sizes = [2, 128], strides = [1, 1]} : vector<4x128xf32> to vector<2x128xf32>
        %slice3A_1871 = vector.extract_strided_slice %add3A_1869 {offsets = [0, 0], sizes = [2, 128], strides = [1, 1]} : vector<4x128xf32> to vector<2x128xf32>
        %add3A_1872 = arith.addf %slice3A_1870, %slice3A_1871 : vector<2x128xf32>
        %slice3A_1873 = vector.extract_strided_slice %add3A_1872 {offsets = [1, 0], sizes = [1, 128], strides = [1, 1]} : vector<2x128xf32> to vector<1x128xf32>
        %slice3A_1874 = vector.extract_strided_slice %add3A_1872 {offsets = [0, 0], sizes = [1, 128], strides = [1, 1]} : vector<2x128xf32> to vector<1x128xf32>
        %add3A_1875 = arith.addf %slice3A_1873, %slice3A_1874 : vector<1x128xf32>
        %add3A_1876 = arith.addf %add3A_1816, %add3A_1875 : vector<1x128xf32>
        %sqrt3A_1877 = math.sqrt %add3A_1876 : vector<1x128xf32>
        %get3A_1878 = arith.index_cast %scan3A_1745 : i32 to index
        %get3A_1879 = arith.constant 0 : index
        %get3A_1880 = arith.constant 0 : index
        %get3A_1881 = vector.load %arg3[%get3A_1878, %get3A_1879, %get3A_1880] : memref<128x1x128xf32, #tpu.memory_space<vmem>>, vector<1x1x128xf32>
        %get3A_1882 = vector.shape_cast %get3A_1881 : vector<1x1x128xf32> to vector<1x128xf32>
        %gt3A_1883 = arith.constant 0.000000e+00 : f32
        %gt3A_1884 = vector.broadcast %gt3A_1883 : f32 to vector<1x128xf32>
        %gt3A_1885 = arith.cmpf ogt, %get3A_1882, %gt3A_1884 : vector<1x128xf32>
        %jit3A_1886 = arith.constant 0x7F800000 : f32
        %broadcast_in_dim3A_1887 = vector.broadcast %jit3A_1886 : f32 to vector<1x128xf32>
        %select_n3A_1888 = arith.select %gt3A_1885, %broadcast_in_dim3A_1887, %sqrt3A_1877 : vector<1x128xi1>, vector<1x128xf32>
        %reduce_min3A_1889 = vector.shape_cast %select_n3A_1888 : vector<1x128xf32> to vector<1x1x128xf32>
        %reduce_min3A_1890 = arith.constant dense<0x7F800000> : vector<1xf32>
        %reduce_min3A_1891 = vector.multi_reduction <minimumf>, %reduce_min3A_1889, %reduce_min3A_1890 [1, 2] : vector<1x1x128xf32> to vector<1xf32>
        %reduce_min3A_1892 = vector.shape_cast %reduce_min3A_1891 : vector<1xf32> to vector<1x1x1xf32>
        %reduce_min3A_1893 = vector.extract %reduce_min3A_1892[0, 0, 0] : f32 from vector<1x1x1xf32>
        %eq3A_1894 = vector.broadcast %reduce_min3A_1893 : f32 to vector<1x128xf32>
        %eq3A_1895 = arith.cmpf oeq, %select_n3A_1888, %eq3A_1894 : vector<1x128xf32>
        %jit3A_1896 = arith.constant 16384 : i32
        %broadcast_in_dim3A_1897 = vector.broadcast %jit3A_1896 : i32 to vector<1x128xi32>
        %select_n3A_1898 = arith.select %eq3A_1895, %iota3A, %broadcast_in_dim3A_1897 : vector<1x128xi1>, vector<1x128xi32>
        %reduce_min3A_1899 = vector.shape_cast %select_n3A_1898 : vector<1x128xi32> to vector<1x1x128xi32>
        %reduce_min3A_1900 = arith.constant dense<2147483647> : vector<1xi32>
        %reduce_min3A_1901 = vector.multi_reduction <minsi>, %reduce_min3A_1899, %reduce_min3A_1900 [1, 2] : vector<1x1x128xi32> to vector<1xi32>
        %reduce_min3A_1902 = vector.shape_cast %reduce_min3A_1901 : vector<1xi32> to vector<1x1x1xi32>
        %reduce_min3A_1903 = vector.extract %reduce_min3A_1902[0, 0, 0] : i32 from vector<1x1x1xi32>
        %lt3A_1904 = arith.cmpf olt, %reduce_min3A_1893, %select_n3A_1739 : f32
        %select_n3A_1905 = arith.select %lt3A_1904, %reduce_min3A_1893, %select_n3A_1739 : f32
        %mul3A_1906 = arith.constant 128 : i32
        %mul3A_1907 = arith.muli %scan3A_1745, %mul3A_1906 : i32
        %add3A_1908 = arith.addi %mul3A_1907, %reduce_min3A_1903 : i32
        %select_n3A_1909 = arith.select %lt3A_1904, %add3A_1908, %select_n3A_1743 : i32
        %scan3A_1910 = arith.constant 11 : i32
        %scan3A_1911 = arith.addi %scan3A_91, %scan3A_1910 : i32
        %get3A_1912 = arith.index_cast %scan3A_1911 : i32 to index
        %get3A_1913 = arith.constant 0 : index
        %get3A_1914 = arith.constant 0 : index
        %get3A_1915 = vector.load %arg0[%get3A_1912, %get3A_1913, %get3A_1914] : memref<128x128x256xf32, #tpu.memory_space<vmem>>, vector<1x128x256xf32>
        %get3A_1916 = vector.shape_cast %get3A_1915 : vector<1x128x256xf32> to vector<128x256xf32>
        %add3A_1917 = vector.broadcast %scan3A_24 : vector<1x256xf32> to vector<128x256xf32>
        %add3A_1918 = arith.addf %get3A_1916, %add3A_1917 : vector<128x256xf32>
        %mul3A_1919 = vector.broadcast %div3A_28 : f32 to vector<128x256xf32>
        %mul3A_1920 = arith.mulf %mul3A_1919, %add3A_1918 : vector<128x256xf32>
        %sub3A_1921 = vector.broadcast %get3A_1 : vector<1x256xf32> to vector<128x256xf32>
        %sub3A_1922 = arith.subf %sub3A_1921, %mul3A_1920 : vector<128x256xf32>
        %mul3A_1923 = arith.mulf %sub3A_1922, %sub3A_1922 : vector<128x256xf32>
        %slice3A_1924 = vector.extract_strided_slice %mul3A_1923 {offsets = [0, 0], sizes = [128, 128], strides = [1, 1]} : vector<128x256xf32> to vector<128x128xf32>
        %transpose3A_1925 = tpu.transpose %slice3A_1924, [1, 0] : vector<128x128xf32> -> vector<128x128xf32>
        %reshape3A_1926 = vector.shape_cast %transpose3A_1925 : vector<128x128xf32> to vector<16x8x128xf32>
        %slice3A_1927 = vector.extract_strided_slice %reshape3A_1926 {offsets = [0, 0, 0], sizes = [1, 8, 128], strides = [1, 1, 1]} : vector<16x8x128xf32> to vector<1x8x128xf32>
        %squeeze3A_1928 = vector.shape_cast %slice3A_1927 : vector<1x8x128xf32> to vector<8x128xf32>
        %slice3A_1929 = vector.extract_strided_slice %reshape3A_1926 {offsets = [1, 0, 0], sizes = [1, 8, 128], strides = [1, 1, 1]} : vector<16x8x128xf32> to vector<1x8x128xf32>
        %squeeze3A_1930 = vector.shape_cast %slice3A_1929 : vector<1x8x128xf32> to vector<8x128xf32>
        %add3A_1931 = arith.addf %squeeze3A_1928, %squeeze3A_1930 : vector<8x128xf32>
        %slice3A_1932 = vector.extract_strided_slice %reshape3A_1926 {offsets = [2, 0, 0], sizes = [1, 8, 128], strides = [1, 1, 1]} : vector<16x8x128xf32> to vector<1x8x128xf32>
        %squeeze3A_1933 = vector.shape_cast %slice3A_1932 : vector<1x8x128xf32> to vector<8x128xf32>
        %add3A_1934 = arith.addf %add3A_1931, %squeeze3A_1933 : vector<8x128xf32>
        %slice3A_1935 = vector.extract_strided_slice %reshape3A_1926 {offsets = [3, 0, 0], sizes = [1, 8, 128], strides = [1, 1, 1]} : vector<16x8x128xf32> to vector<1x8x128xf32>
        %squeeze3A_1936 = vector.shape_cast %slice3A_1935 : vector<1x8x128xf32> to vector<8x128xf32>
        %add3A_1937 = arith.addf %add3A_1934, %squeeze3A_1936 : vector<8x128xf32>
        %slice3A_1938 = vector.extract_strided_slice %reshape3A_1926 {offsets = [4, 0, 0], sizes = [1, 8, 128], strides = [1, 1, 1]} : vector<16x8x128xf32> to vector<1x8x128xf32>
        %squeeze3A_1939 = vector.shape_cast %slice3A_1938 : vector<1x8x128xf32> to vector<8x128xf32>
        %add3A_1940 = arith.addf %add3A_1937, %squeeze3A_1939 : vector<8x128xf32>
        %slice3A_1941 = vector.extract_strided_slice %reshape3A_1926 {offsets = [5, 0, 0], sizes = [1, 8, 128], strides = [1, 1, 1]} : vector<16x8x128xf32> to vector<1x8x128xf32>
        %squeeze3A_1942 = vector.shape_cast %slice3A_1941 : vector<1x8x128xf32> to vector<8x128xf32>
        %add3A_1943 = arith.addf %add3A_1940, %squeeze3A_1942 : vector<8x128xf32>
        %slice3A_1944 = vector.extract_strided_slice %reshape3A_1926 {offsets = [6, 0, 0], sizes = [1, 8, 128], strides = [1, 1, 1]} : vector<16x8x128xf32> to vector<1x8x128xf32>
        %squeeze3A_1945 = vector.shape_cast %slice3A_1944 : vector<1x8x128xf32> to vector<8x128xf32>
        %add3A_1946 = arith.addf %add3A_1943, %squeeze3A_1945 : vector<8x128xf32>
        %slice3A_1947 = vector.extract_strided_slice %reshape3A_1926 {offsets = [7, 0, 0], sizes = [1, 8, 128], strides = [1, 1, 1]} : vector<16x8x128xf32> to vector<1x8x128xf32>
        %squeeze3A_1948 = vector.shape_cast %slice3A_1947 : vector<1x8x128xf32> to vector<8x128xf32>
        %add3A_1949 = arith.addf %add3A_1946, %squeeze3A_1948 : vector<8x128xf32>
        %slice3A_1950 = vector.extract_strided_slice %reshape3A_1926 {offsets = [8, 0, 0], sizes = [1, 8, 128], strides = [1, 1, 1]} : vector<16x8x128xf32> to vector<1x8x128xf32>
        %squeeze3A_1951 = vector.shape_cast %slice3A_1950 : vector<1x8x128xf32> to vector<8x128xf32>
        %add3A_1952 = arith.addf %add3A_1949, %squeeze3A_1951 : vector<8x128xf32>
        %slice3A_1953 = vector.extract_strided_slice %reshape3A_1926 {offsets = [9, 0, 0], sizes = [1, 8, 128], strides = [1, 1, 1]} : vector<16x8x128xf32> to vector<1x8x128xf32>
        %squeeze3A_1954 = vector.shape_cast %slice3A_1953 : vector<1x8x128xf32> to vector<8x128xf32>
        %add3A_1955 = arith.addf %add3A_1952, %squeeze3A_1954 : vector<8x128xf32>
        %slice3A_1956 = vector.extract_strided_slice %reshape3A_1926 {offsets = [10, 0, 0], sizes = [1, 8, 128], strides = [1, 1, 1]} : vector<16x8x128xf32> to vector<1x8x128xf32>
        %squeeze3A_1957 = vector.shape_cast %slice3A_1956 : vector<1x8x128xf32> to vector<8x128xf32>
        %add3A_1958 = arith.addf %add3A_1955, %squeeze3A_1957 : vector<8x128xf32>
        %slice3A_1959 = vector.extract_strided_slice %reshape3A_1926 {offsets = [11, 0, 0], sizes = [1, 8, 128], strides = [1, 1, 1]} : vector<16x8x128xf32> to vector<1x8x128xf32>
        %squeeze3A_1960 = vector.shape_cast %slice3A_1959 : vector<1x8x128xf32> to vector<8x128xf32>
        %add3A_1961 = arith.addf %add3A_1958, %squeeze3A_1960 : vector<8x128xf32>
        %slice3A_1962 = vector.extract_strided_slice %reshape3A_1926 {offsets = [12, 0, 0], sizes = [1, 8, 128], strides = [1, 1, 1]} : vector<16x8x128xf32> to vector<1x8x128xf32>
        %squeeze3A_1963 = vector.shape_cast %slice3A_1962 : vector<1x8x128xf32> to vector<8x128xf32>
        %add3A_1964 = arith.addf %add3A_1961, %squeeze3A_1963 : vector<8x128xf32>
        %slice3A_1965 = vector.extract_strided_slice %reshape3A_1926 {offsets = [13, 0, 0], sizes = [1, 8, 128], strides = [1, 1, 1]} : vector<16x8x128xf32> to vector<1x8x128xf32>
        %squeeze3A_1966 = vector.shape_cast %slice3A_1965 : vector<1x8x128xf32> to vector<8x128xf32>
        %add3A_1967 = arith.addf %add3A_1964, %squeeze3A_1966 : vector<8x128xf32>
        %slice3A_1968 = vector.extract_strided_slice %reshape3A_1926 {offsets = [14, 0, 0], sizes = [1, 8, 128], strides = [1, 1, 1]} : vector<16x8x128xf32> to vector<1x8x128xf32>
        %squeeze3A_1969 = vector.shape_cast %slice3A_1968 : vector<1x8x128xf32> to vector<8x128xf32>
        %add3A_1970 = arith.addf %add3A_1967, %squeeze3A_1969 : vector<8x128xf32>
        %slice3A_1971 = vector.extract_strided_slice %reshape3A_1926 {offsets = [15, 0, 0], sizes = [1, 8, 128], strides = [1, 1, 1]} : vector<16x8x128xf32> to vector<1x8x128xf32>
        %squeeze3A_1972 = vector.shape_cast %slice3A_1971 : vector<1x8x128xf32> to vector<8x128xf32>
        %add3A_1973 = arith.addf %add3A_1970, %squeeze3A_1972 : vector<8x128xf32>
        %slice3A_1974 = vector.extract_strided_slice %add3A_1973 {offsets = [4, 0], sizes = [4, 128], strides = [1, 1]} : vector<8x128xf32> to vector<4x128xf32>
        %slice3A_1975 = vector.extract_strided_slice %add3A_1973 {offsets = [0, 0], sizes = [4, 128], strides = [1, 1]} : vector<8x128xf32> to vector<4x128xf32>
        %add3A_1976 = arith.addf %slice3A_1974, %slice3A_1975 : vector<4x128xf32>
        %slice3A_1977 = vector.extract_strided_slice %add3A_1976 {offsets = [2, 0], sizes = [2, 128], strides = [1, 1]} : vector<4x128xf32> to vector<2x128xf32>
        %slice3A_1978 = vector.extract_strided_slice %add3A_1976 {offsets = [0, 0], sizes = [2, 128], strides = [1, 1]} : vector<4x128xf32> to vector<2x128xf32>
        %add3A_1979 = arith.addf %slice3A_1977, %slice3A_1978 : vector<2x128xf32>
        %slice3A_1980 = vector.extract_strided_slice %add3A_1979 {offsets = [1, 0], sizes = [1, 128], strides = [1, 1]} : vector<2x128xf32> to vector<1x128xf32>
        %slice3A_1981 = vector.extract_strided_slice %add3A_1979 {offsets = [0, 0], sizes = [1, 128], strides = [1, 1]} : vector<2x128xf32> to vector<1x128xf32>
        %add3A_1982 = arith.addf %slice3A_1980, %slice3A_1981 : vector<1x128xf32>
        %slice3A_1983 = vector.extract_strided_slice %mul3A_1923 {offsets = [0, 128], sizes = [128, 128], strides = [1, 1]} : vector<128x256xf32> to vector<128x128xf32>
        %transpose3A_1984 = tpu.transpose %slice3A_1983, [1, 0] : vector<128x128xf32> -> vector<128x128xf32>
        %reshape3A_1985 = vector.shape_cast %transpose3A_1984 : vector<128x128xf32> to vector<16x8x128xf32>
        %slice3A_1986 = vector.extract_strided_slice %reshape3A_1985 {offsets = [0, 0, 0], sizes = [1, 8, 128], strides = [1, 1, 1]} : vector<16x8x128xf32> to vector<1x8x128xf32>
        %squeeze3A_1987 = vector.shape_cast %slice3A_1986 : vector<1x8x128xf32> to vector<8x128xf32>
        %slice3A_1988 = vector.extract_strided_slice %reshape3A_1985 {offsets = [1, 0, 0], sizes = [1, 8, 128], strides = [1, 1, 1]} : vector<16x8x128xf32> to vector<1x8x128xf32>
        %squeeze3A_1989 = vector.shape_cast %slice3A_1988 : vector<1x8x128xf32> to vector<8x128xf32>
        %add3A_1990 = arith.addf %squeeze3A_1987, %squeeze3A_1989 : vector<8x128xf32>
        %slice3A_1991 = vector.extract_strided_slice %reshape3A_1985 {offsets = [2, 0, 0], sizes = [1, 8, 128], strides = [1, 1, 1]} : vector<16x8x128xf32> to vector<1x8x128xf32>
        %squeeze3A_1992 = vector.shape_cast %slice3A_1991 : vector<1x8x128xf32> to vector<8x128xf32>
        %add3A_1993 = arith.addf %add3A_1990, %squeeze3A_1992 : vector<8x128xf32>
        %slice3A_1994 = vector.extract_strided_slice %reshape3A_1985 {offsets = [3, 0, 0], sizes = [1, 8, 128], strides = [1, 1, 1]} : vector<16x8x128xf32> to vector<1x8x128xf32>
        %squeeze3A_1995 = vector.shape_cast %slice3A_1994 : vector<1x8x128xf32> to vector<8x128xf32>
        %add3A_1996 = arith.addf %add3A_1993, %squeeze3A_1995 : vector<8x128xf32>
        %slice3A_1997 = vector.extract_strided_slice %reshape3A_1985 {offsets = [4, 0, 0], sizes = [1, 8, 128], strides = [1, 1, 1]} : vector<16x8x128xf32> to vector<1x8x128xf32>
        %squeeze3A_1998 = vector.shape_cast %slice3A_1997 : vector<1x8x128xf32> to vector<8x128xf32>
        %add3A_1999 = arith.addf %add3A_1996, %squeeze3A_1998 : vector<8x128xf32>
        %slice3A_2000 = vector.extract_strided_slice %reshape3A_1985 {offsets = [5, 0, 0], sizes = [1, 8, 128], strides = [1, 1, 1]} : vector<16x8x128xf32> to vector<1x8x128xf32>
        %squeeze3A_2001 = vector.shape_cast %slice3A_2000 : vector<1x8x128xf32> to vector<8x128xf32>
        %add3A_2002 = arith.addf %add3A_1999, %squeeze3A_2001 : vector<8x128xf32>
        %slice3A_2003 = vector.extract_strided_slice %reshape3A_1985 {offsets = [6, 0, 0], sizes = [1, 8, 128], strides = [1, 1, 1]} : vector<16x8x128xf32> to vector<1x8x128xf32>
        %squeeze3A_2004 = vector.shape_cast %slice3A_2003 : vector<1x8x128xf32> to vector<8x128xf32>
        %add3A_2005 = arith.addf %add3A_2002, %squeeze3A_2004 : vector<8x128xf32>
        %slice3A_2006 = vector.extract_strided_slice %reshape3A_1985 {offsets = [7, 0, 0], sizes = [1, 8, 128], strides = [1, 1, 1]} : vector<16x8x128xf32> to vector<1x8x128xf32>
        %squeeze3A_2007 = vector.shape_cast %slice3A_2006 : vector<1x8x128xf32> to vector<8x128xf32>
        %add3A_2008 = arith.addf %add3A_2005, %squeeze3A_2007 : vector<8x128xf32>
        %slice3A_2009 = vector.extract_strided_slice %reshape3A_1985 {offsets = [8, 0, 0], sizes = [1, 8, 128], strides = [1, 1, 1]} : vector<16x8x128xf32> to vector<1x8x128xf32>
        %squeeze3A_2010 = vector.shape_cast %slice3A_2009 : vector<1x8x128xf32> to vector<8x128xf32>
        %add3A_2011 = arith.addf %add3A_2008, %squeeze3A_2010 : vector<8x128xf32>
        %slice3A_2012 = vector.extract_strided_slice %reshape3A_1985 {offsets = [9, 0, 0], sizes = [1, 8, 128], strides = [1, 1, 1]} : vector<16x8x128xf32> to vector<1x8x128xf32>
        %squeeze3A_2013 = vector.shape_cast %slice3A_2012 : vector<1x8x128xf32> to vector<8x128xf32>
        %add3A_2014 = arith.addf %add3A_2011, %squeeze3A_2013 : vector<8x128xf32>
        %slice3A_2015 = vector.extract_strided_slice %reshape3A_1985 {offsets = [10, 0, 0], sizes = [1, 8, 128], strides = [1, 1, 1]} : vector<16x8x128xf32> to vector<1x8x128xf32>
        %squeeze3A_2016 = vector.shape_cast %slice3A_2015 : vector<1x8x128xf32> to vector<8x128xf32>
        %add3A_2017 = arith.addf %add3A_2014, %squeeze3A_2016 : vector<8x128xf32>
        %slice3A_2018 = vector.extract_strided_slice %reshape3A_1985 {offsets = [11, 0, 0], sizes = [1, 8, 128], strides = [1, 1, 1]} : vector<16x8x128xf32> to vector<1x8x128xf32>
        %squeeze3A_2019 = vector.shape_cast %slice3A_2018 : vector<1x8x128xf32> to vector<8x128xf32>
        %add3A_2020 = arith.addf %add3A_2017, %squeeze3A_2019 : vector<8x128xf32>
        %slice3A_2021 = vector.extract_strided_slice %reshape3A_1985 {offsets = [12, 0, 0], sizes = [1, 8, 128], strides = [1, 1, 1]} : vector<16x8x128xf32> to vector<1x8x128xf32>
        %squeeze3A_2022 = vector.shape_cast %slice3A_2021 : vector<1x8x128xf32> to vector<8x128xf32>
        %add3A_2023 = arith.addf %add3A_2020, %squeeze3A_2022 : vector<8x128xf32>
        %slice3A_2024 = vector.extract_strided_slice %reshape3A_1985 {offsets = [13, 0, 0], sizes = [1, 8, 128], strides = [1, 1, 1]} : vector<16x8x128xf32> to vector<1x8x128xf32>
        %squeeze3A_2025 = vector.shape_cast %slice3A_2024 : vector<1x8x128xf32> to vector<8x128xf32>
        %add3A_2026 = arith.addf %add3A_2023, %squeeze3A_2025 : vector<8x128xf32>
        %slice3A_2027 = vector.extract_strided_slice %reshape3A_1985 {offsets = [14, 0, 0], sizes = [1, 8, 128], strides = [1, 1, 1]} : vector<16x8x128xf32> to vector<1x8x128xf32>
        %squeeze3A_2028 = vector.shape_cast %slice3A_2027 : vector<1x8x128xf32> to vector<8x128xf32>
        %add3A_2029 = arith.addf %add3A_2026, %squeeze3A_2028 : vector<8x128xf32>
        %slice3A_2030 = vector.extract_strided_slice %reshape3A_1985 {offsets = [15, 0, 0], sizes = [1, 8, 128], strides = [1, 1, 1]} : vector<16x8x128xf32> to vector<1x8x128xf32>
        %squeeze3A_2031 = vector.shape_cast %slice3A_2030 : vector<1x8x128xf32> to vector<8x128xf32>
        %add3A_2032 = arith.addf %add3A_2029, %squeeze3A_2031 : vector<8x128xf32>
        %slice3A_2033 = vector.extract_strided_slice %add3A_2032 {offsets = [4, 0], sizes = [4, 128], strides = [1, 1]} : vector<8x128xf32> to vector<4x128xf32>
        %slice3A_2034 = vector.extract_strided_slice %add3A_2032 {offsets = [0, 0], sizes = [4, 128], strides = [1, 1]} : vector<8x128xf32> to vector<4x128xf32>
        %add3A_2035 = arith.addf %slice3A_2033, %slice3A_2034 : vector<4x128xf32>
        %slice3A_2036 = vector.extract_strided_slice %add3A_2035 {offsets = [2, 0], sizes = [2, 128], strides = [1, 1]} : vector<4x128xf32> to vector<2x128xf32>
        %slice3A_2037 = vector.extract_strided_slice %add3A_2035 {offsets = [0, 0], sizes = [2, 128], strides = [1, 1]} : vector<4x128xf32> to vector<2x128xf32>
        %add3A_2038 = arith.addf %slice3A_2036, %slice3A_2037 : vector<2x128xf32>
        %slice3A_2039 = vector.extract_strided_slice %add3A_2038 {offsets = [1, 0], sizes = [1, 128], strides = [1, 1]} : vector<2x128xf32> to vector<1x128xf32>
        %slice3A_2040 = vector.extract_strided_slice %add3A_2038 {offsets = [0, 0], sizes = [1, 128], strides = [1, 1]} : vector<2x128xf32> to vector<1x128xf32>
        %add3A_2041 = arith.addf %slice3A_2039, %slice3A_2040 : vector<1x128xf32>
        %add3A_2042 = arith.addf %add3A_1982, %add3A_2041 : vector<1x128xf32>
        %sqrt3A_2043 = math.sqrt %add3A_2042 : vector<1x128xf32>
        %get3A_2044 = arith.index_cast %scan3A_1911 : i32 to index
        %get3A_2045 = arith.constant 0 : index
        %get3A_2046 = arith.constant 0 : index
        %get3A_2047 = vector.load %arg3[%get3A_2044, %get3A_2045, %get3A_2046] : memref<128x1x128xf32, #tpu.memory_space<vmem>>, vector<1x1x128xf32>
        %get3A_2048 = vector.shape_cast %get3A_2047 : vector<1x1x128xf32> to vector<1x128xf32>
        %gt3A_2049 = arith.constant 0.000000e+00 : f32
        %gt3A_2050 = vector.broadcast %gt3A_2049 : f32 to vector<1x128xf32>
        %gt3A_2051 = arith.cmpf ogt, %get3A_2048, %gt3A_2050 : vector<1x128xf32>
        %jit3A_2052 = arith.constant 0x7F800000 : f32
        %broadcast_in_dim3A_2053 = vector.broadcast %jit3A_2052 : f32 to vector<1x128xf32>
        %select_n3A_2054 = arith.select %gt3A_2051, %broadcast_in_dim3A_2053, %sqrt3A_2043 : vector<1x128xi1>, vector<1x128xf32>
        %reduce_min3A_2055 = vector.shape_cast %select_n3A_2054 : vector<1x128xf32> to vector<1x1x128xf32>
        %reduce_min3A_2056 = arith.constant dense<0x7F800000> : vector<1xf32>
        %reduce_min3A_2057 = vector.multi_reduction <minimumf>, %reduce_min3A_2055, %reduce_min3A_2056 [1, 2] : vector<1x1x128xf32> to vector<1xf32>
        %reduce_min3A_2058 = vector.shape_cast %reduce_min3A_2057 : vector<1xf32> to vector<1x1x1xf32>
        %reduce_min3A_2059 = vector.extract %reduce_min3A_2058[0, 0, 0] : f32 from vector<1x1x1xf32>
        %eq3A_2060 = vector.broadcast %reduce_min3A_2059 : f32 to vector<1x128xf32>
        %eq3A_2061 = arith.cmpf oeq, %select_n3A_2054, %eq3A_2060 : vector<1x128xf32>
        %jit3A_2062 = arith.constant 16384 : i32
        %broadcast_in_dim3A_2063 = vector.broadcast %jit3A_2062 : i32 to vector<1x128xi32>
        %select_n3A_2064 = arith.select %eq3A_2061, %iota3A, %broadcast_in_dim3A_2063 : vector<1x128xi1>, vector<1x128xi32>
        %reduce_min3A_2065 = vector.shape_cast %select_n3A_2064 : vector<1x128xi32> to vector<1x1x128xi32>
        %reduce_min3A_2066 = arith.constant dense<2147483647> : vector<1xi32>
        %reduce_min3A_2067 = vector.multi_reduction <minsi>, %reduce_min3A_2065, %reduce_min3A_2066 [1, 2] : vector<1x1x128xi32> to vector<1xi32>
        %reduce_min3A_2068 = vector.shape_cast %reduce_min3A_2067 : vector<1xi32> to vector<1x1x1xi32>
        %reduce_min3A_2069 = vector.extract %reduce_min3A_2068[0, 0, 0] : i32 from vector<1x1x1xi32>
        %lt3A_2070 = arith.cmpf olt, %reduce_min3A_2059, %select_n3A_1905 : f32
        %select_n3A_2071 = arith.select %lt3A_2070, %reduce_min3A_2059, %select_n3A_1905 : f32
        %mul3A_2072 = arith.constant 128 : i32
        %mul3A_2073 = arith.muli %scan3A_1911, %mul3A_2072 : i32
        %add3A_2074 = arith.addi %mul3A_2073, %reduce_min3A_2069 : i32
        %select_n3A_2075 = arith.select %lt3A_2070, %add3A_2074, %select_n3A_1909 : i32
        %scan3A_2076 = arith.constant 12 : i32
        %scan3A_2077 = arith.addi %scan3A_91, %scan3A_2076 : i32
        %get3A_2078 = arith.index_cast %scan3A_2077 : i32 to index
        %get3A_2079 = arith.constant 0 : index
        %get3A_2080 = arith.constant 0 : index
        %get3A_2081 = vector.load %arg0[%get3A_2078, %get3A_2079, %get3A_2080] : memref<128x128x256xf32, #tpu.memory_space<vmem>>, vector<1x128x256xf32>
        %get3A_2082 = vector.shape_cast %get3A_2081 : vector<1x128x256xf32> to vector<128x256xf32>
        %add3A_2083 = vector.broadcast %scan3A_24 : vector<1x256xf32> to vector<128x256xf32>
        %add3A_2084 = arith.addf %get3A_2082, %add3A_2083 : vector<128x256xf32>
        %mul3A_2085 = vector.broadcast %div3A_28 : f32 to vector<128x256xf32>
        %mul3A_2086 = arith.mulf %mul3A_2085, %add3A_2084 : vector<128x256xf32>
        %sub3A_2087 = vector.broadcast %get3A_1 : vector<1x256xf32> to vector<128x256xf32>
        %sub3A_2088 = arith.subf %sub3A_2087, %mul3A_2086 : vector<128x256xf32>
        %mul3A_2089 = arith.mulf %sub3A_2088, %sub3A_2088 : vector<128x256xf32>
        %slice3A_2090 = vector.extract_strided_slice %mul3A_2089 {offsets = [0, 0], sizes = [128, 128], strides = [1, 1]} : vector<128x256xf32> to vector<128x128xf32>
        %transpose3A_2091 = tpu.transpose %slice3A_2090, [1, 0] : vector<128x128xf32> -> vector<128x128xf32>
        %reshape3A_2092 = vector.shape_cast %transpose3A_2091 : vector<128x128xf32> to vector<16x8x128xf32>
        %slice3A_2093 = vector.extract_strided_slice %reshape3A_2092 {offsets = [0, 0, 0], sizes = [1, 8, 128], strides = [1, 1, 1]} : vector<16x8x128xf32> to vector<1x8x128xf32>
        %squeeze3A_2094 = vector.shape_cast %slice3A_2093 : vector<1x8x128xf32> to vector<8x128xf32>
        %slice3A_2095 = vector.extract_strided_slice %reshape3A_2092 {offsets = [1, 0, 0], sizes = [1, 8, 128], strides = [1, 1, 1]} : vector<16x8x128xf32> to vector<1x8x128xf32>
        %squeeze3A_2096 = vector.shape_cast %slice3A_2095 : vector<1x8x128xf32> to vector<8x128xf32>
        %add3A_2097 = arith.addf %squeeze3A_2094, %squeeze3A_2096 : vector<8x128xf32>
        %slice3A_2098 = vector.extract_strided_slice %reshape3A_2092 {offsets = [2, 0, 0], sizes = [1, 8, 128], strides = [1, 1, 1]} : vector<16x8x128xf32> to vector<1x8x128xf32>
        %squeeze3A_2099 = vector.shape_cast %slice3A_2098 : vector<1x8x128xf32> to vector<8x128xf32>
        %add3A_2100 = arith.addf %add3A_2097, %squeeze3A_2099 : vector<8x128xf32>
        %slice3A_2101 = vector.extract_strided_slice %reshape3A_2092 {offsets = [3, 0, 0], sizes = [1, 8, 128], strides = [1, 1, 1]} : vector<16x8x128xf32> to vector<1x8x128xf32>
        %squeeze3A_2102 = vector.shape_cast %slice3A_2101 : vector<1x8x128xf32> to vector<8x128xf32>
        %add3A_2103 = arith.addf %add3A_2100, %squeeze3A_2102 : vector<8x128xf32>
        %slice3A_2104 = vector.extract_strided_slice %reshape3A_2092 {offsets = [4, 0, 0], sizes = [1, 8, 128], strides = [1, 1, 1]} : vector<16x8x128xf32> to vector<1x8x128xf32>
        %squeeze3A_2105 = vector.shape_cast %slice3A_2104 : vector<1x8x128xf32> to vector<8x128xf32>
        %add3A_2106 = arith.addf %add3A_2103, %squeeze3A_2105 : vector<8x128xf32>
        %slice3A_2107 = vector.extract_strided_slice %reshape3A_2092 {offsets = [5, 0, 0], sizes = [1, 8, 128], strides = [1, 1, 1]} : vector<16x8x128xf32> to vector<1x8x128xf32>
        %squeeze3A_2108 = vector.shape_cast %slice3A_2107 : vector<1x8x128xf32> to vector<8x128xf32>
        %add3A_2109 = arith.addf %add3A_2106, %squeeze3A_2108 : vector<8x128xf32>
        %slice3A_2110 = vector.extract_strided_slice %reshape3A_2092 {offsets = [6, 0, 0], sizes = [1, 8, 128], strides = [1, 1, 1]} : vector<16x8x128xf32> to vector<1x8x128xf32>
        %squeeze3A_2111 = vector.shape_cast %slice3A_2110 : vector<1x8x128xf32> to vector<8x128xf32>
        %add3A_2112 = arith.addf %add3A_2109, %squeeze3A_2111 : vector<8x128xf32>
        %slice3A_2113 = vector.extract_strided_slice %reshape3A_2092 {offsets = [7, 0, 0], sizes = [1, 8, 128], strides = [1, 1, 1]} : vector<16x8x128xf32> to vector<1x8x128xf32>
        %squeeze3A_2114 = vector.shape_cast %slice3A_2113 : vector<1x8x128xf32> to vector<8x128xf32>
        %add3A_2115 = arith.addf %add3A_2112, %squeeze3A_2114 : vector<8x128xf32>
        %slice3A_2116 = vector.extract_strided_slice %reshape3A_2092 {offsets = [8, 0, 0], sizes = [1, 8, 128], strides = [1, 1, 1]} : vector<16x8x128xf32> to vector<1x8x128xf32>
        %squeeze3A_2117 = vector.shape_cast %slice3A_2116 : vector<1x8x128xf32> to vector<8x128xf32>
        %add3A_2118 = arith.addf %add3A_2115, %squeeze3A_2117 : vector<8x128xf32>
        %slice3A_2119 = vector.extract_strided_slice %reshape3A_2092 {offsets = [9, 0, 0], sizes = [1, 8, 128], strides = [1, 1, 1]} : vector<16x8x128xf32> to vector<1x8x128xf32>
        %squeeze3A_2120 = vector.shape_cast %slice3A_2119 : vector<1x8x128xf32> to vector<8x128xf32>
        %add3A_2121 = arith.addf %add3A_2118, %squeeze3A_2120 : vector<8x128xf32>
        %slice3A_2122 = vector.extract_strided_slice %reshape3A_2092 {offsets = [10, 0, 0], sizes = [1, 8, 128], strides = [1, 1, 1]} : vector<16x8x128xf32> to vector<1x8x128xf32>
        %squeeze3A_2123 = vector.shape_cast %slice3A_2122 : vector<1x8x128xf32> to vector<8x128xf32>
        %add3A_2124 = arith.addf %add3A_2121, %squeeze3A_2123 : vector<8x128xf32>
        %slice3A_2125 = vector.extract_strided_slice %reshape3A_2092 {offsets = [11, 0, 0], sizes = [1, 8, 128], strides = [1, 1, 1]} : vector<16x8x128xf32> to vector<1x8x128xf32>
        %squeeze3A_2126 = vector.shape_cast %slice3A_2125 : vector<1x8x128xf32> to vector<8x128xf32>
        %add3A_2127 = arith.addf %add3A_2124, %squeeze3A_2126 : vector<8x128xf32>
        %slice3A_2128 = vector.extract_strided_slice %reshape3A_2092 {offsets = [12, 0, 0], sizes = [1, 8, 128], strides = [1, 1, 1]} : vector<16x8x128xf32> to vector<1x8x128xf32>
        %squeeze3A_2129 = vector.shape_cast %slice3A_2128 : vector<1x8x128xf32> to vector<8x128xf32>
        %add3A_2130 = arith.addf %add3A_2127, %squeeze3A_2129 : vector<8x128xf32>
        %slice3A_2131 = vector.extract_strided_slice %reshape3A_2092 {offsets = [13, 0, 0], sizes = [1, 8, 128], strides = [1, 1, 1]} : vector<16x8x128xf32> to vector<1x8x128xf32>
        %squeeze3A_2132 = vector.shape_cast %slice3A_2131 : vector<1x8x128xf32> to vector<8x128xf32>
        %add3A_2133 = arith.addf %add3A_2130, %squeeze3A_2132 : vector<8x128xf32>
        %slice3A_2134 = vector.extract_strided_slice %reshape3A_2092 {offsets = [14, 0, 0], sizes = [1, 8, 128], strides = [1, 1, 1]} : vector<16x8x128xf32> to vector<1x8x128xf32>
        %squeeze3A_2135 = vector.shape_cast %slice3A_2134 : vector<1x8x128xf32> to vector<8x128xf32>
        %add3A_2136 = arith.addf %add3A_2133, %squeeze3A_2135 : vector<8x128xf32>
        %slice3A_2137 = vector.extract_strided_slice %reshape3A_2092 {offsets = [15, 0, 0], sizes = [1, 8, 128], strides = [1, 1, 1]} : vector<16x8x128xf32> to vector<1x8x128xf32>
        %squeeze3A_2138 = vector.shape_cast %slice3A_2137 : vector<1x8x128xf32> to vector<8x128xf32>
        %add3A_2139 = arith.addf %add3A_2136, %squeeze3A_2138 : vector<8x128xf32>
        %slice3A_2140 = vector.extract_strided_slice %add3A_2139 {offsets = [4, 0], sizes = [4, 128], strides = [1, 1]} : vector<8x128xf32> to vector<4x128xf32>
        %slice3A_2141 = vector.extract_strided_slice %add3A_2139 {offsets = [0, 0], sizes = [4, 128], strides = [1, 1]} : vector<8x128xf32> to vector<4x128xf32>
        %add3A_2142 = arith.addf %slice3A_2140, %slice3A_2141 : vector<4x128xf32>
        %slice3A_2143 = vector.extract_strided_slice %add3A_2142 {offsets = [2, 0], sizes = [2, 128], strides = [1, 1]} : vector<4x128xf32> to vector<2x128xf32>
        %slice3A_2144 = vector.extract_strided_slice %add3A_2142 {offsets = [0, 0], sizes = [2, 128], strides = [1, 1]} : vector<4x128xf32> to vector<2x128xf32>
        %add3A_2145 = arith.addf %slice3A_2143, %slice3A_2144 : vector<2x128xf32>
        %slice3A_2146 = vector.extract_strided_slice %add3A_2145 {offsets = [1, 0], sizes = [1, 128], strides = [1, 1]} : vector<2x128xf32> to vector<1x128xf32>
        %slice3A_2147 = vector.extract_strided_slice %add3A_2145 {offsets = [0, 0], sizes = [1, 128], strides = [1, 1]} : vector<2x128xf32> to vector<1x128xf32>
        %add3A_2148 = arith.addf %slice3A_2146, %slice3A_2147 : vector<1x128xf32>
        %slice3A_2149 = vector.extract_strided_slice %mul3A_2089 {offsets = [0, 128], sizes = [128, 128], strides = [1, 1]} : vector<128x256xf32> to vector<128x128xf32>
        %transpose3A_2150 = tpu.transpose %slice3A_2149, [1, 0] : vector<128x128xf32> -> vector<128x128xf32>
        %reshape3A_2151 = vector.shape_cast %transpose3A_2150 : vector<128x128xf32> to vector<16x8x128xf32>
        %slice3A_2152 = vector.extract_strided_slice %reshape3A_2151 {offsets = [0, 0, 0], sizes = [1, 8, 128], strides = [1, 1, 1]} : vector<16x8x128xf32> to vector<1x8x128xf32>
        %squeeze3A_2153 = vector.shape_cast %slice3A_2152 : vector<1x8x128xf32> to vector<8x128xf32>
        %slice3A_2154 = vector.extract_strided_slice %reshape3A_2151 {offsets = [1, 0, 0], sizes = [1, 8, 128], strides = [1, 1, 1]} : vector<16x8x128xf32> to vector<1x8x128xf32>
        %squeeze3A_2155 = vector.shape_cast %slice3A_2154 : vector<1x8x128xf32> to vector<8x128xf32>
        %add3A_2156 = arith.addf %squeeze3A_2153, %squeeze3A_2155 : vector<8x128xf32>
        %slice3A_2157 = vector.extract_strided_slice %reshape3A_2151 {offsets = [2, 0, 0], sizes = [1, 8, 128], strides = [1, 1, 1]} : vector<16x8x128xf32> to vector<1x8x128xf32>
        %squeeze3A_2158 = vector.shape_cast %slice3A_2157 : vector<1x8x128xf32> to vector<8x128xf32>
        %add3A_2159 = arith.addf %add3A_2156, %squeeze3A_2158 : vector<8x128xf32>
        %slice3A_2160 = vector.extract_strided_slice %reshape3A_2151 {offsets = [3, 0, 0], sizes = [1, 8, 128], strides = [1, 1, 1]} : vector<16x8x128xf32> to vector<1x8x128xf32>
        %squeeze3A_2161 = vector.shape_cast %slice3A_2160 : vector<1x8x128xf32> to vector<8x128xf32>
        %add3A_2162 = arith.addf %add3A_2159, %squeeze3A_2161 : vector<8x128xf32>
        %slice3A_2163 = vector.extract_strided_slice %reshape3A_2151 {offsets = [4, 0, 0], sizes = [1, 8, 128], strides = [1, 1, 1]} : vector<16x8x128xf32> to vector<1x8x128xf32>
        %squeeze3A_2164 = vector.shape_cast %slice3A_2163 : vector<1x8x128xf32> to vector<8x128xf32>
        %add3A_2165 = arith.addf %add3A_2162, %squeeze3A_2164 : vector<8x128xf32>
        %slice3A_2166 = vector.extract_strided_slice %reshape3A_2151 {offsets = [5, 0, 0], sizes = [1, 8, 128], strides = [1, 1, 1]} : vector<16x8x128xf32> to vector<1x8x128xf32>
        %squeeze3A_2167 = vector.shape_cast %slice3A_2166 : vector<1x8x128xf32> to vector<8x128xf32>
        %add3A_2168 = arith.addf %add3A_2165, %squeeze3A_2167 : vector<8x128xf32>
        %slice3A_2169 = vector.extract_strided_slice %reshape3A_2151 {offsets = [6, 0, 0], sizes = [1, 8, 128], strides = [1, 1, 1]} : vector<16x8x128xf32> to vector<1x8x128xf32>
        %squeeze3A_2170 = vector.shape_cast %slice3A_2169 : vector<1x8x128xf32> to vector<8x128xf32>
        %add3A_2171 = arith.addf %add3A_2168, %squeeze3A_2170 : vector<8x128xf32>
        %slice3A_2172 = vector.extract_strided_slice %reshape3A_2151 {offsets = [7, 0, 0], sizes = [1, 8, 128], strides = [1, 1, 1]} : vector<16x8x128xf32> to vector<1x8x128xf32>
        %squeeze3A_2173 = vector.shape_cast %slice3A_2172 : vector<1x8x128xf32> to vector<8x128xf32>
        %add3A_2174 = arith.addf %add3A_2171, %squeeze3A_2173 : vector<8x128xf32>
        %slice3A_2175 = vector.extract_strided_slice %reshape3A_2151 {offsets = [8, 0, 0], sizes = [1, 8, 128], strides = [1, 1, 1]} : vector<16x8x128xf32> to vector<1x8x128xf32>
        %squeeze3A_2176 = vector.shape_cast %slice3A_2175 : vector<1x8x128xf32> to vector<8x128xf32>
        %add3A_2177 = arith.addf %add3A_2174, %squeeze3A_2176 : vector<8x128xf32>
        %slice3A_2178 = vector.extract_strided_slice %reshape3A_2151 {offsets = [9, 0, 0], sizes = [1, 8, 128], strides = [1, 1, 1]} : vector<16x8x128xf32> to vector<1x8x128xf32>
        %squeeze3A_2179 = vector.shape_cast %slice3A_2178 : vector<1x8x128xf32> to vector<8x128xf32>
        %add3A_2180 = arith.addf %add3A_2177, %squeeze3A_2179 : vector<8x128xf32>
        %slice3A_2181 = vector.extract_strided_slice %reshape3A_2151 {offsets = [10, 0, 0], sizes = [1, 8, 128], strides = [1, 1, 1]} : vector<16x8x128xf32> to vector<1x8x128xf32>
        %squeeze3A_2182 = vector.shape_cast %slice3A_2181 : vector<1x8x128xf32> to vector<8x128xf32>
        %add3A_2183 = arith.addf %add3A_2180, %squeeze3A_2182 : vector<8x128xf32>
        %slice3A_2184 = vector.extract_strided_slice %reshape3A_2151 {offsets = [11, 0, 0], sizes = [1, 8, 128], strides = [1, 1, 1]} : vector<16x8x128xf32> to vector<1x8x128xf32>
        %squeeze3A_2185 = vector.shape_cast %slice3A_2184 : vector<1x8x128xf32> to vector<8x128xf32>
        %add3A_2186 = arith.addf %add3A_2183, %squeeze3A_2185 : vector<8x128xf32>
        %slice3A_2187 = vector.extract_strided_slice %reshape3A_2151 {offsets = [12, 0, 0], sizes = [1, 8, 128], strides = [1, 1, 1]} : vector<16x8x128xf32> to vector<1x8x128xf32>
        %squeeze3A_2188 = vector.shape_cast %slice3A_2187 : vector<1x8x128xf32> to vector<8x128xf32>
        %add3A_2189 = arith.addf %add3A_2186, %squeeze3A_2188 : vector<8x128xf32>
        %slice3A_2190 = vector.extract_strided_slice %reshape3A_2151 {offsets = [13, 0, 0], sizes = [1, 8, 128], strides = [1, 1, 1]} : vector<16x8x128xf32> to vector<1x8x128xf32>
        %squeeze3A_2191 = vector.shape_cast %slice3A_2190 : vector<1x8x128xf32> to vector<8x128xf32>
        %add3A_2192 = arith.addf %add3A_2189, %squeeze3A_2191 : vector<8x128xf32>
        %slice3A_2193 = vector.extract_strided_slice %reshape3A_2151 {offsets = [14, 0, 0], sizes = [1, 8, 128], strides = [1, 1, 1]} : vector<16x8x128xf32> to vector<1x8x128xf32>
        %squeeze3A_2194 = vector.shape_cast %slice3A_2193 : vector<1x8x128xf32> to vector<8x128xf32>
        %add3A_2195 = arith.addf %add3A_2192, %squeeze3A_2194 : vector<8x128xf32>
        %slice3A_2196 = vector.extract_strided_slice %reshape3A_2151 {offsets = [15, 0, 0], sizes = [1, 8, 128], strides = [1, 1, 1]} : vector<16x8x128xf32> to vector<1x8x128xf32>
        %squeeze3A_2197 = vector.shape_cast %slice3A_2196 : vector<1x8x128xf32> to vector<8x128xf32>
        %add3A_2198 = arith.addf %add3A_2195, %squeeze3A_2197 : vector<8x128xf32>
        %slice3A_2199 = vector.extract_strided_slice %add3A_2198 {offsets = [4, 0], sizes = [4, 128], strides = [1, 1]} : vector<8x128xf32> to vector<4x128xf32>
        %slice3A_2200 = vector.extract_strided_slice %add3A_2198 {offsets = [0, 0], sizes = [4, 128], strides = [1, 1]} : vector<8x128xf32> to vector<4x128xf32>
        %add3A_2201 = arith.addf %slice3A_2199, %slice3A_2200 : vector<4x128xf32>
        %slice3A_2202 = vector.extract_strided_slice %add3A_2201 {offsets = [2, 0], sizes = [2, 128], strides = [1, 1]} : vector<4x128xf32> to vector<2x128xf32>
        %slice3A_2203 = vector.extract_strided_slice %add3A_2201 {offsets = [0, 0], sizes = [2, 128], strides = [1, 1]} : vector<4x128xf32> to vector<2x128xf32>
        %add3A_2204 = arith.addf %slice3A_2202, %slice3A_2203 : vector<2x128xf32>
        %slice3A_2205 = vector.extract_strided_slice %add3A_2204 {offsets = [1, 0], sizes = [1, 128], strides = [1, 1]} : vector<2x128xf32> to vector<1x128xf32>
        %slice3A_2206 = vector.extract_strided_slice %add3A_2204 {offsets = [0, 0], sizes = [1, 128], strides = [1, 1]} : vector<2x128xf32> to vector<1x128xf32>
        %add3A_2207 = arith.addf %slice3A_2205, %slice3A_2206 : vector<1x128xf32>
        %add3A_2208 = arith.addf %add3A_2148, %add3A_2207 : vector<1x128xf32>
        %sqrt3A_2209 = math.sqrt %add3A_2208 : vector<1x128xf32>
        %get3A_2210 = arith.index_cast %scan3A_2077 : i32 to index
        %get3A_2211 = arith.constant 0 : index
        %get3A_2212 = arith.constant 0 : index
        %get3A_2213 = vector.load %arg3[%get3A_2210, %get3A_2211, %get3A_2212] : memref<128x1x128xf32, #tpu.memory_space<vmem>>, vector<1x1x128xf32>
        %get3A_2214 = vector.shape_cast %get3A_2213 : vector<1x1x128xf32> to vector<1x128xf32>
        %gt3A_2215 = arith.constant 0.000000e+00 : f32
        %gt3A_2216 = vector.broadcast %gt3A_2215 : f32 to vector<1x128xf32>
        %gt3A_2217 = arith.cmpf ogt, %get3A_2214, %gt3A_2216 : vector<1x128xf32>
        %jit3A_2218 = arith.constant 0x7F800000 : f32
        %broadcast_in_dim3A_2219 = vector.broadcast %jit3A_2218 : f32 to vector<1x128xf32>
        %select_n3A_2220 = arith.select %gt3A_2217, %broadcast_in_dim3A_2219, %sqrt3A_2209 : vector<1x128xi1>, vector<1x128xf32>
        %reduce_min3A_2221 = vector.shape_cast %select_n3A_2220 : vector<1x128xf32> to vector<1x1x128xf32>
        %reduce_min3A_2222 = arith.constant dense<0x7F800000> : vector<1xf32>
        %reduce_min3A_2223 = vector.multi_reduction <minimumf>, %reduce_min3A_2221, %reduce_min3A_2222 [1, 2] : vector<1x1x128xf32> to vector<1xf32>
        %reduce_min3A_2224 = vector.shape_cast %reduce_min3A_2223 : vector<1xf32> to vector<1x1x1xf32>
        %reduce_min3A_2225 = vector.extract %reduce_min3A_2224[0, 0, 0] : f32 from vector<1x1x1xf32>
        %eq3A_2226 = vector.broadcast %reduce_min3A_2225 : f32 to vector<1x128xf32>
        %eq3A_2227 = arith.cmpf oeq, %select_n3A_2220, %eq3A_2226 : vector<1x128xf32>
        %jit3A_2228 = arith.constant 16384 : i32
        %broadcast_in_dim3A_2229 = vector.broadcast %jit3A_2228 : i32 to vector<1x128xi32>
        %select_n3A_2230 = arith.select %eq3A_2227, %iota3A, %broadcast_in_dim3A_2229 : vector<1x128xi1>, vector<1x128xi32>
        %reduce_min3A_2231 = vector.shape_cast %select_n3A_2230 : vector<1x128xi32> to vector<1x1x128xi32>
        %reduce_min3A_2232 = arith.constant dense<2147483647> : vector<1xi32>
        %reduce_min3A_2233 = vector.multi_reduction <minsi>, %reduce_min3A_2231, %reduce_min3A_2232 [1, 2] : vector<1x1x128xi32> to vector<1xi32>
        %reduce_min3A_2234 = vector.shape_cast %reduce_min3A_2233 : vector<1xi32> to vector<1x1x1xi32>
        %reduce_min3A_2235 = vector.extract %reduce_min3A_2234[0, 0, 0] : i32 from vector<1x1x1xi32>
        %lt3A_2236 = arith.cmpf olt, %reduce_min3A_2225, %select_n3A_2071 : f32
        %select_n3A_2237 = arith.select %lt3A_2236, %reduce_min3A_2225, %select_n3A_2071 : f32
        %mul3A_2238 = arith.constant 128 : i32
        %mul3A_2239 = arith.muli %scan3A_2077, %mul3A_2238 : i32
        %add3A_2240 = arith.addi %mul3A_2239, %reduce_min3A_2235 : i32
        %select_n3A_2241 = arith.select %lt3A_2236, %add3A_2240, %select_n3A_2075 : i32
        %scan3A_2242 = arith.constant 13 : i32
        %scan3A_2243 = arith.addi %scan3A_91, %scan3A_2242 : i32
        %get3A_2244 = arith.index_cast %scan3A_2243 : i32 to index
        %get3A_2245 = arith.constant 0 : index
        %get3A_2246 = arith.constant 0 : index
        %get3A_2247 = vector.load %arg0[%get3A_2244, %get3A_2245, %get3A_2246] : memref<128x128x256xf32, #tpu.memory_space<vmem>>, vector<1x128x256xf32>
        %get3A_2248 = vector.shape_cast %get3A_2247 : vector<1x128x256xf32> to vector<128x256xf32>
        %add3A_2249 = vector.broadcast %scan3A_24 : vector<1x256xf32> to vector<128x256xf32>
        %add3A_2250 = arith.addf %get3A_2248, %add3A_2249 : vector<128x256xf32>
        %mul3A_2251 = vector.broadcast %div3A_28 : f32 to vector<128x256xf32>
        %mul3A_2252 = arith.mulf %mul3A_2251, %add3A_2250 : vector<128x256xf32>
        %sub3A_2253 = vector.broadcast %get3A_1 : vector<1x256xf32> to vector<128x256xf32>
        %sub3A_2254 = arith.subf %sub3A_2253, %mul3A_2252 : vector<128x256xf32>
        %mul3A_2255 = arith.mulf %sub3A_2254, %sub3A_2254 : vector<128x256xf32>
        %slice3A_2256 = vector.extract_strided_slice %mul3A_2255 {offsets = [0, 0], sizes = [128, 128], strides = [1, 1]} : vector<128x256xf32> to vector<128x128xf32>
        %transpose3A_2257 = tpu.transpose %slice3A_2256, [1, 0] : vector<128x128xf32> -> vector<128x128xf32>
        %reshape3A_2258 = vector.shape_cast %transpose3A_2257 : vector<128x128xf32> to vector<16x8x128xf32>
        %slice3A_2259 = vector.extract_strided_slice %reshape3A_2258 {offsets = [0, 0, 0], sizes = [1, 8, 128], strides = [1, 1, 1]} : vector<16x8x128xf32> to vector<1x8x128xf32>
        %squeeze3A_2260 = vector.shape_cast %slice3A_2259 : vector<1x8x128xf32> to vector<8x128xf32>
        %slice3A_2261 = vector.extract_strided_slice %reshape3A_2258 {offsets = [1, 0, 0], sizes = [1, 8, 128], strides = [1, 1, 1]} : vector<16x8x128xf32> to vector<1x8x128xf32>
        %squeeze3A_2262 = vector.shape_cast %slice3A_2261 : vector<1x8x128xf32> to vector<8x128xf32>
        %add3A_2263 = arith.addf %squeeze3A_2260, %squeeze3A_2262 : vector<8x128xf32>
        %slice3A_2264 = vector.extract_strided_slice %reshape3A_2258 {offsets = [2, 0, 0], sizes = [1, 8, 128], strides = [1, 1, 1]} : vector<16x8x128xf32> to vector<1x8x128xf32>
        %squeeze3A_2265 = vector.shape_cast %slice3A_2264 : vector<1x8x128xf32> to vector<8x128xf32>
        %add3A_2266 = arith.addf %add3A_2263, %squeeze3A_2265 : vector<8x128xf32>
        %slice3A_2267 = vector.extract_strided_slice %reshape3A_2258 {offsets = [3, 0, 0], sizes = [1, 8, 128], strides = [1, 1, 1]} : vector<16x8x128xf32> to vector<1x8x128xf32>
        %squeeze3A_2268 = vector.shape_cast %slice3A_2267 : vector<1x8x128xf32> to vector<8x128xf32>
        %add3A_2269 = arith.addf %add3A_2266, %squeeze3A_2268 : vector<8x128xf32>
        %slice3A_2270 = vector.extract_strided_slice %reshape3A_2258 {offsets = [4, 0, 0], sizes = [1, 8, 128], strides = [1, 1, 1]} : vector<16x8x128xf32> to vector<1x8x128xf32>
        %squeeze3A_2271 = vector.shape_cast %slice3A_2270 : vector<1x8x128xf32> to vector<8x128xf32>
        %add3A_2272 = arith.addf %add3A_2269, %squeeze3A_2271 : vector<8x128xf32>
        %slice3A_2273 = vector.extract_strided_slice %reshape3A_2258 {offsets = [5, 0, 0], sizes = [1, 8, 128], strides = [1, 1, 1]} : vector<16x8x128xf32> to vector<1x8x128xf32>
        %squeeze3A_2274 = vector.shape_cast %slice3A_2273 : vector<1x8x128xf32> to vector<8x128xf32>
        %add3A_2275 = arith.addf %add3A_2272, %squeeze3A_2274 : vector<8x128xf32>
        %slice3A_2276 = vector.extract_strided_slice %reshape3A_2258 {offsets = [6, 0, 0], sizes = [1, 8, 128], strides = [1, 1, 1]} : vector<16x8x128xf32> to vector<1x8x128xf32>
        %squeeze3A_2277 = vector.shape_cast %slice3A_2276 : vector<1x8x128xf32> to vector<8x128xf32>
        %add3A_2278 = arith.addf %add3A_2275, %squeeze3A_2277 : vector<8x128xf32>
        %slice3A_2279 = vector.extract_strided_slice %reshape3A_2258 {offsets = [7, 0, 0], sizes = [1, 8, 128], strides = [1, 1, 1]} : vector<16x8x128xf32> to vector<1x8x128xf32>
        %squeeze3A_2280 = vector.shape_cast %slice3A_2279 : vector<1x8x128xf32> to vector<8x128xf32>
        %add3A_2281 = arith.addf %add3A_2278, %squeeze3A_2280 : vector<8x128xf32>
        %slice3A_2282 = vector.extract_strided_slice %reshape3A_2258 {offsets = [8, 0, 0], sizes = [1, 8, 128], strides = [1, 1, 1]} : vector<16x8x128xf32> to vector<1x8x128xf32>
        %squeeze3A_2283 = vector.shape_cast %slice3A_2282 : vector<1x8x128xf32> to vector<8x128xf32>
        %add3A_2284 = arith.addf %add3A_2281, %squeeze3A_2283 : vector<8x128xf32>
        %slice3A_2285 = vector.extract_strided_slice %reshape3A_2258 {offsets = [9, 0, 0], sizes = [1, 8, 128], strides = [1, 1, 1]} : vector<16x8x128xf32> to vector<1x8x128xf32>
        %squeeze3A_2286 = vector.shape_cast %slice3A_2285 : vector<1x8x128xf32> to vector<8x128xf32>
        %add3A_2287 = arith.addf %add3A_2284, %squeeze3A_2286 : vector<8x128xf32>
        %slice3A_2288 = vector.extract_strided_slice %reshape3A_2258 {offsets = [10, 0, 0], sizes = [1, 8, 128], strides = [1, 1, 1]} : vector<16x8x128xf32> to vector<1x8x128xf32>
        %squeeze3A_2289 = vector.shape_cast %slice3A_2288 : vector<1x8x128xf32> to vector<8x128xf32>
        %add3A_2290 = arith.addf %add3A_2287, %squeeze3A_2289 : vector<8x128xf32>
        %slice3A_2291 = vector.extract_strided_slice %reshape3A_2258 {offsets = [11, 0, 0], sizes = [1, 8, 128], strides = [1, 1, 1]} : vector<16x8x128xf32> to vector<1x8x128xf32>
        %squeeze3A_2292 = vector.shape_cast %slice3A_2291 : vector<1x8x128xf32> to vector<8x128xf32>
        %add3A_2293 = arith.addf %add3A_2290, %squeeze3A_2292 : vector<8x128xf32>
        %slice3A_2294 = vector.extract_strided_slice %reshape3A_2258 {offsets = [12, 0, 0], sizes = [1, 8, 128], strides = [1, 1, 1]} : vector<16x8x128xf32> to vector<1x8x128xf32>
        %squeeze3A_2295 = vector.shape_cast %slice3A_2294 : vector<1x8x128xf32> to vector<8x128xf32>
        %add3A_2296 = arith.addf %add3A_2293, %squeeze3A_2295 : vector<8x128xf32>
        %slice3A_2297 = vector.extract_strided_slice %reshape3A_2258 {offsets = [13, 0, 0], sizes = [1, 8, 128], strides = [1, 1, 1]} : vector<16x8x128xf32> to vector<1x8x128xf32>
        %squeeze3A_2298 = vector.shape_cast %slice3A_2297 : vector<1x8x128xf32> to vector<8x128xf32>
        %add3A_2299 = arith.addf %add3A_2296, %squeeze3A_2298 : vector<8x128xf32>
        %slice3A_2300 = vector.extract_strided_slice %reshape3A_2258 {offsets = [14, 0, 0], sizes = [1, 8, 128], strides = [1, 1, 1]} : vector<16x8x128xf32> to vector<1x8x128xf32>
        %squeeze3A_2301 = vector.shape_cast %slice3A_2300 : vector<1x8x128xf32> to vector<8x128xf32>
        %add3A_2302 = arith.addf %add3A_2299, %squeeze3A_2301 : vector<8x128xf32>
        %slice3A_2303 = vector.extract_strided_slice %reshape3A_2258 {offsets = [15, 0, 0], sizes = [1, 8, 128], strides = [1, 1, 1]} : vector<16x8x128xf32> to vector<1x8x128xf32>
        %squeeze3A_2304 = vector.shape_cast %slice3A_2303 : vector<1x8x128xf32> to vector<8x128xf32>
        %add3A_2305 = arith.addf %add3A_2302, %squeeze3A_2304 : vector<8x128xf32>
        %slice3A_2306 = vector.extract_strided_slice %add3A_2305 {offsets = [4, 0], sizes = [4, 128], strides = [1, 1]} : vector<8x128xf32> to vector<4x128xf32>
        %slice3A_2307 = vector.extract_strided_slice %add3A_2305 {offsets = [0, 0], sizes = [4, 128], strides = [1, 1]} : vector<8x128xf32> to vector<4x128xf32>
        %add3A_2308 = arith.addf %slice3A_2306, %slice3A_2307 : vector<4x128xf32>
        %slice3A_2309 = vector.extract_strided_slice %add3A_2308 {offsets = [2, 0], sizes = [2, 128], strides = [1, 1]} : vector<4x128xf32> to vector<2x128xf32>
        %slice3A_2310 = vector.extract_strided_slice %add3A_2308 {offsets = [0, 0], sizes = [2, 128], strides = [1, 1]} : vector<4x128xf32> to vector<2x128xf32>
        %add3A_2311 = arith.addf %slice3A_2309, %slice3A_2310 : vector<2x128xf32>
        %slice3A_2312 = vector.extract_strided_slice %add3A_2311 {offsets = [1, 0], sizes = [1, 128], strides = [1, 1]} : vector<2x128xf32> to vector<1x128xf32>
        %slice3A_2313 = vector.extract_strided_slice %add3A_2311 {offsets = [0, 0], sizes = [1, 128], strides = [1, 1]} : vector<2x128xf32> to vector<1x128xf32>
        %add3A_2314 = arith.addf %slice3A_2312, %slice3A_2313 : vector<1x128xf32>
        %slice3A_2315 = vector.extract_strided_slice %mul3A_2255 {offsets = [0, 128], sizes = [128, 128], strides = [1, 1]} : vector<128x256xf32> to vector<128x128xf32>
        %transpose3A_2316 = tpu.transpose %slice3A_2315, [1, 0] : vector<128x128xf32> -> vector<128x128xf32>
        %reshape3A_2317 = vector.shape_cast %transpose3A_2316 : vector<128x128xf32> to vector<16x8x128xf32>
        %slice3A_2318 = vector.extract_strided_slice %reshape3A_2317 {offsets = [0, 0, 0], sizes = [1, 8, 128], strides = [1, 1, 1]} : vector<16x8x128xf32> to vector<1x8x128xf32>
        %squeeze3A_2319 = vector.shape_cast %slice3A_2318 : vector<1x8x128xf32> to vector<8x128xf32>
        %slice3A_2320 = vector.extract_strided_slice %reshape3A_2317 {offsets = [1, 0, 0], sizes = [1, 8, 128], strides = [1, 1, 1]} : vector<16x8x128xf32> to vector<1x8x128xf32>
        %squeeze3A_2321 = vector.shape_cast %slice3A_2320 : vector<1x8x128xf32> to vector<8x128xf32>
        %add3A_2322 = arith.addf %squeeze3A_2319, %squeeze3A_2321 : vector<8x128xf32>
        %slice3A_2323 = vector.extract_strided_slice %reshape3A_2317 {offsets = [2, 0, 0], sizes = [1, 8, 128], strides = [1, 1, 1]} : vector<16x8x128xf32> to vector<1x8x128xf32>
        %squeeze3A_2324 = vector.shape_cast %slice3A_2323 : vector<1x8x128xf32> to vector<8x128xf32>
        %add3A_2325 = arith.addf %add3A_2322, %squeeze3A_2324 : vector<8x128xf32>
        %slice3A_2326 = vector.extract_strided_slice %reshape3A_2317 {offsets = [3, 0, 0], sizes = [1, 8, 128], strides = [1, 1, 1]} : vector<16x8x128xf32> to vector<1x8x128xf32>
        %squeeze3A_2327 = vector.shape_cast %slice3A_2326 : vector<1x8x128xf32> to vector<8x128xf32>
        %add3A_2328 = arith.addf %add3A_2325, %squeeze3A_2327 : vector<8x128xf32>
        %slice3A_2329 = vector.extract_strided_slice %reshape3A_2317 {offsets = [4, 0, 0], sizes = [1, 8, 128], strides = [1, 1, 1]} : vector<16x8x128xf32> to vector<1x8x128xf32>
        %squeeze3A_2330 = vector.shape_cast %slice3A_2329 : vector<1x8x128xf32> to vector<8x128xf32>
        %add3A_2331 = arith.addf %add3A_2328, %squeeze3A_2330 : vector<8x128xf32>
        %slice3A_2332 = vector.extract_strided_slice %reshape3A_2317 {offsets = [5, 0, 0], sizes = [1, 8, 128], strides = [1, 1, 1]} : vector<16x8x128xf32> to vector<1x8x128xf32>
        %squeeze3A_2333 = vector.shape_cast %slice3A_2332 : vector<1x8x128xf32> to vector<8x128xf32>
        %add3A_2334 = arith.addf %add3A_2331, %squeeze3A_2333 : vector<8x128xf32>
        %slice3A_2335 = vector.extract_strided_slice %reshape3A_2317 {offsets = [6, 0, 0], sizes = [1, 8, 128], strides = [1, 1, 1]} : vector<16x8x128xf32> to vector<1x8x128xf32>
        %squeeze3A_2336 = vector.shape_cast %slice3A_2335 : vector<1x8x128xf32> to vector<8x128xf32>
        %add3A_2337 = arith.addf %add3A_2334, %squeeze3A_2336 : vector<8x128xf32>
        %slice3A_2338 = vector.extract_strided_slice %reshape3A_2317 {offsets = [7, 0, 0], sizes = [1, 8, 128], strides = [1, 1, 1]} : vector<16x8x128xf32> to vector<1x8x128xf32>
        %squeeze3A_2339 = vector.shape_cast %slice3A_2338 : vector<1x8x128xf32> to vector<8x128xf32>
        %add3A_2340 = arith.addf %add3A_2337, %squeeze3A_2339 : vector<8x128xf32>
        %slice3A_2341 = vector.extract_strided_slice %reshape3A_2317 {offsets = [8, 0, 0], sizes = [1, 8, 128], strides = [1, 1, 1]} : vector<16x8x128xf32> to vector<1x8x128xf32>
        %squeeze3A_2342 = vector.shape_cast %slice3A_2341 : vector<1x8x128xf32> to vector<8x128xf32>
        %add3A_2343 = arith.addf %add3A_2340, %squeeze3A_2342 : vector<8x128xf32>
        %slice3A_2344 = vector.extract_strided_slice %reshape3A_2317 {offsets = [9, 0, 0], sizes = [1, 8, 128], strides = [1, 1, 1]} : vector<16x8x128xf32> to vector<1x8x128xf32>
        %squeeze3A_2345 = vector.shape_cast %slice3A_2344 : vector<1x8x128xf32> to vector<8x128xf32>
        %add3A_2346 = arith.addf %add3A_2343, %squeeze3A_2345 : vector<8x128xf32>
        %slice3A_2347 = vector.extract_strided_slice %reshape3A_2317 {offsets = [10, 0, 0], sizes = [1, 8, 128], strides = [1, 1, 1]} : vector<16x8x128xf32> to vector<1x8x128xf32>
        %squeeze3A_2348 = vector.shape_cast %slice3A_2347 : vector<1x8x128xf32> to vector<8x128xf32>
        %add3A_2349 = arith.addf %add3A_2346, %squeeze3A_2348 : vector<8x128xf32>
        %slice3A_2350 = vector.extract_strided_slice %reshape3A_2317 {offsets = [11, 0, 0], sizes = [1, 8, 128], strides = [1, 1, 1]} : vector<16x8x128xf32> to vector<1x8x128xf32>
        %squeeze3A_2351 = vector.shape_cast %slice3A_2350 : vector<1x8x128xf32> to vector<8x128xf32>
        %add3A_2352 = arith.addf %add3A_2349, %squeeze3A_2351 : vector<8x128xf32>
        %slice3A_2353 = vector.extract_strided_slice %reshape3A_2317 {offsets = [12, 0, 0], sizes = [1, 8, 128], strides = [1, 1, 1]} : vector<16x8x128xf32> to vector<1x8x128xf32>
        %squeeze3A_2354 = vector.shape_cast %slice3A_2353 : vector<1x8x128xf32> to vector<8x128xf32>
        %add3A_2355 = arith.addf %add3A_2352, %squeeze3A_2354 : vector<8x128xf32>
        %slice3A_2356 = vector.extract_strided_slice %reshape3A_2317 {offsets = [13, 0, 0], sizes = [1, 8, 128], strides = [1, 1, 1]} : vector<16x8x128xf32> to vector<1x8x128xf32>
        %squeeze3A_2357 = vector.shape_cast %slice3A_2356 : vector<1x8x128xf32> to vector<8x128xf32>
        %add3A_2358 = arith.addf %add3A_2355, %squeeze3A_2357 : vector<8x128xf32>
        %slice3A_2359 = vector.extract_strided_slice %reshape3A_2317 {offsets = [14, 0, 0], sizes = [1, 8, 128], strides = [1, 1, 1]} : vector<16x8x128xf32> to vector<1x8x128xf32>
        %squeeze3A_2360 = vector.shape_cast %slice3A_2359 : vector<1x8x128xf32> to vector<8x128xf32>
        %add3A_2361 = arith.addf %add3A_2358, %squeeze3A_2360 : vector<8x128xf32>
        %slice3A_2362 = vector.extract_strided_slice %reshape3A_2317 {offsets = [15, 0, 0], sizes = [1, 8, 128], strides = [1, 1, 1]} : vector<16x8x128xf32> to vector<1x8x128xf32>
        %squeeze3A_2363 = vector.shape_cast %slice3A_2362 : vector<1x8x128xf32> to vector<8x128xf32>
        %add3A_2364 = arith.addf %add3A_2361, %squeeze3A_2363 : vector<8x128xf32>
        %slice3A_2365 = vector.extract_strided_slice %add3A_2364 {offsets = [4, 0], sizes = [4, 128], strides = [1, 1]} : vector<8x128xf32> to vector<4x128xf32>
        %slice3A_2366 = vector.extract_strided_slice %add3A_2364 {offsets = [0, 0], sizes = [4, 128], strides = [1, 1]} : vector<8x128xf32> to vector<4x128xf32>
        %add3A_2367 = arith.addf %slice3A_2365, %slice3A_2366 : vector<4x128xf32>
        %slice3A_2368 = vector.extract_strided_slice %add3A_2367 {offsets = [2, 0], sizes = [2, 128], strides = [1, 1]} : vector<4x128xf32> to vector<2x128xf32>
        %slice3A_2369 = vector.extract_strided_slice %add3A_2367 {offsets = [0, 0], sizes = [2, 128], strides = [1, 1]} : vector<4x128xf32> to vector<2x128xf32>
        %add3A_2370 = arith.addf %slice3A_2368, %slice3A_2369 : vector<2x128xf32>
        %slice3A_2371 = vector.extract_strided_slice %add3A_2370 {offsets = [1, 0], sizes = [1, 128], strides = [1, 1]} : vector<2x128xf32> to vector<1x128xf32>
        %slice3A_2372 = vector.extract_strided_slice %add3A_2370 {offsets = [0, 0], sizes = [1, 128], strides = [1, 1]} : vector<2x128xf32> to vector<1x128xf32>
        %add3A_2373 = arith.addf %slice3A_2371, %slice3A_2372 : vector<1x128xf32>
        %add3A_2374 = arith.addf %add3A_2314, %add3A_2373 : vector<1x128xf32>
        %sqrt3A_2375 = math.sqrt %add3A_2374 : vector<1x128xf32>
        %get3A_2376 = arith.index_cast %scan3A_2243 : i32 to index
        %get3A_2377 = arith.constant 0 : index
        %get3A_2378 = arith.constant 0 : index
        %get3A_2379 = vector.load %arg3[%get3A_2376, %get3A_2377, %get3A_2378] : memref<128x1x128xf32, #tpu.memory_space<vmem>>, vector<1x1x128xf32>
        %get3A_2380 = vector.shape_cast %get3A_2379 : vector<1x1x128xf32> to vector<1x128xf32>
        %gt3A_2381 = arith.constant 0.000000e+00 : f32
        %gt3A_2382 = vector.broadcast %gt3A_2381 : f32 to vector<1x128xf32>
        %gt3A_2383 = arith.cmpf ogt, %get3A_2380, %gt3A_2382 : vector<1x128xf32>
        %jit3A_2384 = arith.constant 0x7F800000 : f32
        %broadcast_in_dim3A_2385 = vector.broadcast %jit3A_2384 : f32 to vector<1x128xf32>
        %select_n3A_2386 = arith.select %gt3A_2383, %broadcast_in_dim3A_2385, %sqrt3A_2375 : vector<1x128xi1>, vector<1x128xf32>
        %reduce_min3A_2387 = vector.shape_cast %select_n3A_2386 : vector<1x128xf32> to vector<1x1x128xf32>
        %reduce_min3A_2388 = arith.constant dense<0x7F800000> : vector<1xf32>
        %reduce_min3A_2389 = vector.multi_reduction <minimumf>, %reduce_min3A_2387, %reduce_min3A_2388 [1, 2] : vector<1x1x128xf32> to vector<1xf32>
        %reduce_min3A_2390 = vector.shape_cast %reduce_min3A_2389 : vector<1xf32> to vector<1x1x1xf32>
        %reduce_min3A_2391 = vector.extract %reduce_min3A_2390[0, 0, 0] : f32 from vector<1x1x1xf32>
        %eq3A_2392 = vector.broadcast %reduce_min3A_2391 : f32 to vector<1x128xf32>
        %eq3A_2393 = arith.cmpf oeq, %select_n3A_2386, %eq3A_2392 : vector<1x128xf32>
        %jit3A_2394 = arith.constant 16384 : i32
        %broadcast_in_dim3A_2395 = vector.broadcast %jit3A_2394 : i32 to vector<1x128xi32>
        %select_n3A_2396 = arith.select %eq3A_2393, %iota3A, %broadcast_in_dim3A_2395 : vector<1x128xi1>, vector<1x128xi32>
        %reduce_min3A_2397 = vector.shape_cast %select_n3A_2396 : vector<1x128xi32> to vector<1x1x128xi32>
        %reduce_min3A_2398 = arith.constant dense<2147483647> : vector<1xi32>
        %reduce_min3A_2399 = vector.multi_reduction <minsi>, %reduce_min3A_2397, %reduce_min3A_2398 [1, 2] : vector<1x1x128xi32> to vector<1xi32>
        %reduce_min3A_2400 = vector.shape_cast %reduce_min3A_2399 : vector<1xi32> to vector<1x1x1xi32>
        %reduce_min3A_2401 = vector.extract %reduce_min3A_2400[0, 0, 0] : i32 from vector<1x1x1xi32>
        %lt3A_2402 = arith.cmpf olt, %reduce_min3A_2391, %select_n3A_2237 : f32
        %select_n3A_2403 = arith.select %lt3A_2402, %reduce_min3A_2391, %select_n3A_2237 : f32
        %mul3A_2404 = arith.constant 128 : i32
        %mul3A_2405 = arith.muli %scan3A_2243, %mul3A_2404 : i32
        %add3A_2406 = arith.addi %mul3A_2405, %reduce_min3A_2401 : i32
        %select_n3A_2407 = arith.select %lt3A_2402, %add3A_2406, %select_n3A_2241 : i32
        %scan3A_2408 = arith.constant 14 : i32
        %scan3A_2409 = arith.addi %scan3A_91, %scan3A_2408 : i32
        %get3A_2410 = arith.index_cast %scan3A_2409 : i32 to index
        %get3A_2411 = arith.constant 0 : index
        %get3A_2412 = arith.constant 0 : index
        %get3A_2413 = vector.load %arg0[%get3A_2410, %get3A_2411, %get3A_2412] : memref<128x128x256xf32, #tpu.memory_space<vmem>>, vector<1x128x256xf32>
        %get3A_2414 = vector.shape_cast %get3A_2413 : vector<1x128x256xf32> to vector<128x256xf32>
        %add3A_2415 = vector.broadcast %scan3A_24 : vector<1x256xf32> to vector<128x256xf32>
        %add3A_2416 = arith.addf %get3A_2414, %add3A_2415 : vector<128x256xf32>
        %mul3A_2417 = vector.broadcast %div3A_28 : f32 to vector<128x256xf32>
        %mul3A_2418 = arith.mulf %mul3A_2417, %add3A_2416 : vector<128x256xf32>
        %sub3A_2419 = vector.broadcast %get3A_1 : vector<1x256xf32> to vector<128x256xf32>
        %sub3A_2420 = arith.subf %sub3A_2419, %mul3A_2418 : vector<128x256xf32>
        %mul3A_2421 = arith.mulf %sub3A_2420, %sub3A_2420 : vector<128x256xf32>
        %slice3A_2422 = vector.extract_strided_slice %mul3A_2421 {offsets = [0, 0], sizes = [128, 128], strides = [1, 1]} : vector<128x256xf32> to vector<128x128xf32>
        %transpose3A_2423 = tpu.transpose %slice3A_2422, [1, 0] : vector<128x128xf32> -> vector<128x128xf32>
        %reshape3A_2424 = vector.shape_cast %transpose3A_2423 : vector<128x128xf32> to vector<16x8x128xf32>
        %slice3A_2425 = vector.extract_strided_slice %reshape3A_2424 {offsets = [0, 0, 0], sizes = [1, 8, 128], strides = [1, 1, 1]} : vector<16x8x128xf32> to vector<1x8x128xf32>
        %squeeze3A_2426 = vector.shape_cast %slice3A_2425 : vector<1x8x128xf32> to vector<8x128xf32>
        %slice3A_2427 = vector.extract_strided_slice %reshape3A_2424 {offsets = [1, 0, 0], sizes = [1, 8, 128], strides = [1, 1, 1]} : vector<16x8x128xf32> to vector<1x8x128xf32>
        %squeeze3A_2428 = vector.shape_cast %slice3A_2427 : vector<1x8x128xf32> to vector<8x128xf32>
        %add3A_2429 = arith.addf %squeeze3A_2426, %squeeze3A_2428 : vector<8x128xf32>
        %slice3A_2430 = vector.extract_strided_slice %reshape3A_2424 {offsets = [2, 0, 0], sizes = [1, 8, 128], strides = [1, 1, 1]} : vector<16x8x128xf32> to vector<1x8x128xf32>
        %squeeze3A_2431 = vector.shape_cast %slice3A_2430 : vector<1x8x128xf32> to vector<8x128xf32>
        %add3A_2432 = arith.addf %add3A_2429, %squeeze3A_2431 : vector<8x128xf32>
        %slice3A_2433 = vector.extract_strided_slice %reshape3A_2424 {offsets = [3, 0, 0], sizes = [1, 8, 128], strides = [1, 1, 1]} : vector<16x8x128xf32> to vector<1x8x128xf32>
        %squeeze3A_2434 = vector.shape_cast %slice3A_2433 : vector<1x8x128xf32> to vector<8x128xf32>
        %add3A_2435 = arith.addf %add3A_2432, %squeeze3A_2434 : vector<8x128xf32>
        %slice3A_2436 = vector.extract_strided_slice %reshape3A_2424 {offsets = [4, 0, 0], sizes = [1, 8, 128], strides = [1, 1, 1]} : vector<16x8x128xf32> to vector<1x8x128xf32>
        %squeeze3A_2437 = vector.shape_cast %slice3A_2436 : vector<1x8x128xf32> to vector<8x128xf32>
        %add3A_2438 = arith.addf %add3A_2435, %squeeze3A_2437 : vector<8x128xf32>
        %slice3A_2439 = vector.extract_strided_slice %reshape3A_2424 {offsets = [5, 0, 0], sizes = [1, 8, 128], strides = [1, 1, 1]} : vector<16x8x128xf32> to vector<1x8x128xf32>
        %squeeze3A_2440 = vector.shape_cast %slice3A_2439 : vector<1x8x128xf32> to vector<8x128xf32>
        %add3A_2441 = arith.addf %add3A_2438, %squeeze3A_2440 : vector<8x128xf32>
        %slice3A_2442 = vector.extract_strided_slice %reshape3A_2424 {offsets = [6, 0, 0], sizes = [1, 8, 128], strides = [1, 1, 1]} : vector<16x8x128xf32> to vector<1x8x128xf32>
        %squeeze3A_2443 = vector.shape_cast %slice3A_2442 : vector<1x8x128xf32> to vector<8x128xf32>
        %add3A_2444 = arith.addf %add3A_2441, %squeeze3A_2443 : vector<8x128xf32>
        %slice3A_2445 = vector.extract_strided_slice %reshape3A_2424 {offsets = [7, 0, 0], sizes = [1, 8, 128], strides = [1, 1, 1]} : vector<16x8x128xf32> to vector<1x8x128xf32>
        %squeeze3A_2446 = vector.shape_cast %slice3A_2445 : vector<1x8x128xf32> to vector<8x128xf32>
        %add3A_2447 = arith.addf %add3A_2444, %squeeze3A_2446 : vector<8x128xf32>
        %slice3A_2448 = vector.extract_strided_slice %reshape3A_2424 {offsets = [8, 0, 0], sizes = [1, 8, 128], strides = [1, 1, 1]} : vector<16x8x128xf32> to vector<1x8x128xf32>
        %squeeze3A_2449 = vector.shape_cast %slice3A_2448 : vector<1x8x128xf32> to vector<8x128xf32>
        %add3A_2450 = arith.addf %add3A_2447, %squeeze3A_2449 : vector<8x128xf32>
        %slice3A_2451 = vector.extract_strided_slice %reshape3A_2424 {offsets = [9, 0, 0], sizes = [1, 8, 128], strides = [1, 1, 1]} : vector<16x8x128xf32> to vector<1x8x128xf32>
        %squeeze3A_2452 = vector.shape_cast %slice3A_2451 : vector<1x8x128xf32> to vector<8x128xf32>
        %add3A_2453 = arith.addf %add3A_2450, %squeeze3A_2452 : vector<8x128xf32>
        %slice3A_2454 = vector.extract_strided_slice %reshape3A_2424 {offsets = [10, 0, 0], sizes = [1, 8, 128], strides = [1, 1, 1]} : vector<16x8x128xf32> to vector<1x8x128xf32>
        %squeeze3A_2455 = vector.shape_cast %slice3A_2454 : vector<1x8x128xf32> to vector<8x128xf32>
        %add3A_2456 = arith.addf %add3A_2453, %squeeze3A_2455 : vector<8x128xf32>
        %slice3A_2457 = vector.extract_strided_slice %reshape3A_2424 {offsets = [11, 0, 0], sizes = [1, 8, 128], strides = [1, 1, 1]} : vector<16x8x128xf32> to vector<1x8x128xf32>
        %squeeze3A_2458 = vector.shape_cast %slice3A_2457 : vector<1x8x128xf32> to vector<8x128xf32>
        %add3A_2459 = arith.addf %add3A_2456, %squeeze3A_2458 : vector<8x128xf32>
        %slice3A_2460 = vector.extract_strided_slice %reshape3A_2424 {offsets = [12, 0, 0], sizes = [1, 8, 128], strides = [1, 1, 1]} : vector<16x8x128xf32> to vector<1x8x128xf32>
        %squeeze3A_2461 = vector.shape_cast %slice3A_2460 : vector<1x8x128xf32> to vector<8x128xf32>
        %add3A_2462 = arith.addf %add3A_2459, %squeeze3A_2461 : vector<8x128xf32>
        %slice3A_2463 = vector.extract_strided_slice %reshape3A_2424 {offsets = [13, 0, 0], sizes = [1, 8, 128], strides = [1, 1, 1]} : vector<16x8x128xf32> to vector<1x8x128xf32>
        %squeeze3A_2464 = vector.shape_cast %slice3A_2463 : vector<1x8x128xf32> to vector<8x128xf32>
        %add3A_2465 = arith.addf %add3A_2462, %squeeze3A_2464 : vector<8x128xf32>
        %slice3A_2466 = vector.extract_strided_slice %reshape3A_2424 {offsets = [14, 0, 0], sizes = [1, 8, 128], strides = [1, 1, 1]} : vector<16x8x128xf32> to vector<1x8x128xf32>
        %squeeze3A_2467 = vector.shape_cast %slice3A_2466 : vector<1x8x128xf32> to vector<8x128xf32>
        %add3A_2468 = arith.addf %add3A_2465, %squeeze3A_2467 : vector<8x128xf32>
        %slice3A_2469 = vector.extract_strided_slice %reshape3A_2424 {offsets = [15, 0, 0], sizes = [1, 8, 128], strides = [1, 1, 1]} : vector<16x8x128xf32> to vector<1x8x128xf32>
        %squeeze3A_2470 = vector.shape_cast %slice3A_2469 : vector<1x8x128xf32> to vector<8x128xf32>
        %add3A_2471 = arith.addf %add3A_2468, %squeeze3A_2470 : vector<8x128xf32>
        %slice3A_2472 = vector.extract_strided_slice %add3A_2471 {offsets = [4, 0], sizes = [4, 128], strides = [1, 1]} : vector<8x128xf32> to vector<4x128xf32>
        %slice3A_2473 = vector.extract_strided_slice %add3A_2471 {offsets = [0, 0], sizes = [4, 128], strides = [1, 1]} : vector<8x128xf32> to vector<4x128xf32>
        %add3A_2474 = arith.addf %slice3A_2472, %slice3A_2473 : vector<4x128xf32>
        %slice3A_2475 = vector.extract_strided_slice %add3A_2474 {offsets = [2, 0], sizes = [2, 128], strides = [1, 1]} : vector<4x128xf32> to vector<2x128xf32>
        %slice3A_2476 = vector.extract_strided_slice %add3A_2474 {offsets = [0, 0], sizes = [2, 128], strides = [1, 1]} : vector<4x128xf32> to vector<2x128xf32>
        %add3A_2477 = arith.addf %slice3A_2475, %slice3A_2476 : vector<2x128xf32>
        %slice3A_2478 = vector.extract_strided_slice %add3A_2477 {offsets = [1, 0], sizes = [1, 128], strides = [1, 1]} : vector<2x128xf32> to vector<1x128xf32>
        %slice3A_2479 = vector.extract_strided_slice %add3A_2477 {offsets = [0, 0], sizes = [1, 128], strides = [1, 1]} : vector<2x128xf32> to vector<1x128xf32>
        %add3A_2480 = arith.addf %slice3A_2478, %slice3A_2479 : vector<1x128xf32>
        %slice3A_2481 = vector.extract_strided_slice %mul3A_2421 {offsets = [0, 128], sizes = [128, 128], strides = [1, 1]} : vector<128x256xf32> to vector<128x128xf32>
        %transpose3A_2482 = tpu.transpose %slice3A_2481, [1, 0] : vector<128x128xf32> -> vector<128x128xf32>
        %reshape3A_2483 = vector.shape_cast %transpose3A_2482 : vector<128x128xf32> to vector<16x8x128xf32>
        %slice3A_2484 = vector.extract_strided_slice %reshape3A_2483 {offsets = [0, 0, 0], sizes = [1, 8, 128], strides = [1, 1, 1]} : vector<16x8x128xf32> to vector<1x8x128xf32>
        %squeeze3A_2485 = vector.shape_cast %slice3A_2484 : vector<1x8x128xf32> to vector<8x128xf32>
        %slice3A_2486 = vector.extract_strided_slice %reshape3A_2483 {offsets = [1, 0, 0], sizes = [1, 8, 128], strides = [1, 1, 1]} : vector<16x8x128xf32> to vector<1x8x128xf32>
        %squeeze3A_2487 = vector.shape_cast %slice3A_2486 : vector<1x8x128xf32> to vector<8x128xf32>
        %add3A_2488 = arith.addf %squeeze3A_2485, %squeeze3A_2487 : vector<8x128xf32>
        %slice3A_2489 = vector.extract_strided_slice %reshape3A_2483 {offsets = [2, 0, 0], sizes = [1, 8, 128], strides = [1, 1, 1]} : vector<16x8x128xf32> to vector<1x8x128xf32>
        %squeeze3A_2490 = vector.shape_cast %slice3A_2489 : vector<1x8x128xf32> to vector<8x128xf32>
        %add3A_2491 = arith.addf %add3A_2488, %squeeze3A_2490 : vector<8x128xf32>
        %slice3A_2492 = vector.extract_strided_slice %reshape3A_2483 {offsets = [3, 0, 0], sizes = [1, 8, 128], strides = [1, 1, 1]} : vector<16x8x128xf32> to vector<1x8x128xf32>
        %squeeze3A_2493 = vector.shape_cast %slice3A_2492 : vector<1x8x128xf32> to vector<8x128xf32>
        %add3A_2494 = arith.addf %add3A_2491, %squeeze3A_2493 : vector<8x128xf32>
        %slice3A_2495 = vector.extract_strided_slice %reshape3A_2483 {offsets = [4, 0, 0], sizes = [1, 8, 128], strides = [1, 1, 1]} : vector<16x8x128xf32> to vector<1x8x128xf32>
        %squeeze3A_2496 = vector.shape_cast %slice3A_2495 : vector<1x8x128xf32> to vector<8x128xf32>
        %add3A_2497 = arith.addf %add3A_2494, %squeeze3A_2496 : vector<8x128xf32>
        %slice3A_2498 = vector.extract_strided_slice %reshape3A_2483 {offsets = [5, 0, 0], sizes = [1, 8, 128], strides = [1, 1, 1]} : vector<16x8x128xf32> to vector<1x8x128xf32>
        %squeeze3A_2499 = vector.shape_cast %slice3A_2498 : vector<1x8x128xf32> to vector<8x128xf32>
        %add3A_2500 = arith.addf %add3A_2497, %squeeze3A_2499 : vector<8x128xf32>
        %slice3A_2501 = vector.extract_strided_slice %reshape3A_2483 {offsets = [6, 0, 0], sizes = [1, 8, 128], strides = [1, 1, 1]} : vector<16x8x128xf32> to vector<1x8x128xf32>
        %squeeze3A_2502 = vector.shape_cast %slice3A_2501 : vector<1x8x128xf32> to vector<8x128xf32>
        %add3A_2503 = arith.addf %add3A_2500, %squeeze3A_2502 : vector<8x128xf32>
        %slice3A_2504 = vector.extract_strided_slice %reshape3A_2483 {offsets = [7, 0, 0], sizes = [1, 8, 128], strides = [1, 1, 1]} : vector<16x8x128xf32> to vector<1x8x128xf32>
        %squeeze3A_2505 = vector.shape_cast %slice3A_2504 : vector<1x8x128xf32> to vector<8x128xf32>
        %add3A_2506 = arith.addf %add3A_2503, %squeeze3A_2505 : vector<8x128xf32>
        %slice3A_2507 = vector.extract_strided_slice %reshape3A_2483 {offsets = [8, 0, 0], sizes = [1, 8, 128], strides = [1, 1, 1]} : vector<16x8x128xf32> to vector<1x8x128xf32>
        %squeeze3A_2508 = vector.shape_cast %slice3A_2507 : vector<1x8x128xf32> to vector<8x128xf32>
        %add3A_2509 = arith.addf %add3A_2506, %squeeze3A_2508 : vector<8x128xf32>
        %slice3A_2510 = vector.extract_strided_slice %reshape3A_2483 {offsets = [9, 0, 0], sizes = [1, 8, 128], strides = [1, 1, 1]} : vector<16x8x128xf32> to vector<1x8x128xf32>
        %squeeze3A_2511 = vector.shape_cast %slice3A_2510 : vector<1x8x128xf32> to vector<8x128xf32>
        %add3A_2512 = arith.addf %add3A_2509, %squeeze3A_2511 : vector<8x128xf32>
        %slice3A_2513 = vector.extract_strided_slice %reshape3A_2483 {offsets = [10, 0, 0], sizes = [1, 8, 128], strides = [1, 1, 1]} : vector<16x8x128xf32> to vector<1x8x128xf32>
        %squeeze3A_2514 = vector.shape_cast %slice3A_2513 : vector<1x8x128xf32> to vector<8x128xf32>
        %add3A_2515 = arith.addf %add3A_2512, %squeeze3A_2514 : vector<8x128xf32>
        %slice3A_2516 = vector.extract_strided_slice %reshape3A_2483 {offsets = [11, 0, 0], sizes = [1, 8, 128], strides = [1, 1, 1]} : vector<16x8x128xf32> to vector<1x8x128xf32>
        %squeeze3A_2517 = vector.shape_cast %slice3A_2516 : vector<1x8x128xf32> to vector<8x128xf32>
        %add3A_2518 = arith.addf %add3A_2515, %squeeze3A_2517 : vector<8x128xf32>
        %slice3A_2519 = vector.extract_strided_slice %reshape3A_2483 {offsets = [12, 0, 0], sizes = [1, 8, 128], strides = [1, 1, 1]} : vector<16x8x128xf32> to vector<1x8x128xf32>
        %squeeze3A_2520 = vector.shape_cast %slice3A_2519 : vector<1x8x128xf32> to vector<8x128xf32>
        %add3A_2521 = arith.addf %add3A_2518, %squeeze3A_2520 : vector<8x128xf32>
        %slice3A_2522 = vector.extract_strided_slice %reshape3A_2483 {offsets = [13, 0, 0], sizes = [1, 8, 128], strides = [1, 1, 1]} : vector<16x8x128xf32> to vector<1x8x128xf32>
        %squeeze3A_2523 = vector.shape_cast %slice3A_2522 : vector<1x8x128xf32> to vector<8x128xf32>
        %add3A_2524 = arith.addf %add3A_2521, %squeeze3A_2523 : vector<8x128xf32>
        %slice3A_2525 = vector.extract_strided_slice %reshape3A_2483 {offsets = [14, 0, 0], sizes = [1, 8, 128], strides = [1, 1, 1]} : vector<16x8x128xf32> to vector<1x8x128xf32>
        %squeeze3A_2526 = vector.shape_cast %slice3A_2525 : vector<1x8x128xf32> to vector<8x128xf32>
        %add3A_2527 = arith.addf %add3A_2524, %squeeze3A_2526 : vector<8x128xf32>
        %slice3A_2528 = vector.extract_strided_slice %reshape3A_2483 {offsets = [15, 0, 0], sizes = [1, 8, 128], strides = [1, 1, 1]} : vector<16x8x128xf32> to vector<1x8x128xf32>
        %squeeze3A_2529 = vector.shape_cast %slice3A_2528 : vector<1x8x128xf32> to vector<8x128xf32>
        %add3A_2530 = arith.addf %add3A_2527, %squeeze3A_2529 : vector<8x128xf32>
        %slice3A_2531 = vector.extract_strided_slice %add3A_2530 {offsets = [4, 0], sizes = [4, 128], strides = [1, 1]} : vector<8x128xf32> to vector<4x128xf32>
        %slice3A_2532 = vector.extract_strided_slice %add3A_2530 {offsets = [0, 0], sizes = [4, 128], strides = [1, 1]} : vector<8x128xf32> to vector<4x128xf32>
        %add3A_2533 = arith.addf %slice3A_2531, %slice3A_2532 : vector<4x128xf32>
        %slice3A_2534 = vector.extract_strided_slice %add3A_2533 {offsets = [2, 0], sizes = [2, 128], strides = [1, 1]} : vector<4x128xf32> to vector<2x128xf32>
        %slice3A_2535 = vector.extract_strided_slice %add3A_2533 {offsets = [0, 0], sizes = [2, 128], strides = [1, 1]} : vector<4x128xf32> to vector<2x128xf32>
        %add3A_2536 = arith.addf %slice3A_2534, %slice3A_2535 : vector<2x128xf32>
        %slice3A_2537 = vector.extract_strided_slice %add3A_2536 {offsets = [1, 0], sizes = [1, 128], strides = [1, 1]} : vector<2x128xf32> to vector<1x128xf32>
        %slice3A_2538 = vector.extract_strided_slice %add3A_2536 {offsets = [0, 0], sizes = [1, 128], strides = [1, 1]} : vector<2x128xf32> to vector<1x128xf32>
        %add3A_2539 = arith.addf %slice3A_2537, %slice3A_2538 : vector<1x128xf32>
        %add3A_2540 = arith.addf %add3A_2480, %add3A_2539 : vector<1x128xf32>
        %sqrt3A_2541 = math.sqrt %add3A_2540 : vector<1x128xf32>
        %get3A_2542 = arith.index_cast %scan3A_2409 : i32 to index
        %get3A_2543 = arith.constant 0 : index
        %get3A_2544 = arith.constant 0 : index
        %get3A_2545 = vector.load %arg3[%get3A_2542, %get3A_2543, %get3A_2544] : memref<128x1x128xf32, #tpu.memory_space<vmem>>, vector<1x1x128xf32>
        %get3A_2546 = vector.shape_cast %get3A_2545 : vector<1x1x128xf32> to vector<1x128xf32>
        %gt3A_2547 = arith.constant 0.000000e+00 : f32
        %gt3A_2548 = vector.broadcast %gt3A_2547 : f32 to vector<1x128xf32>
        %gt3A_2549 = arith.cmpf ogt, %get3A_2546, %gt3A_2548 : vector<1x128xf32>
        %jit3A_2550 = arith.constant 0x7F800000 : f32
        %broadcast_in_dim3A_2551 = vector.broadcast %jit3A_2550 : f32 to vector<1x128xf32>
        %select_n3A_2552 = arith.select %gt3A_2549, %broadcast_in_dim3A_2551, %sqrt3A_2541 : vector<1x128xi1>, vector<1x128xf32>
        %reduce_min3A_2553 = vector.shape_cast %select_n3A_2552 : vector<1x128xf32> to vector<1x1x128xf32>
        %reduce_min3A_2554 = arith.constant dense<0x7F800000> : vector<1xf32>
        %reduce_min3A_2555 = vector.multi_reduction <minimumf>, %reduce_min3A_2553, %reduce_min3A_2554 [1, 2] : vector<1x1x128xf32> to vector<1xf32>
        %reduce_min3A_2556 = vector.shape_cast %reduce_min3A_2555 : vector<1xf32> to vector<1x1x1xf32>
        %reduce_min3A_2557 = vector.extract %reduce_min3A_2556[0, 0, 0] : f32 from vector<1x1x1xf32>
        %eq3A_2558 = vector.broadcast %reduce_min3A_2557 : f32 to vector<1x128xf32>
        %eq3A_2559 = arith.cmpf oeq, %select_n3A_2552, %eq3A_2558 : vector<1x128xf32>
        %jit3A_2560 = arith.constant 16384 : i32
        %broadcast_in_dim3A_2561 = vector.broadcast %jit3A_2560 : i32 to vector<1x128xi32>
        %select_n3A_2562 = arith.select %eq3A_2559, %iota3A, %broadcast_in_dim3A_2561 : vector<1x128xi1>, vector<1x128xi32>
        %reduce_min3A_2563 = vector.shape_cast %select_n3A_2562 : vector<1x128xi32> to vector<1x1x128xi32>
        %reduce_min3A_2564 = arith.constant dense<2147483647> : vector<1xi32>
        %reduce_min3A_2565 = vector.multi_reduction <minsi>, %reduce_min3A_2563, %reduce_min3A_2564 [1, 2] : vector<1x1x128xi32> to vector<1xi32>
        %reduce_min3A_2566 = vector.shape_cast %reduce_min3A_2565 : vector<1xi32> to vector<1x1x1xi32>
        %reduce_min3A_2567 = vector.extract %reduce_min3A_2566[0, 0, 0] : i32 from vector<1x1x1xi32>
        %lt3A_2568 = arith.cmpf olt, %reduce_min3A_2557, %select_n3A_2403 : f32
        %select_n3A_2569 = arith.select %lt3A_2568, %reduce_min3A_2557, %select_n3A_2403 : f32
        %mul3A_2570 = arith.constant 128 : i32
        %mul3A_2571 = arith.muli %scan3A_2409, %mul3A_2570 : i32
        %add3A_2572 = arith.addi %mul3A_2571, %reduce_min3A_2567 : i32
        %select_n3A_2573 = arith.select %lt3A_2568, %add3A_2572, %select_n3A_2407 : i32
        %scan3A_2574 = arith.constant 15 : i32
        %scan3A_2575 = arith.addi %scan3A_91, %scan3A_2574 : i32
        %get3A_2576 = arith.index_cast %scan3A_2575 : i32 to index
        %get3A_2577 = arith.constant 0 : index
        %get3A_2578 = arith.constant 0 : index
        %get3A_2579 = vector.load %arg0[%get3A_2576, %get3A_2577, %get3A_2578] : memref<128x128x256xf32, #tpu.memory_space<vmem>>, vector<1x128x256xf32>
        %get3A_2580 = vector.shape_cast %get3A_2579 : vector<1x128x256xf32> to vector<128x256xf32>
        %add3A_2581 = vector.broadcast %scan3A_24 : vector<1x256xf32> to vector<128x256xf32>
        %add3A_2582 = arith.addf %get3A_2580, %add3A_2581 : vector<128x256xf32>
        %mul3A_2583 = vector.broadcast %div3A_28 : f32 to vector<128x256xf32>
        %mul3A_2584 = arith.mulf %mul3A_2583, %add3A_2582 : vector<128x256xf32>
        %sub3A_2585 = vector.broadcast %get3A_1 : vector<1x256xf32> to vector<128x256xf32>
        %sub3A_2586 = arith.subf %sub3A_2585, %mul3A_2584 : vector<128x256xf32>
        %mul3A_2587 = arith.mulf %sub3A_2586, %sub3A_2586 : vector<128x256xf32>
        %slice3A_2588 = vector.extract_strided_slice %mul3A_2587 {offsets = [0, 0], sizes = [128, 128], strides = [1, 1]} : vector<128x256xf32> to vector<128x128xf32>
        %transpose3A_2589 = tpu.transpose %slice3A_2588, [1, 0] : vector<128x128xf32> -> vector<128x128xf32>
        %reshape3A_2590 = vector.shape_cast %transpose3A_2589 : vector<128x128xf32> to vector<16x8x128xf32>
        %slice3A_2591 = vector.extract_strided_slice %reshape3A_2590 {offsets = [0, 0, 0], sizes = [1, 8, 128], strides = [1, 1, 1]} : vector<16x8x128xf32> to vector<1x8x128xf32>
        %squeeze3A_2592 = vector.shape_cast %slice3A_2591 : vector<1x8x128xf32> to vector<8x128xf32>
        %slice3A_2593 = vector.extract_strided_slice %reshape3A_2590 {offsets = [1, 0, 0], sizes = [1, 8, 128], strides = [1, 1, 1]} : vector<16x8x128xf32> to vector<1x8x128xf32>
        %squeeze3A_2594 = vector.shape_cast %slice3A_2593 : vector<1x8x128xf32> to vector<8x128xf32>
        %add3A_2595 = arith.addf %squeeze3A_2592, %squeeze3A_2594 : vector<8x128xf32>
        %slice3A_2596 = vector.extract_strided_slice %reshape3A_2590 {offsets = [2, 0, 0], sizes = [1, 8, 128], strides = [1, 1, 1]} : vector<16x8x128xf32> to vector<1x8x128xf32>
        %squeeze3A_2597 = vector.shape_cast %slice3A_2596 : vector<1x8x128xf32> to vector<8x128xf32>
        %add3A_2598 = arith.addf %add3A_2595, %squeeze3A_2597 : vector<8x128xf32>
        %slice3A_2599 = vector.extract_strided_slice %reshape3A_2590 {offsets = [3, 0, 0], sizes = [1, 8, 128], strides = [1, 1, 1]} : vector<16x8x128xf32> to vector<1x8x128xf32>
        %squeeze3A_2600 = vector.shape_cast %slice3A_2599 : vector<1x8x128xf32> to vector<8x128xf32>
        %add3A_2601 = arith.addf %add3A_2598, %squeeze3A_2600 : vector<8x128xf32>
        %slice3A_2602 = vector.extract_strided_slice %reshape3A_2590 {offsets = [4, 0, 0], sizes = [1, 8, 128], strides = [1, 1, 1]} : vector<16x8x128xf32> to vector<1x8x128xf32>
        %squeeze3A_2603 = vector.shape_cast %slice3A_2602 : vector<1x8x128xf32> to vector<8x128xf32>
        %add3A_2604 = arith.addf %add3A_2601, %squeeze3A_2603 : vector<8x128xf32>
        %slice3A_2605 = vector.extract_strided_slice %reshape3A_2590 {offsets = [5, 0, 0], sizes = [1, 8, 128], strides = [1, 1, 1]} : vector<16x8x128xf32> to vector<1x8x128xf32>
        %squeeze3A_2606 = vector.shape_cast %slice3A_2605 : vector<1x8x128xf32> to vector<8x128xf32>
        %add3A_2607 = arith.addf %add3A_2604, %squeeze3A_2606 : vector<8x128xf32>
        %slice3A_2608 = vector.extract_strided_slice %reshape3A_2590 {offsets = [6, 0, 0], sizes = [1, 8, 128], strides = [1, 1, 1]} : vector<16x8x128xf32> to vector<1x8x128xf32>
        %squeeze3A_2609 = vector.shape_cast %slice3A_2608 : vector<1x8x128xf32> to vector<8x128xf32>
        %add3A_2610 = arith.addf %add3A_2607, %squeeze3A_2609 : vector<8x128xf32>
        %slice3A_2611 = vector.extract_strided_slice %reshape3A_2590 {offsets = [7, 0, 0], sizes = [1, 8, 128], strides = [1, 1, 1]} : vector<16x8x128xf32> to vector<1x8x128xf32>
        %squeeze3A_2612 = vector.shape_cast %slice3A_2611 : vector<1x8x128xf32> to vector<8x128xf32>
        %add3A_2613 = arith.addf %add3A_2610, %squeeze3A_2612 : vector<8x128xf32>
        %slice3A_2614 = vector.extract_strided_slice %reshape3A_2590 {offsets = [8, 0, 0], sizes = [1, 8, 128], strides = [1, 1, 1]} : vector<16x8x128xf32> to vector<1x8x128xf32>
        %squeeze3A_2615 = vector.shape_cast %slice3A_2614 : vector<1x8x128xf32> to vector<8x128xf32>
        %add3A_2616 = arith.addf %add3A_2613, %squeeze3A_2615 : vector<8x128xf32>
        %slice3A_2617 = vector.extract_strided_slice %reshape3A_2590 {offsets = [9, 0, 0], sizes = [1, 8, 128], strides = [1, 1, 1]} : vector<16x8x128xf32> to vector<1x8x128xf32>
        %squeeze3A_2618 = vector.shape_cast %slice3A_2617 : vector<1x8x128xf32> to vector<8x128xf32>
        %add3A_2619 = arith.addf %add3A_2616, %squeeze3A_2618 : vector<8x128xf32>
        %slice3A_2620 = vector.extract_strided_slice %reshape3A_2590 {offsets = [10, 0, 0], sizes = [1, 8, 128], strides = [1, 1, 1]} : vector<16x8x128xf32> to vector<1x8x128xf32>
        %squeeze3A_2621 = vector.shape_cast %slice3A_2620 : vector<1x8x128xf32> to vector<8x128xf32>
        %add3A_2622 = arith.addf %add3A_2619, %squeeze3A_2621 : vector<8x128xf32>
        %slice3A_2623 = vector.extract_strided_slice %reshape3A_2590 {offsets = [11, 0, 0], sizes = [1, 8, 128], strides = [1, 1, 1]} : vector<16x8x128xf32> to vector<1x8x128xf32>
        %squeeze3A_2624 = vector.shape_cast %slice3A_2623 : vector<1x8x128xf32> to vector<8x128xf32>
        %add3A_2625 = arith.addf %add3A_2622, %squeeze3A_2624 : vector<8x128xf32>
        %slice3A_2626 = vector.extract_strided_slice %reshape3A_2590 {offsets = [12, 0, 0], sizes = [1, 8, 128], strides = [1, 1, 1]} : vector<16x8x128xf32> to vector<1x8x128xf32>
        %squeeze3A_2627 = vector.shape_cast %slice3A_2626 : vector<1x8x128xf32> to vector<8x128xf32>
        %add3A_2628 = arith.addf %add3A_2625, %squeeze3A_2627 : vector<8x128xf32>
        %slice3A_2629 = vector.extract_strided_slice %reshape3A_2590 {offsets = [13, 0, 0], sizes = [1, 8, 128], strides = [1, 1, 1]} : vector<16x8x128xf32> to vector<1x8x128xf32>
        %squeeze3A_2630 = vector.shape_cast %slice3A_2629 : vector<1x8x128xf32> to vector<8x128xf32>
        %add3A_2631 = arith.addf %add3A_2628, %squeeze3A_2630 : vector<8x128xf32>
        %slice3A_2632 = vector.extract_strided_slice %reshape3A_2590 {offsets = [14, 0, 0], sizes = [1, 8, 128], strides = [1, 1, 1]} : vector<16x8x128xf32> to vector<1x8x128xf32>
        %squeeze3A_2633 = vector.shape_cast %slice3A_2632 : vector<1x8x128xf32> to vector<8x128xf32>
        %add3A_2634 = arith.addf %add3A_2631, %squeeze3A_2633 : vector<8x128xf32>
        %slice3A_2635 = vector.extract_strided_slice %reshape3A_2590 {offsets = [15, 0, 0], sizes = [1, 8, 128], strides = [1, 1, 1]} : vector<16x8x128xf32> to vector<1x8x128xf32>
        %squeeze3A_2636 = vector.shape_cast %slice3A_2635 : vector<1x8x128xf32> to vector<8x128xf32>
        %add3A_2637 = arith.addf %add3A_2634, %squeeze3A_2636 : vector<8x128xf32>
        %slice3A_2638 = vector.extract_strided_slice %add3A_2637 {offsets = [4, 0], sizes = [4, 128], strides = [1, 1]} : vector<8x128xf32> to vector<4x128xf32>
        %slice3A_2639 = vector.extract_strided_slice %add3A_2637 {offsets = [0, 0], sizes = [4, 128], strides = [1, 1]} : vector<8x128xf32> to vector<4x128xf32>
        %add3A_2640 = arith.addf %slice3A_2638, %slice3A_2639 : vector<4x128xf32>
        %slice3A_2641 = vector.extract_strided_slice %add3A_2640 {offsets = [2, 0], sizes = [2, 128], strides = [1, 1]} : vector<4x128xf32> to vector<2x128xf32>
        %slice3A_2642 = vector.extract_strided_slice %add3A_2640 {offsets = [0, 0], sizes = [2, 128], strides = [1, 1]} : vector<4x128xf32> to vector<2x128xf32>
        %add3A_2643 = arith.addf %slice3A_2641, %slice3A_2642 : vector<2x128xf32>
        %slice3A_2644 = vector.extract_strided_slice %add3A_2643 {offsets = [1, 0], sizes = [1, 128], strides = [1, 1]} : vector<2x128xf32> to vector<1x128xf32>
        %slice3A_2645 = vector.extract_strided_slice %add3A_2643 {offsets = [0, 0], sizes = [1, 128], strides = [1, 1]} : vector<2x128xf32> to vector<1x128xf32>
        %add3A_2646 = arith.addf %slice3A_2644, %slice3A_2645 : vector<1x128xf32>
        %slice3A_2647 = vector.extract_strided_slice %mul3A_2587 {offsets = [0, 128], sizes = [128, 128], strides = [1, 1]} : vector<128x256xf32> to vector<128x128xf32>
        %transpose3A_2648 = tpu.transpose %slice3A_2647, [1, 0] : vector<128x128xf32> -> vector<128x128xf32>
        %reshape3A_2649 = vector.shape_cast %transpose3A_2648 : vector<128x128xf32> to vector<16x8x128xf32>
        %slice3A_2650 = vector.extract_strided_slice %reshape3A_2649 {offsets = [0, 0, 0], sizes = [1, 8, 128], strides = [1, 1, 1]} : vector<16x8x128xf32> to vector<1x8x128xf32>
        %squeeze3A_2651 = vector.shape_cast %slice3A_2650 : vector<1x8x128xf32> to vector<8x128xf32>
        %slice3A_2652 = vector.extract_strided_slice %reshape3A_2649 {offsets = [1, 0, 0], sizes = [1, 8, 128], strides = [1, 1, 1]} : vector<16x8x128xf32> to vector<1x8x128xf32>
        %squeeze3A_2653 = vector.shape_cast %slice3A_2652 : vector<1x8x128xf32> to vector<8x128xf32>
        %add3A_2654 = arith.addf %squeeze3A_2651, %squeeze3A_2653 : vector<8x128xf32>
        %slice3A_2655 = vector.extract_strided_slice %reshape3A_2649 {offsets = [2, 0, 0], sizes = [1, 8, 128], strides = [1, 1, 1]} : vector<16x8x128xf32> to vector<1x8x128xf32>
        %squeeze3A_2656 = vector.shape_cast %slice3A_2655 : vector<1x8x128xf32> to vector<8x128xf32>
        %add3A_2657 = arith.addf %add3A_2654, %squeeze3A_2656 : vector<8x128xf32>
        %slice3A_2658 = vector.extract_strided_slice %reshape3A_2649 {offsets = [3, 0, 0], sizes = [1, 8, 128], strides = [1, 1, 1]} : vector<16x8x128xf32> to vector<1x8x128xf32>
        %squeeze3A_2659 = vector.shape_cast %slice3A_2658 : vector<1x8x128xf32> to vector<8x128xf32>
        %add3A_2660 = arith.addf %add3A_2657, %squeeze3A_2659 : vector<8x128xf32>
        %slice3A_2661 = vector.extract_strided_slice %reshape3A_2649 {offsets = [4, 0, 0], sizes = [1, 8, 128], strides = [1, 1, 1]} : vector<16x8x128xf32> to vector<1x8x128xf32>
        %squeeze3A_2662 = vector.shape_cast %slice3A_2661 : vector<1x8x128xf32> to vector<8x128xf32>
        %add3A_2663 = arith.addf %add3A_2660, %squeeze3A_2662 : vector<8x128xf32>
        %slice3A_2664 = vector.extract_strided_slice %reshape3A_2649 {offsets = [5, 0, 0], sizes = [1, 8, 128], strides = [1, 1, 1]} : vector<16x8x128xf32> to vector<1x8x128xf32>
        %squeeze3A_2665 = vector.shape_cast %slice3A_2664 : vector<1x8x128xf32> to vector<8x128xf32>
        %add3A_2666 = arith.addf %add3A_2663, %squeeze3A_2665 : vector<8x128xf32>
        %slice3A_2667 = vector.extract_strided_slice %reshape3A_2649 {offsets = [6, 0, 0], sizes = [1, 8, 128], strides = [1, 1, 1]} : vector<16x8x128xf32> to vector<1x8x128xf32>
        %squeeze3A_2668 = vector.shape_cast %slice3A_2667 : vector<1x8x128xf32> to vector<8x128xf32>
        %add3A_2669 = arith.addf %add3A_2666, %squeeze3A_2668 : vector<8x128xf32>
        %slice3A_2670 = vector.extract_strided_slice %reshape3A_2649 {offsets = [7, 0, 0], sizes = [1, 8, 128], strides = [1, 1, 1]} : vector<16x8x128xf32> to vector<1x8x128xf32>
        %squeeze3A_2671 = vector.shape_cast %slice3A_2670 : vector<1x8x128xf32> to vector<8x128xf32>
        %add3A_2672 = arith.addf %add3A_2669, %squeeze3A_2671 : vector<8x128xf32>
        %slice3A_2673 = vector.extract_strided_slice %reshape3A_2649 {offsets = [8, 0, 0], sizes = [1, 8, 128], strides = [1, 1, 1]} : vector<16x8x128xf32> to vector<1x8x128xf32>
        %squeeze3A_2674 = vector.shape_cast %slice3A_2673 : vector<1x8x128xf32> to vector<8x128xf32>
        %add3A_2675 = arith.addf %add3A_2672, %squeeze3A_2674 : vector<8x128xf32>
        %slice3A_2676 = vector.extract_strided_slice %reshape3A_2649 {offsets = [9, 0, 0], sizes = [1, 8, 128], strides = [1, 1, 1]} : vector<16x8x128xf32> to vector<1x8x128xf32>
        %squeeze3A_2677 = vector.shape_cast %slice3A_2676 : vector<1x8x128xf32> to vector<8x128xf32>
        %add3A_2678 = arith.addf %add3A_2675, %squeeze3A_2677 : vector<8x128xf32>
        %slice3A_2679 = vector.extract_strided_slice %reshape3A_2649 {offsets = [10, 0, 0], sizes = [1, 8, 128], strides = [1, 1, 1]} : vector<16x8x128xf32> to vector<1x8x128xf32>
        %squeeze3A_2680 = vector.shape_cast %slice3A_2679 : vector<1x8x128xf32> to vector<8x128xf32>
        %add3A_2681 = arith.addf %add3A_2678, %squeeze3A_2680 : vector<8x128xf32>
        %slice3A_2682 = vector.extract_strided_slice %reshape3A_2649 {offsets = [11, 0, 0], sizes = [1, 8, 128], strides = [1, 1, 1]} : vector<16x8x128xf32> to vector<1x8x128xf32>
        %squeeze3A_2683 = vector.shape_cast %slice3A_2682 : vector<1x8x128xf32> to vector<8x128xf32>
        %add3A_2684 = arith.addf %add3A_2681, %squeeze3A_2683 : vector<8x128xf32>
        %slice3A_2685 = vector.extract_strided_slice %reshape3A_2649 {offsets = [12, 0, 0], sizes = [1, 8, 128], strides = [1, 1, 1]} : vector<16x8x128xf32> to vector<1x8x128xf32>
        %squeeze3A_2686 = vector.shape_cast %slice3A_2685 : vector<1x8x128xf32> to vector<8x128xf32>
        %add3A_2687 = arith.addf %add3A_2684, %squeeze3A_2686 : vector<8x128xf32>
        %slice3A_2688 = vector.extract_strided_slice %reshape3A_2649 {offsets = [13, 0, 0], sizes = [1, 8, 128], strides = [1, 1, 1]} : vector<16x8x128xf32> to vector<1x8x128xf32>
        %squeeze3A_2689 = vector.shape_cast %slice3A_2688 : vector<1x8x128xf32> to vector<8x128xf32>
        %add3A_2690 = arith.addf %add3A_2687, %squeeze3A_2689 : vector<8x128xf32>
        %slice3A_2691 = vector.extract_strided_slice %reshape3A_2649 {offsets = [14, 0, 0], sizes = [1, 8, 128], strides = [1, 1, 1]} : vector<16x8x128xf32> to vector<1x8x128xf32>
        %squeeze3A_2692 = vector.shape_cast %slice3A_2691 : vector<1x8x128xf32> to vector<8x128xf32>
        %add3A_2693 = arith.addf %add3A_2690, %squeeze3A_2692 : vector<8x128xf32>
        %slice3A_2694 = vector.extract_strided_slice %reshape3A_2649 {offsets = [15, 0, 0], sizes = [1, 8, 128], strides = [1, 1, 1]} : vector<16x8x128xf32> to vector<1x8x128xf32>
        %squeeze3A_2695 = vector.shape_cast %slice3A_2694 : vector<1x8x128xf32> to vector<8x128xf32>
        %add3A_2696 = arith.addf %add3A_2693, %squeeze3A_2695 : vector<8x128xf32>
        %slice3A_2697 = vector.extract_strided_slice %add3A_2696 {offsets = [4, 0], sizes = [4, 128], strides = [1, 1]} : vector<8x128xf32> to vector<4x128xf32>
        %slice3A_2698 = vector.extract_strided_slice %add3A_2696 {offsets = [0, 0], sizes = [4, 128], strides = [1, 1]} : vector<8x128xf32> to vector<4x128xf32>
        %add3A_2699 = arith.addf %slice3A_2697, %slice3A_2698 : vector<4x128xf32>
        %slice3A_2700 = vector.extract_strided_slice %add3A_2699 {offsets = [2, 0], sizes = [2, 128], strides = [1, 1]} : vector<4x128xf32> to vector<2x128xf32>
        %slice3A_2701 = vector.extract_strided_slice %add3A_2699 {offsets = [0, 0], sizes = [2, 128], strides = [1, 1]} : vector<4x128xf32> to vector<2x128xf32>
        %add3A_2702 = arith.addf %slice3A_2700, %slice3A_2701 : vector<2x128xf32>
        %slice3A_2703 = vector.extract_strided_slice %add3A_2702 {offsets = [1, 0], sizes = [1, 128], strides = [1, 1]} : vector<2x128xf32> to vector<1x128xf32>
        %slice3A_2704 = vector.extract_strided_slice %add3A_2702 {offsets = [0, 0], sizes = [1, 128], strides = [1, 1]} : vector<2x128xf32> to vector<1x128xf32>
        %add3A_2705 = arith.addf %slice3A_2703, %slice3A_2704 : vector<1x128xf32>
        %add3A_2706 = arith.addf %add3A_2646, %add3A_2705 : vector<1x128xf32>
        %sqrt3A_2707 = math.sqrt %add3A_2706 : vector<1x128xf32>
        %get3A_2708 = arith.index_cast %scan3A_2575 : i32 to index
        %get3A_2709 = arith.constant 0 : index
        %get3A_2710 = arith.constant 0 : index
        %get3A_2711 = vector.load %arg3[%get3A_2708, %get3A_2709, %get3A_2710] : memref<128x1x128xf32, #tpu.memory_space<vmem>>, vector<1x1x128xf32>
        %get3A_2712 = vector.shape_cast %get3A_2711 : vector<1x1x128xf32> to vector<1x128xf32>
        %gt3A_2713 = arith.constant 0.000000e+00 : f32
        %gt3A_2714 = vector.broadcast %gt3A_2713 : f32 to vector<1x128xf32>
        %gt3A_2715 = arith.cmpf ogt, %get3A_2712, %gt3A_2714 : vector<1x128xf32>
        %jit3A_2716 = arith.constant 0x7F800000 : f32
        %broadcast_in_dim3A_2717 = vector.broadcast %jit3A_2716 : f32 to vector<1x128xf32>
        %select_n3A_2718 = arith.select %gt3A_2715, %broadcast_in_dim3A_2717, %sqrt3A_2707 : vector<1x128xi1>, vector<1x128xf32>
        %reduce_min3A_2719 = vector.shape_cast %select_n3A_2718 : vector<1x128xf32> to vector<1x1x128xf32>
        %reduce_min3A_2720 = arith.constant dense<0x7F800000> : vector<1xf32>
        %reduce_min3A_2721 = vector.multi_reduction <minimumf>, %reduce_min3A_2719, %reduce_min3A_2720 [1, 2] : vector<1x1x128xf32> to vector<1xf32>
        %reduce_min3A_2722 = vector.shape_cast %reduce_min3A_2721 : vector<1xf32> to vector<1x1x1xf32>
        %reduce_min3A_2723 = vector.extract %reduce_min3A_2722[0, 0, 0] : f32 from vector<1x1x1xf32>
        %eq3A_2724 = vector.broadcast %reduce_min3A_2723 : f32 to vector<1x128xf32>
        %eq3A_2725 = arith.cmpf oeq, %select_n3A_2718, %eq3A_2724 : vector<1x128xf32>
        %jit3A_2726 = arith.constant 16384 : i32
        %broadcast_in_dim3A_2727 = vector.broadcast %jit3A_2726 : i32 to vector<1x128xi32>
        %select_n3A_2728 = arith.select %eq3A_2725, %iota3A, %broadcast_in_dim3A_2727 : vector<1x128xi1>, vector<1x128xi32>
        %reduce_min3A_2729 = vector.shape_cast %select_n3A_2728 : vector<1x128xi32> to vector<1x1x128xi32>
        %reduce_min3A_2730 = arith.constant dense<2147483647> : vector<1xi32>
        %reduce_min3A_2731 = vector.multi_reduction <minsi>, %reduce_min3A_2729, %reduce_min3A_2730 [1, 2] : vector<1x1x128xi32> to vector<1xi32>
        %reduce_min3A_2732 = vector.shape_cast %reduce_min3A_2731 : vector<1xi32> to vector<1x1x1xi32>
        %reduce_min3A_2733 = vector.extract %reduce_min3A_2732[0, 0, 0] : i32 from vector<1x1x1xi32>
        %lt3A_2734 = arith.cmpf olt, %reduce_min3A_2723, %select_n3A_2569 : f32
        %select_n3A_2735 = arith.select %lt3A_2734, %reduce_min3A_2723, %select_n3A_2569 : f32
        %mul3A_2736 = arith.constant 128 : i32
        %mul3A_2737 = arith.muli %scan3A_2575, %mul3A_2736 : i32
        %add3A_2738 = arith.addi %mul3A_2737, %reduce_min3A_2733 : i32
        %select_n3A_2739 = arith.select %lt3A_2734, %add3A_2738, %select_n3A_2573 : i32
        scf.yield %select_n3A_2735, %select_n3A_2739 : f32, i32
      }
      %scan3A_36 = arith.constant 128 : i32
      %jit3A = arith.constant 128 : i32
      %div3A_37 = arith.divsi %scan3A_35#1, %jit3A : i32
      %sign3A = arith.constant 0 : i32
      %sign3A_38 = arith.cmpi sgt, %scan3A_35#1, %sign3A : i32
      %sign3A_39 = arith.extui %sign3A_38 : i1 to i32
      %sign3A_40 = arith.constant 0 : i32
      %sign3A_41 = arith.cmpi slt, %scan3A_35#1, %sign3A_40 : i32
      %sign3A_42 = arith.extui %sign3A_41 : i1 to i32
      %sign3A_43 = arith.subi %sign3A_39, %sign3A_42 : i32
      %sign3A_44 = arith.constant 0 : i32
      %sign3A_45 = arith.cmpi sgt, %jit3A, %sign3A_44 : i32
      %sign3A_46 = arith.extui %sign3A_45 : i1 to i32
      %sign3A_47 = arith.constant 0 : i32
      %sign3A_48 = arith.cmpi slt, %jit3A, %sign3A_47 : i32
      %sign3A_49 = arith.extui %sign3A_48 : i1 to i32
      %sign3A_50 = arith.subi %sign3A_46, %sign3A_49 : i32
      %ne3A = arith.cmpi ne, %sign3A_43, %sign3A_50 : i32
      %rem3A = arith.remsi %scan3A_35#1, %jit3A : i32
      %ne3A_51 = arith.constant 0 : i32
      %ne3A_52 = arith.cmpi ne, %rem3A, %ne3A_51 : i32
      %and3A = arith.andi %ne3A, %ne3A_52 : i1
      %sub3A = arith.constant 1 : i32
      %sub3A_53 = arith.subi %div3A_37, %sub3A : i32
      %select_n3A = arith.select %and3A, %sub3A_53, %div3A_37 : i32
      %mul3A_54 = arith.constant 128 : i32
      %mul3A_55 = arith.muli %select_n3A, %mul3A_54 : i32
      %sub3A_56 = arith.subi %scan3A_35#1, %mul3A_55 : i32
      %get3A_57 = arith.index_cast %select_n3A : i32 to index
      %get3A_58 = arith.constant 0 : index
      %get3A_59 = arith.constant 0 : index
      %get3A_60 = vector.load %arg3[%get3A_57, %get3A_58, %get3A_59] : memref<128x1x128xf32, #tpu.memory_space<vmem>>, vector<1x1x128xf32>
      %get3A_61 = vector.shape_cast %get3A_60 : vector<1x1x128xf32> to vector<1x128xf32>
      %eq3A = vector.broadcast %sub3A_56 : i32 to vector<1x128xi32>
      %eq3A_62 = arith.cmpi eq, %iota3A, %eq3A : vector<1x128xi32>
      %jit3A_63 = arith.constant 1.000000e+00 : f32
      %broadcast_in_dim3A_64 = vector.broadcast %jit3A_63 : f32 to vector<1x128xf32>
      %select_n3A_65 = arith.select %eq3A_62, %broadcast_in_dim3A_64, %get3A_61 : vector<1x128xi1>, vector<1x128xf32>
      %swap3A_66 = arith.index_cast %select_n3A : i32 to index
      %swap3A_67 = arith.constant 0 : index
      %swap3A_68 = arith.constant 0 : index
      %swap3A_69 = vector.load %arg3[%swap3A_66, %swap3A_67, %swap3A_68] : memref<128x1x128xf32, #tpu.memory_space<vmem>>, vector<1x1x128xf32>
      %swap3A_70 = vector.shape_cast %swap3A_69 : vector<1x1x128xf32> to vector<1x128xf32>
      %swap3A_71 = vector.shape_cast %select_n3A_65 : vector<1x128xf32> to vector<1x1x128xf32>
      tpu.vector_store %arg3[%swap3A_66, %swap3A_67, %swap3A_68], %swap3A_71 {strides = array<i32>} : memref<128x1x128xf32, #tpu.memory_space<vmem>>, vector<1x1x128xf32>,
      %get3A_72 = arith.index_cast %select_n3A : i32 to index
      %get3A_73 = arith.constant 0 : index
      %get3A_74 = arith.constant 0 : index
      %get3A_75 = vector.load %arg0[%get3A_72, %get3A_73, %get3A_74] : memref<128x128x256xf32, #tpu.memory_space<vmem>>, vector<1x128x256xf32>
      %get3A_76 = vector.shape_cast %get3A_75 : vector<1x128x256xf32> to vector<128x256xf32>
      %eq3A_77 = vector.broadcast %sub3A_56 : i32 to vector<128x1xi32>
      %eq3A_78 = arith.cmpi eq, %iota3A_6, %eq3A_77 : vector<128x1xi32>
      %jit3A_79 = arith.constant 0.000000e+00 : f32
      %broadcast_in_dim3A_80 = vector.shape_cast %eq3A_78 : vector<128x1xi1> to vector<128x1xi1>
      %broadcast_in_dim3A_81 = vector.broadcast %broadcast_in_dim3A_80 : vector<128x1xi1> to vector<128x256xi1>
      %broadcast_in_dim3A_82 = vector.broadcast %jit3A_79 : f32 to vector<128x256xf32>
      %select_n3A_83 = arith.select %broadcast_in_dim3A_81, %get3A_76, %broadcast_in_dim3A_82 : vector<128x256xi1>, vector<128x256xf32>
      %reduce_sum3A = arith.constant dense<0.000000e+00> : vector<256xf32>
      %reduce_sum3A_84 = vector.multi_reduction <add>, %select_n3A_83, %reduce_sum3A [0] : vector<128x256xf32> to vector<256xf32>
      %broadcast_in_dim3A_85 = vector.shape_cast %reduce_sum3A_84 : vector<256xf32> to vector<1x256xf32>
      %add3A_86 = arith.addf %scan3A_24, %broadcast_in_dim3A_85 : vector<1x256xf32>
      %eq3A_87 = vector.broadcast %scan3A_23 : i32 to vector<8x128xi32>
      %eq3A_88 = arith.cmpi eq, %add3A, %eq3A_87 : vector<8x128xi32>
      %broadcast_in_dim3A_89 = vector.broadcast %scan3A_35#1 : i32 to vector<8x128xi32>
      %select_n3A_90 = arith.select %eq3A_88, %broadcast_in_dim3A_89, %scan3A_25 : vector<8x128xi1>, vector<8x128xi32>
      scf.yield %add3A_86, %select_n3A_90 : vector<1x256xf32>, vector<8x128xi32>
    }
    %scan3A_19 = arith.constant 200 : i32
    %swap3A_20 = arith.constant 0 : index
    %swap3A_21 = arith.constant 0 : index
    %swap3A_22 = vector.load %arg2[%swap3A_20, %swap3A_21] : memref<8x128xi32, #tpu.memory_space<vmem>>, vector<8x128xi32>
    tpu.vector_store %arg2[%swap3A_20, %swap3A_21], %scan3A_18#1 {strides = array<i32>} : memref<8x128xi32, #tpu.memory_space<vmem>>, vector<8x128xi32>,
    return
  }
}

</mosaic_0001>

<sc_bundles>
// kernel: kernel.8.cloned.1.call-start
scs
__scs_entry_jumppad:
0x0: {  	(pc) =	sbr.rel $0x88, $3  }
0x1: {  	(tag) =	ssettag $0x0;
	lr =	simm.s32 $0x1  }
0x2: {  	[smem:$0x3F9C] =	sst lr;
	_ =	strace $0xD0000000  }
0x3: {  	_ = 	snop  }
0x4: {  	_ = 	snop  }
0x5: {  	_ = 	snop  }
0x6: {  	_ = 	snop  }
0x7: {  	_ = 	snop  }
__scs_overlays_trampoline_lowered:
0x8: {  	[smem:$0x3FAB] =	sst s0  }
0x9: {  	[smem:$0x3FAC] =	sst s1  }
0xa: {  	[smem:$0x3FAD] =	sst s2  }
0xb: {  	[smem:$0x3FAE] =	sst s3  }
0xc: {  	[smem:$0x3FAF] =	sst s4  }
0xd: {  	[smem:$0x3FB0] =	sst s5  }
0xe: {  	[smem:$0x3FB1] =	sst s6  }
0xf: {  	[smem:$0x3FB2] =	sst s7  }
0x10: {  	[smem:$0x3FB3] =	sst s8  }
0x11: {  	[smem:$0x3FB4] =	sst s9;
	s0 =	simm.s32 @!p0 $0x0  }
0x12: {  	s1 =	sld [smem:$0x3F9A];
	s0 =	simm.s32 @p0 $0x1  }
0x13: {  	[smem:$0x3FB5] =	sst s0;
	s0 =	simm.s32 @!p1 $0x0  }
0x14: {  	s2 =	sld [smem:$0x3F99];
	s0 =	simm.s32 @p1 $0x1  }
0x15: {  	[smem:$0x3FB6] =	sst s0;
	s0 =	simm.s32 @!p2 $0x0  }
0x16: {  	s3 =	sld [smem:$0x3FDB];
	s0 =	simm.s32 @p2 $0x1  }
0x17: {  	s4 =	simm.s32 $0x1BF5;
	[smem:$0x3FB8] =	sst s0  }
0x18: {  	s0 =	sld [smem:$0x3F9B];
	_ =	swait.ge [sflag:s4], $0x0  }
0x19: {  	s7 =	sld [smem:$0x3F9C]  }
0x1a: {  	s8 =	sadd.s32 $0xFFFFE003, lr  }
0x1b: {  	s9 =	sadd.s32 $0xFFFFFEF7, lr;
	s5 =	simm.s32 $0xFFFFFFFF;
	p2 =	slt.u32 s8, $0xFFFFF086  }
0x1c: {  	p1 =	slt.u32 s9, $0xF7A;
	s5 =	simm.s32 @!p2 $0x0  }
0x1d: {  	s5 =	simm.s32 @p1 $0x1;
	p0 =	seq.s32 s7, s2  }
0x1e: {  	s7 =	smul.u32 @!p0 $0xF7A, s2;
	p2 =	seq.s32 @!p0 s5, $0x0  }
0x1f: {  	s9 =	smul.u32 $0xF7A, s1;
	s8 =	simm.s32 @!p0 $0x1BF5;
	p2 =	por !p2, p0  }
0x20: {  	[sflag:s8] =	ssyncset.s32 @!p0 $0xFFFFF086;
	s6 =	sadd.s32 @!p0 s3, s7;
	s7 =	simm.s32 @!p0 $0x108  }
0x21: {  	s3 =	sadd.s32 s3, s9;
	s6 =	sadd.s32 @!p0 $0x88, s6;
	s7 =	simm.s32 @p2 $0x1082  }
0x22: {  	[simem:s7], [sflag:s8] =	dma.local @!p0 [hbm:s6], $0xF7A  }
0x23: {  	s9 =	sor.u32 $0xD0000000, s2;
	s6 =	simm.s32 $0x108;
	_ =	swait.ge @!p0 [sflag:s8], $0x0  }
0x24: {  	s3 =	sadd.s32 $0x88, s3;
	s6 =	simm.s32 @!p1 $0x1082;
	[sflag:s4] =	ssyncset.s32 $0xFFFFF086  }
0x25: {  	[simem:s6], [sflag:s4] =	dma.local [hbm:s3], $0xF7A  }
0x26: {  	[smem:$0x3F9C] =	sst s1;
	(tag) =	ssettag s2;
	_ =	strace s9  }
0x27: {  	s1 =	sld [smem:$0x3FAC]  }
0x28: {  	s2 =	sld [smem:$0x3FAD]  }
0x29: {  	s4 =	sld [smem:$0x3FAF]  }
0x2a: {  	p0 =	seq.s32 s5, $0x0;
	s5 =	sld [smem:$0x3FB0]  }
0x2b: {  	s6 =	sld [smem:$0x3FB1]  }
0x2c: {  	s7 =	sld [smem:$0x3FB2]  }
0x2d: {  	s3 =	simm.s32 $0x108;
	s8 =	sld [smem:$0x3FB3]  }
0x2e: {  	s3 =	simm.s32 @!p0 $0x1082;
	s9 =	sld [smem:$0x3FB4]  }
0x2f: {  	lr =	sadd.s32 s0, s3;
	s0 =	sld [smem:$0x3FAB]  }
0x30: {  	s3 =	sld [smem:$0x3FAE]  }
0x31: {  	[smem:$0x3FB7] =	sst s10  }
0x32: {  	s10 =	sld [smem:$0x3FB5];
	_ =	sdelay $0x3  }
0x33: {  	p0 =	seq.s32 s10, $0x1;
	s10 =	sld [smem:$0x3FB7];
	_ =	sdelay $0x3  }
0x34: {  	[smem:$0x3FB7] =	sst s10  }
0x35: {  	s10 =	sld [smem:$0x3FB6];
	_ =	sdelay $0x3  }
0x36: {  	p1 =	seq.s32 s10, $0x1;
	s10 =	sld [smem:$0x3FB7];
	_ =	sdelay $0x3  }
0x37: {  	[smem:$0x3FB7] =	sst s10  }
0x38: {  	s10 =	sld [smem:$0x3FB8]  }
0x39: {  	_ = 	snop;
	(pc) =	sbr.ind lr, $3  }
0x3a: {  	_ = 	snop  }
0x3b: {  	_ = 	snop  }
0x3c: {  	p2 =	seq.s32 s10, $0x1;
	s10 =	sld [smem:$0x3FB7]  }
0x3d: {  	_ =	shalt  }
0x3e: {  	_ =	shalt  }
0x3f: {  	_ =	shalt  }
0x40: {  	_ =	shalt  }
0x41: {  	_ =	shalt  }
0x42: {  	_ =	shalt  }
0x43: {  	_ =	shalt  }
0x44: {  	_ =	shalt  }
0x45: {  	_ =	shalt  }
0x46: {  	_ =	shalt  }
0x47: {  	_ =	shalt  }
0x48: {  	_ =	shalt  }
0x49: {  	_ =	shalt  }
0x4a: {  	_ =	shalt  }
0x4b: {  	_ =	shalt  }
0x4c: {  	_ =	shalt  }
0x4d: {  	_ =	shalt  }
0x4e: {  	_ =	shalt  }
0x4f: {  	_ =	shalt  }
0x50: {  	_ =	shalt  }
0x51: {  	_ =	shalt  }
0x52: {  	_ =	shalt  }
0x53: {  	_ =	shalt  }
0x54: {  	_ =	shalt  }
0x55: {  	_ =	shalt  }
0x56: {  	_ =	shalt  }
0x57: {  	_ =	shalt  }
0x58: {  	_ =	shalt  }
0x59: {  	_ =	shalt  }
0x5a: {  	_ =	shalt  }
0x5b: {  	_ =	shalt  }
0x5c: {  	_ =	shalt  }
0x5d: {  	_ =	shalt  }
0x5e: {  	_ =	shalt  }
0x5f: {  	_ =	shalt  }
0x60: {  	_ =	shalt  }
0x61: {  	_ =	shalt  }
0x62: {  	_ =	shalt  }
0x63: {  	_ =	shalt  }
0x64: {  	_ =	shalt  }
0x65: {  	_ =	shalt  }
0x66: {  	_ =	shalt  }
0x67: {  	_ =	shalt  }
0x68: {  	_ =	shalt  }
0x69: {  	_ =	shalt  }
0x6a: {  	_ =	shalt  }
0x6b: {  	_ =	shalt  }
0x6c: {  	_ =	shalt  }
0x6d: {  	_ =	shalt  }
0x6e: {  	_ =	shalt  }
0x6f: {  	_ =	shalt  }
0x70: {  	_ =	shalt  }
0x71: {  	_ =	shalt  }
0x72: {  	_ =	shalt  }
0x73: {  	_ =	shalt  }
0x74: {  	_ =	shalt  }
0x75: {  	_ =	shalt  }
0x76: {  	_ =	shalt  }
0x77: {  	_ =	shalt  }
0x78: {  	_ =	shalt  }
0x79: {  	_ =	shalt  }
0x7a: {  	_ =	shalt  }
0x7b: {  	_ =	shalt  }
0x7c: {  	_ =	shalt  }
0x7d: {  	_ =	shalt  }
0x7e: {  	_ =	shalt  }
0x7f: {  	_ =	shalt  }
0x80: {  	_ =	shalt  }
0x81: {  	_ =	shalt  }
0x82: {  	_ =	shalt  }
0x83: {  	_ =	shalt  }
0x84: {  	_ =	shalt  }
0x85: {  	_ =	shalt  }
0x86: {  	_ =	shalt  }
0x87: {  	_ =	shalt  }
.Lfunc_end0:
.L_simem_size_0:
called_computation_lowered:
.L_overlay_start_0:
0x88: {  	s2 =	sld [smem:$0x3FD9]  }
0x89: {  	s3 =	sld [smem:$0x3FFE];
	_ =	sdelay $0x1  }
0x8a: {  	s1 =	srdreg.scid  }
0x8b: {  	s0 =	sand.u32 $0x1, s1  }
0x8c: {  	s14 =	sshll.u32 s0, $0xA;
	s2 =	sadd.s32 s3, s2  }
0x8d: {  	s2 =	sadd.s32 s2, s14  }
0x8e: {  	[smem:$0x3FC3] =	sst s2  }
0x8f: {  	_ = 	snop  }
0x90: {  	s2 =	sld [smem:$0x3FD0];
	_ =	sdelay $0x2  }
0x91: {  	s4 =	simm.s32 $0xA;
	s5 =	simm.s32 $0x10;
	s15 =	sld [smem:$0x3FC9]  }
0x92: {  	[smem:s5], [sflag:s4] =	dma.local [hbm:s2], $0x1  }
0x93: {  	_ =	swait.eq [sflag:s4], $0x1  }
0x94: {  	[sflag:s4] =	ssyncset.done $0x0  }
0x95: {  	[sflag:s4] =	ssyncadd.s32 $0xFFFFFFFF  }
0x96: {  	s16 =	sld [smem:$0x11];
	(tm) =	ssettm $0x1  }
0x97: {  	s17 =	sld [smem:$0x3FFB];
	_ =	sdelay $0x3  }
0x98: {  	_ =	strace s17  }
0x99: {  	s4 =	sld [smem:$0x3FFC];
	_ =	sdelay $0x3  }
0x9a: {  	_ =	strace s4  }
0x9b: {  	s4 =	sld [smem:$0x3FFD];
	_ =	sdelay $0x3  }
0x9c: {  	_ =	strace s4  }
0x9d: {  	_ =	strace $0x8FFFFFFF  }
0x9e: {  	s18 =	sld [smem:$0x3FDB];
	_ =	sdelay $0x1  }
0x9f: {  	s19 =	simm.s32 $_scs_section_size  }
0xa0: {  	s6 =	simm.s32 $_size__tile_overlayer_lowered;
	s7 =	simm.s32 $_tile_overlayer_lowered  }
0xa1: {  	s22 =	simm.s32 $0x1BFF;
	s21 =	sshll.u32 s7, $0x1;
	s4 =	sadd.s32 s19, s18  }
0xa2: {  	s8 =	simm.s32 $0x0;
	s20 =	sshll.u32 s6, $0x1;
	s6 =	sadd.s32 s21, s4  }
0xa3: {  	[timem:s8], [sflag:s22] =	dma.local [hbm:s6], s20  }
0xa4: {  	_ =	swait.ge [sflag:s22], s20  }
0xa5: {  	s5 =	ssub.s32 $0x0, s20;
	[sflag:s22] =	ssyncset.done $0x0  }
0xa6: {  	[sflag:s22] =	ssyncadd.s32 s5;
	_ =	sdelay $0x1  }
0xa7: {  	s23 =	simm.s32 $0x1B8B  }
0xa8: {  	_ =	swait.ge [sflag:s23], $0x1  }
0xa9: {  	[sflag:s23] =	ssyncset.done $0x0  }
0xaa: {  	s25 =	simm.s32 $0x1B8E;
	s24 =	sld [smem:$0x3FFE];
	[sflag:s23] =	ssyncadd.s32 $0xFFFFFFFF  }
0xab: {  	s26 =	simm.s32 $execute0_lowered;
	[smem:$0x3FD2] =	sst s25  }
0xac: {  	s6 =	sshll.u32 s26, $0x1;
	_ =	strace $0x80000046;
	[dreg:$0x1] =	wrdreg $0xFFFFFFFF  }
0xad: {  	s28 =	simm.s32 $_size_execute0_lowered;
	s4 =	sadd.s32 s4, s6;
	[dreg:$0x0] =	wrdreg $0x0  }
0xae: {  	s6 =	sshll.u32 s28, $0x1;
	[dreg:$0x2] =	wrdreg s4  }
0xaf: {  	[dreg:$0x3] =	wrdreg s6  }
0xb0: {  	[dreg:$0x4] =	wrdreg $0xC0  }
0xb1: {  	_ =	task [dreg:s8], $0x5FFFF  }
0xb2: {  	[dreg:$0x1] =	wrdreg $0xFFFFFFFF  }
0xb3: {  	[dreg:$0x0] =	wrdreg $0x60  }
0xb4: {  	[dreg:$0x2] =	wrdreg s15  }
0xb5: {  	[dreg:$0x3] =	wrdreg s16  }
0xb6: {  	[dreg:$0x4] =	wrdreg s24  }
0xb7: {  	[dreg:$0x5] =	wrdreg $0x9  }
0xb8: {  	_ =	task.clear_ibuf [dreg:s8], $0x6FFFF;
	_ =	strace $0x90000046  }
0xb9: {  	s29 =	simm.s32 $0x9;
	_ =	strace $0x80000048  }
0xba: {  	_ =	swait.ge [sflag:s29], $0x1  }
0xbb: {  	[sflag:s29] =	ssyncadd.s32 $0xFFFFFFFF  }
0xbc: {  	_ =	strace $0x90000048  }
0xbd: {  	_ =	sfence  }
0xbe: {  	s30 =	sld [smem:$0x0];
	_ =	sdelay $0x2  }
0xbf: {  	s31 =	sshll.u32 s1, $0xD;
	s1 =	sshrl.u32 s1, $0x2  }
0xc0: {  	s3 =	sand.u32 $0x4000, s31;
	s1 =	sadd.s32 s1, s30  }
0xc1: {  	s0 =	sor.u32 s3, s0;
	s1 =	sshll.u32 s1, $0x11  }
0xc2: {  	s0 =	sor.u32 s1, s0  }
0xc3: {  	s0 =	sadd.s32 $0x8F2B, s0  }
0xc4: {  	[sflag:s0] =	ssyncadd.remote.s32 $0x1  }
0xc5: {  	_ =	sfence.sel $0xFFFF  }
0xc6: {  	[dreg:$0x0] =	wrdreg $0xFFFFFFFF;
	(pc) =	sbr.abs _section_cstart, $3  }
0xc7: {  	[dreg:$0x1] =	wrdreg $0xFFFFFFFF  }
0xc8: {  	_ =	task.clear_ibuf [dreg:s8], $0x2FFFF;
	_ =	strace $0x9FFFFFFF  }
0xc9: {  	(tm) =	ssettm $0x7FFFFFFF  }
tec
execute0_lowered:
.L_overlay_start_1:
0x0: {  	(tag) =	ssettag $0x1  }
0x1: {  	s1 =	rddreg [dreg:$0x0];
	s2 =	srdreg.scid  }
0x2: {  	s4 =	rddreg [dreg:$0x1];
	s0 =	stileid.u32;
	s6 =	sand.u32 $0x1, s2  }
0x3: {  	s10 =	rddreg [dreg:$0x2];
	s5 =	sshll.u32 s0, $0x4;
	s7 =	sshll.u32 s6, $0x3  }
0x4: {  	s3 =	simm.s32 $0x0;
	s2 =	rddreg [dreg:$0x3];
	s11 =	sor.u32 s7, s5  }
0x5: {  	[smem:$0x7FF] =	sst s3;
	s5 =	sshrl.u32 s11, $0x3  }
0x6: {  	_ =	strace $0x80000047;
	s5 =	sadd.s32 s4, s5;
	s4 =	simm.s32 $0x2  }
0x7: {  	[tilespmem:s3], [sflag:$0x2] =	stream.linear.gather [hbm4b:s5+s3], $0x8, $0x38;
	[tilespmem:$0x1080] =	vst v63  }
0x8: {  	_ =	swait.ge [sflag:s4], $0x8  }
0x9: {  	[sflag:s4] =	ssyncset.done $0x0  }
0xa: {  	[sflag:s4] =	ssyncadd.s32 $0xFFFFFFF8  }
0xb: {  	v0 =	vld.msk [tilespmem:$0x0], $0xff;
	_ =	sdelay $0x4  }
0xc: {  	v1 =	vshll.u32 v0, $0x2  }
0xd: {  	v2 =	vlaneseq.u32;
	v3 =	vand.u32 $0x7, v0;
	v1 =	vand.u32 $0xFFFFFFE0, v1  }
0xe: {  	v0 =	vand.u32 $0x7, v2;
	v2 =	vshrl.u32 v2, $0x3;
	v3 =	vor.u32 v3, v1  }
0xf: {  	v1 =	vmul.u32 $0x8, v2;
	v2 =	vperm.xlane v3, v0;
	_ =	sdelay $0x1  }
0x10: {  	v2 =	vadd.s32 v1, v2;
	_ =	sdelay $0x1  }
0x11: {  	s12 =	ssub.s32 $0x2, s6  }
0x12: {  	s8 =	simm.s32 $0x880;
	s9 =	simm.s32 $0x1;
	s13 =	sshrl.u32 s12, $0x1  }
0x13: {  	vm0 =	vmmov $0xffff;
	s6 =	simm.s32 $0x80;
	s11 =	sshll.u32 s11, $0x6;
	s31 =	ssub.s32 s12, s13  }
0x14: {  	[tilespmem:s6], [sflag:$0x1] =	stream.indirect_vreg.gather [hbm4b:s1+s3], $0x80, v2, vm0, $0xb8;
	[tilespmem:$0x1080] =	vst v63  }
0x15: {  	s7 =	sadd.s32 $0x100, s1;
	s10 =	sadd.s32 s11, s10;
	s11 =	smax.u32 s31, $0x1  }
0x16: {  	[tilespmem:s8], [sflag:$0x1] =	stream.indirect_vreg.gather [hbm4b:s7+s3], $0x80, v2, vm0, $0xb8;
	[tilespmem:$0x1080] =	vst v63  }
0x17: {  	p0 =	sne.s32 s11, $0x1;
	_ =	swait.ge [sflag:s9], $0x1000  }
.Ltmp0:
0x18: {  	[sflag:s9] =	ssyncset.done $0x0;
	(pc) =	sbr.rel @!p0 .LBB2_2-.Ltmp0, $4  }
0x19: {  	s10 =	sadd.s32 $0xC00, s10;
	[sflag:s9] =	ssyncadd.s32 $0xFFFFF000  }
0x1a: {  	[hbm4b:s10+s3] =	stream.linear.scatter [tilespmem:s6], [sflag:$0x2], $0x1000, $0x38;
	[tilespmem:$0x1080] =	vst v63  }
0x1b: {  	_ =	swait.ge [sflag:s4], $0x1000  }
0x1c: {  	s11 =	sadd.s32 $0xFFFFFFFF, s11;
	[sflag:s4] =	ssyncset.done $0x0  }
.LBB2_1:
0x1d: {  	p0 =	sne.s32 s11, $0x1;
	s11 =	sadd.s32 $0xFFFFFFFF, s11;
	[sflag:s4] =	ssyncadd.s32 $0xFFFFF000  }
0x1e: {  	[tilespmem:s3], [sflag:$0x2] =	stream.linear.gather [hbm4b:s5+s3], $0x8, $0x38;
	[tilespmem:$0x1080] =	vst v63  }
0x1f: {  	_ =	swait.ge [sflag:s4], $0x8  }
0x20: {  	[sflag:s4] =	ssyncset.done $0x0  }
0x21: {  	[sflag:s4] =	ssyncadd.s32 $0xFFFFFFF8  }
0x22: {  	v2 =	vld.msk [tilespmem:$0x0], $0xff;
	_ =	sdelay $0x4  }
0x23: {  	v3 =	vshll.u32 v2, $0x2  }
0x24: {  	v2 =	vand.u32 $0x7, v2;
	v3 =	vand.u32 $0xFFFFFFE0, v3  }
0x25: {  	v2 =	vor.u32 v2, v3  }
0x26: {  	v2 =	vperm.xlane v2, v0;
	_ =	sdelay $0x1  }
0x27: {  	v2 =	vadd.s32 v1, v2;
	_ =	sdelay $0x4  }
0x28: {  	[tilespmem:s6], [sflag:$0x1] =	stream.indirect_vreg.gather [hbm4b:s1+s3], $0x80, v2, vm0, $0xb8;
	[tilespmem:$0x1080] =	vst v63  }
0x29: {  	_ = 	snop  }
0x2a: {  	[tilespmem:s8], [sflag:$0x1] =	stream.indirect_vreg.gather [hbm4b:s7+s3], $0x80, v2, vm0, $0xb8;
	[tilespmem:$0x1080] =	vst v63  }
0x2b: {  	_ =	swait.ge [sflag:s9], $0x1000  }
.Ltmp1:
0x2c: {  	[sflag:s9] =	ssyncset.done $0x0;
	(pc) =	sbr.rel @p0 .LBB2_1-.Ltmp1, $4  }
0x2d: {  	[sflag:s9] =	ssyncadd.s32 $0xFFFFF000  }
0x2e: {  	[hbm4b:s10+s3] =	stream.linear.scatter [tilespmem:s6], [sflag:$0x2], $0x1000, $0x38;
	[tilespmem:$0x1080] =	vst v63  }
0x2f: {  	_ =	swait.ge [sflag:s4], $0x1000  }
0x30: {  	[sflag:s4] =	ssyncset.done $0x0  }
.LBB2_2:
0x31: {  	[sflag:s4] =	ssyncadd.s32 $0xFFFFF000  }
0x32: {  	_ =	sfence.sel $0x180000  }
0x33: {  	[bflag:$0x0] =	sbarrier.arrive $0xFFFF  }
0x34: {  	p0 =	sne.s32 s0, $0x0;
	_ =	strace $0x90000047  }
0x35: {  	s0 =	sadd.s32 @!p0 $0x100000, s2;
	[bflag:$0x2] =	sbarrier.arrive $0xFFFF  }
0x36: {  	[sflag:s0] =	ssyncadd.tile.s32 @!p0 $0x1;
	_ =	shalt  }
.Lfunc_end2:
_tile_overlayer_lowered:
.L_overlay_start_2:
0x37: {  	(tag) =	ssettag $0x2  }
0x38: {  	s0 =	rddreg [dreg:$0x0];
	s2 =	stileid.u32  }
0x39: {  	s1 =	rddreg [dreg:$0x1];
	p0 =	sne.s32 s2, $0x0  }
0x3a: {  	s3 =	rddreg [dreg:$0x2];
	[bflag:$0x3] =	sbarrier.arrive $0xFFFF;
	s2 =	simm.s32 @!p0 $0x1C02  }
0x3b: {  	[timem:s3], [sflag:s2] =	dma.local @!p0 [hbm:s0], s1  }
0x3c: {  	s0 =	simm.s32 @!p0 $0x2  }
0x3d: {  	_ =	swait.ge @!p0 [sflag:s0], s1  }
0x3e: {  	s1 =	ssub.s32 @!p0 $0x0, s1;
	[sflag:s0] =	ssyncset.done @!p0 $0x0  }
0x3f: {  	[sflag:s0] =	ssyncadd.s32 @!p0 s1  }
0x40: {  	[bflag:$0x3] =	sbarrier.arrive $0xFFFF  }
0x41: {  	_ =	shalt  }

</sc_bundles>
